<compile_context>
chip_gen: v7x
topology: tpu7x:2x2x1
jax: 0.10.2.dev20260603
libtpu: 0.0.44.dev20260713+nightly
codegen_flags: <defaults>
</compile_context>

<pallas_src>
import functools

import jax
import jax.numpy as jnp
from jax import lax
from jax.experimental import pallas as pl
from jax.experimental.pallas import tpu as pltpu
from jax.experimental.pallas import tpu_sc as plsc

N = 10000
E = 320000
F_IN = 128
HID = 16
C = 40
CP = 48

NC = 2
NSUB = 16
NW = NC * NSUB
EW = E // NW
SB = 125
NSTREAM = EW // SB
ROWS_PER_SUB = N // NSUB


def _worker_id():
    cid = lax.axis_index("c")
    sid = lax.axis_index("s")
    return cid, sid


def _deg_body(dst_hbm, ones_hbm, zeros_hbm, out_hbm, dst_v, ones_v, acc_sh, dsem):
    cid, sid = _worker_id()
    wid = sid * NC + cid

    @pl.when(sid == 0)
    def _():
        pltpu.sync_copy(zeros_hbm, acc_sh)

    pltpu.sync_copy(ones_hbm, ones_v)
    pltpu.sync_copy(dst_hbm.at[wid], dst_v)
    plsc.subcore_barrier()

    def step(j, _):
        pltpu.async_copy(ones_v, acc_sh.at[dst_v.at[j]], dsem, add=True)
        return ()

    lax.fori_loop(0, NSTREAM, step, ())

    def drain(j, _):
        pltpu.make_async_copy(ones_v, acc_sh.at[dst_v.at[j]], dsem).wait()
        return ()

    lax.fori_loop(0, NSTREAM, drain, ())
    plsc.subcore_barrier()

    @pl.when(sid == 0)
    def _():
        pltpu.sync_copy(acc_sh, out_hbm.at[cid])


_deg_call = pl.kernel(
    _deg_body,
    out_type=jax.ShapeDtypeStruct((NC, N), jnp.float32),
    mesh=plsc.VectorSubcoreMesh(core_axis_name="c", subcore_axis_name="s"),
    scratch_types=[
        pltpu.VMEM((NSTREAM, SB), jnp.int32),
        pltpu.VMEM((SB,), jnp.float32),
        pltpu.VMEM_SHARED((N,), jnp.float32),
        pltpu.SemaphoreType.DMA,
    ],
    compiler_params=pltpu.CompilerParams(use_tc_tiling_on_sc=False),
)


def _spmm_body(width, nslot, ngin, src_hbm, dst_hbm, table_hbm, zeros_hbm,
               out_hbm, src_v, dst_v, rows_v, acc_sh, ssem, *gsems):
    cid, sid = _worker_id()
    wid = sid * NC + cid
    rps = ROWS_PER_SUB
    pltpu.sync_copy(zeros_hbm, acc_sh.at[pl.ds(sid * rps, rps)])
    pltpu.sync_copy(src_hbm.at[wid], src_v)
    pltpu.sync_copy(dst_hbm.at[wid], dst_v)
    plsc.subcore_barrier()

    def start_g(j, slot):
        pltpu.async_copy(table_hbm.at[src_v.at[j]], rows_v.at[slot], gsems[slot])

    def wait_g(j, slot):
        pltpu.make_async_copy(table_hbm.at[src_v.at[j]], rows_v.at[slot],
                              gsems[slot]).wait()

    def start_s(j, slot):
        pltpu.async_copy(rows_v.at[slot], acc_sh.at[dst_v.at[j]], ssem, add=True)

    def wait_s_one(j, slot):
        pltpu.make_async_copy(rows_v.at[slot], acc_sh.at[dst_v.at[j]], ssem).wait()

    for s in range(ngin):
        start_g(s, s)

    def step(i, _):
        for s in range(nslot):
            j = i * nslot + s
            wait_g(j, s)
            start_s(j, s)

            @pl.when(j >= ngin)
            def _():
                wait_s_one(j, s)

            @pl.when(j + ngin < NSTREAM)
            def _():
                start_g(j + ngin, (s + ngin) % nslot)

        return ()

    lax.fori_loop(0, NSTREAM // nslot, step, ())
    for s in range(ngin):
        wait_s_one(0, s)
    plsc.subcore_barrier()
    pltpu.sync_copy(acc_sh.at[pl.ds(sid * rps, rps)], out_hbm.at[cid, sid])


def _make_spmm(width, nslot, ngin):
    return pl.kernel(
        functools.partial(_spmm_body, width, nslot, ngin),
        out_type=jax.ShapeDtypeStruct((NC, NSUB, ROWS_PER_SUB, width), jnp.float32),
        mesh=plsc.VectorSubcoreMesh(core_axis_name="c", subcore_axis_name="s"),
        scratch_types=[
            pltpu.VMEM((NSTREAM, SB), jnp.int32),
            pltpu.VMEM((NSTREAM, SB), jnp.int32),
            pltpu.VMEM((nslot, SB, width), jnp.float32),
            pltpu.VMEM_SHARED((N, width), jnp.float32),
            pltpu.SemaphoreType.DMA,
        ] + [pltpu.SemaphoreType.DMA] * nslot,
        compiler_params=pltpu.CompilerParams(use_tc_tiling_on_sc=False),
    )


_spmm16 = _make_spmm(HID, 20, 10)
_spmm40 = _make_spmm(C, 16, 8)


def _tc1_body(x_ref, w1_ref, degp_ref, h1n_ref, dinv_ref):
    deg = degp_ref[0, :] + degp_ref[1, :] + 1.0
    dinv = lax.rsqrt(deg)[:, None]
    h1 = jnp.dot(x_ref[...], w1_ref[...], preferred_element_type=jnp.float32)
    dinv_ref[...] = dinv
    h1n_ref[...] = h1 * dinv


_tc1 = pl.pallas_call(
    _tc1_body,
    out_shape=(jax.ShapeDtypeStruct((N, HID), jnp.float32),
               jax.ShapeDtypeStruct((N, 1), jnp.float32)),
)


def _tc2_body(agg_ref, h1n_ref, dinv_ref, b1_ref, w2_ref, h2n_ref):
    dinv = dinv_ref[...]
    z1 = dinv * (agg_ref[0] + agg_ref[1] + h1n_ref[...]) + b1_ref[...]
    z1 = jnp.maximum(z1, 0.0)
    h2 = jnp.dot(z1, w2_ref[...], preferred_element_type=jnp.float32)
    h2n_ref[...] = h2 * dinv


_tc2 = pl.pallas_call(
    _tc2_body,
    out_shape=jax.ShapeDtypeStruct((N, C), jnp.float32),
)


def _tc3_body(agg_ref, h2n_ref, dinv_ref, b2_ref, out_ref):
    z = dinv_ref[...] * (agg_ref[0] + agg_ref[1] + h2n_ref[...]) + b2_ref[...]
    m = jnp.max(z, axis=1, keepdims=True)
    e = jnp.exp(z - m)
    lse = jnp.log(jnp.sum(e, axis=1, keepdims=True))
    out_ref[...] = z - m - lse


_tc3 = pl.pallas_call(
    _tc3_body,
    out_shape=jax.ShapeDtypeStruct((N, C), jnp.float32),
)


def kernel(x, edge_index, W1, b1, W2, b2):
    src = edge_index[0].reshape(NW, NSTREAM, SB)
    dst = edge_index[1].reshape(NW, NSTREAM, SB)

    ones1 = jnp.ones((SB,), jnp.float32)
    zerosN = jnp.zeros((N,), jnp.float32)
    zeros16 = jnp.zeros((ROWS_PER_SUB, HID), jnp.float32)
    zeros40 = jnp.zeros((ROWS_PER_SUB, C), jnp.float32)

    degp = _deg_call(dst, ones1, zerosN)
    h1n, dinv = _tc1(x, W1, degp)
    agg1 = _spmm16(src, dst, h1n, zeros16).reshape(NC, N, HID)
    h2n = _tc2(agg1, h1n, dinv, b1.reshape(1, HID), W2)
    agg2 = _spmm40(src, dst, h2n, zeros40).reshape(NC, N, C)
    out = _tc3(agg2, h2n, dinv, b2.reshape(1, C))
    return out

# --- scband reference (transcript-rebuilt; emitter-appended) ---
"""Pipeline reference for scband-custom-gnnmodel-74002286510429 (READ-ONLY COPY).

The authoritative reference and input builder live on the scoring server;
editing this copy changes nothing except your own understanding.
"""

import jax, jax.numpy as jnp
import numpy as np

N = 10000
E = 320000
F_IN = 128
HID = 16
C = 40


def setup_inputs(seed: int = 0) -> dict:
    key = jax.random.key(seed)
    ks = jax.random.split(key, 6)
    x = jax.random.normal(ks[0], (N, F_IN), dtype=jnp.float32)
    edge_index = jax.random.randint(ks[1], (2, E), 0, N, dtype=jnp.int32)
    W1 = jax.random.normal(ks[2], (F_IN, HID), dtype=jnp.float32) * (1.0 / np.sqrt(F_IN))
    b1 = jnp.zeros((HID,), dtype=jnp.float32)
    W2 = jax.random.normal(ks[3], (HID, C), dtype=jnp.float32) * (1.0 / np.sqrt(HID))
    b2 = jnp.zeros((C,), dtype=jnp.float32)
    return {"x": x, "edge_index": edge_index, "W1": W1, "b1": b1, "W2": W2, "b2": b2}


def _gcn_conv(x, edge_index, W, b):
    src = edge_index[0]
    dst = edge_index[1]
    loop = jnp.arange(N, dtype=src.dtype)
    src = jnp.concatenate([src, loop], axis=0)
    dst = jnp.concatenate([dst, loop], axis=0)
    h = x @ W
    ones = jnp.ones(src.shape[0], dtype=h.dtype)
    deg = jax.ops.segment_sum(ones, dst, num_segments=N)
    deg_inv_sqrt = jnp.where(deg > 0, jax.lax.rsqrt(jnp.maximum(deg, 1e-12)), 0.0)
    norm = deg_inv_sqrt[src] * deg_inv_sqrt[dst]
    msgs = h[src] * norm[:, None]
    out = jax.ops.segment_sum(msgs, dst, num_segments=N)
    return out + b


def reference(x, edge_index, W1, b1, W2, b2):
    h = jax.nn.relu(_gcn_conv(x, edge_index, W1, b1))
    # dropout is identity in eval mode (training=False)
    h = _gcn_conv(h, edge_index, W2, b2)
    return jax.nn.log_softmax(h, axis=1)

if __name__ == "__main__":
    import jax
    _d = setup_inputs()
    print(jax.jit(kernel)(*tuple(_d.values())))

</pallas_src>

<mosaic_0001>
#map = affine_map<(d0, d1) -> (0, 0, 0)>
#map1 = affine_map<(d0, d1) -> (0)>
#map2 = affine_map<(d0, d1) -> (0, 0)>
module attributes {stable_mosaic.version = 14 : i64} {
  func.func @_deg_body(%arg0: i32, %arg1: i32, %arg2: memref<32x80x125xi32, #tpu.memory_space<hbm>>, %arg3: memref<125xf32, #tpu.memory_space<hbm>>, %arg4: memref<10000xf32, #tpu.memory_space<hbm>>, %arg5: memref<2x10000xf32, #tpu.memory_space<hbm>>, %arg6: memref<80x125xi32, #tpu.memory_space<vmem>>, %arg7: memref<125xf32, #tpu.memory_space<vmem>>, %arg8: memref<10000xf32, #tpu.memory_space<vmem_shared>>, %arg9: memref<!tpu.dma_semaphore, #tpu.memory_space<semaphore_mem>>) attributes {dimension_semantics = [#tpu.dimension_semantics<core_parallel>, #tpu.dimension_semantics<subcore_parallel>], iteration_bounds = array<i64: 2, 16>, scalar_prefetch = 0 : i64, scratch_operands = 4 : i64, tpu.core_type = #tpu.core_type<sc_vector_subcore>, window_params = [{transform_indices = #map}, {transform_indices = #map1}, {transform_indices = #map1}, {transform_indices = #map2}]} {
    %mul3A = arith.constant 2 : i32
    %mul3A_0 = arith.muli %arg1, %mul3A : i32
    %add3A = arith.addi %mul3A_0, %arg0 : i32
    %eq3A = arith.constant 0 : i32
    %eq3A_1 = arith.cmpi eq, %arg1, %eq3A : i32
    %convert_element_type3A = arith.extui %eq3A_1 : i1 to i32
    %cond3A = arith.constant 0 : i32
    %cond3A_2 = arith.cmpi ne, %convert_element_type3A, %cond3A : i32
    scf.if %cond3A_2 {
      "tpu.region"() ({
        %run_scoped3A = tpu.sem_alloc : memref<!tpu.dma_semaphore, #tpu.memory_space<semaphore_mem>>
        tpu.enqueue_dma source(%arg4 : memref<10000xf32, #tpu.memory_space<hbm>>) target(%arg8 : memref<10000xf32, #tpu.memory_space<vmem_shared>>) target_semaphore(%run_scoped3A : memref<!tpu.dma_semaphore, #tpu.memory_space<semaphore_mem>>)
        tpu.wait_dma2 semaphore(%run_scoped3A : memref<!tpu.dma_semaphore, #tpu.memory_space<semaphore_mem>>) src(%arg4 : memref<10000xf32, #tpu.memory_space<hbm>>) dst(%arg8 : memref<10000xf32, #tpu.memory_space<vmem_shared>>)
        tpu.yield
      }) : () -> ()
    } else {
    }
    "tpu.region"() ({
      %run_scoped3A = tpu.sem_alloc : memref<!tpu.dma_semaphore, #tpu.memory_space<semaphore_mem>>
      tpu.enqueue_dma source(%arg3 : memref<125xf32, #tpu.memory_space<hbm>>) target(%arg7 : memref<125xf32, #tpu.memory_space<vmem>>) target_semaphore(%run_scoped3A : memref<!tpu.dma_semaphore, #tpu.memory_space<semaphore_mem>>)
      tpu.wait_dma2 semaphore(%run_scoped3A : memref<!tpu.dma_semaphore, #tpu.memory_space<semaphore_mem>>) src(%arg3 : memref<125xf32, #tpu.memory_space<hbm>>) dst(%arg7 : memref<125xf32, #tpu.memory_space<vmem>>)
      tpu.yield
    }) : () -> ()
    "tpu.region"() ({
      %run_scoped3A = tpu.sem_alloc : memref<!tpu.dma_semaphore, #tpu.memory_space<semaphore_mem>>
      %dma_start3A = arith.constant 0 : i32
      %dma_start3A_18 = arith.constant 0 : i32
      %dma_start3A_19 = tpu.memref_slice %arg2[%add3A, %dma_start3A, %dma_start3A_18] : memref<32x80x125xi32, #tpu.memory_space<hbm>> -> memref<1x80x125xi32, #tpu.memory_space<hbm>>
      %dma_start3A_20 = tpu.memref_squeeze %dma_start3A_19 : memref<1x80x125xi32, #tpu.memory_space<hbm>> -> memref<80x125xi32, #tpu.memory_space<hbm>>
      %dma_start3A_21 = arith.constant 0 : i32
      %dma_start3A_22 = arith.constant 0 : i32
      %dma_start3A_23 = tpu.memref_slice %arg2[%add3A, %dma_start3A_21, %dma_start3A_22] : memref<32x80x125xi32, #tpu.memory_space<hbm>> -> memref<1x80x125xi32, #tpu.memory_space<hbm>>
      %dma_start3A_24 = tpu.memref_squeeze %dma_start3A_23 : memref<1x80x125xi32, #tpu.memory_space<hbm>> -> memref<80x125xi32, #tpu.memory_space<hbm>>
      tpu.enqueue_dma source(%dma_start3A_24 : memref<80x125xi32, #tpu.memory_space<hbm>>) target(%arg6 : memref<80x125xi32, #tpu.memory_space<vmem>>) target_semaphore(%run_scoped3A : memref<!tpu.dma_semaphore, #tpu.memory_space<semaphore_mem>>)
      %dma_wait3A = arith.constant 0 : i32
      %dma_wait3A_25 = arith.constant 0 : i32
      %dma_wait3A_26 = tpu.memref_slice %arg2[%add3A, %dma_wait3A, %dma_wait3A_25] : memref<32x80x125xi32, #tpu.memory_space<hbm>> -> memref<1x80x125xi32, #tpu.memory_space<hbm>>
      %dma_wait3A_27 = tpu.memref_squeeze %dma_wait3A_26 : memref<1x80x125xi32, #tpu.memory_space<hbm>> -> memref<80x125xi32, #tpu.memory_space<hbm>>
      %dma_wait3A_28 = arith.constant 0 : i32
      %dma_wait3A_29 = arith.constant 0 : i32
      %dma_wait3A_30 = tpu.memref_slice %arg2[%add3A, %dma_wait3A_28, %dma_wait3A_29] : memref<32x80x125xi32, #tpu.memory_space<hbm>> -> memref<1x80x125xi32, #tpu.memory_space<hbm>>
      %dma_wait3A_31 = tpu.memref_squeeze %dma_wait3A_30 : memref<1x80x125xi32, #tpu.memory_space<hbm>> -> memref<80x125xi32, #tpu.memory_space<hbm>>
      tpu.wait_dma2 semaphore(%run_scoped3A : memref<!tpu.dma_semaphore, #tpu.memory_space<semaphore_mem>>) src(%dma_wait3A_31 : memref<80x125xi32, #tpu.memory_space<hbm>>) dst(%arg6 : memref<80x125xi32, #tpu.memory_space<vmem>>)
      tpu.yield
    }) : () -> ()
    %barrier3A = arith.constant 0 : index
    tpu.barrier barrier_id(%barrier3A)
    %scan3A = arith.constant 0 : i32
    %scan3A_3 = arith.constant 80 : i32
    %scan3A_4 = arith.addi %scan3A, %scan3A_3 : i32
    %scan3A_5 = arith.constant 1 : i32
    scf.for %scan3A_18 = %scan3A to %scan3A_4 step %scan3A_5  : i32 {
      %dma_start3A = arith.constant 0 : i32
      %dma_start3A_19 = tpu.memref_slice %arg6[%scan3A_18, %dma_start3A] : memref<80x125xi32, #tpu.memory_space<vmem>> -> memref<1x125xi32, #tpu.memory_space<vmem>>
      %dma_start3A_20 = tpu.memref_squeeze %dma_start3A_19 : memref<1x125xi32, #tpu.memory_space<vmem>> -> memref<125xi32, #tpu.memory_space<vmem>>
      %dma_start3A_21 = arith.constant 0 : i32
      %dma_start3A_22 = tpu.memref_slice %arg8[%dma_start3A_21] : memref<10000xf32, #tpu.memory_space<vmem_shared>> -> memref<10000xf32, #tpu.memory_space<vmem_shared>>
      tpu.enqueue_indirect_dma source(%arg7 : memref<125xf32, #tpu.memory_space<vmem>>) target(%dma_start3A_22 : memref<10000xf32, #tpu.memory_space<vmem_shared>>) offsets(%dma_start3A_20 : memref<125xi32, #tpu.memory_space<vmem>>) semaphore(%arg9 : memref<!tpu.dma_semaphore, #tpu.memory_space<semaphore_mem>>) {add = true}
    }
    %scan3A_6 = arith.constant 80 : i32
    %scan3A_7 = arith.constant 0 : i32
    %scan3A_8 = arith.constant 80 : i32
    %scan3A_9 = arith.addi %scan3A_7, %scan3A_8 : i32
    %scan3A_10 = arith.constant 1 : i32
    scf.for %scan3A_18 = %scan3A_7 to %scan3A_9 step %scan3A_10  : i32 {
      %dma_wait3A = arith.constant 0 : i32
      %dma_wait3A_19 = tpu.memref_slice %arg6[%scan3A_18, %dma_wait3A] : memref<80x125xi32, #tpu.memory_space<vmem>> -> memref<1x125xi32, #tpu.memory_space<vmem>>
      %dma_wait3A_20 = tpu.memref_squeeze %dma_wait3A_19 : memref<1x125xi32, #tpu.memory_space<vmem>> -> memref<125xi32, #tpu.memory_space<vmem>>
      %dma_wait3A_21 = arith.constant 0 : i32
      %dma_wait3A_22 = tpu.memref_slice %arg8[%dma_wait3A_21] : memref<10000xf32, #tpu.memory_space<vmem_shared>> -> memref<10000xf32, #tpu.memory_space<vmem_shared>>
      tpu.wait_indirect_dma semaphore(%arg9 : memref<!tpu.dma_semaphore, #tpu.memory_space<semaphore_mem>>) src(%arg7 : memref<125xf32, #tpu.memory_space<vmem>>) dst(%dma_wait3A_22 : memref<10000xf32, #tpu.memory_space<vmem_shared>>)
    }
    %scan3A_11 = arith.constant 80 : i32
    %barrier3A_12 = arith.constant 0 : index
    tpu.barrier barrier_id(%barrier3A_12)
    %eq3A_13 = arith.constant 0 : i32
    %eq3A_14 = arith.cmpi eq, %arg1, %eq3A_13 : i32
    %convert_element_type3A_15 = arith.extui %eq3A_14 : i1 to i32
    %cond3A_16 = arith.constant 0 : i32
    %cond3A_17 = arith.cmpi ne, %convert_element_type3A_15, %cond3A_16 : i32
    scf.if %cond3A_17 {
      "tpu.region"() ({
        %run_scoped3A = tpu.sem_alloc : memref<!tpu.dma_semaphore, #tpu.memory_space<semaphore_mem>>
        %dma_start3A = arith.constant 0 : i32
        %dma_start3A_18 = tpu.memref_slice %arg5[%arg0, %dma_start3A] : memref<2x10000xf32, #tpu.memory_space<hbm>> -> memref<1x10000xf32, #tpu.memory_space<hbm>>
        %dma_start3A_19 = tpu.memref_squeeze %dma_start3A_18 : memref<1x10000xf32, #tpu.memory_space<hbm>> -> memref<10000xf32, #tpu.memory_space<hbm>>
        tpu.enqueue_dma source(%arg8 : memref<10000xf32, #tpu.memory_space<vmem_shared>>) target(%dma_start3A_19 : memref<10000xf32, #tpu.memory_space<hbm>>) target_semaphore(%run_scoped3A : memref<!tpu.dma_semaphore, #tpu.memory_space<semaphore_mem>>)
        %dma_wait3A = arith.constant 0 : i32
        %dma_wait3A_20 = tpu.memref_slice %arg5[%arg0, %dma_wait3A] : memref<2x10000xf32, #tpu.memory_space<hbm>> -> memref<1x10000xf32, #tpu.memory_space<hbm>>
        %dma_wait3A_21 = tpu.memref_squeeze %dma_wait3A_20 : memref<1x10000xf32, #tpu.memory_space<hbm>> -> memref<10000xf32, #tpu.memory_space<hbm>>
        tpu.wait_dma2 semaphore(%run_scoped3A : memref<!tpu.dma_semaphore, #tpu.memory_space<semaphore_mem>>) src(%arg8 : memref<10000xf32, #tpu.memory_space<vmem_shared>>) dst(%dma_wait3A_21 : memref<10000xf32, #tpu.memory_space<hbm>>)
        tpu.yield
      }) : () -> ()
    } else {
    }
    return
  }
}

#map = affine_map<(d0, d1) -> (0, 0, 0)>
#map1 = affine_map<(d0, d1) -> (0, 0)>
#map2 = affine_map<(d0, d1) -> (0, 0, 0, 0)>
module attributes {stable_mosaic.version = 14 : i64} {
  func.func @_spmm_body(%arg0: i32, %arg1: i32, %arg2: memref<32x80x125xi32, #tpu.memory_space<hbm>>, %arg3: memref<32x80x125xi32, #tpu.memory_space<hbm>>, %arg4: memref<10000x16xf32, #tpu.memory_space<hbm>>, %arg5: memref<625x16xf32, #tpu.memory_space<hbm>>, %arg6: memref<2x16x625x16xf32, #tpu.memory_space<hbm>>, %arg7: memref<80x125xi32, #tpu.memory_space<vmem>>, %arg8: memref<80x125xi32, #tpu.memory_space<vmem>>, %arg9: memref<20x125x16xf32, #tpu.memory_space<vmem>>, %arg10: memref<10000x16xf32, #tpu.memory_space<vmem_shared>>, %arg11: memref<!tpu.dma_semaphore, #tpu.memory_space<semaphore_mem>>, %arg12: memref<!tpu.dma_semaphore, #tpu.memory_space<semaphore_mem>>, %arg13: memref<!tpu.dma_semaphore, #tpu.memory_space<semaphore_mem>>, %arg14: memref<!tpu.dma_semaphore, #tpu.memory_space<semaphore_mem>>, %arg15: memref<!tpu.dma_semaphore, #tpu.memory_space<semaphore_mem>>, %arg16: memref<!tpu.dma_semaphore, #tpu.memory_space<semaphore_mem>>, %arg17: memref<!tpu.dma_semaphore, #tpu.memory_space<semaphore_mem>>, %arg18: memref<!tpu.dma_semaphore, #tpu.memory_space<semaphore_mem>>, %arg19: memref<!tpu.dma_semaphore, #tpu.memory_space<semaphore_mem>>, %arg20: memref<!tpu.dma_semaphore, #tpu.memory_space<semaphore_mem>>, %arg21: memref<!tpu.dma_semaphore, #tpu.memory_space<semaphore_mem>>, %arg22: memref<!tpu.dma_semaphore, #tpu.memory_space<semaphore_mem>>, %arg23: memref<!tpu.dma_semaphore, #tpu.memory_space<semaphore_mem>>, %arg24: memref<!tpu.dma_semaphore, #tpu.memory_space<semaphore_mem>>, %arg25: memref<!tpu.dma_semaphore, #tpu.memory_space<semaphore_mem>>, %arg26: memref<!tpu.dma_semaphore, #tpu.memory_space<semaphore_mem>>, %arg27: memref<!tpu.dma_semaphore, #tpu.memory_space<semaphore_mem>>, %arg28: memref<!tpu.dma_semaphore, #tpu.memory_space<semaphore_mem>>, %arg29: memref<!tpu.dma_semaphore, #tpu.memory_space<semaphore_mem>>, %arg30: memref<!tpu.dma_semaphore, #tpu.memory_space<semaphore_mem>>, %arg31: memref<!tpu.dma_semaphore, #tpu.memory_space<semaphore_mem>>) attributes {dimension_semantics = [#tpu.dimension_semantics<core_parallel>, #tpu.dimension_semantics<subcore_parallel>], iteration_bounds = array<i64: 2, 16>, scalar_prefetch = 0 : i64, scratch_operands = 25 : i64, tpu.core_type = #tpu.core_type<sc_vector_subcore>, window_params = [{transform_indices = #map}, {transform_indices = #map}, {transform_indices = #map1}, {transform_indices = #map1}, {transform_indices = #map2}]} {
    %mul3A = arith.constant 2 : i32
    %mul3A_0 = arith.muli %arg1, %mul3A : i32
    %add3A = arith.addi %mul3A_0, %arg0 : i32
    %mul3A_1 = arith.constant 625 : i32
    %mul3A_2 = arith.muli %arg1, %mul3A_1 : i32
    "tpu.region"() ({
      %run_scoped3A = tpu.sem_alloc : memref<!tpu.dma_semaphore, #tpu.memory_space<semaphore_mem>>
      %dma_start3A_248 = arith.constant 0 : i32
      %dma_start3A_249 = tpu.memref_slice %arg10[%mul3A_2, %dma_start3A_248] : memref<10000x16xf32, #tpu.memory_space<vmem_shared>> -> memref<625x16xf32, #tpu.memory_space<vmem_shared>>
      tpu.enqueue_dma source(%arg5 : memref<625x16xf32, #tpu.memory_space<hbm>>) target(%dma_start3A_249 : memref<625x16xf32, #tpu.memory_space<vmem_shared>>) target_semaphore(%run_scoped3A : memref<!tpu.dma_semaphore, #tpu.memory_space<semaphore_mem>>)
      %dma_wait3A_250 = arith.constant 0 : i32
      %dma_wait3A_251 = tpu.memref_slice %arg10[%mul3A_2, %dma_wait3A_250] : memref<10000x16xf32, #tpu.memory_space<vmem_shared>> -> memref<625x16xf32, #tpu.memory_space<vmem_shared>>
      tpu.wait_dma2 semaphore(%run_scoped3A : memref<!tpu.dma_semaphore, #tpu.memory_space<semaphore_mem>>) src(%arg5 : memref<625x16xf32, #tpu.memory_space<hbm>>) dst(%dma_wait3A_251 : memref<625x16xf32, #tpu.memory_space<vmem_shared>>)
      tpu.yield
    }) : () -> ()
    "tpu.region"() ({
      %run_scoped3A = tpu.sem_alloc : memref<!tpu.dma_semaphore, #tpu.memory_space<semaphore_mem>>
      %dma_start3A_248 = arith.constant 0 : i32
      %dma_start3A_249 = arith.constant 0 : i32
      %dma_start3A_250 = tpu.memref_slice %arg2[%add3A, %dma_start3A_248, %dma_start3A_249] : memref<32x80x125xi32, #tpu.memory_space<hbm>> -> memref<1x80x125xi32, #tpu.memory_space<hbm>>
      %dma_start3A_251 = tpu.memref_squeeze %dma_start3A_250 : memref<1x80x125xi32, #tpu.memory_space<hbm>> -> memref<80x125xi32, #tpu.memory_space<hbm>>
      %dma_start3A_252 = arith.constant 0 : i32
      %dma_start3A_253 = arith.constant 0 : i32
      %dma_start3A_254 = tpu.memref_slice %arg2[%add3A, %dma_start3A_252, %dma_start3A_253] : memref<32x80x125xi32, #tpu.memory_space<hbm>> -> memref<1x80x125xi32, #tpu.memory_space<hbm>>
      %dma_start3A_255 = tpu.memref_squeeze %dma_start3A_254 : memref<1x80x125xi32, #tpu.memory_space<hbm>> -> memref<80x125xi32, #tpu.memory_space<hbm>>
      tpu.enqueue_dma source(%dma_start3A_255 : memref<80x125xi32, #tpu.memory_space<hbm>>) target(%arg7 : memref<80x125xi32, #tpu.memory_space<vmem>>) target_semaphore(%run_scoped3A : memref<!tpu.dma_semaphore, #tpu.memory_space<semaphore_mem>>)
      %dma_wait3A_256 = arith.constant 0 : i32
      %dma_wait3A_257 = arith.constant 0 : i32
      %dma_wait3A_258 = tpu.memref_slice %arg2[%add3A, %dma_wait3A_256, %dma_wait3A_257] : memref<32x80x125xi32, #tpu.memory_space<hbm>> -> memref<1x80x125xi32, #tpu.memory_space<hbm>>
      %dma_wait3A_259 = tpu.memref_squeeze %dma_wait3A_258 : memref<1x80x125xi32, #tpu.memory_space<hbm>> -> memref<80x125xi32, #tpu.memory_space<hbm>>
      %dma_wait3A_260 = arith.constant 0 : i32
      %dma_wait3A_261 = arith.constant 0 : i32
      %dma_wait3A_262 = tpu.memref_slice %arg2[%add3A, %dma_wait3A_260, %dma_wait3A_261] : memref<32x80x125xi32, #tpu.memory_space<hbm>> -> memref<1x80x125xi32, #tpu.memory_space<hbm>>
      %dma_wait3A_263 = tpu.memref_squeeze %dma_wait3A_262 : memref<1x80x125xi32, #tpu.memory_space<hbm>> -> memref<80x125xi32, #tpu.memory_space<hbm>>
      tpu.wait_dma2 semaphore(%run_scoped3A : memref<!tpu.dma_semaphore, #tpu.memory_space<semaphore_mem>>) src(%dma_wait3A_263 : memref<80x125xi32, #tpu.memory_space<hbm>>) dst(%arg7 : memref<80x125xi32, #tpu.memory_space<vmem>>)
      tpu.yield
    }) : () -> ()
    "tpu.region"() ({
      %run_scoped3A = tpu.sem_alloc : memref<!tpu.dma_semaphore, #tpu.memory_space<semaphore_mem>>
      %dma_start3A_248 = arith.constant 0 : i32
      %dma_start3A_249 = arith.constant 0 : i32
      %dma_start3A_250 = tpu.memref_slice %arg3[%add3A, %dma_start3A_248, %dma_start3A_249] : memref<32x80x125xi32, #tpu.memory_space<hbm>> -> memref<1x80x125xi32, #tpu.memory_space<hbm>>
      %dma_start3A_251 = tpu.memref_squeeze %dma_start3A_250 : memref<1x80x125xi32, #tpu.memory_space<hbm>> -> memref<80x125xi32, #tpu.memory_space<hbm>>
      %dma_start3A_252 = arith.constant 0 : i32
      %dma_start3A_253 = arith.constant 0 : i32
      %dma_start3A_254 = tpu.memref_slice %arg3[%add3A, %dma_start3A_252, %dma_start3A_253] : memref<32x80x125xi32, #tpu.memory_space<hbm>> -> memref<1x80x125xi32, #tpu.memory_space<hbm>>
      %dma_start3A_255 = tpu.memref_squeeze %dma_start3A_254 : memref<1x80x125xi32, #tpu.memory_space<hbm>> -> memref<80x125xi32, #tpu.memory_space<hbm>>
      tpu.enqueue_dma source(%dma_start3A_255 : memref<80x125xi32, #tpu.memory_space<hbm>>) target(%arg8 : memref<80x125xi32, #tpu.memory_space<vmem>>) target_semaphore(%run_scoped3A : memref<!tpu.dma_semaphore, #tpu.memory_space<semaphore_mem>>)
      %dma_wait3A_256 = arith.constant 0 : i32
      %dma_wait3A_257 = arith.constant 0 : i32
      %dma_wait3A_258 = tpu.memref_slice %arg3[%add3A, %dma_wait3A_256, %dma_wait3A_257] : memref<32x80x125xi32, #tpu.memory_space<hbm>> -> memref<1x80x125xi32, #tpu.memory_space<hbm>>
      %dma_wait3A_259 = tpu.memref_squeeze %dma_wait3A_258 : memref<1x80x125xi32, #tpu.memory_space<hbm>> -> memref<80x125xi32, #tpu.memory_space<hbm>>
      %dma_wait3A_260 = arith.constant 0 : i32
      %dma_wait3A_261 = arith.constant 0 : i32
      %dma_wait3A_262 = tpu.memref_slice %arg3[%add3A, %dma_wait3A_260, %dma_wait3A_261] : memref<32x80x125xi32, #tpu.memory_space<hbm>> -> memref<1x80x125xi32, #tpu.memory_space<hbm>>
      %dma_wait3A_263 = tpu.memref_squeeze %dma_wait3A_262 : memref<1x80x125xi32, #tpu.memory_space<hbm>> -> memref<80x125xi32, #tpu.memory_space<hbm>>
      tpu.wait_dma2 semaphore(%run_scoped3A : memref<!tpu.dma_semaphore, #tpu.memory_space<semaphore_mem>>) src(%dma_wait3A_263 : memref<80x125xi32, #tpu.memory_space<hbm>>) dst(%arg8 : memref<80x125xi32, #tpu.memory_space<vmem>>)
      tpu.yield
    }) : () -> ()
    %barrier3A = arith.constant 0 : index
    tpu.barrier barrier_id(%barrier3A)
    %dma_start3A = arith.constant 0 : i32
    %dma_start3A_3 = arith.constant 0 : i32
    %dma_start3A_4 = arith.constant 0 : i32
    %dma_start3A_5 = arith.constant 0 : i32
    %dma_start3A_6 = tpu.memref_slice %arg9[%dma_start3A_3, %dma_start3A_4, %dma_start3A_5] : memref<20x125x16xf32, #tpu.memory_space<vmem>> -> memref<1x125x16xf32, #tpu.memory_space<vmem>>
    %dma_start3A_7 = tpu.memref_squeeze %dma_start3A_6 : memref<1x125x16xf32, #tpu.memory_space<vmem>> -> memref<125x16xf32, #tpu.memory_space<vmem>>
    %dma_start3A_8 = arith.constant 0 : i32
    %dma_start3A_9 = tpu.memref_slice %arg7[%dma_start3A, %dma_start3A_8] : memref<80x125xi32, #tpu.memory_space<vmem>> -> memref<1x125xi32, #tpu.memory_space<vmem>>
    %dma_start3A_10 = tpu.memref_squeeze %dma_start3A_9 : memref<1x125xi32, #tpu.memory_space<vmem>> -> memref<125xi32, #tpu.memory_space<vmem>>
    %dma_start3A_11 = arith.constant 0 : i32
    %dma_start3A_12 = arith.constant 0 : i32
    %dma_start3A_13 = tpu.memref_slice %arg4[%dma_start3A_11, %dma_start3A_12] : memref<10000x16xf32, #tpu.memory_space<hbm>> -> memref<10000x16xf32, #tpu.memory_space<hbm>>
    tpu.enqueue_indirect_dma source(%dma_start3A_13 : memref<10000x16xf32, #tpu.memory_space<hbm>>) target(%dma_start3A_7 : memref<125x16xf32, #tpu.memory_space<vmem>>) offsets(%dma_start3A_10 : memref<125xi32, #tpu.memory_space<vmem>>) semaphore(%arg12 : memref<!tpu.dma_semaphore, #tpu.memory_space<semaphore_mem>>)
    %dma_start3A_14 = arith.constant 1 : i32
    %dma_start3A_15 = arith.constant 1 : i32
    %dma_start3A_16 = arith.constant 0 : i32
    %dma_start3A_17 = arith.constant 0 : i32
    %dma_start3A_18 = tpu.memref_slice %arg9[%dma_start3A_15, %dma_start3A_16, %dma_start3A_17] : memref<20x125x16xf32, #tpu.memory_space<vmem>> -> memref<1x125x16xf32, #tpu.memory_space<vmem>>
    %dma_start3A_19 = tpu.memref_squeeze %dma_start3A_18 : memref<1x125x16xf32, #tpu.memory_space<vmem>> -> memref<125x16xf32, #tpu.memory_space<vmem>>
    %dma_start3A_20 = arith.constant 0 : i32
    %dma_start3A_21 = tpu.memref_slice %arg7[%dma_start3A_14, %dma_start3A_20] : memref<80x125xi32, #tpu.memory_space<vmem>> -> memref<1x125xi32, #tpu.memory_space<vmem>>
    %dma_start3A_22 = tpu.memref_squeeze %dma_start3A_21 : memref<1x125xi32, #tpu.memory_space<vmem>> -> memref<125xi32, #tpu.memory_space<vmem>>
    %dma_start3A_23 = arith.constant 0 : i32
    %dma_start3A_24 = arith.constant 0 : i32
    %dma_start3A_25 = tpu.memref_slice %arg4[%dma_start3A_23, %dma_start3A_24] : memref<10000x16xf32, #tpu.memory_space<hbm>> -> memref<10000x16xf32, #tpu.memory_space<hbm>>
    tpu.enqueue_indirect_dma source(%dma_start3A_25 : memref<10000x16xf32, #tpu.memory_space<hbm>>) target(%dma_start3A_19 : memref<125x16xf32, #tpu.memory_space<vmem>>) offsets(%dma_start3A_22 : memref<125xi32, #tpu.memory_space<vmem>>) semaphore(%arg13 : memref<!tpu.dma_semaphore, #tpu.memory_space<semaphore_mem>>)
    %dma_start3A_26 = arith.constant 2 : i32
    %dma_start3A_27 = arith.constant 2 : i32
    %dma_start3A_28 = arith.constant 0 : i32
    %dma_start3A_29 = arith.constant 0 : i32
    %dma_start3A_30 = tpu.memref_slice %arg9[%dma_start3A_27, %dma_start3A_28, %dma_start3A_29] : memref<20x125x16xf32, #tpu.memory_space<vmem>> -> memref<1x125x16xf32, #tpu.memory_space<vmem>>
    %dma_start3A_31 = tpu.memref_squeeze %dma_start3A_30 : memref<1x125x16xf32, #tpu.memory_space<vmem>> -> memref<125x16xf32, #tpu.memory_space<vmem>>
    %dma_start3A_32 = arith.constant 0 : i32
    %dma_start3A_33 = tpu.memref_slice %arg7[%dma_start3A_26, %dma_start3A_32] : memref<80x125xi32, #tpu.memory_space<vmem>> -> memref<1x125xi32, #tpu.memory_space<vmem>>
    %dma_start3A_34 = tpu.memref_squeeze %dma_start3A_33 : memref<1x125xi32, #tpu.memory_space<vmem>> -> memref<125xi32, #tpu.memory_space<vmem>>
    %dma_start3A_35 = arith.constant 0 : i32
    %dma_start3A_36 = arith.constant 0 : i32
    %dma_start3A_37 = tpu.memref_slice %arg4[%dma_start3A_35, %dma_start3A_36] : memref<10000x16xf32, #tpu.memory_space<hbm>> -> memref<10000x16xf32, #tpu.memory_space<hbm>>
    tpu.enqueue_indirect_dma source(%dma_start3A_37 : memref<10000x16xf32, #tpu.memory_space<hbm>>) target(%dma_start3A_31 : memref<125x16xf32, #tpu.memory_space<vmem>>) offsets(%dma_start3A_34 : memref<125xi32, #tpu.memory_space<vmem>>) semaphore(%arg14 : memref<!tpu.dma_semaphore, #tpu.memory_space<semaphore_mem>>)
    %dma_start3A_38 = arith.constant 3 : i32
    %dma_start3A_39 = arith.constant 3 : i32
    %dma_start3A_40 = arith.constant 0 : i32
    %dma_start3A_41 = arith.constant 0 : i32
    %dma_start3A_42 = tpu.memref_slice %arg9[%dma_start3A_39, %dma_start3A_40, %dma_start3A_41] : memref<20x125x16xf32, #tpu.memory_space<vmem>> -> memref<1x125x16xf32, #tpu.memory_space<vmem>>
    %dma_start3A_43 = tpu.memref_squeeze %dma_start3A_42 : memref<1x125x16xf32, #tpu.memory_space<vmem>> -> memref<125x16xf32, #tpu.memory_space<vmem>>
    %dma_start3A_44 = arith.constant 0 : i32
    %dma_start3A_45 = tpu.memref_slice %arg7[%dma_start3A_38, %dma_start3A_44] : memref<80x125xi32, #tpu.memory_space<vmem>> -> memref<1x125xi32, #tpu.memory_space<vmem>>
    %dma_start3A_46 = tpu.memref_squeeze %dma_start3A_45 : memref<1x125xi32, #tpu.memory_space<vmem>> -> memref<125xi32, #tpu.memory_space<vmem>>
    %dma_start3A_47 = arith.constant 0 : i32
    %dma_start3A_48 = arith.constant 0 : i32
    %dma_start3A_49 = tpu.memref_slice %arg4[%dma_start3A_47, %dma_start3A_48] : memref<10000x16xf32, #tpu.memory_space<hbm>> -> memref<10000x16xf32, #tpu.memory_space<hbm>>
    tpu.enqueue_indirect_dma source(%dma_start3A_49 : memref<10000x16xf32, #tpu.memory_space<hbm>>) target(%dma_start3A_43 : memref<125x16xf32, #tpu.memory_space<vmem>>) offsets(%dma_start3A_46 : memref<125xi32, #tpu.memory_space<vmem>>) semaphore(%arg15 : memref<!tpu.dma_semaphore, #tpu.memory_space<semaphore_mem>>)
    %dma_start3A_50 = arith.constant 4 : i32
    %dma_start3A_51 = arith.constant 4 : i32
    %dma_start3A_52 = arith.constant 0 : i32
    %dma_start3A_53 = arith.constant 0 : i32
    %dma_start3A_54 = tpu.memref_slice %arg9[%dma_start3A_51, %dma_start3A_52, %dma_start3A_53] : memref<20x125x16xf32, #tpu.memory_space<vmem>> -> memref<1x125x16xf32, #tpu.memory_space<vmem>>
    %dma_start3A_55 = tpu.memref_squeeze %dma_start3A_54 : memref<1x125x16xf32, #tpu.memory_space<vmem>> -> memref<125x16xf32, #tpu.memory_space<vmem>>
    %dma_start3A_56 = arith.constant 0 : i32
    %dma_start3A_57 = tpu.memref_slice %arg7[%dma_start3A_50, %dma_start3A_56] : memref<80x125xi32, #tpu.memory_space<vmem>> -> memref<1x125xi32, #tpu.memory_space<vmem>>
    %dma_start3A_58 = tpu.memref_squeeze %dma_start3A_57 : memref<1x125xi32, #tpu.memory_space<vmem>> -> memref<125xi32, #tpu.memory_space<vmem>>
    %dma_start3A_59 = arith.constant 0 : i32
    %dma_start3A_60 = arith.constant 0 : i32
    %dma_start3A_61 = tpu.memref_slice %arg4[%dma_start3A_59, %dma_start3A_60] : memref<10000x16xf32, #tpu.memory_space<hbm>> -> memref<10000x16xf32, #tpu.memory_space<hbm>>
    tpu.enqueue_indirect_dma source(%dma_start3A_61 : memref<10000x16xf32, #tpu.memory_space<hbm>>) target(%dma_start3A_55 : memref<125x16xf32, #tpu.memory_space<vmem>>) offsets(%dma_start3A_58 : memref<125xi32, #tpu.memory_space<vmem>>) semaphore(%arg16 : memref<!tpu.dma_semaphore, #tpu.memory_space<semaphore_mem>>)
    %dma_start3A_62 = arith.constant 5 : i32
    %dma_start3A_63 = arith.constant 5 : i32
    %dma_start3A_64 = arith.constant 0 : i32
    %dma_start3A_65 = arith.constant 0 : i32
    %dma_start3A_66 = tpu.memref_slice %arg9[%dma_start3A_63, %dma_start3A_64, %dma_start3A_65] : memref<20x125x16xf32, #tpu.memory_space<vmem>> -> memref<1x125x16xf32, #tpu.memory_space<vmem>>
    %dma_start3A_67 = tpu.memref_squeeze %dma_start3A_66 : memref<1x125x16xf32, #tpu.memory_space<vmem>> -> memref<125x16xf32, #tpu.memory_space<vmem>>
    %dma_start3A_68 = arith.constant 0 : i32
    %dma_start3A_69 = tpu.memref_slice %arg7[%dma_start3A_62, %dma_start3A_68] : memref<80x125xi32, #tpu.memory_space<vmem>> -> memref<1x125xi32, #tpu.memory_space<vmem>>
    %dma_start3A_70 = tpu.memref_squeeze %dma_start3A_69 : memref<1x125xi32, #tpu.memory_space<vmem>> -> memref<125xi32, #tpu.memory_space<vmem>>
    %dma_start3A_71 = arith.constant 0 : i32
    %dma_start3A_72 = arith.constant 0 : i32
    %dma_start3A_73 = tpu.memref_slice %arg4[%dma_start3A_71, %dma_start3A_72] : memref<10000x16xf32, #tpu.memory_space<hbm>> -> memref<10000x16xf32, #tpu.memory_space<hbm>>
    tpu.enqueue_indirect_dma source(%dma_start3A_73 : memref<10000x16xf32, #tpu.memory_space<hbm>>) target(%dma_start3A_67 : memref<125x16xf32, #tpu.memory_space<vmem>>) offsets(%dma_start3A_70 : memref<125xi32, #tpu.memory_space<vmem>>) semaphore(%arg17 : memref<!tpu.dma_semaphore, #tpu.memory_space<semaphore_mem>>)
    %dma_start3A_74 = arith.constant 6 : i32
    %dma_start3A_75 = arith.constant 6 : i32
    %dma_start3A_76 = arith.constant 0 : i32
    %dma_start3A_77 = arith.constant 0 : i32
    %dma_start3A_78 = tpu.memref_slice %arg9[%dma_start3A_75, %dma_start3A_76, %dma_start3A_77] : memref<20x125x16xf32, #tpu.memory_space<vmem>> -> memref<1x125x16xf32, #tpu.memory_space<vmem>>
    %dma_start3A_79 = tpu.memref_squeeze %dma_start3A_78 : memref<1x125x16xf32, #tpu.memory_space<vmem>> -> memref<125x16xf32, #tpu.memory_space<vmem>>
    %dma_start3A_80 = arith.constant 0 : i32
    %dma_start3A_81 = tpu.memref_slice %arg7[%dma_start3A_74, %dma_start3A_80] : memref<80x125xi32, #tpu.memory_space<vmem>> -> memref<1x125xi32, #tpu.memory_space<vmem>>
    %dma_start3A_82 = tpu.memref_squeeze %dma_start3A_81 : memref<1x125xi32, #tpu.memory_space<vmem>> -> memref<125xi32, #tpu.memory_space<vmem>>
    %dma_start3A_83 = arith.constant 0 : i32
    %dma_start3A_84 = arith.constant 0 : i32
    %dma_start3A_85 = tpu.memref_slice %arg4[%dma_start3A_83, %dma_start3A_84] : memref<10000x16xf32, #tpu.memory_space<hbm>> -> memref<10000x16xf32, #tpu.memory_space<hbm>>
    tpu.enqueue_indirect_dma source(%dma_start3A_85 : memref<10000x16xf32, #tpu.memory_space<hbm>>) target(%dma_start3A_79 : memref<125x16xf32, #tpu.memory_space<vmem>>) offsets(%dma_start3A_82 : memref<125xi32, #tpu.memory_space<vmem>>) semaphore(%arg18 : memref<!tpu.dma_semaphore, #tpu.memory_space<semaphore_mem>>)
    %dma_start3A_86 = arith.constant 7 : i32
    %dma_start3A_87 = arith.constant 7 : i32
    %dma_start3A_88 = arith.constant 0 : i32
    %dma_start3A_89 = arith.constant 0 : i32
    %dma_start3A_90 = tpu.memref_slice %arg9[%dma_start3A_87, %dma_start3A_88, %dma_start3A_89] : memref<20x125x16xf32, #tpu.memory_space<vmem>> -> memref<1x125x16xf32, #tpu.memory_space<vmem>>
    %dma_start3A_91 = tpu.memref_squeeze %dma_start3A_90 : memref<1x125x16xf32, #tpu.memory_space<vmem>> -> memref<125x16xf32, #tpu.memory_space<vmem>>
    %dma_start3A_92 = arith.constant 0 : i32
    %dma_start3A_93 = tpu.memref_slice %arg7[%dma_start3A_86, %dma_start3A_92] : memref<80x125xi32, #tpu.memory_space<vmem>> -> memref<1x125xi32, #tpu.memory_space<vmem>>
    %dma_start3A_94 = tpu.memref_squeeze %dma_start3A_93 : memref<1x125xi32, #tpu.memory_space<vmem>> -> memref<125xi32, #tpu.memory_space<vmem>>
    %dma_start3A_95 = arith.constant 0 : i32
    %dma_start3A_96 = arith.constant 0 : i32
    %dma_start3A_97 = tpu.memref_slice %arg4[%dma_start3A_95, %dma_start3A_96] : memref<10000x16xf32, #tpu.memory_space<hbm>> -> memref<10000x16xf32, #tpu.memory_space<hbm>>
    tpu.enqueue_indirect_dma source(%dma_start3A_97 : memref<10000x16xf32, #tpu.memory_space<hbm>>) target(%dma_start3A_91 : memref<125x16xf32, #tpu.memory_space<vmem>>) offsets(%dma_start3A_94 : memref<125xi32, #tpu.memory_space<vmem>>) semaphore(%arg19 : memref<!tpu.dma_semaphore, #tpu.memory_space<semaphore_mem>>)
    %dma_start3A_98 = arith.constant 8 : i32
    %dma_start3A_99 = arith.constant 8 : i32
    %dma_start3A_100 = arith.constant 0 : i32
    %dma_start3A_101 = arith.constant 0 : i32
    %dma_start3A_102 = tpu.memref_slice %arg9[%dma_start3A_99, %dma_start3A_100, %dma_start3A_101] : memref<20x125x16xf32, #tpu.memory_space<vmem>> -> memref<1x125x16xf32, #tpu.memory_space<vmem>>
    %dma_start3A_103 = tpu.memref_squeeze %dma_start3A_102 : memref<1x125x16xf32, #tpu.memory_space<vmem>> -> memref<125x16xf32, #tpu.memory_space<vmem>>
    %dma_start3A_104 = arith.constant 0 : i32
    %dma_start3A_105 = tpu.memref_slice %arg7[%dma_start3A_98, %dma_start3A_104] : memref<80x125xi32, #tpu.memory_space<vmem>> -> memref<1x125xi32, #tpu.memory_space<vmem>>
    %dma_start3A_106 = tpu.memref_squeeze %dma_start3A_105 : memref<1x125xi32, #tpu.memory_space<vmem>> -> memref<125xi32, #tpu.memory_space<vmem>>
    %dma_start3A_107 = arith.constant 0 : i32
    %dma_start3A_108 = arith.constant 0 : i32
    %dma_start3A_109 = tpu.memref_slice %arg4[%dma_start3A_107, %dma_start3A_108] : memref<10000x16xf32, #tpu.memory_space<hbm>> -> memref<10000x16xf32, #tpu.memory_space<hbm>>
    tpu.enqueue_indirect_dma source(%dma_start3A_109 : memref<10000x16xf32, #tpu.memory_space<hbm>>) target(%dma_start3A_103 : memref<125x16xf32, #tpu.memory_space<vmem>>) offsets(%dma_start3A_106 : memref<125xi32, #tpu.memory_space<vmem>>) semaphore(%arg20 : memref<!tpu.dma_semaphore, #tpu.memory_space<semaphore_mem>>)
    %dma_start3A_110 = arith.constant 9 : i32
    %dma_start3A_111 = arith.constant 9 : i32
    %dma_start3A_112 = arith.constant 0 : i32
    %dma_start3A_113 = arith.constant 0 : i32
    %dma_start3A_114 = tpu.memref_slice %arg9[%dma_start3A_111, %dma_start3A_112, %dma_start3A_113] : memref<20x125x16xf32, #tpu.memory_space<vmem>> -> memref<1x125x16xf32, #tpu.memory_space<vmem>>
    %dma_start3A_115 = tpu.memref_squeeze %dma_start3A_114 : memref<1x125x16xf32, #tpu.memory_space<vmem>> -> memref<125x16xf32, #tpu.memory_space<vmem>>
    %dma_start3A_116 = arith.constant 0 : i32
    %dma_start3A_117 = tpu.memref_slice %arg7[%dma_start3A_110, %dma_start3A_116] : memref<80x125xi32, #tpu.memory_space<vmem>> -> memref<1x125xi32, #tpu.memory_space<vmem>>
    %dma_start3A_118 = tpu.memref_squeeze %dma_start3A_117 : memref<1x125xi32, #tpu.memory_space<vmem>> -> memref<125xi32, #tpu.memory_space<vmem>>
    %dma_start3A_119 = arith.constant 0 : i32
    %dma_start3A_120 = arith.constant 0 : i32
    %dma_start3A_121 = tpu.memref_slice %arg4[%dma_start3A_119, %dma_start3A_120] : memref<10000x16xf32, #tpu.memory_space<hbm>> -> memref<10000x16xf32, #tpu.memory_space<hbm>>
    tpu.enqueue_indirect_dma source(%dma_start3A_121 : memref<10000x16xf32, #tpu.memory_space<hbm>>) target(%dma_start3A_115 : memref<125x16xf32, #tpu.memory_space<vmem>>) offsets(%dma_start3A_118 : memref<125xi32, #tpu.memory_space<vmem>>) semaphore(%arg21 : memref<!tpu.dma_semaphore, #tpu.memory_space<semaphore_mem>>)
    %scan3A = arith.constant 0 : i32
    %scan3A_122 = arith.constant 4 : i32
    %scan3A_123 = arith.addi %scan3A, %scan3A_122 : i32
    %scan3A_124 = arith.constant 1 : i32
    scf.for %scan3A_248 = %scan3A to %scan3A_123 step %scan3A_124  : i32 {
      %mul3A_249 = arith.constant 20 : i32
      %mul3A_250 = arith.muli %scan3A_248, %mul3A_249 : i32
      %add3A_251 = arith.constant 0 : i32
      %add3A_252 = arith.addi %mul3A_250, %add3A_251 : i32
      %dma_wait3A_253 = arith.constant 0 : i32
      %dma_wait3A_254 = arith.constant 0 : i32
      %dma_wait3A_255 = arith.constant 0 : i32
      %dma_wait3A_256 = tpu.memref_slice %arg9[%dma_wait3A_253, %dma_wait3A_254, %dma_wait3A_255] : memref<20x125x16xf32, #tpu.memory_space<vmem>> -> memref<1x125x16xf32, #tpu.memory_space<vmem>>
      %dma_wait3A_257 = tpu.memref_squeeze %dma_wait3A_256 : memref<1x125x16xf32, #tpu.memory_space<vmem>> -> memref<125x16xf32, #tpu.memory_space<vmem>>
      %dma_wait3A_258 = arith.constant 0 : i32
      %dma_wait3A_259 = tpu.memref_slice %arg7[%add3A_252, %dma_wait3A_258] : memref<80x125xi32, #tpu.memory_space<vmem>> -> memref<1x125xi32, #tpu.memory_space<vmem>>
      %dma_wait3A_260 = tpu.memref_squeeze %dma_wait3A_259 : memref<1x125xi32, #tpu.memory_space<vmem>> -> memref<125xi32, #tpu.memory_space<vmem>>
      %dma_wait3A_261 = arith.constant 0 : i32
      %dma_wait3A_262 = arith.constant 0 : i32
      %dma_wait3A_263 = tpu.memref_slice %arg4[%dma_wait3A_261, %dma_wait3A_262] : memref<10000x16xf32, #tpu.memory_space<hbm>> -> memref<10000x16xf32, #tpu.memory_space<hbm>>
      tpu.wait_indirect_dma semaphore(%arg12 : memref<!tpu.dma_semaphore, #tpu.memory_space<semaphore_mem>>) src(%dma_wait3A_263 : memref<10000x16xf32, #tpu.memory_space<hbm>>) dst(%dma_wait3A_257 : memref<125x16xf32, #tpu.memory_space<vmem>>)
      %dma_start3A_264 = arith.constant 0 : i32
      %dma_start3A_265 = arith.constant 0 : i32
      %dma_start3A_266 = arith.constant 0 : i32
      %dma_start3A_267 = tpu.memref_slice %arg9[%dma_start3A_264, %dma_start3A_265, %dma_start3A_266] : memref<20x125x16xf32, #tpu.memory_space<vmem>> -> memref<1x125x16xf32, #tpu.memory_space<vmem>>
      %dma_start3A_268 = tpu.memref_squeeze %dma_start3A_267 : memref<1x125x16xf32, #tpu.memory_space<vmem>> -> memref<125x16xf32, #tpu.memory_space<vmem>>
      %dma_start3A_269 = arith.constant 0 : i32
      %dma_start3A_270 = tpu.memref_slice %arg8[%add3A_252, %dma_start3A_269] : memref<80x125xi32, #tpu.memory_space<vmem>> -> memref<1x125xi32, #tpu.memory_space<vmem>>
      %dma_start3A_271 = tpu.memref_squeeze %dma_start3A_270 : memref<1x125xi32, #tpu.memory_space<vmem>> -> memref<125xi32, #tpu.memory_space<vmem>>
      %dma_start3A_272 = arith.constant 0 : i32
      %dma_start3A_273 = arith.constant 0 : i32
      %dma_start3A_274 = tpu.memref_slice %arg10[%dma_start3A_272, %dma_start3A_273] : memref<10000x16xf32, #tpu.memory_space<vmem_shared>> -> memref<10000x16xf32, #tpu.memory_space<vmem_shared>>
      tpu.enqueue_indirect_dma source(%dma_start3A_268 : memref<125x16xf32, #tpu.memory_space<vmem>>) target(%dma_start3A_274 : memref<10000x16xf32, #tpu.memory_space<vmem_shared>>) offsets(%dma_start3A_271 : memref<125xi32, #tpu.memory_space<vmem>>) semaphore(%arg11 : memref<!tpu.dma_semaphore, #tpu.memory_space<semaphore_mem>>) {add = true}
      %ge3A = arith.constant 10 : i32
      %ge3A_275 = arith.cmpi sge, %add3A_252, %ge3A : i32
      %convert_element_type3A = arith.extui %ge3A_275 : i1 to i32
      %cond3A = arith.constant 0 : i32
      %cond3A_276 = arith.cmpi ne, %convert_element_type3A, %cond3A : i32
      scf.if %cond3A_276 {
        %dma_wait3A_1005 = arith.constant 0 : i32
        %dma_wait3A_1006 = arith.constant 0 : i32
        %dma_wait3A_1007 = arith.constant 0 : i32
        %dma_wait3A_1008 = tpu.memref_slice %arg9[%dma_wait3A_1005, %dma_wait3A_1006, %dma_wait3A_1007] : memref<20x125x16xf32, #tpu.memory_space<vmem>> -> memref<1x125x16xf32, #tpu.memory_space<vmem>>
        %dma_wait3A_1009 = tpu.memref_squeeze %dma_wait3A_1008 : memref<1x125x16xf32, #tpu.memory_space<vmem>> -> memref<125x16xf32, #tpu.memory_space<vmem>>
        %dma_wait3A_1010 = arith.constant 0 : i32
        %dma_wait3A_1011 = tpu.memref_slice %arg8[%add3A_252, %dma_wait3A_1010] : memref<80x125xi32, #tpu.memory_space<vmem>> -> memref<1x125xi32, #tpu.memory_space<vmem>>
        %dma_wait3A_1012 = tpu.memref_squeeze %dma_wait3A_1011 : memref<1x125xi32, #tpu.memory_space<vmem>> -> memref<125xi32, #tpu.memory_space<vmem>>
        %dma_wait3A_1013 = arith.constant 0 : i32
        %dma_wait3A_1014 = arith.constant 0 : i32
        %dma_wait3A_1015 = tpu.memref_slice %arg10[%dma_wait3A_1013, %dma_wait3A_1014] : memref<10000x16xf32, #tpu.memory_space<vmem_shared>> -> memref<10000x16xf32, #tpu.memory_space<vmem_shared>>
        tpu.wait_indirect_dma semaphore(%arg11 : memref<!tpu.dma_semaphore, #tpu.memory_space<semaphore_mem>>) src(%dma_wait3A_1009 : memref<125x16xf32, #tpu.memory_space<vmem>>) dst(%dma_wait3A_1015 : memref<10000x16xf32, #tpu.memory_space<vmem_shared>>)
      } else {
      }
      %add3A_277 = arith.constant 10 : i32
      %add3A_278 = arith.addi %add3A_252, %add3A_277 : i32
      %lt3A = arith.constant 80 : i32
      %lt3A_279 = arith.cmpi slt, %add3A_278, %lt3A : i32
      %convert_element_type3A_280 = arith.extui %lt3A_279 : i1 to i32
      %cond3A_281 = arith.constant 0 : i32
      %cond3A_282 = arith.cmpi ne, %convert_element_type3A_280, %cond3A_281 : i32
      scf.if %cond3A_282 {
        %add3A_1005 = arith.constant 10 : i32
        %add3A_1006 = arith.addi %add3A_252, %add3A_1005 : i32
        %dma_start3A_1007 = arith.constant 10 : i32
        %dma_start3A_1008 = arith.constant 0 : i32
        %dma_start3A_1009 = arith.constant 0 : i32
        %dma_start3A_1010 = tpu.memref_slice %arg9[%dma_start3A_1007, %dma_start3A_1008, %dma_start3A_1009] : memref<20x125x16xf32, #tpu.memory_space<vmem>> -> memref<1x125x16xf32, #tpu.memory_space<vmem>>
        %dma_start3A_1011 = tpu.memref_squeeze %dma_start3A_1010 : memref<1x125x16xf32, #tpu.memory_space<vmem>> -> memref<125x16xf32, #tpu.memory_space<vmem>>
        %dma_start3A_1012 = arith.constant 0 : i32
        %dma_start3A_1013 = tpu.memref_slice %arg7[%add3A_1006, %dma_start3A_1012] : memref<80x125xi32, #tpu.memory_space<vmem>> -> memref<1x125xi32, #tpu.memory_space<vmem>>
        %dma_start3A_1014 = tpu.memref_squeeze %dma_start3A_1013 : memref<1x125xi32, #tpu.memory_space<vmem>> -> memref<125xi32, #tpu.memory_space<vmem>>
        %dma_start3A_1015 = arith.constant 0 : i32
        %dma_start3A_1016 = arith.constant 0 : i32
        %dma_start3A_1017 = tpu.memref_slice %arg4[%dma_start3A_1015, %dma_start3A_1016] : memref<10000x16xf32, #tpu.memory_space<hbm>> -> memref<10000x16xf32, #tpu.memory_space<hbm>>
        tpu.enqueue_indirect_dma source(%dma_start3A_1017 : memref<10000x16xf32, #tpu.memory_space<hbm>>) target(%dma_start3A_1011 : memref<125x16xf32, #tpu.memory_space<vmem>>) offsets(%dma_start3A_1014 : memref<125xi32, #tpu.memory_space<vmem>>) semaphore(%arg22 : memref<!tpu.dma_semaphore, #tpu.memory_space<semaphore_mem>>)
      } else {
      }
      %mul3A_283 = arith.constant 20 : i32
      %mul3A_284 = arith.muli %scan3A_248, %mul3A_283 : i32
      %add3A_285 = arith.constant 1 : i32
      %add3A_286 = arith.addi %mul3A_284, %add3A_285 : i32
      %dma_wait3A_287 = arith.constant 1 : i32
      %dma_wait3A_288 = arith.constant 0 : i32
      %dma_wait3A_289 = arith.constant 0 : i32
      %dma_wait3A_290 = tpu.memref_slice %arg9[%dma_wait3A_287, %dma_wait3A_288, %dma_wait3A_289] : memref<20x125x16xf32, #tpu.memory_space<vmem>> -> memref<1x125x16xf32, #tpu.memory_space<vmem>>
      %dma_wait3A_291 = tpu.memref_squeeze %dma_wait3A_290 : memref<1x125x16xf32, #tpu.memory_space<vmem>> -> memref<125x16xf32, #tpu.memory_space<vmem>>
      %dma_wait3A_292 = arith.constant 0 : i32
      %dma_wait3A_293 = tpu.memref_slice %arg7[%add3A_286, %dma_wait3A_292] : memref<80x125xi32, #tpu.memory_space<vmem>> -> memref<1x125xi32, #tpu.memory_space<vmem>>
      %dma_wait3A_294 = tpu.memref_squeeze %dma_wait3A_293 : memref<1x125xi32, #tpu.memory_space<vmem>> -> memref<125xi32, #tpu.memory_space<vmem>>
      %dma_wait3A_295 = arith.constant 0 : i32
      %dma_wait3A_296 = arith.constant 0 : i32
      %dma_wait3A_297 = tpu.memref_slice %arg4[%dma_wait3A_295, %dma_wait3A_296] : memref<10000x16xf32, #tpu.memory_space<hbm>> -> memref<10000x16xf32, #tpu.memory_space<hbm>>
      tpu.wait_indirect_dma semaphore(%arg13 : memref<!tpu.dma_semaphore, #tpu.memory_space<semaphore_mem>>) src(%dma_wait3A_297 : memref<10000x16xf32, #tpu.memory_space<hbm>>) dst(%dma_wait3A_291 : memref<125x16xf32, #tpu.memory_space<vmem>>)
      %dma_start3A_298 = arith.constant 1 : i32
      %dma_start3A_299 = arith.constant 0 : i32
      %dma_start3A_300 = arith.constant 0 : i32
      %dma_start3A_301 = tpu.memref_slice %arg9[%dma_start3A_298, %dma_start3A_299, %dma_start3A_300] : memref<20x125x16xf32, #tpu.memory_space<vmem>> -> memref<1x125x16xf32, #tpu.memory_space<vmem>>
      %dma_start3A_302 = tpu.memref_squeeze %dma_start3A_301 : memref<1x125x16xf32, #tpu.memory_space<vmem>> -> memref<125x16xf32, #tpu.memory_space<vmem>>
      %dma_start3A_303 = arith.constant 0 : i32
      %dma_start3A_304 = tpu.memref_slice %arg8[%add3A_286, %dma_start3A_303] : memref<80x125xi32, #tpu.memory_space<vmem>> -> memref<1x125xi32, #tpu.memory_space<vmem>>
      %dma_start3A_305 = tpu.memref_squeeze %dma_start3A_304 : memref<1x125xi32, #tpu.memory_space<vmem>> -> memref<125xi32, #tpu.memory_space<vmem>>
      %dma_start3A_306 = arith.constant 0 : i32
      %dma_start3A_307 = arith.constant 0 : i32
      %dma_start3A_308 = tpu.memref_slice %arg10[%dma_start3A_306, %dma_start3A_307] : memref<10000x16xf32, #tpu.memory_space<vmem_shared>> -> memref<10000x16xf32, #tpu.memory_space<vmem_shared>>
      tpu.enqueue_indirect_dma source(%dma_start3A_302 : memref<125x16xf32, #tpu.memory_space<vmem>>) target(%dma_start3A_308 : memref<10000x16xf32, #tpu.memory_space<vmem_shared>>) offsets(%dma_start3A_305 : memref<125xi32, #tpu.memory_space<vmem>>) semaphore(%arg11 : memref<!tpu.dma_semaphore, #tpu.memory_space<semaphore_mem>>) {add = true}
      %ge3A_309 = arith.constant 10 : i32
      %ge3A_310 = arith.cmpi sge, %add3A_286, %ge3A_309 : i32
      %convert_element_type3A_311 = arith.extui %ge3A_310 : i1 to i32
      %cond3A_312 = arith.constant 0 : i32
      %cond3A_313 = arith.cmpi ne, %convert_element_type3A_311, %cond3A_312 : i32
      scf.if %cond3A_313 {
        %dma_wait3A_1005 = arith.constant 1 : i32
        %dma_wait3A_1006 = arith.constant 0 : i32
        %dma_wait3A_1007 = arith.constant 0 : i32
        %dma_wait3A_1008 = tpu.memref_slice %arg9[%dma_wait3A_1005, %dma_wait3A_1006, %dma_wait3A_1007] : memref<20x125x16xf32, #tpu.memory_space<vmem>> -> memref<1x125x16xf32, #tpu.memory_space<vmem>>
        %dma_wait3A_1009 = tpu.memref_squeeze %dma_wait3A_1008 : memref<1x125x16xf32, #tpu.memory_space<vmem>> -> memref<125x16xf32, #tpu.memory_space<vmem>>
        %dma_wait3A_1010 = arith.constant 0 : i32
        %dma_wait3A_1011 = tpu.memref_slice %arg8[%add3A_286, %dma_wait3A_1010] : memref<80x125xi32, #tpu.memory_space<vmem>> -> memref<1x125xi32, #tpu.memory_space<vmem>>
        %dma_wait3A_1012 = tpu.memref_squeeze %dma_wait3A_1011 : memref<1x125xi32, #tpu.memory_space<vmem>> -> memref<125xi32, #tpu.memory_space<vmem>>
        %dma_wait3A_1013 = arith.constant 0 : i32
        %dma_wait3A_1014 = arith.constant 0 : i32
        %dma_wait3A_1015 = tpu.memref_slice %arg10[%dma_wait3A_1013, %dma_wait3A_1014] : memref<10000x16xf32, #tpu.memory_space<vmem_shared>> -> memref<10000x16xf32, #tpu.memory_space<vmem_shared>>
        tpu.wait_indirect_dma semaphore(%arg11 : memref<!tpu.dma_semaphore, #tpu.memory_space<semaphore_mem>>) src(%dma_wait3A_1009 : memref<125x16xf32, #tpu.memory_space<vmem>>) dst(%dma_wait3A_1015 : memref<10000x16xf32, #tpu.memory_space<vmem_shared>>)
      } else {
      }
      %add3A_314 = arith.constant 10 : i32
      %add3A_315 = arith.addi %add3A_286, %add3A_314 : i32
      %lt3A_316 = arith.constant 80 : i32
      %lt3A_317 = arith.cmpi slt, %add3A_315, %lt3A_316 : i32
      %convert_element_type3A_318 = arith.extui %lt3A_317 : i1 to i32
      %cond3A_319 = arith.constant 0 : i32
      %cond3A_320 = arith.cmpi ne, %convert_element_type3A_318, %cond3A_319 : i32
      scf.if %cond3A_320 {
        %add3A_1005 = arith.constant 10 : i32
        %add3A_1006 = arith.addi %add3A_286, %add3A_1005 : i32
        %dma_start3A_1007 = arith.constant 11 : i32
        %dma_start3A_1008 = arith.constant 0 : i32
        %dma_start3A_1009 = arith.constant 0 : i32
        %dma_start3A_1010 = tpu.memref_slice %arg9[%dma_start3A_1007, %dma_start3A_1008, %dma_start3A_1009] : memref<20x125x16xf32, #tpu.memory_space<vmem>> -> memref<1x125x16xf32, #tpu.memory_space<vmem>>
        %dma_start3A_1011 = tpu.memref_squeeze %dma_start3A_1010 : memref<1x125x16xf32, #tpu.memory_space<vmem>> -> memref<125x16xf32, #tpu.memory_space<vmem>>
        %dma_start3A_1012 = arith.constant 0 : i32
        %dma_start3A_1013 = tpu.memref_slice %arg7[%add3A_1006, %dma_start3A_1012] : memref<80x125xi32, #tpu.memory_space<vmem>> -> memref<1x125xi32, #tpu.memory_space<vmem>>
        %dma_start3A_1014 = tpu.memref_squeeze %dma_start3A_1013 : memref<1x125xi32, #tpu.memory_space<vmem>> -> memref<125xi32, #tpu.memory_space<vmem>>
        %dma_start3A_1015 = arith.constant 0 : i32
        %dma_start3A_1016 = arith.constant 0 : i32
        %dma_start3A_1017 = tpu.memref_slice %arg4[%dma_start3A_1015, %dma_start3A_1016] : memref<10000x16xf32, #tpu.memory_space<hbm>> -> memref<10000x16xf32, #tpu.memory_space<hbm>>
        tpu.enqueue_indirect_dma source(%dma_start3A_1017 : memref<10000x16xf32, #tpu.memory_space<hbm>>) target(%dma_start3A_1011 : memref<125x16xf32, #tpu.memory_space<vmem>>) offsets(%dma_start3A_1014 : memref<125xi32, #tpu.memory_space<vmem>>) semaphore(%arg23 : memref<!tpu.dma_semaphore, #tpu.memory_space<semaphore_mem>>)
      } else {
      }
      %mul3A_321 = arith.constant 20 : i32
      %mul3A_322 = arith.muli %scan3A_248, %mul3A_321 : i32
      %add3A_323 = arith.constant 2 : i32
      %add3A_324 = arith.addi %mul3A_322, %add3A_323 : i32
      %dma_wait3A_325 = arith.constant 2 : i32
      %dma_wait3A_326 = arith.constant 0 : i32
      %dma_wait3A_327 = arith.constant 0 : i32
      %dma_wait3A_328 = tpu.memref_slice %arg9[%dma_wait3A_325, %dma_wait3A_326, %dma_wait3A_327] : memref<20x125x16xf32, #tpu.memory_space<vmem>> -> memref<1x125x16xf32, #tpu.memory_space<vmem>>
      %dma_wait3A_329 = tpu.memref_squeeze %dma_wait3A_328 : memref<1x125x16xf32, #tpu.memory_space<vmem>> -> memref<125x16xf32, #tpu.memory_space<vmem>>
      %dma_wait3A_330 = arith.constant 0 : i32
      %dma_wait3A_331 = tpu.memref_slice %arg7[%add3A_324, %dma_wait3A_330] : memref<80x125xi32, #tpu.memory_space<vmem>> -> memref<1x125xi32, #tpu.memory_space<vmem>>
      %dma_wait3A_332 = tpu.memref_squeeze %dma_wait3A_331 : memref<1x125xi32, #tpu.memory_space<vmem>> -> memref<125xi32, #tpu.memory_space<vmem>>
      %dma_wait3A_333 = arith.constant 0 : i32
      %dma_wait3A_334 = arith.constant 0 : i32
      %dma_wait3A_335 = tpu.memref_slice %arg4[%dma_wait3A_333, %dma_wait3A_334] : memref<10000x16xf32, #tpu.memory_space<hbm>> -> memref<10000x16xf32, #tpu.memory_space<hbm>>
      tpu.wait_indirect_dma semaphore(%arg14 : memref<!tpu.dma_semaphore, #tpu.memory_space<semaphore_mem>>) src(%dma_wait3A_335 : memref<10000x16xf32, #tpu.memory_space<hbm>>) dst(%dma_wait3A_329 : memref<125x16xf32, #tpu.memory_space<vmem>>)
      %dma_start3A_336 = arith.constant 2 : i32
      %dma_start3A_337 = arith.constant 0 : i32
      %dma_start3A_338 = arith.constant 0 : i32
      %dma_start3A_339 = tpu.memref_slice %arg9[%dma_start3A_336, %dma_start3A_337, %dma_start3A_338] : memref<20x125x16xf32, #tpu.memory_space<vmem>> -> memref<1x125x16xf32, #tpu.memory_space<vmem>>
      %dma_start3A_340 = tpu.memref_squeeze %dma_start3A_339 : memref<1x125x16xf32, #tpu.memory_space<vmem>> -> memref<125x16xf32, #tpu.memory_space<vmem>>
      %dma_start3A_341 = arith.constant 0 : i32
      %dma_start3A_342 = tpu.memref_slice %arg8[%add3A_324, %dma_start3A_341] : memref<80x125xi32, #tpu.memory_space<vmem>> -> memref<1x125xi32, #tpu.memory_space<vmem>>
      %dma_start3A_343 = tpu.memref_squeeze %dma_start3A_342 : memref<1x125xi32, #tpu.memory_space<vmem>> -> memref<125xi32, #tpu.memory_space<vmem>>
      %dma_start3A_344 = arith.constant 0 : i32
      %dma_start3A_345 = arith.constant 0 : i32
      %dma_start3A_346 = tpu.memref_slice %arg10[%dma_start3A_344, %dma_start3A_345] : memref<10000x16xf32, #tpu.memory_space<vmem_shared>> -> memref<10000x16xf32, #tpu.memory_space<vmem_shared>>
      tpu.enqueue_indirect_dma source(%dma_start3A_340 : memref<125x16xf32, #tpu.memory_space<vmem>>) target(%dma_start3A_346 : memref<10000x16xf32, #tpu.memory_space<vmem_shared>>) offsets(%dma_start3A_343 : memref<125xi32, #tpu.memory_space<vmem>>) semaphore(%arg11 : memref<!tpu.dma_semaphore, #tpu.memory_space<semaphore_mem>>) {add = true}
      %ge3A_347 = arith.constant 10 : i32
      %ge3A_348 = arith.cmpi sge, %add3A_324, %ge3A_347 : i32
      %convert_element_type3A_349 = arith.extui %ge3A_348 : i1 to i32
      %cond3A_350 = arith.constant 0 : i32
      %cond3A_351 = arith.cmpi ne, %convert_element_type3A_349, %cond3A_350 : i32
      scf.if %cond3A_351 {
        %dma_wait3A_1005 = arith.constant 2 : i32
        %dma_wait3A_1006 = arith.constant 0 : i32
        %dma_wait3A_1007 = arith.constant 0 : i32
        %dma_wait3A_1008 = tpu.memref_slice %arg9[%dma_wait3A_1005, %dma_wait3A_1006, %dma_wait3A_1007] : memref<20x125x16xf32, #tpu.memory_space<vmem>> -> memref<1x125x16xf32, #tpu.memory_space<vmem>>
        %dma_wait3A_1009 = tpu.memref_squeeze %dma_wait3A_1008 : memref<1x125x16xf32, #tpu.memory_space<vmem>> -> memref<125x16xf32, #tpu.memory_space<vmem>>
        %dma_wait3A_1010 = arith.constant 0 : i32
        %dma_wait3A_1011 = tpu.memref_slice %arg8[%add3A_324, %dma_wait3A_1010] : memref<80x125xi32, #tpu.memory_space<vmem>> -> memref<1x125xi32, #tpu.memory_space<vmem>>
        %dma_wait3A_1012 = tpu.memref_squeeze %dma_wait3A_1011 : memref<1x125xi32, #tpu.memory_space<vmem>> -> memref<125xi32, #tpu.memory_space<vmem>>
        %dma_wait3A_1013 = arith.constant 0 : i32
        %dma_wait3A_1014 = arith.constant 0 : i32
        %dma_wait3A_1015 = tpu.memref_slice %arg10[%dma_wait3A_1013, %dma_wait3A_1014] : memref<10000x16xf32, #tpu.memory_space<vmem_shared>> -> memref<10000x16xf32, #tpu.memory_space<vmem_shared>>
        tpu.wait_indirect_dma semaphore(%arg11 : memref<!tpu.dma_semaphore, #tpu.memory_space<semaphore_mem>>) src(%dma_wait3A_1009 : memref<125x16xf32, #tpu.memory_space<vmem>>) dst(%dma_wait3A_1015 : memref<10000x16xf32, #tpu.memory_space<vmem_shared>>)
      } else {
      }
      %add3A_352 = arith.constant 10 : i32
      %add3A_353 = arith.addi %add3A_324, %add3A_352 : i32
      %lt3A_354 = arith.constant 80 : i32
      %lt3A_355 = arith.cmpi slt, %add3A_353, %lt3A_354 : i32
      %convert_element_type3A_356 = arith.extui %lt3A_355 : i1 to i32
      %cond3A_357 = arith.constant 0 : i32
      %cond3A_358 = arith.cmpi ne, %convert_element_type3A_356, %cond3A_357 : i32
      scf.if %cond3A_358 {
        %add3A_1005 = arith.constant 10 : i32
        %add3A_1006 = arith.addi %add3A_324, %add3A_1005 : i32
        %dma_start3A_1007 = arith.constant 12 : i32
        %dma_start3A_1008 = arith.constant 0 : i32
        %dma_start3A_1009 = arith.constant 0 : i32
        %dma_start3A_1010 = tpu.memref_slice %arg9[%dma_start3A_1007, %dma_start3A_1008, %dma_start3A_1009] : memref<20x125x16xf32, #tpu.memory_space<vmem>> -> memref<1x125x16xf32, #tpu.memory_space<vmem>>
        %dma_start3A_1011 = tpu.memref_squeeze %dma_start3A_1010 : memref<1x125x16xf32, #tpu.memory_space<vmem>> -> memref<125x16xf32, #tpu.memory_space<vmem>>
        %dma_start3A_1012 = arith.constant 0 : i32
        %dma_start3A_1013 = tpu.memref_slice %arg7[%add3A_1006, %dma_start3A_1012] : memref<80x125xi32, #tpu.memory_space<vmem>> -> memref<1x125xi32, #tpu.memory_space<vmem>>
        %dma_start3A_1014 = tpu.memref_squeeze %dma_start3A_1013 : memref<1x125xi32, #tpu.memory_space<vmem>> -> memref<125xi32, #tpu.memory_space<vmem>>
        %dma_start3A_1015 = arith.constant 0 : i32
        %dma_start3A_1016 = arith.constant 0 : i32
        %dma_start3A_1017 = tpu.memref_slice %arg4[%dma_start3A_1015, %dma_start3A_1016] : memref<10000x16xf32, #tpu.memory_space<hbm>> -> memref<10000x16xf32, #tpu.memory_space<hbm>>
        tpu.enqueue_indirect_dma source(%dma_start3A_1017 : memref<10000x16xf32, #tpu.memory_space<hbm>>) target(%dma_start3A_1011 : memref<125x16xf32, #tpu.memory_space<vmem>>) offsets(%dma_start3A_1014 : memref<125xi32, #tpu.memory_space<vmem>>) semaphore(%arg24 : memref<!tpu.dma_semaphore, #tpu.memory_space<semaphore_mem>>)
      } else {
      }
      %mul3A_359 = arith.constant 20 : i32
      %mul3A_360 = arith.muli %scan3A_248, %mul3A_359 : i32
      %add3A_361 = arith.constant 3 : i32
      %add3A_362 = arith.addi %mul3A_360, %add3A_361 : i32
      %dma_wait3A_363 = arith.constant 3 : i32
      %dma_wait3A_364 = arith.constant 0 : i32
      %dma_wait3A_365 = arith.constant 0 : i32
      %dma_wait3A_366 = tpu.memref_slice %arg9[%dma_wait3A_363, %dma_wait3A_364, %dma_wait3A_365] : memref<20x125x16xf32, #tpu.memory_space<vmem>> -> memref<1x125x16xf32, #tpu.memory_space<vmem>>
      %dma_wait3A_367 = tpu.memref_squeeze %dma_wait3A_366 : memref<1x125x16xf32, #tpu.memory_space<vmem>> -> memref<125x16xf32, #tpu.memory_space<vmem>>
      %dma_wait3A_368 = arith.constant 0 : i32
      %dma_wait3A_369 = tpu.memref_slice %arg7[%add3A_362, %dma_wait3A_368] : memref<80x125xi32, #tpu.memory_space<vmem>> -> memref<1x125xi32, #tpu.memory_space<vmem>>
      %dma_wait3A_370 = tpu.memref_squeeze %dma_wait3A_369 : memref<1x125xi32, #tpu.memory_space<vmem>> -> memref<125xi32, #tpu.memory_space<vmem>>
      %dma_wait3A_371 = arith.constant 0 : i32
      %dma_wait3A_372 = arith.constant 0 : i32
      %dma_wait3A_373 = tpu.memref_slice %arg4[%dma_wait3A_371, %dma_wait3A_372] : memref<10000x16xf32, #tpu.memory_space<hbm>> -> memref<10000x16xf32, #tpu.memory_space<hbm>>
      tpu.wait_indirect_dma semaphore(%arg15 : memref<!tpu.dma_semaphore, #tpu.memory_space<semaphore_mem>>) src(%dma_wait3A_373 : memref<10000x16xf32, #tpu.memory_space<hbm>>) dst(%dma_wait3A_367 : memref<125x16xf32, #tpu.memory_space<vmem>>)
      %dma_start3A_374 = arith.constant 3 : i32
      %dma_start3A_375 = arith.constant 0 : i32
      %dma_start3A_376 = arith.constant 0 : i32
      %dma_start3A_377 = tpu.memref_slice %arg9[%dma_start3A_374, %dma_start3A_375, %dma_start3A_376] : memref<20x125x16xf32, #tpu.memory_space<vmem>> -> memref<1x125x16xf32, #tpu.memory_space<vmem>>
      %dma_start3A_378 = tpu.memref_squeeze %dma_start3A_377 : memref<1x125x16xf32, #tpu.memory_space<vmem>> -> memref<125x16xf32, #tpu.memory_space<vmem>>
      %dma_start3A_379 = arith.constant 0 : i32
      %dma_start3A_380 = tpu.memref_slice %arg8[%add3A_362, %dma_start3A_379] : memref<80x125xi32, #tpu.memory_space<vmem>> -> memref<1x125xi32, #tpu.memory_space<vmem>>
      %dma_start3A_381 = tpu.memref_squeeze %dma_start3A_380 : memref<1x125xi32, #tpu.memory_space<vmem>> -> memref<125xi32, #tpu.memory_space<vmem>>
      %dma_start3A_382 = arith.constant 0 : i32
      %dma_start3A_383 = arith.constant 0 : i32
      %dma_start3A_384 = tpu.memref_slice %arg10[%dma_start3A_382, %dma_start3A_383] : memref<10000x16xf32, #tpu.memory_space<vmem_shared>> -> memref<10000x16xf32, #tpu.memory_space<vmem_shared>>
      tpu.enqueue_indirect_dma source(%dma_start3A_378 : memref<125x16xf32, #tpu.memory_space<vmem>>) target(%dma_start3A_384 : memref<10000x16xf32, #tpu.memory_space<vmem_shared>>) offsets(%dma_start3A_381 : memref<125xi32, #tpu.memory_space<vmem>>) semaphore(%arg11 : memref<!tpu.dma_semaphore, #tpu.memory_space<semaphore_mem>>) {add = true}
      %ge3A_385 = arith.constant 10 : i32
      %ge3A_386 = arith.cmpi sge, %add3A_362, %ge3A_385 : i32
      %convert_element_type3A_387 = arith.extui %ge3A_386 : i1 to i32
      %cond3A_388 = arith.constant 0 : i32
      %cond3A_389 = arith.cmpi ne, %convert_element_type3A_387, %cond3A_388 : i32
      scf.if %cond3A_389 {
        %dma_wait3A_1005 = arith.constant 3 : i32
        %dma_wait3A_1006 = arith.constant 0 : i32
        %dma_wait3A_1007 = arith.constant 0 : i32
        %dma_wait3A_1008 = tpu.memref_slice %arg9[%dma_wait3A_1005, %dma_wait3A_1006, %dma_wait3A_1007] : memref<20x125x16xf32, #tpu.memory_space<vmem>> -> memref<1x125x16xf32, #tpu.memory_space<vmem>>
        %dma_wait3A_1009 = tpu.memref_squeeze %dma_wait3A_1008 : memref<1x125x16xf32, #tpu.memory_space<vmem>> -> memref<125x16xf32, #tpu.memory_space<vmem>>
        %dma_wait3A_1010 = arith.constant 0 : i32
        %dma_wait3A_1011 = tpu.memref_slice %arg8[%add3A_362, %dma_wait3A_1010] : memref<80x125xi32, #tpu.memory_space<vmem>> -> memref<1x125xi32, #tpu.memory_space<vmem>>
        %dma_wait3A_1012 = tpu.memref_squeeze %dma_wait3A_1011 : memref<1x125xi32, #tpu.memory_space<vmem>> -> memref<125xi32, #tpu.memory_space<vmem>>
        %dma_wait3A_1013 = arith.constant 0 : i32
        %dma_wait3A_1014 = arith.constant 0 : i32
        %dma_wait3A_1015 = tpu.memref_slice %arg10[%dma_wait3A_1013, %dma_wait3A_1014] : memref<10000x16xf32, #tpu.memory_space<vmem_shared>> -> memref<10000x16xf32, #tpu.memory_space<vmem_shared>>
        tpu.wait_indirect_dma semaphore(%arg11 : memref<!tpu.dma_semaphore, #tpu.memory_space<semaphore_mem>>) src(%dma_wait3A_1009 : memref<125x16xf32, #tpu.memory_space<vmem>>) dst(%dma_wait3A_1015 : memref<10000x16xf32, #tpu.memory_space<vmem_shared>>)
      } else {
      }
      %add3A_390 = arith.constant 10 : i32
      %add3A_391 = arith.addi %add3A_362, %add3A_390 : i32
      %lt3A_392 = arith.constant 80 : i32
      %lt3A_393 = arith.cmpi slt, %add3A_391, %lt3A_392 : i32
      %convert_element_type3A_394 = arith.extui %lt3A_393 : i1 to i32
      %cond3A_395 = arith.constant 0 : i32
      %cond3A_396 = arith.cmpi ne, %convert_element_type3A_394, %cond3A_395 : i32
      scf.if %cond3A_396 {
        %add3A_1005 = arith.constant 10 : i32
        %add3A_1006 = arith.addi %add3A_362, %add3A_1005 : i32
        %dma_start3A_1007 = arith.constant 13 : i32
        %dma_start3A_1008 = arith.constant 0 : i32
        %dma_start3A_1009 = arith.constant 0 : i32
        %dma_start3A_1010 = tpu.memref_slice %arg9[%dma_start3A_1007, %dma_start3A_1008, %dma_start3A_1009] : memref<20x125x16xf32, #tpu.memory_space<vmem>> -> memref<1x125x16xf32, #tpu.memory_space<vmem>>
        %dma_start3A_1011 = tpu.memref_squeeze %dma_start3A_1010 : memref<1x125x16xf32, #tpu.memory_space<vmem>> -> memref<125x16xf32, #tpu.memory_space<vmem>>
        %dma_start3A_1012 = arith.constant 0 : i32
        %dma_start3A_1013 = tpu.memref_slice %arg7[%add3A_1006, %dma_start3A_1012] : memref<80x125xi32, #tpu.memory_space<vmem>> -> memref<1x125xi32, #tpu.memory_space<vmem>>
        %dma_start3A_1014 = tpu.memref_squeeze %dma_start3A_1013 : memref<1x125xi32, #tpu.memory_space<vmem>> -> memref<125xi32, #tpu.memory_space<vmem>>
        %dma_start3A_1015 = arith.constant 0 : i32
        %dma_start3A_1016 = arith.constant 0 : i32
        %dma_start3A_1017 = tpu.memref_slice %arg4[%dma_start3A_1015, %dma_start3A_1016] : memref<10000x16xf32, #tpu.memory_space<hbm>> -> memref<10000x16xf32, #tpu.memory_space<hbm>>
        tpu.enqueue_indirect_dma source(%dma_start3A_1017 : memref<10000x16xf32, #tpu.memory_space<hbm>>) target(%dma_start3A_1011 : memref<125x16xf32, #tpu.memory_space<vmem>>) offsets(%dma_start3A_1014 : memref<125xi32, #tpu.memory_space<vmem>>) semaphore(%arg25 : memref<!tpu.dma_semaphore, #tpu.memory_space<semaphore_mem>>)
      } else {
      }
      %mul3A_397 = arith.constant 20 : i32
      %mul3A_398 = arith.muli %scan3A_248, %mul3A_397 : i32
      %add3A_399 = arith.constant 4 : i32
      %add3A_400 = arith.addi %mul3A_398, %add3A_399 : i32
      %dma_wait3A_401 = arith.constant 4 : i32
      %dma_wait3A_402 = arith.constant 0 : i32
      %dma_wait3A_403 = arith.constant 0 : i32
      %dma_wait3A_404 = tpu.memref_slice %arg9[%dma_wait3A_401, %dma_wait3A_402, %dma_wait3A_403] : memref<20x125x16xf32, #tpu.memory_space<vmem>> -> memref<1x125x16xf32, #tpu.memory_space<vmem>>
      %dma_wait3A_405 = tpu.memref_squeeze %dma_wait3A_404 : memref<1x125x16xf32, #tpu.memory_space<vmem>> -> memref<125x16xf32, #tpu.memory_space<vmem>>
      %dma_wait3A_406 = arith.constant 0 : i32
      %dma_wait3A_407 = tpu.memref_slice %arg7[%add3A_400, %dma_wait3A_406] : memref<80x125xi32, #tpu.memory_space<vmem>> -> memref<1x125xi32, #tpu.memory_space<vmem>>
      %dma_wait3A_408 = tpu.memref_squeeze %dma_wait3A_407 : memref<1x125xi32, #tpu.memory_space<vmem>> -> memref<125xi32, #tpu.memory_space<vmem>>
      %dma_wait3A_409 = arith.constant 0 : i32
      %dma_wait3A_410 = arith.constant 0 : i32
      %dma_wait3A_411 = tpu.memref_slice %arg4[%dma_wait3A_409, %dma_wait3A_410] : memref<10000x16xf32, #tpu.memory_space<hbm>> -> memref<10000x16xf32, #tpu.memory_space<hbm>>
      tpu.wait_indirect_dma semaphore(%arg16 : memref<!tpu.dma_semaphore, #tpu.memory_space<semaphore_mem>>) src(%dma_wait3A_411 : memref<10000x16xf32, #tpu.memory_space<hbm>>) dst(%dma_wait3A_405 : memref<125x16xf32, #tpu.memory_space<vmem>>)
      %dma_start3A_412 = arith.constant 4 : i32
      %dma_start3A_413 = arith.constant 0 : i32
      %dma_start3A_414 = arith.constant 0 : i32
      %dma_start3A_415 = tpu.memref_slice %arg9[%dma_start3A_412, %dma_start3A_413, %dma_start3A_414] : memref<20x125x16xf32, #tpu.memory_space<vmem>> -> memref<1x125x16xf32, #tpu.memory_space<vmem>>
      %dma_start3A_416 = tpu.memref_squeeze %dma_start3A_415 : memref<1x125x16xf32, #tpu.memory_space<vmem>> -> memref<125x16xf32, #tpu.memory_space<vmem>>
      %dma_start3A_417 = arith.constant 0 : i32
      %dma_start3A_418 = tpu.memref_slice %arg8[%add3A_400, %dma_start3A_417] : memref<80x125xi32, #tpu.memory_space<vmem>> -> memref<1x125xi32, #tpu.memory_space<vmem>>
      %dma_start3A_419 = tpu.memref_squeeze %dma_start3A_418 : memref<1x125xi32, #tpu.memory_space<vmem>> -> memref<125xi32, #tpu.memory_space<vmem>>
      %dma_start3A_420 = arith.constant 0 : i32
      %dma_start3A_421 = arith.constant 0 : i32
      %dma_start3A_422 = tpu.memref_slice %arg10[%dma_start3A_420, %dma_start3A_421] : memref<10000x16xf32, #tpu.memory_space<vmem_shared>> -> memref<10000x16xf32, #tpu.memory_space<vmem_shared>>
      tpu.enqueue_indirect_dma source(%dma_start3A_416 : memref<125x16xf32, #tpu.memory_space<vmem>>) target(%dma_start3A_422 : memref<10000x16xf32, #tpu.memory_space<vmem_shared>>) offsets(%dma_start3A_419 : memref<125xi32, #tpu.memory_space<vmem>>) semaphore(%arg11 : memref<!tpu.dma_semaphore, #tpu.memory_space<semaphore_mem>>) {add = true}
      %ge3A_423 = arith.constant 10 : i32
      %ge3A_424 = arith.cmpi sge, %add3A_400, %ge3A_423 : i32
      %convert_element_type3A_425 = arith.extui %ge3A_424 : i1 to i32
      %cond3A_426 = arith.constant 0 : i32
      %cond3A_427 = arith.cmpi ne, %convert_element_type3A_425, %cond3A_426 : i32
      scf.if %cond3A_427 {
        %dma_wait3A_1005 = arith.constant 4 : i32
        %dma_wait3A_1006 = arith.constant 0 : i32
        %dma_wait3A_1007 = arith.constant 0 : i32
        %dma_wait3A_1008 = tpu.memref_slice %arg9[%dma_wait3A_1005, %dma_wait3A_1006, %dma_wait3A_1007] : memref<20x125x16xf32, #tpu.memory_space<vmem>> -> memref<1x125x16xf32, #tpu.memory_space<vmem>>
        %dma_wait3A_1009 = tpu.memref_squeeze %dma_wait3A_1008 : memref<1x125x16xf32, #tpu.memory_space<vmem>> -> memref<125x16xf32, #tpu.memory_space<vmem>>
        %dma_wait3A_1010 = arith.constant 0 : i32
        %dma_wait3A_1011 = tpu.memref_slice %arg8[%add3A_400, %dma_wait3A_1010] : memref<80x125xi32, #tpu.memory_space<vmem>> -> memref<1x125xi32, #tpu.memory_space<vmem>>
        %dma_wait3A_1012 = tpu.memref_squeeze %dma_wait3A_1011 : memref<1x125xi32, #tpu.memory_space<vmem>> -> memref<125xi32, #tpu.memory_space<vmem>>
        %dma_wait3A_1013 = arith.constant 0 : i32
        %dma_wait3A_1014 = arith.constant 0 : i32
        %dma_wait3A_1015 = tpu.memref_slice %arg10[%dma_wait3A_1013, %dma_wait3A_1014] : memref<10000x16xf32, #tpu.memory_space<vmem_shared>> -> memref<10000x16xf32, #tpu.memory_space<vmem_shared>>
        tpu.wait_indirect_dma semaphore(%arg11 : memref<!tpu.dma_semaphore, #tpu.memory_space<semaphore_mem>>) src(%dma_wait3A_1009 : memref<125x16xf32, #tpu.memory_space<vmem>>) dst(%dma_wait3A_1015 : memref<10000x16xf32, #tpu.memory_space<vmem_shared>>)
      } else {
      }
      %add3A_428 = arith.constant 10 : i32
      %add3A_429 = arith.addi %add3A_400, %add3A_428 : i32
      %lt3A_430 = arith.constant 80 : i32
      %lt3A_431 = arith.cmpi slt, %add3A_429, %lt3A_430 : i32
      %convert_element_type3A_432 = arith.extui %lt3A_431 : i1 to i32
      %cond3A_433 = arith.constant 0 : i32
      %cond3A_434 = arith.cmpi ne, %convert_element_type3A_432, %cond3A_433 : i32
      scf.if %cond3A_434 {
        %add3A_1005 = arith.constant 10 : i32
        %add3A_1006 = arith.addi %add3A_400, %add3A_1005 : i32
        %dma_start3A_1007 = arith.constant 14 : i32
        %dma_start3A_1008 = arith.constant 0 : i32
        %dma_start3A_1009 = arith.constant 0 : i32
        %dma_start3A_1010 = tpu.memref_slice %arg9[%dma_start3A_1007, %dma_start3A_1008, %dma_start3A_1009] : memref<20x125x16xf32, #tpu.memory_space<vmem>> -> memref<1x125x16xf32, #tpu.memory_space<vmem>>
        %dma_start3A_1011 = tpu.memref_squeeze %dma_start3A_1010 : memref<1x125x16xf32, #tpu.memory_space<vmem>> -> memref<125x16xf32, #tpu.memory_space<vmem>>
        %dma_start3A_1012 = arith.constant 0 : i32
        %dma_start3A_1013 = tpu.memref_slice %arg7[%add3A_1006, %dma_start3A_1012] : memref<80x125xi32, #tpu.memory_space<vmem>> -> memref<1x125xi32, #tpu.memory_space<vmem>>
        %dma_start3A_1014 = tpu.memref_squeeze %dma_start3A_1013 : memref<1x125xi32, #tpu.memory_space<vmem>> -> memref<125xi32, #tpu.memory_space<vmem>>
        %dma_start3A_1015 = arith.constant 0 : i32
        %dma_start3A_1016 = arith.constant 0 : i32
        %dma_start3A_1017 = tpu.memref_slice %arg4[%dma_start3A_1015, %dma_start3A_1016] : memref<10000x16xf32, #tpu.memory_space<hbm>> -> memref<10000x16xf32, #tpu.memory_space<hbm>>
        tpu.enqueue_indirect_dma source(%dma_start3A_1017 : memref<10000x16xf32, #tpu.memory_space<hbm>>) target(%dma_start3A_1011 : memref<125x16xf32, #tpu.memory_space<vmem>>) offsets(%dma_start3A_1014 : memref<125xi32, #tpu.memory_space<vmem>>) semaphore(%arg26 : memref<!tpu.dma_semaphore, #tpu.memory_space<semaphore_mem>>)
      } else {
      }
      %mul3A_435 = arith.constant 20 : i32
      %mul3A_436 = arith.muli %scan3A_248, %mul3A_435 : i32
      %add3A_437 = arith.constant 5 : i32
      %add3A_438 = arith.addi %mul3A_436, %add3A_437 : i32
      %dma_wait3A_439 = arith.constant 5 : i32
      %dma_wait3A_440 = arith.constant 0 : i32
      %dma_wait3A_441 = arith.constant 0 : i32
      %dma_wait3A_442 = tpu.memref_slice %arg9[%dma_wait3A_439, %dma_wait3A_440, %dma_wait3A_441] : memref<20x125x16xf32, #tpu.memory_space<vmem>> -> memref<1x125x16xf32, #tpu.memory_space<vmem>>
      %dma_wait3A_443 = tpu.memref_squeeze %dma_wait3A_442 : memref<1x125x16xf32, #tpu.memory_space<vmem>> -> memref<125x16xf32, #tpu.memory_space<vmem>>
      %dma_wait3A_444 = arith.constant 0 : i32
      %dma_wait3A_445 = tpu.memref_slice %arg7[%add3A_438, %dma_wait3A_444] : memref<80x125xi32, #tpu.memory_space<vmem>> -> memref<1x125xi32, #tpu.memory_space<vmem>>
      %dma_wait3A_446 = tpu.memref_squeeze %dma_wait3A_445 : memref<1x125xi32, #tpu.memory_space<vmem>> -> memref<125xi32, #tpu.memory_space<vmem>>
      %dma_wait3A_447 = arith.constant 0 : i32
      %dma_wait3A_448 = arith.constant 0 : i32
      %dma_wait3A_449 = tpu.memref_slice %arg4[%dma_wait3A_447, %dma_wait3A_448] : memref<10000x16xf32, #tpu.memory_space<hbm>> -> memref<10000x16xf32, #tpu.memory_space<hbm>>
      tpu.wait_indirect_dma semaphore(%arg17 : memref<!tpu.dma_semaphore, #tpu.memory_space<semaphore_mem>>) src(%dma_wait3A_449 : memref<10000x16xf32, #tpu.memory_space<hbm>>) dst(%dma_wait3A_443 : memref<125x16xf32, #tpu.memory_space<vmem>>)
      %dma_start3A_450 = arith.constant 5 : i32
      %dma_start3A_451 = arith.constant 0 : i32
      %dma_start3A_452 = arith.constant 0 : i32
      %dma_start3A_453 = tpu.memref_slice %arg9[%dma_start3A_450, %dma_start3A_451, %dma_start3A_452] : memref<20x125x16xf32, #tpu.memory_space<vmem>> -> memref<1x125x16xf32, #tpu.memory_space<vmem>>
      %dma_start3A_454 = tpu.memref_squeeze %dma_start3A_453 : memref<1x125x16xf32, #tpu.memory_space<vmem>> -> memref<125x16xf32, #tpu.memory_space<vmem>>
      %dma_start3A_455 = arith.constant 0 : i32
      %dma_start3A_456 = tpu.memref_slice %arg8[%add3A_438, %dma_start3A_455] : memref<80x125xi32, #tpu.memory_space<vmem>> -> memref<1x125xi32, #tpu.memory_space<vmem>>
      %dma_start3A_457 = tpu.memref_squeeze %dma_start3A_456 : memref<1x125xi32, #tpu.memory_space<vmem>> -> memref<125xi32, #tpu.memory_space<vmem>>
      %dma_start3A_458 = arith.constant 0 : i32
      %dma_start3A_459 = arith.constant 0 : i32
      %dma_start3A_460 = tpu.memref_slice %arg10[%dma_start3A_458, %dma_start3A_459] : memref<10000x16xf32, #tpu.memory_space<vmem_shared>> -> memref<10000x16xf32, #tpu.memory_space<vmem_shared>>
      tpu.enqueue_indirect_dma source(%dma_start3A_454 : memref<125x16xf32, #tpu.memory_space<vmem>>) target(%dma_start3A_460 : memref<10000x16xf32, #tpu.memory_space<vmem_shared>>) offsets(%dma_start3A_457 : memref<125xi32, #tpu.memory_space<vmem>>) semaphore(%arg11 : memref<!tpu.dma_semaphore, #tpu.memory_space<semaphore_mem>>) {add = true}
      %ge3A_461 = arith.constant 10 : i32
      %ge3A_462 = arith.cmpi sge, %add3A_438, %ge3A_461 : i32
      %convert_element_type3A_463 = arith.extui %ge3A_462 : i1 to i32
      %cond3A_464 = arith.constant 0 : i32
      %cond3A_465 = arith.cmpi ne, %convert_element_type3A_463, %cond3A_464 : i32
      scf.if %cond3A_465 {
        %dma_wait3A_1005 = arith.constant 5 : i32
        %dma_wait3A_1006 = arith.constant 0 : i32
        %dma_wait3A_1007 = arith.constant 0 : i32
        %dma_wait3A_1008 = tpu.memref_slice %arg9[%dma_wait3A_1005, %dma_wait3A_1006, %dma_wait3A_1007] : memref<20x125x16xf32, #tpu.memory_space<vmem>> -> memref<1x125x16xf32, #tpu.memory_space<vmem>>
        %dma_wait3A_1009 = tpu.memref_squeeze %dma_wait3A_1008 : memref<1x125x16xf32, #tpu.memory_space<vmem>> -> memref<125x16xf32, #tpu.memory_space<vmem>>
        %dma_wait3A_1010 = arith.constant 0 : i32
        %dma_wait3A_1011 = tpu.memref_slice %arg8[%add3A_438, %dma_wait3A_1010] : memref<80x125xi32, #tpu.memory_space<vmem>> -> memref<1x125xi32, #tpu.memory_space<vmem>>
        %dma_wait3A_1012 = tpu.memref_squeeze %dma_wait3A_1011 : memref<1x125xi32, #tpu.memory_space<vmem>> -> memref<125xi32, #tpu.memory_space<vmem>>
        %dma_wait3A_1013 = arith.constant 0 : i32
        %dma_wait3A_1014 = arith.constant 0 : i32
        %dma_wait3A_1015 = tpu.memref_slice %arg10[%dma_wait3A_1013, %dma_wait3A_1014] : memref<10000x16xf32, #tpu.memory_space<vmem_shared>> -> memref<10000x16xf32, #tpu.memory_space<vmem_shared>>
        tpu.wait_indirect_dma semaphore(%arg11 : memref<!tpu.dma_semaphore, #tpu.memory_space<semaphore_mem>>) src(%dma_wait3A_1009 : memref<125x16xf32, #tpu.memory_space<vmem>>) dst(%dma_wait3A_1015 : memref<10000x16xf32, #tpu.memory_space<vmem_shared>>)
      } else {
      }
      %add3A_466 = arith.constant 10 : i32
      %add3A_467 = arith.addi %add3A_438, %add3A_466 : i32
      %lt3A_468 = arith.constant 80 : i32
      %lt3A_469 = arith.cmpi slt, %add3A_467, %lt3A_468 : i32
      %convert_element_type3A_470 = arith.extui %lt3A_469 : i1 to i32
      %cond3A_471 = arith.constant 0 : i32
      %cond3A_472 = arith.cmpi ne, %convert_element_type3A_470, %cond3A_471 : i32
      scf.if %cond3A_472 {
        %add3A_1005 = arith.constant 10 : i32
        %add3A_1006 = arith.addi %add3A_438, %add3A_1005 : i32
        %dma_start3A_1007 = arith.constant 15 : i32
        %dma_start3A_1008 = arith.constant 0 : i32
        %dma_start3A_1009 = arith.constant 0 : i32
        %dma_start3A_1010 = tpu.memref_slice %arg9[%dma_start3A_1007, %dma_start3A_1008, %dma_start3A_1009] : memref<20x125x16xf32, #tpu.memory_space<vmem>> -> memref<1x125x16xf32, #tpu.memory_space<vmem>>
        %dma_start3A_1011 = tpu.memref_squeeze %dma_start3A_1010 : memref<1x125x16xf32, #tpu.memory_space<vmem>> -> memref<125x16xf32, #tpu.memory_space<vmem>>
        %dma_start3A_1012 = arith.constant 0 : i32
        %dma_start3A_1013 = tpu.memref_slice %arg7[%add3A_1006, %dma_start3A_1012] : memref<80x125xi32, #tpu.memory_space<vmem>> -> memref<1x125xi32, #tpu.memory_space<vmem>>
        %dma_start3A_1014 = tpu.memref_squeeze %dma_start3A_1013 : memref<1x125xi32, #tpu.memory_space<vmem>> -> memref<125xi32, #tpu.memory_space<vmem>>
        %dma_start3A_1015 = arith.constant 0 : i32
        %dma_start3A_1016 = arith.constant 0 : i32
        %dma_start3A_1017 = tpu.memref_slice %arg4[%dma_start3A_1015, %dma_start3A_1016] : memref<10000x16xf32, #tpu.memory_space<hbm>> -> memref<10000x16xf32, #tpu.memory_space<hbm>>
        tpu.enqueue_indirect_dma source(%dma_start3A_1017 : memref<10000x16xf32, #tpu.memory_space<hbm>>) target(%dma_start3A_1011 : memref<125x16xf32, #tpu.memory_space<vmem>>) offsets(%dma_start3A_1014 : memref<125xi32, #tpu.memory_space<vmem>>) semaphore(%arg27 : memref<!tpu.dma_semaphore, #tpu.memory_space<semaphore_mem>>)
      } else {
      }
      %mul3A_473 = arith.constant 20 : i32
      %mul3A_474 = arith.muli %scan3A_248, %mul3A_473 : i32
      %add3A_475 = arith.constant 6 : i32
      %add3A_476 = arith.addi %mul3A_474, %add3A_475 : i32
      %dma_wait3A_477 = arith.constant 6 : i32
      %dma_wait3A_478 = arith.constant 0 : i32
      %dma_wait3A_479 = arith.constant 0 : i32
      %dma_wait3A_480 = tpu.memref_slice %arg9[%dma_wait3A_477, %dma_wait3A_478, %dma_wait3A_479] : memref<20x125x16xf32, #tpu.memory_space<vmem>> -> memref<1x125x16xf32, #tpu.memory_space<vmem>>
      %dma_wait3A_481 = tpu.memref_squeeze %dma_wait3A_480 : memref<1x125x16xf32, #tpu.memory_space<vmem>> -> memref<125x16xf32, #tpu.memory_space<vmem>>
      %dma_wait3A_482 = arith.constant 0 : i32
      %dma_wait3A_483 = tpu.memref_slice %arg7[%add3A_476, %dma_wait3A_482] : memref<80x125xi32, #tpu.memory_space<vmem>> -> memref<1x125xi32, #tpu.memory_space<vmem>>
      %dma_wait3A_484 = tpu.memref_squeeze %dma_wait3A_483 : memref<1x125xi32, #tpu.memory_space<vmem>> -> memref<125xi32, #tpu.memory_space<vmem>>
      %dma_wait3A_485 = arith.constant 0 : i32
      %dma_wait3A_486 = arith.constant 0 : i32
      %dma_wait3A_487 = tpu.memref_slice %arg4[%dma_wait3A_485, %dma_wait3A_486] : memref<10000x16xf32, #tpu.memory_space<hbm>> -> memref<10000x16xf32, #tpu.memory_space<hbm>>
      tpu.wait_indirect_dma semaphore(%arg18 : memref<!tpu.dma_semaphore, #tpu.memory_space<semaphore_mem>>) src(%dma_wait3A_487 : memref<10000x16xf32, #tpu.memory_space<hbm>>) dst(%dma_wait3A_481 : memref<125x16xf32, #tpu.memory_space<vmem>>)
      %dma_start3A_488 = arith.constant 6 : i32
      %dma_start3A_489 = arith.constant 0 : i32
      %dma_start3A_490 = arith.constant 0 : i32
      %dma_start3A_491 = tpu.memref_slice %arg9[%dma_start3A_488, %dma_start3A_489, %dma_start3A_490] : memref<20x125x16xf32, #tpu.memory_space<vmem>> -> memref<1x125x16xf32, #tpu.memory_space<vmem>>
      %dma_start3A_492 = tpu.memref_squeeze %dma_start3A_491 : memref<1x125x16xf32, #tpu.memory_space<vmem>> -> memref<125x16xf32, #tpu.memory_space<vmem>>
      %dma_start3A_493 = arith.constant 0 : i32
      %dma_start3A_494 = tpu.memref_slice %arg8[%add3A_476, %dma_start3A_493] : memref<80x125xi32, #tpu.memory_space<vmem>> -> memref<1x125xi32, #tpu.memory_space<vmem>>
      %dma_start3A_495 = tpu.memref_squeeze %dma_start3A_494 : memref<1x125xi32, #tpu.memory_space<vmem>> -> memref<125xi32, #tpu.memory_space<vmem>>
      %dma_start3A_496 = arith.constant 0 : i32
      %dma_start3A_497 = arith.constant 0 : i32
      %dma_start3A_498 = tpu.memref_slice %arg10[%dma_start3A_496, %dma_start3A_497] : memref<10000x16xf32, #tpu.memory_space<vmem_shared>> -> memref<10000x16xf32, #tpu.memory_space<vmem_shared>>
      tpu.enqueue_indirect_dma source(%dma_start3A_492 : memref<125x16xf32, #tpu.memory_space<vmem>>) target(%dma_start3A_498 : memref<10000x16xf32, #tpu.memory_space<vmem_shared>>) offsets(%dma_start3A_495 : memref<125xi32, #tpu.memory_space<vmem>>) semaphore(%arg11 : memref<!tpu.dma_semaphore, #tpu.memory_space<semaphore_mem>>) {add = true}
      %ge3A_499 = arith.constant 10 : i32
      %ge3A_500 = arith.cmpi sge, %add3A_476, %ge3A_499 : i32
      %convert_element_type3A_501 = arith.extui %ge3A_500 : i1 to i32
      %cond3A_502 = arith.constant 0 : i32
      %cond3A_503 = arith.cmpi ne, %convert_element_type3A_501, %cond3A_502 : i32
      scf.if %cond3A_503 {
        %dma_wait3A_1005 = arith.constant 6 : i32
        %dma_wait3A_1006 = arith.constant 0 : i32
        %dma_wait3A_1007 = arith.constant 0 : i32
        %dma_wait3A_1008 = tpu.memref_slice %arg9[%dma_wait3A_1005, %dma_wait3A_1006, %dma_wait3A_1007] : memref<20x125x16xf32, #tpu.memory_space<vmem>> -> memref<1x125x16xf32, #tpu.memory_space<vmem>>
        %dma_wait3A_1009 = tpu.memref_squeeze %dma_wait3A_1008 : memref<1x125x16xf32, #tpu.memory_space<vmem>> -> memref<125x16xf32, #tpu.memory_space<vmem>>
        %dma_wait3A_1010 = arith.constant 0 : i32
        %dma_wait3A_1011 = tpu.memref_slice %arg8[%add3A_476, %dma_wait3A_1010] : memref<80x125xi32, #tpu.memory_space<vmem>> -> memref<1x125xi32, #tpu.memory_space<vmem>>
        %dma_wait3A_1012 = tpu.memref_squeeze %dma_wait3A_1011 : memref<1x125xi32, #tpu.memory_space<vmem>> -> memref<125xi32, #tpu.memory_space<vmem>>
        %dma_wait3A_1013 = arith.constant 0 : i32
        %dma_wait3A_1014 = arith.constant 0 : i32
        %dma_wait3A_1015 = tpu.memref_slice %arg10[%dma_wait3A_1013, %dma_wait3A_1014] : memref<10000x16xf32, #tpu.memory_space<vmem_shared>> -> memref<10000x16xf32, #tpu.memory_space<vmem_shared>>
        tpu.wait_indirect_dma semaphore(%arg11 : memref<!tpu.dma_semaphore, #tpu.memory_space<semaphore_mem>>) src(%dma_wait3A_1009 : memref<125x16xf32, #tpu.memory_space<vmem>>) dst(%dma_wait3A_1015 : memref<10000x16xf32, #tpu.memory_space<vmem_shared>>)
      } else {
      }
      %add3A_504 = arith.constant 10 : i32
      %add3A_505 = arith.addi %add3A_476, %add3A_504 : i32
      %lt3A_506 = arith.constant 80 : i32
      %lt3A_507 = arith.cmpi slt, %add3A_505, %lt3A_506 : i32
      %convert_element_type3A_508 = arith.extui %lt3A_507 : i1 to i32
      %cond3A_509 = arith.constant 0 : i32
      %cond3A_510 = arith.cmpi ne, %convert_element_type3A_508, %cond3A_509 : i32
      scf.if %cond3A_510 {
        %add3A_1005 = arith.constant 10 : i32
        %add3A_1006 = arith.addi %add3A_476, %add3A_1005 : i32
        %dma_start3A_1007 = arith.constant 16 : i32
        %dma_start3A_1008 = arith.constant 0 : i32
        %dma_start3A_1009 = arith.constant 0 : i32
        %dma_start3A_1010 = tpu.memref_slice %arg9[%dma_start3A_1007, %dma_start3A_1008, %dma_start3A_1009] : memref<20x125x16xf32, #tpu.memory_space<vmem>> -> memref<1x125x16xf32, #tpu.memory_space<vmem>>
        %dma_start3A_1011 = tpu.memref_squeeze %dma_start3A_1010 : memref<1x125x16xf32, #tpu.memory_space<vmem>> -> memref<125x16xf32, #tpu.memory_space<vmem>>
        %dma_start3A_1012 = arith.constant 0 : i32
        %dma_start3A_1013 = tpu.memref_slice %arg7[%add3A_1006, %dma_start3A_1012] : memref<80x125xi32, #tpu.memory_space<vmem>> -> memref<1x125xi32, #tpu.memory_space<vmem>>
        %dma_start3A_1014 = tpu.memref_squeeze %dma_start3A_1013 : memref<1x125xi32, #tpu.memory_space<vmem>> -> memref<125xi32, #tpu.memory_space<vmem>>
        %dma_start3A_1015 = arith.constant 0 : i32
        %dma_start3A_1016 = arith.constant 0 : i32
        %dma_start3A_1017 = tpu.memref_slice %arg4[%dma_start3A_1015, %dma_start3A_1016] : memref<10000x16xf32, #tpu.memory_space<hbm>> -> memref<10000x16xf32, #tpu.memory_space<hbm>>
        tpu.enqueue_indirect_dma source(%dma_start3A_1017 : memref<10000x16xf32, #tpu.memory_space<hbm>>) target(%dma_start3A_1011 : memref<125x16xf32, #tpu.memory_space<vmem>>) offsets(%dma_start3A_1014 : memref<125xi32, #tpu.memory_space<vmem>>) semaphore(%arg28 : memref<!tpu.dma_semaphore, #tpu.memory_space<semaphore_mem>>)
      } else {
      }
      %mul3A_511 = arith.constant 20 : i32
      %mul3A_512 = arith.muli %scan3A_248, %mul3A_511 : i32
      %add3A_513 = arith.constant 7 : i32
      %add3A_514 = arith.addi %mul3A_512, %add3A_513 : i32
      %dma_wait3A_515 = arith.constant 7 : i32
      %dma_wait3A_516 = arith.constant 0 : i32
      %dma_wait3A_517 = arith.constant 0 : i32
      %dma_wait3A_518 = tpu.memref_slice %arg9[%dma_wait3A_515, %dma_wait3A_516, %dma_wait3A_517] : memref<20x125x16xf32, #tpu.memory_space<vmem>> -> memref<1x125x16xf32, #tpu.memory_space<vmem>>
      %dma_wait3A_519 = tpu.memref_squeeze %dma_wait3A_518 : memref<1x125x16xf32, #tpu.memory_space<vmem>> -> memref<125x16xf32, #tpu.memory_space<vmem>>
      %dma_wait3A_520 = arith.constant 0 : i32
      %dma_wait3A_521 = tpu.memref_slice %arg7[%add3A_514, %dma_wait3A_520] : memref<80x125xi32, #tpu.memory_space<vmem>> -> memref<1x125xi32, #tpu.memory_space<vmem>>
      %dma_wait3A_522 = tpu.memref_squeeze %dma_wait3A_521 : memref<1x125xi32, #tpu.memory_space<vmem>> -> memref<125xi32, #tpu.memory_space<vmem>>
      %dma_wait3A_523 = arith.constant 0 : i32
      %dma_wait3A_524 = arith.constant 0 : i32
      %dma_wait3A_525 = tpu.memref_slice %arg4[%dma_wait3A_523, %dma_wait3A_524] : memref<10000x16xf32, #tpu.memory_space<hbm>> -> memref<10000x16xf32, #tpu.memory_space<hbm>>
      tpu.wait_indirect_dma semaphore(%arg19 : memref<!tpu.dma_semaphore, #tpu.memory_space<semaphore_mem>>) src(%dma_wait3A_525 : memref<10000x16xf32, #tpu.memory_space<hbm>>) dst(%dma_wait3A_519 : memref<125x16xf32, #tpu.memory_space<vmem>>)
      %dma_start3A_526 = arith.constant 7 : i32
      %dma_start3A_527 = arith.constant 0 : i32
      %dma_start3A_528 = arith.constant 0 : i32
      %dma_start3A_529 = tpu.memref_slice %arg9[%dma_start3A_526, %dma_start3A_527, %dma_start3A_528] : memref<20x125x16xf32, #tpu.memory_space<vmem>> -> memref<1x125x16xf32, #tpu.memory_space<vmem>>
      %dma_start3A_530 = tpu.memref_squeeze %dma_start3A_529 : memref<1x125x16xf32, #tpu.memory_space<vmem>> -> memref<125x16xf32, #tpu.memory_space<vmem>>
      %dma_start3A_531 = arith.constant 0 : i32
      %dma_start3A_532 = tpu.memref_slice %arg8[%add3A_514, %dma_start3A_531] : memref<80x125xi32, #tpu.memory_space<vmem>> -> memref<1x125xi32, #tpu.memory_space<vmem>>
      %dma_start3A_533 = tpu.memref_squeeze %dma_start3A_532 : memref<1x125xi32, #tpu.memory_space<vmem>> -> memref<125xi32, #tpu.memory_space<vmem>>
      %dma_start3A_534 = arith.constant 0 : i32
      %dma_start3A_535 = arith.constant 0 : i32
      %dma_start3A_536 = tpu.memref_slice %arg10[%dma_start3A_534, %dma_start3A_535] : memref<10000x16xf32, #tpu.memory_space<vmem_shared>> -> memref<10000x16xf32, #tpu.memory_space<vmem_shared>>
      tpu.enqueue_indirect_dma source(%dma_start3A_530 : memref<125x16xf32, #tpu.memory_space<vmem>>) target(%dma_start3A_536 : memref<10000x16xf32, #tpu.memory_space<vmem_shared>>) offsets(%dma_start3A_533 : memref<125xi32, #tpu.memory_space<vmem>>) semaphore(%arg11 : memref<!tpu.dma_semaphore, #tpu.memory_space<semaphore_mem>>) {add = true}
      %ge3A_537 = arith.constant 10 : i32
      %ge3A_538 = arith.cmpi sge, %add3A_514, %ge3A_537 : i32
      %convert_element_type3A_539 = arith.extui %ge3A_538 : i1 to i32
      %cond3A_540 = arith.constant 0 : i32
      %cond3A_541 = arith.cmpi ne, %convert_element_type3A_539, %cond3A_540 : i32
      scf.if %cond3A_541 {
        %dma_wait3A_1005 = arith.constant 7 : i32
        %dma_wait3A_1006 = arith.constant 0 : i32
        %dma_wait3A_1007 = arith.constant 0 : i32
        %dma_wait3A_1008 = tpu.memref_slice %arg9[%dma_wait3A_1005, %dma_wait3A_1006, %dma_wait3A_1007] : memref<20x125x16xf32, #tpu.memory_space<vmem>> -> memref<1x125x16xf32, #tpu.memory_space<vmem>>
        %dma_wait3A_1009 = tpu.memref_squeeze %dma_wait3A_1008 : memref<1x125x16xf32, #tpu.memory_space<vmem>> -> memref<125x16xf32, #tpu.memory_space<vmem>>
        %dma_wait3A_1010 = arith.constant 0 : i32
        %dma_wait3A_1011 = tpu.memref_slice %arg8[%add3A_514, %dma_wait3A_1010] : memref<80x125xi32, #tpu.memory_space<vmem>> -> memref<1x125xi32, #tpu.memory_space<vmem>>
        %dma_wait3A_1012 = tpu.memref_squeeze %dma_wait3A_1011 : memref<1x125xi32, #tpu.memory_space<vmem>> -> memref<125xi32, #tpu.memory_space<vmem>>
        %dma_wait3A_1013 = arith.constant 0 : i32
        %dma_wait3A_1014 = arith.constant 0 : i32
        %dma_wait3A_1015 = tpu.memref_slice %arg10[%dma_wait3A_1013, %dma_wait3A_1014] : memref<10000x16xf32, #tpu.memory_space<vmem_shared>> -> memref<10000x16xf32, #tpu.memory_space<vmem_shared>>
        tpu.wait_indirect_dma semaphore(%arg11 : memref<!tpu.dma_semaphore, #tpu.memory_space<semaphore_mem>>) src(%dma_wait3A_1009 : memref<125x16xf32, #tpu.memory_space<vmem>>) dst(%dma_wait3A_1015 : memref<10000x16xf32, #tpu.memory_space<vmem_shared>>)
      } else {
      }
      %add3A_542 = arith.constant 10 : i32
      %add3A_543 = arith.addi %add3A_514, %add3A_542 : i32
      %lt3A_544 = arith.constant 80 : i32
      %lt3A_545 = arith.cmpi slt, %add3A_543, %lt3A_544 : i32
      %convert_element_type3A_546 = arith.extui %lt3A_545 : i1 to i32
      %cond3A_547 = arith.constant 0 : i32
      %cond3A_548 = arith.cmpi ne, %convert_element_type3A_546, %cond3A_547 : i32
      scf.if %cond3A_548 {
        %add3A_1005 = arith.constant 10 : i32
        %add3A_1006 = arith.addi %add3A_514, %add3A_1005 : i32
        %dma_start3A_1007 = arith.constant 17 : i32
        %dma_start3A_1008 = arith.constant 0 : i32
        %dma_start3A_1009 = arith.constant 0 : i32
        %dma_start3A_1010 = tpu.memref_slice %arg9[%dma_start3A_1007, %dma_start3A_1008, %dma_start3A_1009] : memref<20x125x16xf32, #tpu.memory_space<vmem>> -> memref<1x125x16xf32, #tpu.memory_space<vmem>>
        %dma_start3A_1011 = tpu.memref_squeeze %dma_start3A_1010 : memref<1x125x16xf32, #tpu.memory_space<vmem>> -> memref<125x16xf32, #tpu.memory_space<vmem>>
        %dma_start3A_1012 = arith.constant 0 : i32
        %dma_start3A_1013 = tpu.memref_slice %arg7[%add3A_1006, %dma_start3A_1012] : memref<80x125xi32, #tpu.memory_space<vmem>> -> memref<1x125xi32, #tpu.memory_space<vmem>>
        %dma_start3A_1014 = tpu.memref_squeeze %dma_start3A_1013 : memref<1x125xi32, #tpu.memory_space<vmem>> -> memref<125xi32, #tpu.memory_space<vmem>>
        %dma_start3A_1015 = arith.constant 0 : i32
        %dma_start3A_1016 = arith.constant 0 : i32
        %dma_start3A_1017 = tpu.memref_slice %arg4[%dma_start3A_1015, %dma_start3A_1016] : memref<10000x16xf32, #tpu.memory_space<hbm>> -> memref<10000x16xf32, #tpu.memory_space<hbm>>
        tpu.enqueue_indirect_dma source(%dma_start3A_1017 : memref<10000x16xf32, #tpu.memory_space<hbm>>) target(%dma_start3A_1011 : memref<125x16xf32, #tpu.memory_space<vmem>>) offsets(%dma_start3A_1014 : memref<125xi32, #tpu.memory_space<vmem>>) semaphore(%arg29 : memref<!tpu.dma_semaphore, #tpu.memory_space<semaphore_mem>>)
      } else {
      }
      %mul3A_549 = arith.constant 20 : i32
      %mul3A_550 = arith.muli %scan3A_248, %mul3A_549 : i32
      %add3A_551 = arith.constant 8 : i32
      %add3A_552 = arith.addi %mul3A_550, %add3A_551 : i32
      %dma_wait3A_553 = arith.constant 8 : i32
      %dma_wait3A_554 = arith.constant 0 : i32
      %dma_wait3A_555 = arith.constant 0 : i32
      %dma_wait3A_556 = tpu.memref_slice %arg9[%dma_wait3A_553, %dma_wait3A_554, %dma_wait3A_555] : memref<20x125x16xf32, #tpu.memory_space<vmem>> -> memref<1x125x16xf32, #tpu.memory_space<vmem>>
      %dma_wait3A_557 = tpu.memref_squeeze %dma_wait3A_556 : memref<1x125x16xf32, #tpu.memory_space<vmem>> -> memref<125x16xf32, #tpu.memory_space<vmem>>
      %dma_wait3A_558 = arith.constant 0 : i32
      %dma_wait3A_559 = tpu.memref_slice %arg7[%add3A_552, %dma_wait3A_558] : memref<80x125xi32, #tpu.memory_space<vmem>> -> memref<1x125xi32, #tpu.memory_space<vmem>>
      %dma_wait3A_560 = tpu.memref_squeeze %dma_wait3A_559 : memref<1x125xi32, #tpu.memory_space<vmem>> -> memref<125xi32, #tpu.memory_space<vmem>>
      %dma_wait3A_561 = arith.constant 0 : i32
      %dma_wait3A_562 = arith.constant 0 : i32
      %dma_wait3A_563 = tpu.memref_slice %arg4[%dma_wait3A_561, %dma_wait3A_562] : memref<10000x16xf32, #tpu.memory_space<hbm>> -> memref<10000x16xf32, #tpu.memory_space<hbm>>
      tpu.wait_indirect_dma semaphore(%arg20 : memref<!tpu.dma_semaphore, #tpu.memory_space<semaphore_mem>>) src(%dma_wait3A_563 : memref<10000x16xf32, #tpu.memory_space<hbm>>) dst(%dma_wait3A_557 : memref<125x16xf32, #tpu.memory_space<vmem>>)
      %dma_start3A_564 = arith.constant 8 : i32
      %dma_start3A_565 = arith.constant 0 : i32
      %dma_start3A_566 = arith.constant 0 : i32
      %dma_start3A_567 = tpu.memref_slice %arg9[%dma_start3A_564, %dma_start3A_565, %dma_start3A_566] : memref<20x125x16xf32, #tpu.memory_space<vmem>> -> memref<1x125x16xf32, #tpu.memory_space<vmem>>
      %dma_start3A_568 = tpu.memref_squeeze %dma_start3A_567 : memref<1x125x16xf32, #tpu.memory_space<vmem>> -> memref<125x16xf32, #tpu.memory_space<vmem>>
      %dma_start3A_569 = arith.constant 0 : i32
      %dma_start3A_570 = tpu.memref_slice %arg8[%add3A_552, %dma_start3A_569] : memref<80x125xi32, #tpu.memory_space<vmem>> -> memref<1x125xi32, #tpu.memory_space<vmem>>
      %dma_start3A_571 = tpu.memref_squeeze %dma_start3A_570 : memref<1x125xi32, #tpu.memory_space<vmem>> -> memref<125xi32, #tpu.memory_space<vmem>>
      %dma_start3A_572 = arith.constant 0 : i32
      %dma_start3A_573 = arith.constant 0 : i32
      %dma_start3A_574 = tpu.memref_slice %arg10[%dma_start3A_572, %dma_start3A_573] : memref<10000x16xf32, #tpu.memory_space<vmem_shared>> -> memref<10000x16xf32, #tpu.memory_space<vmem_shared>>
      tpu.enqueue_indirect_dma source(%dma_start3A_568 : memref<125x16xf32, #tpu.memory_space<vmem>>) target(%dma_start3A_574 : memref<10000x16xf32, #tpu.memory_space<vmem_shared>>) offsets(%dma_start3A_571 : memref<125xi32, #tpu.memory_space<vmem>>) semaphore(%arg11 : memref<!tpu.dma_semaphore, #tpu.memory_space<semaphore_mem>>) {add = true}
      %ge3A_575 = arith.constant 10 : i32
      %ge3A_576 = arith.cmpi sge, %add3A_552, %ge3A_575 : i32
      %convert_element_type3A_577 = arith.extui %ge3A_576 : i1 to i32
      %cond3A_578 = arith.constant 0 : i32
      %cond3A_579 = arith.cmpi ne, %convert_element_type3A_577, %cond3A_578 : i32
      scf.if %cond3A_579 {
        %dma_wait3A_1005 = arith.constant 8 : i32
        %dma_wait3A_1006 = arith.constant 0 : i32
        %dma_wait3A_1007 = arith.constant 0 : i32
        %dma_wait3A_1008 = tpu.memref_slice %arg9[%dma_wait3A_1005, %dma_wait3A_1006, %dma_wait3A_1007] : memref<20x125x16xf32, #tpu.memory_space<vmem>> -> memref<1x125x16xf32, #tpu.memory_space<vmem>>
        %dma_wait3A_1009 = tpu.memref_squeeze %dma_wait3A_1008 : memref<1x125x16xf32, #tpu.memory_space<vmem>> -> memref<125x16xf32, #tpu.memory_space<vmem>>
        %dma_wait3A_1010 = arith.constant 0 : i32
        %dma_wait3A_1011 = tpu.memref_slice %arg8[%add3A_552, %dma_wait3A_1010] : memref<80x125xi32, #tpu.memory_space<vmem>> -> memref<1x125xi32, #tpu.memory_space<vmem>>
        %dma_wait3A_1012 = tpu.memref_squeeze %dma_wait3A_1011 : memref<1x125xi32, #tpu.memory_space<vmem>> -> memref<125xi32, #tpu.memory_space<vmem>>
        %dma_wait3A_1013 = arith.constant 0 : i32
        %dma_wait3A_1014 = arith.constant 0 : i32
        %dma_wait3A_1015 = tpu.memref_slice %arg10[%dma_wait3A_1013, %dma_wait3A_1014] : memref<10000x16xf32, #tpu.memory_space<vmem_shared>> -> memref<10000x16xf32, #tpu.memory_space<vmem_shared>>
        tpu.wait_indirect_dma semaphore(%arg11 : memref<!tpu.dma_semaphore, #tpu.memory_space<semaphore_mem>>) src(%dma_wait3A_1009 : memref<125x16xf32, #tpu.memory_space<vmem>>) dst(%dma_wait3A_1015 : memref<10000x16xf32, #tpu.memory_space<vmem_shared>>)
      } else {
      }
      %add3A_580 = arith.constant 10 : i32
      %add3A_581 = arith.addi %add3A_552, %add3A_580 : i32
      %lt3A_582 = arith.constant 80 : i32
      %lt3A_583 = arith.cmpi slt, %add3A_581, %lt3A_582 : i32
      %convert_element_type3A_584 = arith.extui %lt3A_583 : i1 to i32
      %cond3A_585 = arith.constant 0 : i32
      %cond3A_586 = arith.cmpi ne, %convert_element_type3A_584, %cond3A_585 : i32
      scf.if %cond3A_586 {
        %add3A_1005 = arith.constant 10 : i32
        %add3A_1006 = arith.addi %add3A_552, %add3A_1005 : i32
        %dma_start3A_1007 = arith.constant 18 : i32
        %dma_start3A_1008 = arith.constant 0 : i32
        %dma_start3A_1009 = arith.constant 0 : i32
        %dma_start3A_1010 = tpu.memref_slice %arg9[%dma_start3A_1007, %dma_start3A_1008, %dma_start3A_1009] : memref<20x125x16xf32, #tpu.memory_space<vmem>> -> memref<1x125x16xf32, #tpu.memory_space<vmem>>
        %dma_start3A_1011 = tpu.memref_squeeze %dma_start3A_1010 : memref<1x125x16xf32, #tpu.memory_space<vmem>> -> memref<125x16xf32, #tpu.memory_space<vmem>>
        %dma_start3A_1012 = arith.constant 0 : i32
        %dma_start3A_1013 = tpu.memref_slice %arg7[%add3A_1006, %dma_start3A_1012] : memref<80x125xi32, #tpu.memory_space<vmem>> -> memref<1x125xi32, #tpu.memory_space<vmem>>
        %dma_start3A_1014 = tpu.memref_squeeze %dma_start3A_1013 : memref<1x125xi32, #tpu.memory_space<vmem>> -> memref<125xi32, #tpu.memory_space<vmem>>
        %dma_start3A_1015 = arith.constant 0 : i32
        %dma_start3A_1016 = arith.constant 0 : i32
        %dma_start3A_1017 = tpu.memref_slice %arg4[%dma_start3A_1015, %dma_start3A_1016] : memref<10000x16xf32, #tpu.memory_space<hbm>> -> memref<10000x16xf32, #tpu.memory_space<hbm>>
        tpu.enqueue_indirect_dma source(%dma_start3A_1017 : memref<10000x16xf32, #tpu.memory_space<hbm>>) target(%dma_start3A_1011 : memref<125x16xf32, #tpu.memory_space<vmem>>) offsets(%dma_start3A_1014 : memref<125xi32, #tpu.memory_space<vmem>>) semaphore(%arg30 : memref<!tpu.dma_semaphore, #tpu.memory_space<semaphore_mem>>)
      } else {
      }
      %mul3A_587 = arith.constant 20 : i32
      %mul3A_588 = arith.muli %scan3A_248, %mul3A_587 : i32
      %add3A_589 = arith.constant 9 : i32
      %add3A_590 = arith.addi %mul3A_588, %add3A_589 : i32
      %dma_wait3A_591 = arith.constant 9 : i32
      %dma_wait3A_592 = arith.constant 0 : i32
      %dma_wait3A_593 = arith.constant 0 : i32
      %dma_wait3A_594 = tpu.memref_slice %arg9[%dma_wait3A_591, %dma_wait3A_592, %dma_wait3A_593] : memref<20x125x16xf32, #tpu.memory_space<vmem>> -> memref<1x125x16xf32, #tpu.memory_space<vmem>>
      %dma_wait3A_595 = tpu.memref_squeeze %dma_wait3A_594 : memref<1x125x16xf32, #tpu.memory_space<vmem>> -> memref<125x16xf32, #tpu.memory_space<vmem>>
      %dma_wait3A_596 = arith.constant 0 : i32
      %dma_wait3A_597 = tpu.memref_slice %arg7[%add3A_590, %dma_wait3A_596] : memref<80x125xi32, #tpu.memory_space<vmem>> -> memref<1x125xi32, #tpu.memory_space<vmem>>
      %dma_wait3A_598 = tpu.memref_squeeze %dma_wait3A_597 : memref<1x125xi32, #tpu.memory_space<vmem>> -> memref<125xi32, #tpu.memory_space<vmem>>
      %dma_wait3A_599 = arith.constant 0 : i32
      %dma_wait3A_600 = arith.constant 0 : i32
      %dma_wait3A_601 = tpu.memref_slice %arg4[%dma_wait3A_599, %dma_wait3A_600] : memref<10000x16xf32, #tpu.memory_space<hbm>> -> memref<10000x16xf32, #tpu.memory_space<hbm>>
      tpu.wait_indirect_dma semaphore(%arg21 : memref<!tpu.dma_semaphore, #tpu.memory_space<semaphore_mem>>) src(%dma_wait3A_601 : memref<10000x16xf32, #tpu.memory_space<hbm>>) dst(%dma_wait3A_595 : memref<125x16xf32, #tpu.memory_space<vmem>>)
      %dma_start3A_602 = arith.constant 9 : i32
      %dma_start3A_603 = arith.constant 0 : i32
      %dma_start3A_604 = arith.constant 0 : i32
      %dma_start3A_605 = tpu.memref_slice %arg9[%dma_start3A_602, %dma_start3A_603, %dma_start3A_604] : memref<20x125x16xf32, #tpu.memory_space<vmem>> -> memref<1x125x16xf32, #tpu.memory_space<vmem>>
      %dma_start3A_606 = tpu.memref_squeeze %dma_start3A_605 : memref<1x125x16xf32, #tpu.memory_space<vmem>> -> memref<125x16xf32, #tpu.memory_space<vmem>>
      %dma_start3A_607 = arith.constant 0 : i32
      %dma_start3A_608 = tpu.memref_slice %arg8[%add3A_590, %dma_start3A_607] : memref<80x125xi32, #tpu.memory_space<vmem>> -> memref<1x125xi32, #tpu.memory_space<vmem>>
      %dma_start3A_609 = tpu.memref_squeeze %dma_start3A_608 : memref<1x125xi32, #tpu.memory_space<vmem>> -> memref<125xi32, #tpu.memory_space<vmem>>
      %dma_start3A_610 = arith.constant 0 : i32
      %dma_start3A_611 = arith.constant 0 : i32
      %dma_start3A_612 = tpu.memref_slice %arg10[%dma_start3A_610, %dma_start3A_611] : memref<10000x16xf32, #tpu.memory_space<vmem_shared>> -> memref<10000x16xf32, #tpu.memory_space<vmem_shared>>
      tpu.enqueue_indirect_dma source(%dma_start3A_606 : memref<125x16xf32, #tpu.memory_space<vmem>>) target(%dma_start3A_612 : memref<10000x16xf32, #tpu.memory_space<vmem_shared>>) offsets(%dma_start3A_609 : memref<125xi32, #tpu.memory_space<vmem>>) semaphore(%arg11 : memref<!tpu.dma_semaphore, #tpu.memory_space<semaphore_mem>>) {add = true}
      %ge3A_613 = arith.constant 10 : i32
      %ge3A_614 = arith.cmpi sge, %add3A_590, %ge3A_613 : i32
      %convert_element_type3A_615 = arith.extui %ge3A_614 : i1 to i32
      %cond3A_616 = arith.constant 0 : i32
      %cond3A_617 = arith.cmpi ne, %convert_element_type3A_615, %cond3A_616 : i32
      scf.if %cond3A_617 {
        %dma_wait3A_1005 = arith.constant 9 : i32
        %dma_wait3A_1006 = arith.constant 0 : i32
        %dma_wait3A_1007 = arith.constant 0 : i32
        %dma_wait3A_1008 = tpu.memref_slice %arg9[%dma_wait3A_1005, %dma_wait3A_1006, %dma_wait3A_1007] : memref<20x125x16xf32, #tpu.memory_space<vmem>> -> memref<1x125x16xf32, #tpu.memory_space<vmem>>
        %dma_wait3A_1009 = tpu.memref_squeeze %dma_wait3A_1008 : memref<1x125x16xf32, #tpu.memory_space<vmem>> -> memref<125x16xf32, #tpu.memory_space<vmem>>
        %dma_wait3A_1010 = arith.constant 0 : i32
        %dma_wait3A_1011 = tpu.memref_slice %arg8[%add3A_590, %dma_wait3A_1010] : memref<80x125xi32, #tpu.memory_space<vmem>> -> memref<1x125xi32, #tpu.memory_space<vmem>>
        %dma_wait3A_1012 = tpu.memref_squeeze %dma_wait3A_1011 : memref<1x125xi32, #tpu.memory_space<vmem>> -> memref<125xi32, #tpu.memory_space<vmem>>
        %dma_wait3A_1013 = arith.constant 0 : i32
        %dma_wait3A_1014 = arith.constant 0 : i32
        %dma_wait3A_1015 = tpu.memref_slice %arg10[%dma_wait3A_1013, %dma_wait3A_1014] : memref<10000x16xf32, #tpu.memory_space<vmem_shared>> -> memref<10000x16xf32, #tpu.memory_space<vmem_shared>>
        tpu.wait_indirect_dma semaphore(%arg11 : memref<!tpu.dma_semaphore, #tpu.memory_space<semaphore_mem>>) src(%dma_wait3A_1009 : memref<125x16xf32, #tpu.memory_space<vmem>>) dst(%dma_wait3A_1015 : memref<10000x16xf32, #tpu.memory_space<vmem_shared>>)
      } else {
      }
      %add3A_618 = arith.constant 10 : i32
      %add3A_619 = arith.addi %add3A_590, %add3A_618 : i32
      %lt3A_620 = arith.constant 80 : i32
      %lt3A_621 = arith.cmpi slt, %add3A_619, %lt3A_620 : i32
      %convert_element_type3A_622 = arith.extui %lt3A_621 : i1 to i32
      %cond3A_623 = arith.constant 0 : i32
      %cond3A_624 = arith.cmpi ne, %convert_element_type3A_622, %cond3A_623 : i32
      scf.if %cond3A_624 {
        %add3A_1005 = arith.constant 10 : i32
        %add3A_1006 = arith.addi %add3A_590, %add3A_1005 : i32
        %dma_start3A_1007 = arith.constant 19 : i32
        %dma_start3A_1008 = arith.constant 0 : i32
        %dma_start3A_1009 = arith.constant 0 : i32
        %dma_start3A_1010 = tpu.memref_slice %arg9[%dma_start3A_1007, %dma_start3A_1008, %dma_start3A_1009] : memref<20x125x16xf32, #tpu.memory_space<vmem>> -> memref<1x125x16xf32, #tpu.memory_space<vmem>>
        %dma_start3A_1011 = tpu.memref_squeeze %dma_start3A_1010 : memref<1x125x16xf32, #tpu.memory_space<vmem>> -> memref<125x16xf32, #tpu.memory_space<vmem>>
        %dma_start3A_1012 = arith.constant 0 : i32
        %dma_start3A_1013 = tpu.memref_slice %arg7[%add3A_1006, %dma_start3A_1012] : memref<80x125xi32, #tpu.memory_space<vmem>> -> memref<1x125xi32, #tpu.memory_space<vmem>>
        %dma_start3A_1014 = tpu.memref_squeeze %dma_start3A_1013 : memref<1x125xi32, #tpu.memory_space<vmem>> -> memref<125xi32, #tpu.memory_space<vmem>>
        %dma_start3A_1015 = arith.constant 0 : i32
        %dma_start3A_1016 = arith.constant 0 : i32
        %dma_start3A_1017 = tpu.memref_slice %arg4[%dma_start3A_1015, %dma_start3A_1016] : memref<10000x16xf32, #tpu.memory_space<hbm>> -> memref<10000x16xf32, #tpu.memory_space<hbm>>
        tpu.enqueue_indirect_dma source(%dma_start3A_1017 : memref<10000x16xf32, #tpu.memory_space<hbm>>) target(%dma_start3A_1011 : memref<125x16xf32, #tpu.memory_space<vmem>>) offsets(%dma_start3A_1014 : memref<125xi32, #tpu.memory_space<vmem>>) semaphore(%arg31 : memref<!tpu.dma_semaphore, #tpu.memory_space<semaphore_mem>>)
      } else {
      }
      %mul3A_625 = arith.constant 20 : i32
      %mul3A_626 = arith.muli %scan3A_248, %mul3A_625 : i32
      %add3A_627 = arith.constant 10 : i32
      %add3A_628 = arith.addi %mul3A_626, %add3A_627 : i32
      %dma_wait3A_629 = arith.constant 10 : i32
      %dma_wait3A_630 = arith.constant 0 : i32
      %dma_wait3A_631 = arith.constant 0 : i32
      %dma_wait3A_632 = tpu.memref_slice %arg9[%dma_wait3A_629, %dma_wait3A_630, %dma_wait3A_631] : memref<20x125x16xf32, #tpu.memory_space<vmem>> -> memref<1x125x16xf32, #tpu.memory_space<vmem>>
      %dma_wait3A_633 = tpu.memref_squeeze %dma_wait3A_632 : memref<1x125x16xf32, #tpu.memory_space<vmem>> -> memref<125x16xf32, #tpu.memory_space<vmem>>
      %dma_wait3A_634 = arith.constant 0 : i32
      %dma_wait3A_635 = tpu.memref_slice %arg7[%add3A_628, %dma_wait3A_634] : memref<80x125xi32, #tpu.memory_space<vmem>> -> memref<1x125xi32, #tpu.memory_space<vmem>>
      %dma_wait3A_636 = tpu.memref_squeeze %dma_wait3A_635 : memref<1x125xi32, #tpu.memory_space<vmem>> -> memref<125xi32, #tpu.memory_space<vmem>>
      %dma_wait3A_637 = arith.constant 0 : i32
      %dma_wait3A_638 = arith.constant 0 : i32
      %dma_wait3A_639 = tpu.memref_slice %arg4[%dma_wait3A_637, %dma_wait3A_638] : memref<10000x16xf32, #tpu.memory_space<hbm>> -> memref<10000x16xf32, #tpu.memory_space<hbm>>
      tpu.wait_indirect_dma semaphore(%arg22 : memref<!tpu.dma_semaphore, #tpu.memory_space<semaphore_mem>>) src(%dma_wait3A_639 : memref<10000x16xf32, #tpu.memory_space<hbm>>) dst(%dma_wait3A_633 : memref<125x16xf32, #tpu.memory_space<vmem>>)
      %dma_start3A_640 = arith.constant 10 : i32
      %dma_start3A_641 = arith.constant 0 : i32
      %dma_start3A_642 = arith.constant 0 : i32
      %dma_start3A_643 = tpu.memref_slice %arg9[%dma_start3A_640, %dma_start3A_641, %dma_start3A_642] : memref<20x125x16xf32, #tpu.memory_space<vmem>> -> memref<1x125x16xf32, #tpu.memory_space<vmem>>
      %dma_start3A_644 = tpu.memref_squeeze %dma_start3A_643 : memref<1x125x16xf32, #tpu.memory_space<vmem>> -> memref<125x16xf32, #tpu.memory_space<vmem>>
      %dma_start3A_645 = arith.constant 0 : i32
      %dma_start3A_646 = tpu.memref_slice %arg8[%add3A_628, %dma_start3A_645] : memref<80x125xi32, #tpu.memory_space<vmem>> -> memref<1x125xi32, #tpu.memory_space<vmem>>
      %dma_start3A_647 = tpu.memref_squeeze %dma_start3A_646 : memref<1x125xi32, #tpu.memory_space<vmem>> -> memref<125xi32, #tpu.memory_space<vmem>>
      %dma_start3A_648 = arith.constant 0 : i32
      %dma_start3A_649 = arith.constant 0 : i32
      %dma_start3A_650 = tpu.memref_slice %arg10[%dma_start3A_648, %dma_start3A_649] : memref<10000x16xf32, #tpu.memory_space<vmem_shared>> -> memref<10000x16xf32, #tpu.memory_space<vmem_shared>>
      tpu.enqueue_indirect_dma source(%dma_start3A_644 : memref<125x16xf32, #tpu.memory_space<vmem>>) target(%dma_start3A_650 : memref<10000x16xf32, #tpu.memory_space<vmem_shared>>) offsets(%dma_start3A_647 : memref<125xi32, #tpu.memory_space<vmem>>) semaphore(%arg11 : memref<!tpu.dma_semaphore, #tpu.memory_space<semaphore_mem>>) {add = true}
      %ge3A_651 = arith.constant 10 : i32
      %ge3A_652 = arith.cmpi sge, %add3A_628, %ge3A_651 : i32
      %convert_element_type3A_653 = arith.extui %ge3A_652 : i1 to i32
      %cond3A_654 = arith.constant 0 : i32
      %cond3A_655 = arith.cmpi ne, %convert_element_type3A_653, %cond3A_654 : i32
      scf.if %cond3A_655 {
        %dma_wait3A_1005 = arith.constant 10 : i32
        %dma_wait3A_1006 = arith.constant 0 : i32
        %dma_wait3A_1007 = arith.constant 0 : i32
        %dma_wait3A_1008 = tpu.memref_slice %arg9[%dma_wait3A_1005, %dma_wait3A_1006, %dma_wait3A_1007] : memref<20x125x16xf32, #tpu.memory_space<vmem>> -> memref<1x125x16xf32, #tpu.memory_space<vmem>>
        %dma_wait3A_1009 = tpu.memref_squeeze %dma_wait3A_1008 : memref<1x125x16xf32, #tpu.memory_space<vmem>> -> memref<125x16xf32, #tpu.memory_space<vmem>>
        %dma_wait3A_1010 = arith.constant 0 : i32
        %dma_wait3A_1011 = tpu.memref_slice %arg8[%add3A_628, %dma_wait3A_1010] : memref<80x125xi32, #tpu.memory_space<vmem>> -> memref<1x125xi32, #tpu.memory_space<vmem>>
        %dma_wait3A_1012 = tpu.memref_squeeze %dma_wait3A_1011 : memref<1x125xi32, #tpu.memory_space<vmem>> -> memref<125xi32, #tpu.memory_space<vmem>>
        %dma_wait3A_1013 = arith.constant 0 : i32
        %dma_wait3A_1014 = arith.constant 0 : i32
        %dma_wait3A_1015 = tpu.memref_slice %arg10[%dma_wait3A_1013, %dma_wait3A_1014] : memref<10000x16xf32, #tpu.memory_space<vmem_shared>> -> memref<10000x16xf32, #tpu.memory_space<vmem_shared>>
        tpu.wait_indirect_dma semaphore(%arg11 : memref<!tpu.dma_semaphore, #tpu.memory_space<semaphore_mem>>) src(%dma_wait3A_1009 : memref<125x16xf32, #tpu.memory_space<vmem>>) dst(%dma_wait3A_1015 : memref<10000x16xf32, #tpu.memory_space<vmem_shared>>)
      } else {
      }
      %add3A_656 = arith.constant 10 : i32
      %add3A_657 = arith.addi %add3A_628, %add3A_656 : i32
      %lt3A_658 = arith.constant 80 : i32
      %lt3A_659 = arith.cmpi slt, %add3A_657, %lt3A_658 : i32
      %convert_element_type3A_660 = arith.extui %lt3A_659 : i1 to i32
      %cond3A_661 = arith.constant 0 : i32
      %cond3A_662 = arith.cmpi ne, %convert_element_type3A_660, %cond3A_661 : i32
      scf.if %cond3A_662 {
        %add3A_1005 = arith.constant 10 : i32
        %add3A_1006 = arith.addi %add3A_628, %add3A_1005 : i32
        %dma_start3A_1007 = arith.constant 0 : i32
        %dma_start3A_1008 = arith.constant 0 : i32
        %dma_start3A_1009 = arith.constant 0 : i32
        %dma_start3A_1010 = tpu.memref_slice %arg9[%dma_start3A_1007, %dma_start3A_1008, %dma_start3A_1009] : memref<20x125x16xf32, #tpu.memory_space<vmem>> -> memref<1x125x16xf32, #tpu.memory_space<vmem>>
        %dma_start3A_1011 = tpu.memref_squeeze %dma_start3A_1010 : memref<1x125x16xf32, #tpu.memory_space<vmem>> -> memref<125x16xf32, #tpu.memory_space<vmem>>
        %dma_start3A_1012 = arith.constant 0 : i32
        %dma_start3A_1013 = tpu.memref_slice %arg7[%add3A_1006, %dma_start3A_1012] : memref<80x125xi32, #tpu.memory_space<vmem>> -> memref<1x125xi32, #tpu.memory_space<vmem>>
        %dma_start3A_1014 = tpu.memref_squeeze %dma_start3A_1013 : memref<1x125xi32, #tpu.memory_space<vmem>> -> memref<125xi32, #tpu.memory_space<vmem>>
        %dma_start3A_1015 = arith.constant 0 : i32
        %dma_start3A_1016 = arith.constant 0 : i32
        %dma_start3A_1017 = tpu.memref_slice %arg4[%dma_start3A_1015, %dma_start3A_1016] : memref<10000x16xf32, #tpu.memory_space<hbm>> -> memref<10000x16xf32, #tpu.memory_space<hbm>>
        tpu.enqueue_indirect_dma source(%dma_start3A_1017 : memref<10000x16xf32, #tpu.memory_space<hbm>>) target(%dma_start3A_1011 : memref<125x16xf32, #tpu.memory_space<vmem>>) offsets(%dma_start3A_1014 : memref<125xi32, #tpu.memory_space<vmem>>) semaphore(%arg12 : memref<!tpu.dma_semaphore, #tpu.memory_space<semaphore_mem>>)
      } else {
      }
      %mul3A_663 = arith.constant 20 : i32
      %mul3A_664 = arith.muli %scan3A_248, %mul3A_663 : i32
      %add3A_665 = arith.constant 11 : i32
      %add3A_666 = arith.addi %mul3A_664, %add3A_665 : i32
      %dma_wait3A_667 = arith.constant 11 : i32
      %dma_wait3A_668 = arith.constant 0 : i32
      %dma_wait3A_669 = arith.constant 0 : i32
      %dma_wait3A_670 = tpu.memref_slice %arg9[%dma_wait3A_667, %dma_wait3A_668, %dma_wait3A_669] : memref<20x125x16xf32, #tpu.memory_space<vmem>> -> memref<1x125x16xf32, #tpu.memory_space<vmem>>
      %dma_wait3A_671 = tpu.memref_squeeze %dma_wait3A_670 : memref<1x125x16xf32, #tpu.memory_space<vmem>> -> memref<125x16xf32, #tpu.memory_space<vmem>>
      %dma_wait3A_672 = arith.constant 0 : i32
      %dma_wait3A_673 = tpu.memref_slice %arg7[%add3A_666, %dma_wait3A_672] : memref<80x125xi32, #tpu.memory_space<vmem>> -> memref<1x125xi32, #tpu.memory_space<vmem>>
      %dma_wait3A_674 = tpu.memref_squeeze %dma_wait3A_673 : memref<1x125xi32, #tpu.memory_space<vmem>> -> memref<125xi32, #tpu.memory_space<vmem>>
      %dma_wait3A_675 = arith.constant 0 : i32
      %dma_wait3A_676 = arith.constant 0 : i32
      %dma_wait3A_677 = tpu.memref_slice %arg4[%dma_wait3A_675, %dma_wait3A_676] : memref<10000x16xf32, #tpu.memory_space<hbm>> -> memref<10000x16xf32, #tpu.memory_space<hbm>>
      tpu.wait_indirect_dma semaphore(%arg23 : memref<!tpu.dma_semaphore, #tpu.memory_space<semaphore_mem>>) src(%dma_wait3A_677 : memref<10000x16xf32, #tpu.memory_space<hbm>>) dst(%dma_wait3A_671 : memref<125x16xf32, #tpu.memory_space<vmem>>)
      %dma_start3A_678 = arith.constant 11 : i32
      %dma_start3A_679 = arith.constant 0 : i32
      %dma_start3A_680 = arith.constant 0 : i32
      %dma_start3A_681 = tpu.memref_slice %arg9[%dma_start3A_678, %dma_start3A_679, %dma_start3A_680] : memref<20x125x16xf32, #tpu.memory_space<vmem>> -> memref<1x125x16xf32, #tpu.memory_space<vmem>>
      %dma_start3A_682 = tpu.memref_squeeze %dma_start3A_681 : memref<1x125x16xf32, #tpu.memory_space<vmem>> -> memref<125x16xf32, #tpu.memory_space<vmem>>
      %dma_start3A_683 = arith.constant 0 : i32
      %dma_start3A_684 = tpu.memref_slice %arg8[%add3A_666, %dma_start3A_683] : memref<80x125xi32, #tpu.memory_space<vmem>> -> memref<1x125xi32, #tpu.memory_space<vmem>>
      %dma_start3A_685 = tpu.memref_squeeze %dma_start3A_684 : memref<1x125xi32, #tpu.memory_space<vmem>> -> memref<125xi32, #tpu.memory_space<vmem>>
      %dma_start3A_686 = arith.constant 0 : i32
      %dma_start3A_687 = arith.constant 0 : i32
      %dma_start3A_688 = tpu.memref_slice %arg10[%dma_start3A_686, %dma_start3A_687] : memref<10000x16xf32, #tpu.memory_space<vmem_shared>> -> memref<10000x16xf32, #tpu.memory_space<vmem_shared>>
      tpu.enqueue_indirect_dma source(%dma_start3A_682 : memref<125x16xf32, #tpu.memory_space<vmem>>) target(%dma_start3A_688 : memref<10000x16xf32, #tpu.memory_space<vmem_shared>>) offsets(%dma_start3A_685 : memref<125xi32, #tpu.memory_space<vmem>>) semaphore(%arg11 : memref<!tpu.dma_semaphore, #tpu.memory_space<semaphore_mem>>) {add = true}
      %ge3A_689 = arith.constant 10 : i32
      %ge3A_690 = arith.cmpi sge, %add3A_666, %ge3A_689 : i32
      %convert_element_type3A_691 = arith.extui %ge3A_690 : i1 to i32
      %cond3A_692 = arith.constant 0 : i32
      %cond3A_693 = arith.cmpi ne, %convert_element_type3A_691, %cond3A_692 : i32
      scf.if %cond3A_693 {
        %dma_wait3A_1005 = arith.constant 11 : i32
        %dma_wait3A_1006 = arith.constant 0 : i32
        %dma_wait3A_1007 = arith.constant 0 : i32
        %dma_wait3A_1008 = tpu.memref_slice %arg9[%dma_wait3A_1005, %dma_wait3A_1006, %dma_wait3A_1007] : memref<20x125x16xf32, #tpu.memory_space<vmem>> -> memref<1x125x16xf32, #tpu.memory_space<vmem>>
        %dma_wait3A_1009 = tpu.memref_squeeze %dma_wait3A_1008 : memref<1x125x16xf32, #tpu.memory_space<vmem>> -> memref<125x16xf32, #tpu.memory_space<vmem>>
        %dma_wait3A_1010 = arith.constant 0 : i32
        %dma_wait3A_1011 = tpu.memref_slice %arg8[%add3A_666, %dma_wait3A_1010] : memref<80x125xi32, #tpu.memory_space<vmem>> -> memref<1x125xi32, #tpu.memory_space<vmem>>
        %dma_wait3A_1012 = tpu.memref_squeeze %dma_wait3A_1011 : memref<1x125xi32, #tpu.memory_space<vmem>> -> memref<125xi32, #tpu.memory_space<vmem>>
        %dma_wait3A_1013 = arith.constant 0 : i32
        %dma_wait3A_1014 = arith.constant 0 : i32
        %dma_wait3A_1015 = tpu.memref_slice %arg10[%dma_wait3A_1013, %dma_wait3A_1014] : memref<10000x16xf32, #tpu.memory_space<vmem_shared>> -> memref<10000x16xf32, #tpu.memory_space<vmem_shared>>
        tpu.wait_indirect_dma semaphore(%arg11 : memref<!tpu.dma_semaphore, #tpu.memory_space<semaphore_mem>>) src(%dma_wait3A_1009 : memref<125x16xf32, #tpu.memory_space<vmem>>) dst(%dma_wait3A_1015 : memref<10000x16xf32, #tpu.memory_space<vmem_shared>>)
      } else {
      }
      %add3A_694 = arith.constant 10 : i32
      %add3A_695 = arith.addi %add3A_666, %add3A_694 : i32
      %lt3A_696 = arith.constant 80 : i32
      %lt3A_697 = arith.cmpi slt, %add3A_695, %lt3A_696 : i32
      %convert_element_type3A_698 = arith.extui %lt3A_697 : i1 to i32
      %cond3A_699 = arith.constant 0 : i32
      %cond3A_700 = arith.cmpi ne, %convert_element_type3A_698, %cond3A_699 : i32
      scf.if %cond3A_700 {
        %add3A_1005 = arith.constant 10 : i32
        %add3A_1006 = arith.addi %add3A_666, %add3A_1005 : i32
        %dma_start3A_1007 = arith.constant 1 : i32
        %dma_start3A_1008 = arith.constant 0 : i32
        %dma_start3A_1009 = arith.constant 0 : i32
        %dma_start3A_1010 = tpu.memref_slice %arg9[%dma_start3A_1007, %dma_start3A_1008, %dma_start3A_1009] : memref<20x125x16xf32, #tpu.memory_space<vmem>> -> memref<1x125x16xf32, #tpu.memory_space<vmem>>
        %dma_start3A_1011 = tpu.memref_squeeze %dma_start3A_1010 : memref<1x125x16xf32, #tpu.memory_space<vmem>> -> memref<125x16xf32, #tpu.memory_space<vmem>>
        %dma_start3A_1012 = arith.constant 0 : i32
        %dma_start3A_1013 = tpu.memref_slice %arg7[%add3A_1006, %dma_start3A_1012] : memref<80x125xi32, #tpu.memory_space<vmem>> -> memref<1x125xi32, #tpu.memory_space<vmem>>
        %dma_start3A_1014 = tpu.memref_squeeze %dma_start3A_1013 : memref<1x125xi32, #tpu.memory_space<vmem>> -> memref<125xi32, #tpu.memory_space<vmem>>
        %dma_start3A_1015 = arith.constant 0 : i32
        %dma_start3A_1016 = arith.constant 0 : i32
        %dma_start3A_1017 = tpu.memref_slice %arg4[%dma_start3A_1015, %dma_start3A_1016] : memref<10000x16xf32, #tpu.memory_space<hbm>> -> memref<10000x16xf32, #tpu.memory_space<hbm>>
        tpu.enqueue_indirect_dma source(%dma_start3A_1017 : memref<10000x16xf32, #tpu.memory_space<hbm>>) target(%dma_start3A_1011 : memref<125x16xf32, #tpu.memory_space<vmem>>) offsets(%dma_start3A_1014 : memref<125xi32, #tpu.memory_space<vmem>>) semaphore(%arg13 : memref<!tpu.dma_semaphore, #tpu.memory_space<semaphore_mem>>)
      } else {
      }
      %mul3A_701 = arith.constant 20 : i32
      %mul3A_702 = arith.muli %scan3A_248, %mul3A_701 : i32
      %add3A_703 = arith.constant 12 : i32
      %add3A_704 = arith.addi %mul3A_702, %add3A_703 : i32
      %dma_wait3A_705 = arith.constant 12 : i32
      %dma_wait3A_706 = arith.constant 0 : i32
      %dma_wait3A_707 = arith.constant 0 : i32
      %dma_wait3A_708 = tpu.memref_slice %arg9[%dma_wait3A_705, %dma_wait3A_706, %dma_wait3A_707] : memref<20x125x16xf32, #tpu.memory_space<vmem>> -> memref<1x125x16xf32, #tpu.memory_space<vmem>>
      %dma_wait3A_709 = tpu.memref_squeeze %dma_wait3A_708 : memref<1x125x16xf32, #tpu.memory_space<vmem>> -> memref<125x16xf32, #tpu.memory_space<vmem>>
      %dma_wait3A_710 = arith.constant 0 : i32
      %dma_wait3A_711 = tpu.memref_slice %arg7[%add3A_704, %dma_wait3A_710] : memref<80x125xi32, #tpu.memory_space<vmem>> -> memref<1x125xi32, #tpu.memory_space<vmem>>
      %dma_wait3A_712 = tpu.memref_squeeze %dma_wait3A_711 : memref<1x125xi32, #tpu.memory_space<vmem>> -> memref<125xi32, #tpu.memory_space<vmem>>
      %dma_wait3A_713 = arith.constant 0 : i32
      %dma_wait3A_714 = arith.constant 0 : i32
      %dma_wait3A_715 = tpu.memref_slice %arg4[%dma_wait3A_713, %dma_wait3A_714] : memref<10000x16xf32, #tpu.memory_space<hbm>> -> memref<10000x16xf32, #tpu.memory_space<hbm>>
      tpu.wait_indirect_dma semaphore(%arg24 : memref<!tpu.dma_semaphore, #tpu.memory_space<semaphore_mem>>) src(%dma_wait3A_715 : memref<10000x16xf32, #tpu.memory_space<hbm>>) dst(%dma_wait3A_709 : memref<125x16xf32, #tpu.memory_space<vmem>>)
      %dma_start3A_716 = arith.constant 12 : i32
      %dma_start3A_717 = arith.constant 0 : i32
      %dma_start3A_718 = arith.constant 0 : i32
      %dma_start3A_719 = tpu.memref_slice %arg9[%dma_start3A_716, %dma_start3A_717, %dma_start3A_718] : memref<20x125x16xf32, #tpu.memory_space<vmem>> -> memref<1x125x16xf32, #tpu.memory_space<vmem>>
      %dma_start3A_720 = tpu.memref_squeeze %dma_start3A_719 : memref<1x125x16xf32, #tpu.memory_space<vmem>> -> memref<125x16xf32, #tpu.memory_space<vmem>>
      %dma_start3A_721 = arith.constant 0 : i32
      %dma_start3A_722 = tpu.memref_slice %arg8[%add3A_704, %dma_start3A_721] : memref<80x125xi32, #tpu.memory_space<vmem>> -> memref<1x125xi32, #tpu.memory_space<vmem>>
      %dma_start3A_723 = tpu.memref_squeeze %dma_start3A_722 : memref<1x125xi32, #tpu.memory_space<vmem>> -> memref<125xi32, #tpu.memory_space<vmem>>
      %dma_start3A_724 = arith.constant 0 : i32
      %dma_start3A_725 = arith.constant 0 : i32
      %dma_start3A_726 = tpu.memref_slice %arg10[%dma_start3A_724, %dma_start3A_725] : memref<10000x16xf32, #tpu.memory_space<vmem_shared>> -> memref<10000x16xf32, #tpu.memory_space<vmem_shared>>
      tpu.enqueue_indirect_dma source(%dma_start3A_720 : memref<125x16xf32, #tpu.memory_space<vmem>>) target(%dma_start3A_726 : memref<10000x16xf32, #tpu.memory_space<vmem_shared>>) offsets(%dma_start3A_723 : memref<125xi32, #tpu.memory_space<vmem>>) semaphore(%arg11 : memref<!tpu.dma_semaphore, #tpu.memory_space<semaphore_mem>>) {add = true}
      %ge3A_727 = arith.constant 10 : i32
      %ge3A_728 = arith.cmpi sge, %add3A_704, %ge3A_727 : i32
      %convert_element_type3A_729 = arith.extui %ge3A_728 : i1 to i32
      %cond3A_730 = arith.constant 0 : i32
      %cond3A_731 = arith.cmpi ne, %convert_element_type3A_729, %cond3A_730 : i32
      scf.if %cond3A_731 {
        %dma_wait3A_1005 = arith.constant 12 : i32
        %dma_wait3A_1006 = arith.constant 0 : i32
        %dma_wait3A_1007 = arith.constant 0 : i32
        %dma_wait3A_1008 = tpu.memref_slice %arg9[%dma_wait3A_1005, %dma_wait3A_1006, %dma_wait3A_1007] : memref<20x125x16xf32, #tpu.memory_space<vmem>> -> memref<1x125x16xf32, #tpu.memory_space<vmem>>
        %dma_wait3A_1009 = tpu.memref_squeeze %dma_wait3A_1008 : memref<1x125x16xf32, #tpu.memory_space<vmem>> -> memref<125x16xf32, #tpu.memory_space<vmem>>
        %dma_wait3A_1010 = arith.constant 0 : i32
        %dma_wait3A_1011 = tpu.memref_slice %arg8[%add3A_704, %dma_wait3A_1010] : memref<80x125xi32, #tpu.memory_space<vmem>> -> memref<1x125xi32, #tpu.memory_space<vmem>>
        %dma_wait3A_1012 = tpu.memref_squeeze %dma_wait3A_1011 : memref<1x125xi32, #tpu.memory_space<vmem>> -> memref<125xi32, #tpu.memory_space<vmem>>
        %dma_wait3A_1013 = arith.constant 0 : i32
        %dma_wait3A_1014 = arith.constant 0 : i32
        %dma_wait3A_1015 = tpu.memref_slice %arg10[%dma_wait3A_1013, %dma_wait3A_1014] : memref<10000x16xf32, #tpu.memory_space<vmem_shared>> -> memref<10000x16xf32, #tpu.memory_space<vmem_shared>>
        tpu.wait_indirect_dma semaphore(%arg11 : memref<!tpu.dma_semaphore, #tpu.memory_space<semaphore_mem>>) src(%dma_wait3A_1009 : memref<125x16xf32, #tpu.memory_space<vmem>>) dst(%dma_wait3A_1015 : memref<10000x16xf32, #tpu.memory_space<vmem_shared>>)
      } else {
      }
      %add3A_732 = arith.constant 10 : i32
      %add3A_733 = arith.addi %add3A_704, %add3A_732 : i32
      %lt3A_734 = arith.constant 80 : i32
      %lt3A_735 = arith.cmpi slt, %add3A_733, %lt3A_734 : i32
      %convert_element_type3A_736 = arith.extui %lt3A_735 : i1 to i32
      %cond3A_737 = arith.constant 0 : i32
      %cond3A_738 = arith.cmpi ne, %convert_element_type3A_736, %cond3A_737 : i32
      scf.if %cond3A_738 {
        %add3A_1005 = arith.constant 10 : i32
        %add3A_1006 = arith.addi %add3A_704, %add3A_1005 : i32
        %dma_start3A_1007 = arith.constant 2 : i32
        %dma_start3A_1008 = arith.constant 0 : i32
        %dma_start3A_1009 = arith.constant 0 : i32
        %dma_start3A_1010 = tpu.memref_slice %arg9[%dma_start3A_1007, %dma_start3A_1008, %dma_start3A_1009] : memref<20x125x16xf32, #tpu.memory_space<vmem>> -> memref<1x125x16xf32, #tpu.memory_space<vmem>>
        %dma_start3A_1011 = tpu.memref_squeeze %dma_start3A_1010 : memref<1x125x16xf32, #tpu.memory_space<vmem>> -> memref<125x16xf32, #tpu.memory_space<vmem>>
        %dma_start3A_1012 = arith.constant 0 : i32
        %dma_start3A_1013 = tpu.memref_slice %arg7[%add3A_1006, %dma_start3A_1012] : memref<80x125xi32, #tpu.memory_space<vmem>> -> memref<1x125xi32, #tpu.memory_space<vmem>>
        %dma_start3A_1014 = tpu.memref_squeeze %dma_start3A_1013 : memref<1x125xi32, #tpu.memory_space<vmem>> -> memref<125xi32, #tpu.memory_space<vmem>>
        %dma_start3A_1015 = arith.constant 0 : i32
        %dma_start3A_1016 = arith.constant 0 : i32
        %dma_start3A_1017 = tpu.memref_slice %arg4[%dma_start3A_1015, %dma_start3A_1016] : memref<10000x16xf32, #tpu.memory_space<hbm>> -> memref<10000x16xf32, #tpu.memory_space<hbm>>
        tpu.enqueue_indirect_dma source(%dma_start3A_1017 : memref<10000x16xf32, #tpu.memory_space<hbm>>) target(%dma_start3A_1011 : memref<125x16xf32, #tpu.memory_space<vmem>>) offsets(%dma_start3A_1014 : memref<125xi32, #tpu.memory_space<vmem>>) semaphore(%arg14 : memref<!tpu.dma_semaphore, #tpu.memory_space<semaphore_mem>>)
      } else {
      }
      %mul3A_739 = arith.constant 20 : i32
      %mul3A_740 = arith.muli %scan3A_248, %mul3A_739 : i32
      %add3A_741 = arith.constant 13 : i32
      %add3A_742 = arith.addi %mul3A_740, %add3A_741 : i32
      %dma_wait3A_743 = arith.constant 13 : i32
      %dma_wait3A_744 = arith.constant 0 : i32
      %dma_wait3A_745 = arith.constant 0 : i32
      %dma_wait3A_746 = tpu.memref_slice %arg9[%dma_wait3A_743, %dma_wait3A_744, %dma_wait3A_745] : memref<20x125x16xf32, #tpu.memory_space<vmem>> -> memref<1x125x16xf32, #tpu.memory_space<vmem>>
      %dma_wait3A_747 = tpu.memref_squeeze %dma_wait3A_746 : memref<1x125x16xf32, #tpu.memory_space<vmem>> -> memref<125x16xf32, #tpu.memory_space<vmem>>
      %dma_wait3A_748 = arith.constant 0 : i32
      %dma_wait3A_749 = tpu.memref_slice %arg7[%add3A_742, %dma_wait3A_748] : memref<80x125xi32, #tpu.memory_space<vmem>> -> memref<1x125xi32, #tpu.memory_space<vmem>>
      %dma_wait3A_750 = tpu.memref_squeeze %dma_wait3A_749 : memref<1x125xi32, #tpu.memory_space<vmem>> -> memref<125xi32, #tpu.memory_space<vmem>>
      %dma_wait3A_751 = arith.constant 0 : i32
      %dma_wait3A_752 = arith.constant 0 : i32
      %dma_wait3A_753 = tpu.memref_slice %arg4[%dma_wait3A_751, %dma_wait3A_752] : memref<10000x16xf32, #tpu.memory_space<hbm>> -> memref<10000x16xf32, #tpu.memory_space<hbm>>
      tpu.wait_indirect_dma semaphore(%arg25 : memref<!tpu.dma_semaphore, #tpu.memory_space<semaphore_mem>>) src(%dma_wait3A_753 : memref<10000x16xf32, #tpu.memory_space<hbm>>) dst(%dma_wait3A_747 : memref<125x16xf32, #tpu.memory_space<vmem>>)
      %dma_start3A_754 = arith.constant 13 : i32
      %dma_start3A_755 = arith.constant 0 : i32
      %dma_start3A_756 = arith.constant 0 : i32
      %dma_start3A_757 = tpu.memref_slice %arg9[%dma_start3A_754, %dma_start3A_755, %dma_start3A_756] : memref<20x125x16xf32, #tpu.memory_space<vmem>> -> memref<1x125x16xf32, #tpu.memory_space<vmem>>
      %dma_start3A_758 = tpu.memref_squeeze %dma_start3A_757 : memref<1x125x16xf32, #tpu.memory_space<vmem>> -> memref<125x16xf32, #tpu.memory_space<vmem>>
      %dma_start3A_759 = arith.constant 0 : i32
      %dma_start3A_760 = tpu.memref_slice %arg8[%add3A_742, %dma_start3A_759] : memref<80x125xi32, #tpu.memory_space<vmem>> -> memref<1x125xi32, #tpu.memory_space<vmem>>
      %dma_start3A_761 = tpu.memref_squeeze %dma_start3A_760 : memref<1x125xi32, #tpu.memory_space<vmem>> -> memref<125xi32, #tpu.memory_space<vmem>>
      %dma_start3A_762 = arith.constant 0 : i32
      %dma_start3A_763 = arith.constant 0 : i32
      %dma_start3A_764 = tpu.memref_slice %arg10[%dma_start3A_762, %dma_start3A_763] : memref<10000x16xf32, #tpu.memory_space<vmem_shared>> -> memref<10000x16xf32, #tpu.memory_space<vmem_shared>>
      tpu.enqueue_indirect_dma source(%dma_start3A_758 : memref<125x16xf32, #tpu.memory_space<vmem>>) target(%dma_start3A_764 : memref<10000x16xf32, #tpu.memory_space<vmem_shared>>) offsets(%dma_start3A_761 : memref<125xi32, #tpu.memory_space<vmem>>) semaphore(%arg11 : memref<!tpu.dma_semaphore, #tpu.memory_space<semaphore_mem>>) {add = true}
      %ge3A_765 = arith.constant 10 : i32
      %ge3A_766 = arith.cmpi sge, %add3A_742, %ge3A_765 : i32
      %convert_element_type3A_767 = arith.extui %ge3A_766 : i1 to i32
      %cond3A_768 = arith.constant 0 : i32
      %cond3A_769 = arith.cmpi ne, %convert_element_type3A_767, %cond3A_768 : i32
      scf.if %cond3A_769 {
        %dma_wait3A_1005 = arith.constant 13 : i32
        %dma_wait3A_1006 = arith.constant 0 : i32
        %dma_wait3A_1007 = arith.constant 0 : i32
        %dma_wait3A_1008 = tpu.memref_slice %arg9[%dma_wait3A_1005, %dma_wait3A_1006, %dma_wait3A_1007] : memref<20x125x16xf32, #tpu.memory_space<vmem>> -> memref<1x125x16xf32, #tpu.memory_space<vmem>>
        %dma_wait3A_1009 = tpu.memref_squeeze %dma_wait3A_1008 : memref<1x125x16xf32, #tpu.memory_space<vmem>> -> memref<125x16xf32, #tpu.memory_space<vmem>>
        %dma_wait3A_1010 = arith.constant 0 : i32
        %dma_wait3A_1011 = tpu.memref_slice %arg8[%add3A_742, %dma_wait3A_1010] : memref<80x125xi32, #tpu.memory_space<vmem>> -> memref<1x125xi32, #tpu.memory_space<vmem>>
        %dma_wait3A_1012 = tpu.memref_squeeze %dma_wait3A_1011 : memref<1x125xi32, #tpu.memory_space<vmem>> -> memref<125xi32, #tpu.memory_space<vmem>>
        %dma_wait3A_1013 = arith.constant 0 : i32
        %dma_wait3A_1014 = arith.constant 0 : i32
        %dma_wait3A_1015 = tpu.memref_slice %arg10[%dma_wait3A_1013, %dma_wait3A_1014] : memref<10000x16xf32, #tpu.memory_space<vmem_shared>> -> memref<10000x16xf32, #tpu.memory_space<vmem_shared>>
        tpu.wait_indirect_dma semaphore(%arg11 : memref<!tpu.dma_semaphore, #tpu.memory_space<semaphore_mem>>) src(%dma_wait3A_1009 : memref<125x16xf32, #tpu.memory_space<vmem>>) dst(%dma_wait3A_1015 : memref<10000x16xf32, #tpu.memory_space<vmem_shared>>)
      } else {
      }
      %add3A_770 = arith.constant 10 : i32
      %add3A_771 = arith.addi %add3A_742, %add3A_770 : i32
      %lt3A_772 = arith.constant 80 : i32
      %lt3A_773 = arith.cmpi slt, %add3A_771, %lt3A_772 : i32
      %convert_element_type3A_774 = arith.extui %lt3A_773 : i1 to i32
      %cond3A_775 = arith.constant 0 : i32
      %cond3A_776 = arith.cmpi ne, %convert_element_type3A_774, %cond3A_775 : i32
      scf.if %cond3A_776 {
        %add3A_1005 = arith.constant 10 : i32
        %add3A_1006 = arith.addi %add3A_742, %add3A_1005 : i32
        %dma_start3A_1007 = arith.constant 3 : i32
        %dma_start3A_1008 = arith.constant 0 : i32
        %dma_start3A_1009 = arith.constant 0 : i32
        %dma_start3A_1010 = tpu.memref_slice %arg9[%dma_start3A_1007, %dma_start3A_1008, %dma_start3A_1009] : memref<20x125x16xf32, #tpu.memory_space<vmem>> -> memref<1x125x16xf32, #tpu.memory_space<vmem>>
        %dma_start3A_1011 = tpu.memref_squeeze %dma_start3A_1010 : memref<1x125x16xf32, #tpu.memory_space<vmem>> -> memref<125x16xf32, #tpu.memory_space<vmem>>
        %dma_start3A_1012 = arith.constant 0 : i32
        %dma_start3A_1013 = tpu.memref_slice %arg7[%add3A_1006, %dma_start3A_1012] : memref<80x125xi32, #tpu.memory_space<vmem>> -> memref<1x125xi32, #tpu.memory_space<vmem>>
        %dma_start3A_1014 = tpu.memref_squeeze %dma_start3A_1013 : memref<1x125xi32, #tpu.memory_space<vmem>> -> memref<125xi32, #tpu.memory_space<vmem>>
        %dma_start3A_1015 = arith.constant 0 : i32
        %dma_start3A_1016 = arith.constant 0 : i32
        %dma_start3A_1017 = tpu.memref_slice %arg4[%dma_start3A_1015, %dma_start3A_1016] : memref<10000x16xf32, #tpu.memory_space<hbm>> -> memref<10000x16xf32, #tpu.memory_space<hbm>>
        tpu.enqueue_indirect_dma source(%dma_start3A_1017 : memref<10000x16xf32, #tpu.memory_space<hbm>>) target(%dma_start3A_1011 : memref<125x16xf32, #tpu.memory_space<vmem>>) offsets(%dma_start3A_1014 : memref<125xi32, #tpu.memory_space<vmem>>) semaphore(%arg15 : memref<!tpu.dma_semaphore, #tpu.memory_space<semaphore_mem>>)
      } else {
      }
      %mul3A_777 = arith.constant 20 : i32
      %mul3A_778 = arith.muli %scan3A_248, %mul3A_777 : i32
      %add3A_779 = arith.constant 14 : i32
      %add3A_780 = arith.addi %mul3A_778, %add3A_779 : i32
      %dma_wait3A_781 = arith.constant 14 : i32
      %dma_wait3A_782 = arith.constant 0 : i32
      %dma_wait3A_783 = arith.constant 0 : i32
      %dma_wait3A_784 = tpu.memref_slice %arg9[%dma_wait3A_781, %dma_wait3A_782, %dma_wait3A_783] : memref<20x125x16xf32, #tpu.memory_space<vmem>> -> memref<1x125x16xf32, #tpu.memory_space<vmem>>
      %dma_wait3A_785 = tpu.memref_squeeze %dma_wait3A_784 : memref<1x125x16xf32, #tpu.memory_space<vmem>> -> memref<125x16xf32, #tpu.memory_space<vmem>>
      %dma_wait3A_786 = arith.constant 0 : i32
      %dma_wait3A_787 = tpu.memref_slice %arg7[%add3A_780, %dma_wait3A_786] : memref<80x125xi32, #tpu.memory_space<vmem>> -> memref<1x125xi32, #tpu.memory_space<vmem>>
      %dma_wait3A_788 = tpu.memref_squeeze %dma_wait3A_787 : memref<1x125xi32, #tpu.memory_space<vmem>> -> memref<125xi32, #tpu.memory_space<vmem>>
      %dma_wait3A_789 = arith.constant 0 : i32
      %dma_wait3A_790 = arith.constant 0 : i32
      %dma_wait3A_791 = tpu.memref_slice %arg4[%dma_wait3A_789, %dma_wait3A_790] : memref<10000x16xf32, #tpu.memory_space<hbm>> -> memref<10000x16xf32, #tpu.memory_space<hbm>>
      tpu.wait_indirect_dma semaphore(%arg26 : memref<!tpu.dma_semaphore, #tpu.memory_space<semaphore_mem>>) src(%dma_wait3A_791 : memref<10000x16xf32, #tpu.memory_space<hbm>>) dst(%dma_wait3A_785 : memref<125x16xf32, #tpu.memory_space<vmem>>)
      %dma_start3A_792 = arith.constant 14 : i32
      %dma_start3A_793 = arith.constant 0 : i32
      %dma_start3A_794 = arith.constant 0 : i32
      %dma_start3A_795 = tpu.memref_slice %arg9[%dma_start3A_792, %dma_start3A_793, %dma_start3A_794] : memref<20x125x16xf32, #tpu.memory_space<vmem>> -> memref<1x125x16xf32, #tpu.memory_space<vmem>>
      %dma_start3A_796 = tpu.memref_squeeze %dma_start3A_795 : memref<1x125x16xf32, #tpu.memory_space<vmem>> -> memref<125x16xf32, #tpu.memory_space<vmem>>
      %dma_start3A_797 = arith.constant 0 : i32
      %dma_start3A_798 = tpu.memref_slice %arg8[%add3A_780, %dma_start3A_797] : memref<80x125xi32, #tpu.memory_space<vmem>> -> memref<1x125xi32, #tpu.memory_space<vmem>>
      %dma_start3A_799 = tpu.memref_squeeze %dma_start3A_798 : memref<1x125xi32, #tpu.memory_space<vmem>> -> memref<125xi32, #tpu.memory_space<vmem>>
      %dma_start3A_800 = arith.constant 0 : i32
      %dma_start3A_801 = arith.constant 0 : i32
      %dma_start3A_802 = tpu.memref_slice %arg10[%dma_start3A_800, %dma_start3A_801] : memref<10000x16xf32, #tpu.memory_space<vmem_shared>> -> memref<10000x16xf32, #tpu.memory_space<vmem_shared>>
      tpu.enqueue_indirect_dma source(%dma_start3A_796 : memref<125x16xf32, #tpu.memory_space<vmem>>) target(%dma_start3A_802 : memref<10000x16xf32, #tpu.memory_space<vmem_shared>>) offsets(%dma_start3A_799 : memref<125xi32, #tpu.memory_space<vmem>>) semaphore(%arg11 : memref<!tpu.dma_semaphore, #tpu.memory_space<semaphore_mem>>) {add = true}
      %ge3A_803 = arith.constant 10 : i32
      %ge3A_804 = arith.cmpi sge, %add3A_780, %ge3A_803 : i32
      %convert_element_type3A_805 = arith.extui %ge3A_804 : i1 to i32
      %cond3A_806 = arith.constant 0 : i32
      %cond3A_807 = arith.cmpi ne, %convert_element_type3A_805, %cond3A_806 : i32
      scf.if %cond3A_807 {
        %dma_wait3A_1005 = arith.constant 14 : i32
        %dma_wait3A_1006 = arith.constant 0 : i32
        %dma_wait3A_1007 = arith.constant 0 : i32
        %dma_wait3A_1008 = tpu.memref_slice %arg9[%dma_wait3A_1005, %dma_wait3A_1006, %dma_wait3A_1007] : memref<20x125x16xf32, #tpu.memory_space<vmem>> -> memref<1x125x16xf32, #tpu.memory_space<vmem>>
        %dma_wait3A_1009 = tpu.memref_squeeze %dma_wait3A_1008 : memref<1x125x16xf32, #tpu.memory_space<vmem>> -> memref<125x16xf32, #tpu.memory_space<vmem>>
        %dma_wait3A_1010 = arith.constant 0 : i32
        %dma_wait3A_1011 = tpu.memref_slice %arg8[%add3A_780, %dma_wait3A_1010] : memref<80x125xi32, #tpu.memory_space<vmem>> -> memref<1x125xi32, #tpu.memory_space<vmem>>
        %dma_wait3A_1012 = tpu.memref_squeeze %dma_wait3A_1011 : memref<1x125xi32, #tpu.memory_space<vmem>> -> memref<125xi32, #tpu.memory_space<vmem>>
        %dma_wait3A_1013 = arith.constant 0 : i32
        %dma_wait3A_1014 = arith.constant 0 : i32
        %dma_wait3A_1015 = tpu.memref_slice %arg10[%dma_wait3A_1013, %dma_wait3A_1014] : memref<10000x16xf32, #tpu.memory_space<vmem_shared>> -> memref<10000x16xf32, #tpu.memory_space<vmem_shared>>
        tpu.wait_indirect_dma semaphore(%arg11 : memref<!tpu.dma_semaphore, #tpu.memory_space<semaphore_mem>>) src(%dma_wait3A_1009 : memref<125x16xf32, #tpu.memory_space<vmem>>) dst(%dma_wait3A_1015 : memref<10000x16xf32, #tpu.memory_space<vmem_shared>>)
      } else {
      }
      %add3A_808 = arith.constant 10 : i32
      %add3A_809 = arith.addi %add3A_780, %add3A_808 : i32
      %lt3A_810 = arith.constant 80 : i32
      %lt3A_811 = arith.cmpi slt, %add3A_809, %lt3A_810 : i32
      %convert_element_type3A_812 = arith.extui %lt3A_811 : i1 to i32
      %cond3A_813 = arith.constant 0 : i32
      %cond3A_814 = arith.cmpi ne, %convert_element_type3A_812, %cond3A_813 : i32
      scf.if %cond3A_814 {
        %add3A_1005 = arith.constant 10 : i32
        %add3A_1006 = arith.addi %add3A_780, %add3A_1005 : i32
        %dma_start3A_1007 = arith.constant 4 : i32
        %dma_start3A_1008 = arith.constant 0 : i32
        %dma_start3A_1009 = arith.constant 0 : i32
        %dma_start3A_1010 = tpu.memref_slice %arg9[%dma_start3A_1007, %dma_start3A_1008, %dma_start3A_1009] : memref<20x125x16xf32, #tpu.memory_space<vmem>> -> memref<1x125x16xf32, #tpu.memory_space<vmem>>
        %dma_start3A_1011 = tpu.memref_squeeze %dma_start3A_1010 : memref<1x125x16xf32, #tpu.memory_space<vmem>> -> memref<125x16xf32, #tpu.memory_space<vmem>>
        %dma_start3A_1012 = arith.constant 0 : i32
        %dma_start3A_1013 = tpu.memref_slice %arg7[%add3A_1006, %dma_start3A_1012] : memref<80x125xi32, #tpu.memory_space<vmem>> -> memref<1x125xi32, #tpu.memory_space<vmem>>
        %dma_start3A_1014 = tpu.memref_squeeze %dma_start3A_1013 : memref<1x125xi32, #tpu.memory_space<vmem>> -> memref<125xi32, #tpu.memory_space<vmem>>
        %dma_start3A_1015 = arith.constant 0 : i32
        %dma_start3A_1016 = arith.constant 0 : i32
        %dma_start3A_1017 = tpu.memref_slice %arg4[%dma_start3A_1015, %dma_start3A_1016] : memref<10000x16xf32, #tpu.memory_space<hbm>> -> memref<10000x16xf32, #tpu.memory_space<hbm>>
        tpu.enqueue_indirect_dma source(%dma_start3A_1017 : memref<10000x16xf32, #tpu.memory_space<hbm>>) target(%dma_start3A_1011 : memref<125x16xf32, #tpu.memory_space<vmem>>) offsets(%dma_start3A_1014 : memref<125xi32, #tpu.memory_space<vmem>>) semaphore(%arg16 : memref<!tpu.dma_semaphore, #tpu.memory_space<semaphore_mem>>)
      } else {
      }
      %mul3A_815 = arith.constant 20 : i32
      %mul3A_816 = arith.muli %scan3A_248, %mul3A_815 : i32
      %add3A_817 = arith.constant 15 : i32
      %add3A_818 = arith.addi %mul3A_816, %add3A_817 : i32
      %dma_wait3A_819 = arith.constant 15 : i32
      %dma_wait3A_820 = arith.constant 0 : i32
      %dma_wait3A_821 = arith.constant 0 : i32
      %dma_wait3A_822 = tpu.memref_slice %arg9[%dma_wait3A_819, %dma_wait3A_820, %dma_wait3A_821] : memref<20x125x16xf32, #tpu.memory_space<vmem>> -> memref<1x125x16xf32, #tpu.memory_space<vmem>>
      %dma_wait3A_823 = tpu.memref_squeeze %dma_wait3A_822 : memref<1x125x16xf32, #tpu.memory_space<vmem>> -> memref<125x16xf32, #tpu.memory_space<vmem>>
      %dma_wait3A_824 = arith.constant 0 : i32
      %dma_wait3A_825 = tpu.memref_slice %arg7[%add3A_818, %dma_wait3A_824] : memref<80x125xi32, #tpu.memory_space<vmem>> -> memref<1x125xi32, #tpu.memory_space<vmem>>
      %dma_wait3A_826 = tpu.memref_squeeze %dma_wait3A_825 : memref<1x125xi32, #tpu.memory_space<vmem>> -> memref<125xi32, #tpu.memory_space<vmem>>
      %dma_wait3A_827 = arith.constant 0 : i32
      %dma_wait3A_828 = arith.constant 0 : i32
      %dma_wait3A_829 = tpu.memref_slice %arg4[%dma_wait3A_827, %dma_wait3A_828] : memref<10000x16xf32, #tpu.memory_space<hbm>> -> memref<10000x16xf32, #tpu.memory_space<hbm>>
      tpu.wait_indirect_dma semaphore(%arg27 : memref<!tpu.dma_semaphore, #tpu.memory_space<semaphore_mem>>) src(%dma_wait3A_829 : memref<10000x16xf32, #tpu.memory_space<hbm>>) dst(%dma_wait3A_823 : memref<125x16xf32, #tpu.memory_space<vmem>>)
      %dma_start3A_830 = arith.constant 15 : i32
      %dma_start3A_831 = arith.constant 0 : i32
      %dma_start3A_832 = arith.constant 0 : i32
      %dma_start3A_833 = tpu.memref_slice %arg9[%dma_start3A_830, %dma_start3A_831, %dma_start3A_832] : memref<20x125x16xf32, #tpu.memory_space<vmem>> -> memref<1x125x16xf32, #tpu.memory_space<vmem>>
      %dma_start3A_834 = tpu.memref_squeeze %dma_start3A_833 : memref<1x125x16xf32, #tpu.memory_space<vmem>> -> memref<125x16xf32, #tpu.memory_space<vmem>>
      %dma_start3A_835 = arith.constant 0 : i32
      %dma_start3A_836 = tpu.memref_slice %arg8[%add3A_818, %dma_start3A_835] : memref<80x125xi32, #tpu.memory_space<vmem>> -> memref<1x125xi32, #tpu.memory_space<vmem>>
      %dma_start3A_837 = tpu.memref_squeeze %dma_start3A_836 : memref<1x125xi32, #tpu.memory_space<vmem>> -> memref<125xi32, #tpu.memory_space<vmem>>
      %dma_start3A_838 = arith.constant 0 : i32
      %dma_start3A_839 = arith.constant 0 : i32
      %dma_start3A_840 = tpu.memref_slice %arg10[%dma_start3A_838, %dma_start3A_839] : memref<10000x16xf32, #tpu.memory_space<vmem_shared>> -> memref<10000x16xf32, #tpu.memory_space<vmem_shared>>
      tpu.enqueue_indirect_dma source(%dma_start3A_834 : memref<125x16xf32, #tpu.memory_space<vmem>>) target(%dma_start3A_840 : memref<10000x16xf32, #tpu.memory_space<vmem_shared>>) offsets(%dma_start3A_837 : memref<125xi32, #tpu.memory_space<vmem>>) semaphore(%arg11 : memref<!tpu.dma_semaphore, #tpu.memory_space<semaphore_mem>>) {add = true}
      %ge3A_841 = arith.constant 10 : i32
      %ge3A_842 = arith.cmpi sge, %add3A_818, %ge3A_841 : i32
      %convert_element_type3A_843 = arith.extui %ge3A_842 : i1 to i32
      %cond3A_844 = arith.constant 0 : i32
      %cond3A_845 = arith.cmpi ne, %convert_element_type3A_843, %cond3A_844 : i32
      scf.if %cond3A_845 {
        %dma_wait3A_1005 = arith.constant 15 : i32
        %dma_wait3A_1006 = arith.constant 0 : i32
        %dma_wait3A_1007 = arith.constant 0 : i32
        %dma_wait3A_1008 = tpu.memref_slice %arg9[%dma_wait3A_1005, %dma_wait3A_1006, %dma_wait3A_1007] : memref<20x125x16xf32, #tpu.memory_space<vmem>> -> memref<1x125x16xf32, #tpu.memory_space<vmem>>
        %dma_wait3A_1009 = tpu.memref_squeeze %dma_wait3A_1008 : memref<1x125x16xf32, #tpu.memory_space<vmem>> -> memref<125x16xf32, #tpu.memory_space<vmem>>
        %dma_wait3A_1010 = arith.constant 0 : i32
        %dma_wait3A_1011 = tpu.memref_slice %arg8[%add3A_818, %dma_wait3A_1010] : memref<80x125xi32, #tpu.memory_space<vmem>> -> memref<1x125xi32, #tpu.memory_space<vmem>>
        %dma_wait3A_1012 = tpu.memref_squeeze %dma_wait3A_1011 : memref<1x125xi32, #tpu.memory_space<vmem>> -> memref<125xi32, #tpu.memory_space<vmem>>
        %dma_wait3A_1013 = arith.constant 0 : i32
        %dma_wait3A_1014 = arith.constant 0 : i32
        %dma_wait3A_1015 = tpu.memref_slice %arg10[%dma_wait3A_1013, %dma_wait3A_1014] : memref<10000x16xf32, #tpu.memory_space<vmem_shared>> -> memref<10000x16xf32, #tpu.memory_space<vmem_shared>>
        tpu.wait_indirect_dma semaphore(%arg11 : memref<!tpu.dma_semaphore, #tpu.memory_space<semaphore_mem>>) src(%dma_wait3A_1009 : memref<125x16xf32, #tpu.memory_space<vmem>>) dst(%dma_wait3A_1015 : memref<10000x16xf32, #tpu.memory_space<vmem_shared>>)
      } else {
      }
      %add3A_846 = arith.constant 10 : i32
      %add3A_847 = arith.addi %add3A_818, %add3A_846 : i32
      %lt3A_848 = arith.constant 80 : i32
      %lt3A_849 = arith.cmpi slt, %add3A_847, %lt3A_848 : i32
      %convert_element_type3A_850 = arith.extui %lt3A_849 : i1 to i32
      %cond3A_851 = arith.constant 0 : i32
      %cond3A_852 = arith.cmpi ne, %convert_element_type3A_850, %cond3A_851 : i32
      scf.if %cond3A_852 {
        %add3A_1005 = arith.constant 10 : i32
        %add3A_1006 = arith.addi %add3A_818, %add3A_1005 : i32
        %dma_start3A_1007 = arith.constant 5 : i32
        %dma_start3A_1008 = arith.constant 0 : i32
        %dma_start3A_1009 = arith.constant 0 : i32
        %dma_start3A_1010 = tpu.memref_slice %arg9[%dma_start3A_1007, %dma_start3A_1008, %dma_start3A_1009] : memref<20x125x16xf32, #tpu.memory_space<vmem>> -> memref<1x125x16xf32, #tpu.memory_space<vmem>>
        %dma_start3A_1011 = tpu.memref_squeeze %dma_start3A_1010 : memref<1x125x16xf32, #tpu.memory_space<vmem>> -> memref<125x16xf32, #tpu.memory_space<vmem>>
        %dma_start3A_1012 = arith.constant 0 : i32
        %dma_start3A_1013 = tpu.memref_slice %arg7[%add3A_1006, %dma_start3A_1012] : memref<80x125xi32, #tpu.memory_space<vmem>> -> memref<1x125xi32, #tpu.memory_space<vmem>>
        %dma_start3A_1014 = tpu.memref_squeeze %dma_start3A_1013 : memref<1x125xi32, #tpu.memory_space<vmem>> -> memref<125xi32, #tpu.memory_space<vmem>>
        %dma_start3A_1015 = arith.constant 0 : i32
        %dma_start3A_1016 = arith.constant 0 : i32
        %dma_start3A_1017 = tpu.memref_slice %arg4[%dma_start3A_1015, %dma_start3A_1016] : memref<10000x16xf32, #tpu.memory_space<hbm>> -> memref<10000x16xf32, #tpu.memory_space<hbm>>
        tpu.enqueue_indirect_dma source(%dma_start3A_1017 : memref<10000x16xf32, #tpu.memory_space<hbm>>) target(%dma_start3A_1011 : memref<125x16xf32, #tpu.memory_space<vmem>>) offsets(%dma_start3A_1014 : memref<125xi32, #tpu.memory_space<vmem>>) semaphore(%arg17 : memref<!tpu.dma_semaphore, #tpu.memory_space<semaphore_mem>>)
      } else {
      }
      %mul3A_853 = arith.constant 20 : i32
      %mul3A_854 = arith.muli %scan3A_248, %mul3A_853 : i32
      %add3A_855 = arith.constant 16 : i32
      %add3A_856 = arith.addi %mul3A_854, %add3A_855 : i32
      %dma_wait3A_857 = arith.constant 16 : i32
      %dma_wait3A_858 = arith.constant 0 : i32
      %dma_wait3A_859 = arith.constant 0 : i32
      %dma_wait3A_860 = tpu.memref_slice %arg9[%dma_wait3A_857, %dma_wait3A_858, %dma_wait3A_859] : memref<20x125x16xf32, #tpu.memory_space<vmem>> -> memref<1x125x16xf32, #tpu.memory_space<vmem>>
      %dma_wait3A_861 = tpu.memref_squeeze %dma_wait3A_860 : memref<1x125x16xf32, #tpu.memory_space<vmem>> -> memref<125x16xf32, #tpu.memory_space<vmem>>
      %dma_wait3A_862 = arith.constant 0 : i32
      %dma_wait3A_863 = tpu.memref_slice %arg7[%add3A_856, %dma_wait3A_862] : memref<80x125xi32, #tpu.memory_space<vmem>> -> memref<1x125xi32, #tpu.memory_space<vmem>>
      %dma_wait3A_864 = tpu.memref_squeeze %dma_wait3A_863 : memref<1x125xi32, #tpu.memory_space<vmem>> -> memref<125xi32, #tpu.memory_space<vmem>>
      %dma_wait3A_865 = arith.constant 0 : i32
      %dma_wait3A_866 = arith.constant 0 : i32
      %dma_wait3A_867 = tpu.memref_slice %arg4[%dma_wait3A_865, %dma_wait3A_866] : memref<10000x16xf32, #tpu.memory_space<hbm>> -> memref<10000x16xf32, #tpu.memory_space<hbm>>
      tpu.wait_indirect_dma semaphore(%arg28 : memref<!tpu.dma_semaphore, #tpu.memory_space<semaphore_mem>>) src(%dma_wait3A_867 : memref<10000x16xf32, #tpu.memory_space<hbm>>) dst(%dma_wait3A_861 : memref<125x16xf32, #tpu.memory_space<vmem>>)
      %dma_start3A_868 = arith.constant 16 : i32
      %dma_start3A_869 = arith.constant 0 : i32
      %dma_start3A_870 = arith.constant 0 : i32
      %dma_start3A_871 = tpu.memref_slice %arg9[%dma_start3A_868, %dma_start3A_869, %dma_start3A_870] : memref<20x125x16xf32, #tpu.memory_space<vmem>> -> memref<1x125x16xf32, #tpu.memory_space<vmem>>
      %dma_start3A_872 = tpu.memref_squeeze %dma_start3A_871 : memref<1x125x16xf32, #tpu.memory_space<vmem>> -> memref<125x16xf32, #tpu.memory_space<vmem>>
      %dma_start3A_873 = arith.constant 0 : i32
      %dma_start3A_874 = tpu.memref_slice %arg8[%add3A_856, %dma_start3A_873] : memref<80x125xi32, #tpu.memory_space<vmem>> -> memref<1x125xi32, #tpu.memory_space<vmem>>
      %dma_start3A_875 = tpu.memref_squeeze %dma_start3A_874 : memref<1x125xi32, #tpu.memory_space<vmem>> -> memref<125xi32, #tpu.memory_space<vmem>>
      %dma_start3A_876 = arith.constant 0 : i32
      %dma_start3A_877 = arith.constant 0 : i32
      %dma_start3A_878 = tpu.memref_slice %arg10[%dma_start3A_876, %dma_start3A_877] : memref<10000x16xf32, #tpu.memory_space<vmem_shared>> -> memref<10000x16xf32, #tpu.memory_space<vmem_shared>>
      tpu.enqueue_indirect_dma source(%dma_start3A_872 : memref<125x16xf32, #tpu.memory_space<vmem>>) target(%dma_start3A_878 : memref<10000x16xf32, #tpu.memory_space<vmem_shared>>) offsets(%dma_start3A_875 : memref<125xi32, #tpu.memory_space<vmem>>) semaphore(%arg11 : memref<!tpu.dma_semaphore, #tpu.memory_space<semaphore_mem>>) {add = true}
      %ge3A_879 = arith.constant 10 : i32
      %ge3A_880 = arith.cmpi sge, %add3A_856, %ge3A_879 : i32
      %convert_element_type3A_881 = arith.extui %ge3A_880 : i1 to i32
      %cond3A_882 = arith.constant 0 : i32
      %cond3A_883 = arith.cmpi ne, %convert_element_type3A_881, %cond3A_882 : i32
      scf.if %cond3A_883 {
        %dma_wait3A_1005 = arith.constant 16 : i32
        %dma_wait3A_1006 = arith.constant 0 : i32
        %dma_wait3A_1007 = arith.constant 0 : i32
        %dma_wait3A_1008 = tpu.memref_slice %arg9[%dma_wait3A_1005, %dma_wait3A_1006, %dma_wait3A_1007] : memref<20x125x16xf32, #tpu.memory_space<vmem>> -> memref<1x125x16xf32, #tpu.memory_space<vmem>>
        %dma_wait3A_1009 = tpu.memref_squeeze %dma_wait3A_1008 : memref<1x125x16xf32, #tpu.memory_space<vmem>> -> memref<125x16xf32, #tpu.memory_space<vmem>>
        %dma_wait3A_1010 = arith.constant 0 : i32
        %dma_wait3A_1011 = tpu.memref_slice %arg8[%add3A_856, %dma_wait3A_1010] : memref<80x125xi32, #tpu.memory_space<vmem>> -> memref<1x125xi32, #tpu.memory_space<vmem>>
        %dma_wait3A_1012 = tpu.memref_squeeze %dma_wait3A_1011 : memref<1x125xi32, #tpu.memory_space<vmem>> -> memref<125xi32, #tpu.memory_space<vmem>>
        %dma_wait3A_1013 = arith.constant 0 : i32
        %dma_wait3A_1014 = arith.constant 0 : i32
        %dma_wait3A_1015 = tpu.memref_slice %arg10[%dma_wait3A_1013, %dma_wait3A_1014] : memref<10000x16xf32, #tpu.memory_space<vmem_shared>> -> memref<10000x16xf32, #tpu.memory_space<vmem_shared>>
        tpu.wait_indirect_dma semaphore(%arg11 : memref<!tpu.dma_semaphore, #tpu.memory_space<semaphore_mem>>) src(%dma_wait3A_1009 : memref<125x16xf32, #tpu.memory_space<vmem>>) dst(%dma_wait3A_1015 : memref<10000x16xf32, #tpu.memory_space<vmem_shared>>)
      } else {
      }
      %add3A_884 = arith.constant 10 : i32
      %add3A_885 = arith.addi %add3A_856, %add3A_884 : i32
      %lt3A_886 = arith.constant 80 : i32
      %lt3A_887 = arith.cmpi slt, %add3A_885, %lt3A_886 : i32
      %convert_element_type3A_888 = arith.extui %lt3A_887 : i1 to i32
      %cond3A_889 = arith.constant 0 : i32
      %cond3A_890 = arith.cmpi ne, %convert_element_type3A_888, %cond3A_889 : i32
      scf.if %cond3A_890 {
        %add3A_1005 = arith.constant 10 : i32
        %add3A_1006 = arith.addi %add3A_856, %add3A_1005 : i32
        %dma_start3A_1007 = arith.constant 6 : i32
        %dma_start3A_1008 = arith.constant 0 : i32
        %dma_start3A_1009 = arith.constant 0 : i32
        %dma_start3A_1010 = tpu.memref_slice %arg9[%dma_start3A_1007, %dma_start3A_1008, %dma_start3A_1009] : memref<20x125x16xf32, #tpu.memory_space<vmem>> -> memref<1x125x16xf32, #tpu.memory_space<vmem>>
        %dma_start3A_1011 = tpu.memref_squeeze %dma_start3A_1010 : memref<1x125x16xf32, #tpu.memory_space<vmem>> -> memref<125x16xf32, #tpu.memory_space<vmem>>
        %dma_start3A_1012 = arith.constant 0 : i32
        %dma_start3A_1013 = tpu.memref_slice %arg7[%add3A_1006, %dma_start3A_1012] : memref<80x125xi32, #tpu.memory_space<vmem>> -> memref<1x125xi32, #tpu.memory_space<vmem>>
        %dma_start3A_1014 = tpu.memref_squeeze %dma_start3A_1013 : memref<1x125xi32, #tpu.memory_space<vmem>> -> memref<125xi32, #tpu.memory_space<vmem>>
        %dma_start3A_1015 = arith.constant 0 : i32
        %dma_start3A_1016 = arith.constant 0 : i32
        %dma_start3A_1017 = tpu.memref_slice %arg4[%dma_start3A_1015, %dma_start3A_1016] : memref<10000x16xf32, #tpu.memory_space<hbm>> -> memref<10000x16xf32, #tpu.memory_space<hbm>>
        tpu.enqueue_indirect_dma source(%dma_start3A_1017 : memref<10000x16xf32, #tpu.memory_space<hbm>>) target(%dma_start3A_1011 : memref<125x16xf32, #tpu.memory_space<vmem>>) offsets(%dma_start3A_1014 : memref<125xi32, #tpu.memory_space<vmem>>) semaphore(%arg18 : memref<!tpu.dma_semaphore, #tpu.memory_space<semaphore_mem>>)
      } else {
      }
      %mul3A_891 = arith.constant 20 : i32
      %mul3A_892 = arith.muli %scan3A_248, %mul3A_891 : i32
      %add3A_893 = arith.constant 17 : i32
      %add3A_894 = arith.addi %mul3A_892, %add3A_893 : i32
      %dma_wait3A_895 = arith.constant 17 : i32
      %dma_wait3A_896 = arith.constant 0 : i32
      %dma_wait3A_897 = arith.constant 0 : i32
      %dma_wait3A_898 = tpu.memref_slice %arg9[%dma_wait3A_895, %dma_wait3A_896, %dma_wait3A_897] : memref<20x125x16xf32, #tpu.memory_space<vmem>> -> memref<1x125x16xf32, #tpu.memory_space<vmem>>
      %dma_wait3A_899 = tpu.memref_squeeze %dma_wait3A_898 : memref<1x125x16xf32, #tpu.memory_space<vmem>> -> memref<125x16xf32, #tpu.memory_space<vmem>>
      %dma_wait3A_900 = arith.constant 0 : i32
      %dma_wait3A_901 = tpu.memref_slice %arg7[%add3A_894, %dma_wait3A_900] : memref<80x125xi32, #tpu.memory_space<vmem>> -> memref<1x125xi32, #tpu.memory_space<vmem>>
      %dma_wait3A_902 = tpu.memref_squeeze %dma_wait3A_901 : memref<1x125xi32, #tpu.memory_space<vmem>> -> memref<125xi32, #tpu.memory_space<vmem>>
      %dma_wait3A_903 = arith.constant 0 : i32
      %dma_wait3A_904 = arith.constant 0 : i32
      %dma_wait3A_905 = tpu.memref_slice %arg4[%dma_wait3A_903, %dma_wait3A_904] : memref<10000x16xf32, #tpu.memory_space<hbm>> -> memref<10000x16xf32, #tpu.memory_space<hbm>>
      tpu.wait_indirect_dma semaphore(%arg29 : memref<!tpu.dma_semaphore, #tpu.memory_space<semaphore_mem>>) src(%dma_wait3A_905 : memref<10000x16xf32, #tpu.memory_space<hbm>>) dst(%dma_wait3A_899 : memref<125x16xf32, #tpu.memory_space<vmem>>)
      %dma_start3A_906 = arith.constant 17 : i32
      %dma_start3A_907 = arith.constant 0 : i32
      %dma_start3A_908 = arith.constant 0 : i32
      %dma_start3A_909 = tpu.memref_slice %arg9[%dma_start3A_906, %dma_start3A_907, %dma_start3A_908] : memref<20x125x16xf32, #tpu.memory_space<vmem>> -> memref<1x125x16xf32, #tpu.memory_space<vmem>>
      %dma_start3A_910 = tpu.memref_squeeze %dma_start3A_909 : memref<1x125x16xf32, #tpu.memory_space<vmem>> -> memref<125x16xf32, #tpu.memory_space<vmem>>
      %dma_start3A_911 = arith.constant 0 : i32
      %dma_start3A_912 = tpu.memref_slice %arg8[%add3A_894, %dma_start3A_911] : memref<80x125xi32, #tpu.memory_space<vmem>> -> memref<1x125xi32, #tpu.memory_space<vmem>>
      %dma_start3A_913 = tpu.memref_squeeze %dma_start3A_912 : memref<1x125xi32, #tpu.memory_space<vmem>> -> memref<125xi32, #tpu.memory_space<vmem>>
      %dma_start3A_914 = arith.constant 0 : i32
      %dma_start3A_915 = arith.constant 0 : i32
      %dma_start3A_916 = tpu.memref_slice %arg10[%dma_start3A_914, %dma_start3A_915] : memref<10000x16xf32, #tpu.memory_space<vmem_shared>> -> memref<10000x16xf32, #tpu.memory_space<vmem_shared>>
      tpu.enqueue_indirect_dma source(%dma_start3A_910 : memref<125x16xf32, #tpu.memory_space<vmem>>) target(%dma_start3A_916 : memref<10000x16xf32, #tpu.memory_space<vmem_shared>>) offsets(%dma_start3A_913 : memref<125xi32, #tpu.memory_space<vmem>>) semaphore(%arg11 : memref<!tpu.dma_semaphore, #tpu.memory_space<semaphore_mem>>) {add = true}
      %ge3A_917 = arith.constant 10 : i32
      %ge3A_918 = arith.cmpi sge, %add3A_894, %ge3A_917 : i32
      %convert_element_type3A_919 = arith.extui %ge3A_918 : i1 to i32
      %cond3A_920 = arith.constant 0 : i32
      %cond3A_921 = arith.cmpi ne, %convert_element_type3A_919, %cond3A_920 : i32
      scf.if %cond3A_921 {
        %dma_wait3A_1005 = arith.constant 17 : i32
        %dma_wait3A_1006 = arith.constant 0 : i32
        %dma_wait3A_1007 = arith.constant 0 : i32
        %dma_wait3A_1008 = tpu.memref_slice %arg9[%dma_wait3A_1005, %dma_wait3A_1006, %dma_wait3A_1007] : memref<20x125x16xf32, #tpu.memory_space<vmem>> -> memref<1x125x16xf32, #tpu.memory_space<vmem>>
        %dma_wait3A_1009 = tpu.memref_squeeze %dma_wait3A_1008 : memref<1x125x16xf32, #tpu.memory_space<vmem>> -> memref<125x16xf32, #tpu.memory_space<vmem>>
        %dma_wait3A_1010 = arith.constant 0 : i32
        %dma_wait3A_1011 = tpu.memref_slice %arg8[%add3A_894, %dma_wait3A_1010] : memref<80x125xi32, #tpu.memory_space<vmem>> -> memref<1x125xi32, #tpu.memory_space<vmem>>
        %dma_wait3A_1012 = tpu.memref_squeeze %dma_wait3A_1011 : memref<1x125xi32, #tpu.memory_space<vmem>> -> memref<125xi32, #tpu.memory_space<vmem>>
        %dma_wait3A_1013 = arith.constant 0 : i32
        %dma_wait3A_1014 = arith.constant 0 : i32
        %dma_wait3A_1015 = tpu.memref_slice %arg10[%dma_wait3A_1013, %dma_wait3A_1014] : memref<10000x16xf32, #tpu.memory_space<vmem_shared>> -> memref<10000x16xf32, #tpu.memory_space<vmem_shared>>
        tpu.wait_indirect_dma semaphore(%arg11 : memref<!tpu.dma_semaphore, #tpu.memory_space<semaphore_mem>>) src(%dma_wait3A_1009 : memref<125x16xf32, #tpu.memory_space<vmem>>) dst(%dma_wait3A_1015 : memref<10000x16xf32, #tpu.memory_space<vmem_shared>>)
      } else {
      }
      %add3A_922 = arith.constant 10 : i32
      %add3A_923 = arith.addi %add3A_894, %add3A_922 : i32
      %lt3A_924 = arith.constant 80 : i32
      %lt3A_925 = arith.cmpi slt, %add3A_923, %lt3A_924 : i32
      %convert_element_type3A_926 = arith.extui %lt3A_925 : i1 to i32
      %cond3A_927 = arith.constant 0 : i32
      %cond3A_928 = arith.cmpi ne, %convert_element_type3A_926, %cond3A_927 : i32
      scf.if %cond3A_928 {
        %add3A_1005 = arith.constant 10 : i32
        %add3A_1006 = arith.addi %add3A_894, %add3A_1005 : i32
        %dma_start3A_1007 = arith.constant 7 : i32
        %dma_start3A_1008 = arith.constant 0 : i32
        %dma_start3A_1009 = arith.constant 0 : i32
        %dma_start3A_1010 = tpu.memref_slice %arg9[%dma_start3A_1007, %dma_start3A_1008, %dma_start3A_1009] : memref<20x125x16xf32, #tpu.memory_space<vmem>> -> memref<1x125x16xf32, #tpu.memory_space<vmem>>
        %dma_start3A_1011 = tpu.memref_squeeze %dma_start3A_1010 : memref<1x125x16xf32, #tpu.memory_space<vmem>> -> memref<125x16xf32, #tpu.memory_space<vmem>>
        %dma_start3A_1012 = arith.constant 0 : i32
        %dma_start3A_1013 = tpu.memref_slice %arg7[%add3A_1006, %dma_start3A_1012] : memref<80x125xi32, #tpu.memory_space<vmem>> -> memref<1x125xi32, #tpu.memory_space<vmem>>
        %dma_start3A_1014 = tpu.memref_squeeze %dma_start3A_1013 : memref<1x125xi32, #tpu.memory_space<vmem>> -> memref<125xi32, #tpu.memory_space<vmem>>
        %dma_start3A_1015 = arith.constant 0 : i32
        %dma_start3A_1016 = arith.constant 0 : i32
        %dma_start3A_1017 = tpu.memref_slice %arg4[%dma_start3A_1015, %dma_start3A_1016] : memref<10000x16xf32, #tpu.memory_space<hbm>> -> memref<10000x16xf32, #tpu.memory_space<hbm>>
        tpu.enqueue_indirect_dma source(%dma_start3A_1017 : memref<10000x16xf32, #tpu.memory_space<hbm>>) target(%dma_start3A_1011 : memref<125x16xf32, #tpu.memory_space<vmem>>) offsets(%dma_start3A_1014 : memref<125xi32, #tpu.memory_space<vmem>>) semaphore(%arg19 : memref<!tpu.dma_semaphore, #tpu.memory_space<semaphore_mem>>)
      } else {
      }
      %mul3A_929 = arith.constant 20 : i32
      %mul3A_930 = arith.muli %scan3A_248, %mul3A_929 : i32
      %add3A_931 = arith.constant 18 : i32
      %add3A_932 = arith.addi %mul3A_930, %add3A_931 : i32
      %dma_wait3A_933 = arith.constant 18 : i32
      %dma_wait3A_934 = arith.constant 0 : i32
      %dma_wait3A_935 = arith.constant 0 : i32
      %dma_wait3A_936 = tpu.memref_slice %arg9[%dma_wait3A_933, %dma_wait3A_934, %dma_wait3A_935] : memref<20x125x16xf32, #tpu.memory_space<vmem>> -> memref<1x125x16xf32, #tpu.memory_space<vmem>>
      %dma_wait3A_937 = tpu.memref_squeeze %dma_wait3A_936 : memref<1x125x16xf32, #tpu.memory_space<vmem>> -> memref<125x16xf32, #tpu.memory_space<vmem>>
      %dma_wait3A_938 = arith.constant 0 : i32
      %dma_wait3A_939 = tpu.memref_slice %arg7[%add3A_932, %dma_wait3A_938] : memref<80x125xi32, #tpu.memory_space<vmem>> -> memref<1x125xi32, #tpu.memory_space<vmem>>
      %dma_wait3A_940 = tpu.memref_squeeze %dma_wait3A_939 : memref<1x125xi32, #tpu.memory_space<vmem>> -> memref<125xi32, #tpu.memory_space<vmem>>
      %dma_wait3A_941 = arith.constant 0 : i32
      %dma_wait3A_942 = arith.constant 0 : i32
      %dma_wait3A_943 = tpu.memref_slice %arg4[%dma_wait3A_941, %dma_wait3A_942] : memref<10000x16xf32, #tpu.memory_space<hbm>> -> memref<10000x16xf32, #tpu.memory_space<hbm>>
      tpu.wait_indirect_dma semaphore(%arg30 : memref<!tpu.dma_semaphore, #tpu.memory_space<semaphore_mem>>) src(%dma_wait3A_943 : memref<10000x16xf32, #tpu.memory_space<hbm>>) dst(%dma_wait3A_937 : memref<125x16xf32, #tpu.memory_space<vmem>>)
      %dma_start3A_944 = arith.constant 18 : i32
      %dma_start3A_945 = arith.constant 0 : i32
      %dma_start3A_946 = arith.constant 0 : i32
      %dma_start3A_947 = tpu.memref_slice %arg9[%dma_start3A_944, %dma_start3A_945, %dma_start3A_946] : memref<20x125x16xf32, #tpu.memory_space<vmem>> -> memref<1x125x16xf32, #tpu.memory_space<vmem>>
      %dma_start3A_948 = tpu.memref_squeeze %dma_start3A_947 : memref<1x125x16xf32, #tpu.memory_space<vmem>> -> memref<125x16xf32, #tpu.memory_space<vmem>>
      %dma_start3A_949 = arith.constant 0 : i32
      %dma_start3A_950 = tpu.memref_slice %arg8[%add3A_932, %dma_start3A_949] : memref<80x125xi32, #tpu.memory_space<vmem>> -> memref<1x125xi32, #tpu.memory_space<vmem>>
      %dma_start3A_951 = tpu.memref_squeeze %dma_start3A_950 : memref<1x125xi32, #tpu.memory_space<vmem>> -> memref<125xi32, #tpu.memory_space<vmem>>
      %dma_start3A_952 = arith.constant 0 : i32
      %dma_start3A_953 = arith.constant 0 : i32
      %dma_start3A_954 = tpu.memref_slice %arg10[%dma_start3A_952, %dma_start3A_953] : memref<10000x16xf32, #tpu.memory_space<vmem_shared>> -> memref<10000x16xf32, #tpu.memory_space<vmem_shared>>
      tpu.enqueue_indirect_dma source(%dma_start3A_948 : memref<125x16xf32, #tpu.memory_space<vmem>>) target(%dma_start3A_954 : memref<10000x16xf32, #tpu.memory_space<vmem_shared>>) offsets(%dma_start3A_951 : memref<125xi32, #tpu.memory_space<vmem>>) semaphore(%arg11 : memref<!tpu.dma_semaphore, #tpu.memory_space<semaphore_mem>>) {add = true}
      %ge3A_955 = arith.constant 10 : i32
      %ge3A_956 = arith.cmpi sge, %add3A_932, %ge3A_955 : i32
      %convert_element_type3A_957 = arith.extui %ge3A_956 : i1 to i32
      %cond3A_958 = arith.constant 0 : i32
      %cond3A_959 = arith.cmpi ne, %convert_element_type3A_957, %cond3A_958 : i32
      scf.if %cond3A_959 {
        %dma_wait3A_1005 = arith.constant 18 : i32
        %dma_wait3A_1006 = arith.constant 0 : i32
        %dma_wait3A_1007 = arith.constant 0 : i32
        %dma_wait3A_1008 = tpu.memref_slice %arg9[%dma_wait3A_1005, %dma_wait3A_1006, %dma_wait3A_1007] : memref<20x125x16xf32, #tpu.memory_space<vmem>> -> memref<1x125x16xf32, #tpu.memory_space<vmem>>
        %dma_wait3A_1009 = tpu.memref_squeeze %dma_wait3A_1008 : memref<1x125x16xf32, #tpu.memory_space<vmem>> -> memref<125x16xf32, #tpu.memory_space<vmem>>
        %dma_wait3A_1010 = arith.constant 0 : i32
        %dma_wait3A_1011 = tpu.memref_slice %arg8[%add3A_932, %dma_wait3A_1010] : memref<80x125xi32, #tpu.memory_space<vmem>> -> memref<1x125xi32, #tpu.memory_space<vmem>>
        %dma_wait3A_1012 = tpu.memref_squeeze %dma_wait3A_1011 : memref<1x125xi32, #tpu.memory_space<vmem>> -> memref<125xi32, #tpu.memory_space<vmem>>
        %dma_wait3A_1013 = arith.constant 0 : i32
        %dma_wait3A_1014 = arith.constant 0 : i32
        %dma_wait3A_1015 = tpu.memref_slice %arg10[%dma_wait3A_1013, %dma_wait3A_1014] : memref<10000x16xf32, #tpu.memory_space<vmem_shared>> -> memref<10000x16xf32, #tpu.memory_space<vmem_shared>>
        tpu.wait_indirect_dma semaphore(%arg11 : memref<!tpu.dma_semaphore, #tpu.memory_space<semaphore_mem>>) src(%dma_wait3A_1009 : memref<125x16xf32, #tpu.memory_space<vmem>>) dst(%dma_wait3A_1015 : memref<10000x16xf32, #tpu.memory_space<vmem_shared>>)
      } else {
      }
      %add3A_960 = arith.constant 10 : i32
      %add3A_961 = arith.addi %add3A_932, %add3A_960 : i32
      %lt3A_962 = arith.constant 80 : i32
      %lt3A_963 = arith.cmpi slt, %add3A_961, %lt3A_962 : i32
      %convert_element_type3A_964 = arith.extui %lt3A_963 : i1 to i32
      %cond3A_965 = arith.constant 0 : i32
      %cond3A_966 = arith.cmpi ne, %convert_element_type3A_964, %cond3A_965 : i32
      scf.if %cond3A_966 {
        %add3A_1005 = arith.constant 10 : i32
        %add3A_1006 = arith.addi %add3A_932, %add3A_1005 : i32
        %dma_start3A_1007 = arith.constant 8 : i32
        %dma_start3A_1008 = arith.constant 0 : i32
        %dma_start3A_1009 = arith.constant 0 : i32
        %dma_start3A_1010 = tpu.memref_slice %arg9[%dma_start3A_1007, %dma_start3A_1008, %dma_start3A_1009] : memref<20x125x16xf32, #tpu.memory_space<vmem>> -> memref<1x125x16xf32, #tpu.memory_space<vmem>>
        %dma_start3A_1011 = tpu.memref_squeeze %dma_start3A_1010 : memref<1x125x16xf32, #tpu.memory_space<vmem>> -> memref<125x16xf32, #tpu.memory_space<vmem>>
        %dma_start3A_1012 = arith.constant 0 : i32
        %dma_start3A_1013 = tpu.memref_slice %arg7[%add3A_1006, %dma_start3A_1012] : memref<80x125xi32, #tpu.memory_space<vmem>> -> memref<1x125xi32, #tpu.memory_space<vmem>>
        %dma_start3A_1014 = tpu.memref_squeeze %dma_start3A_1013 : memref<1x125xi32, #tpu.memory_space<vmem>> -> memref<125xi32, #tpu.memory_space<vmem>>
        %dma_start3A_1015 = arith.constant 0 : i32
        %dma_start3A_1016 = arith.constant 0 : i32
        %dma_start3A_1017 = tpu.memref_slice %arg4[%dma_start3A_1015, %dma_start3A_1016] : memref<10000x16xf32, #tpu.memory_space<hbm>> -> memref<10000x16xf32, #tpu.memory_space<hbm>>
        tpu.enqueue_indirect_dma source(%dma_start3A_1017 : memref<10000x16xf32, #tpu.memory_space<hbm>>) target(%dma_start3A_1011 : memref<125x16xf32, #tpu.memory_space<vmem>>) offsets(%dma_start3A_1014 : memref<125xi32, #tpu.memory_space<vmem>>) semaphore(%arg20 : memref<!tpu.dma_semaphore, #tpu.memory_space<semaphore_mem>>)
      } else {
      }
      %mul3A_967 = arith.constant 20 : i32
      %mul3A_968 = arith.muli %scan3A_248, %mul3A_967 : i32
      %add3A_969 = arith.constant 19 : i32
      %add3A_970 = arith.addi %mul3A_968, %add3A_969 : i32
      %dma_wait3A_971 = arith.constant 19 : i32
      %dma_wait3A_972 = arith.constant 0 : i32
      %dma_wait3A_973 = arith.constant 0 : i32
      %dma_wait3A_974 = tpu.memref_slice %arg9[%dma_wait3A_971, %dma_wait3A_972, %dma_wait3A_973] : memref<20x125x16xf32, #tpu.memory_space<vmem>> -> memref<1x125x16xf32, #tpu.memory_space<vmem>>
      %dma_wait3A_975 = tpu.memref_squeeze %dma_wait3A_974 : memref<1x125x16xf32, #tpu.memory_space<vmem>> -> memref<125x16xf32, #tpu.memory_space<vmem>>
      %dma_wait3A_976 = arith.constant 0 : i32
      %dma_wait3A_977 = tpu.memref_slice %arg7[%add3A_970, %dma_wait3A_976] : memref<80x125xi32, #tpu.memory_space<vmem>> -> memref<1x125xi32, #tpu.memory_space<vmem>>
      %dma_wait3A_978 = tpu.memref_squeeze %dma_wait3A_977 : memref<1x125xi32, #tpu.memory_space<vmem>> -> memref<125xi32, #tpu.memory_space<vmem>>
      %dma_wait3A_979 = arith.constant 0 : i32
      %dma_wait3A_980 = arith.constant 0 : i32
      %dma_wait3A_981 = tpu.memref_slice %arg4[%dma_wait3A_979, %dma_wait3A_980] : memref<10000x16xf32, #tpu.memory_space<hbm>> -> memref<10000x16xf32, #tpu.memory_space<hbm>>
      tpu.wait_indirect_dma semaphore(%arg31 : memref<!tpu.dma_semaphore, #tpu.memory_space<semaphore_mem>>) src(%dma_wait3A_981 : memref<10000x16xf32, #tpu.memory_space<hbm>>) dst(%dma_wait3A_975 : memref<125x16xf32, #tpu.memory_space<vmem>>)
      %dma_start3A_982 = arith.constant 19 : i32
      %dma_start3A_983 = arith.constant 0 : i32
      %dma_start3A_984 = arith.constant 0 : i32
      %dma_start3A_985 = tpu.memref_slice %arg9[%dma_start3A_982, %dma_start3A_983, %dma_start3A_984] : memref<20x125x16xf32, #tpu.memory_space<vmem>> -> memref<1x125x16xf32, #tpu.memory_space<vmem>>
      %dma_start3A_986 = tpu.memref_squeeze %dma_start3A_985 : memref<1x125x16xf32, #tpu.memory_space<vmem>> -> memref<125x16xf32, #tpu.memory_space<vmem>>
      %dma_start3A_987 = arith.constant 0 : i32
      %dma_start3A_988 = tpu.memref_slice %arg8[%add3A_970, %dma_start3A_987] : memref<80x125xi32, #tpu.memory_space<vmem>> -> memref<1x125xi32, #tpu.memory_space<vmem>>
      %dma_start3A_989 = tpu.memref_squeeze %dma_start3A_988 : memref<1x125xi32, #tpu.memory_space<vmem>> -> memref<125xi32, #tpu.memory_space<vmem>>
      %dma_start3A_990 = arith.constant 0 : i32
      %dma_start3A_991 = arith.constant 0 : i32
      %dma_start3A_992 = tpu.memref_slice %arg10[%dma_start3A_990, %dma_start3A_991] : memref<10000x16xf32, #tpu.memory_space<vmem_shared>> -> memref<10000x16xf32, #tpu.memory_space<vmem_shared>>
      tpu.enqueue_indirect_dma source(%dma_start3A_986 : memref<125x16xf32, #tpu.memory_space<vmem>>) target(%dma_start3A_992 : memref<10000x16xf32, #tpu.memory_space<vmem_shared>>) offsets(%dma_start3A_989 : memref<125xi32, #tpu.memory_space<vmem>>) semaphore(%arg11 : memref<!tpu.dma_semaphore, #tpu.memory_space<semaphore_mem>>) {add = true}
      %ge3A_993 = arith.constant 10 : i32
      %ge3A_994 = arith.cmpi sge, %add3A_970, %ge3A_993 : i32
      %convert_element_type3A_995 = arith.extui %ge3A_994 : i1 to i32
      %cond3A_996 = arith.constant 0 : i32
      %cond3A_997 = arith.cmpi ne, %convert_element_type3A_995, %cond3A_996 : i32
      scf.if %cond3A_997 {
        %dma_wait3A_1005 = arith.constant 19 : i32
        %dma_wait3A_1006 = arith.constant 0 : i32
        %dma_wait3A_1007 = arith.constant 0 : i32
        %dma_wait3A_1008 = tpu.memref_slice %arg9[%dma_wait3A_1005, %dma_wait3A_1006, %dma_wait3A_1007] : memref<20x125x16xf32, #tpu.memory_space<vmem>> -> memref<1x125x16xf32, #tpu.memory_space<vmem>>
        %dma_wait3A_1009 = tpu.memref_squeeze %dma_wait3A_1008 : memref<1x125x16xf32, #tpu.memory_space<vmem>> -> memref<125x16xf32, #tpu.memory_space<vmem>>
        %dma_wait3A_1010 = arith.constant 0 : i32
        %dma_wait3A_1011 = tpu.memref_slice %arg8[%add3A_970, %dma_wait3A_1010] : memref<80x125xi32, #tpu.memory_space<vmem>> -> memref<1x125xi32, #tpu.memory_space<vmem>>
        %dma_wait3A_1012 = tpu.memref_squeeze %dma_wait3A_1011 : memref<1x125xi32, #tpu.memory_space<vmem>> -> memref<125xi32, #tpu.memory_space<vmem>>
        %dma_wait3A_1013 = arith.constant 0 : i32
        %dma_wait3A_1014 = arith.constant 0 : i32
        %dma_wait3A_1015 = tpu.memref_slice %arg10[%dma_wait3A_1013, %dma_wait3A_1014] : memref<10000x16xf32, #tpu.memory_space<vmem_shared>> -> memref<10000x16xf32, #tpu.memory_space<vmem_shared>>
        tpu.wait_indirect_dma semaphore(%arg11 : memref<!tpu.dma_semaphore, #tpu.memory_space<semaphore_mem>>) src(%dma_wait3A_1009 : memref<125x16xf32, #tpu.memory_space<vmem>>) dst(%dma_wait3A_1015 : memref<10000x16xf32, #tpu.memory_space<vmem_shared>>)
      } else {
      }
      %add3A_998 = arith.constant 10 : i32
      %add3A_999 = arith.addi %add3A_970, %add3A_998 : i32
      %lt3A_1000 = arith.constant 80 : i32
      %lt3A_1001 = arith.cmpi slt, %add3A_999, %lt3A_1000 : i32
      %convert_element_type3A_1002 = arith.extui %lt3A_1001 : i1 to i32
      %cond3A_1003 = arith.constant 0 : i32
      %cond3A_1004 = arith.cmpi ne, %convert_element_type3A_1002, %cond3A_1003 : i32
      scf.if %cond3A_1004 {
        %add3A_1005 = arith.constant 10 : i32
        %add3A_1006 = arith.addi %add3A_970, %add3A_1005 : i32
        %dma_start3A_1007 = arith.constant 9 : i32
        %dma_start3A_1008 = arith.constant 0 : i32
        %dma_start3A_1009 = arith.constant 0 : i32
        %dma_start3A_1010 = tpu.memref_slice %arg9[%dma_start3A_1007, %dma_start3A_1008, %dma_start3A_1009] : memref<20x125x16xf32, #tpu.memory_space<vmem>> -> memref<1x125x16xf32, #tpu.memory_space<vmem>>
        %dma_start3A_1011 = tpu.memref_squeeze %dma_start3A_1010 : memref<1x125x16xf32, #tpu.memory_space<vmem>> -> memref<125x16xf32, #tpu.memory_space<vmem>>
        %dma_start3A_1012 = arith.constant 0 : i32
        %dma_start3A_1013 = tpu.memref_slice %arg7[%add3A_1006, %dma_start3A_1012] : memref<80x125xi32, #tpu.memory_space<vmem>> -> memref<1x125xi32, #tpu.memory_space<vmem>>
        %dma_start3A_1014 = tpu.memref_squeeze %dma_start3A_1013 : memref<1x125xi32, #tpu.memory_space<vmem>> -> memref<125xi32, #tpu.memory_space<vmem>>
        %dma_start3A_1015 = arith.constant 0 : i32
        %dma_start3A_1016 = arith.constant 0 : i32
        %dma_start3A_1017 = tpu.memref_slice %arg4[%dma_start3A_1015, %dma_start3A_1016] : memref<10000x16xf32, #tpu.memory_space<hbm>> -> memref<10000x16xf32, #tpu.memory_space<hbm>>
        tpu.enqueue_indirect_dma source(%dma_start3A_1017 : memref<10000x16xf32, #tpu.memory_space<hbm>>) target(%dma_start3A_1011 : memref<125x16xf32, #tpu.memory_space<vmem>>) offsets(%dma_start3A_1014 : memref<125xi32, #tpu.memory_space<vmem>>) semaphore(%arg21 : memref<!tpu.dma_semaphore, #tpu.memory_space<semaphore_mem>>)
      } else {
      }
    }
    %scan3A_125 = arith.constant 4 : i32
    %dma_wait3A = arith.constant 0 : i32
    %dma_wait3A_126 = arith.constant 0 : i32
    %dma_wait3A_127 = arith.constant 0 : i32
    %dma_wait3A_128 = arith.constant 0 : i32
    %dma_wait3A_129 = tpu.memref_slice %arg9[%dma_wait3A, %dma_wait3A_127, %dma_wait3A_128] : memref<20x125x16xf32, #tpu.memory_space<vmem>> -> memref<1x125x16xf32, #tpu.memory_space<vmem>>
    %dma_wait3A_130 = tpu.memref_squeeze %dma_wait3A_129 : memref<1x125x16xf32, #tpu.memory_space<vmem>> -> memref<125x16xf32, #tpu.memory_space<vmem>>
    %dma_wait3A_131 = arith.constant 0 : i32
    %dma_wait3A_132 = tpu.memref_slice %arg8[%dma_wait3A_126, %dma_wait3A_131] : memref<80x125xi32, #tpu.memory_space<vmem>> -> memref<1x125xi32, #tpu.memory_space<vmem>>
    %dma_wait3A_133 = tpu.memref_squeeze %dma_wait3A_132 : memref<1x125xi32, #tpu.memory_space<vmem>> -> memref<125xi32, #tpu.memory_space<vmem>>
    %dma_wait3A_134 = arith.constant 0 : i32
    %dma_wait3A_135 = arith.constant 0 : i32
    %dma_wait3A_136 = tpu.memref_slice %arg10[%dma_wait3A_134, %dma_wait3A_135] : memref<10000x16xf32, #tpu.memory_space<vmem_shared>> -> memref<10000x16xf32, #tpu.memory_space<vmem_shared>>
    tpu.wait_indirect_dma semaphore(%arg11 : memref<!tpu.dma_semaphore, #tpu.memory_space<semaphore_mem>>) src(%dma_wait3A_130 : memref<125x16xf32, #tpu.memory_space<vmem>>) dst(%dma_wait3A_136 : memref<10000x16xf32, #tpu.memory_space<vmem_shared>>)
    %dma_wait3A_137 = arith.constant 1 : i32
    %dma_wait3A_138 = arith.constant 0 : i32
    %dma_wait3A_139 = arith.constant 0 : i32
    %dma_wait3A_140 = arith.constant 0 : i32
    %dma_wait3A_141 = tpu.memref_slice %arg9[%dma_wait3A_137, %dma_wait3A_139, %dma_wait3A_140] : memref<20x125x16xf32, #tpu.memory_space<vmem>> -> memref<1x125x16xf32, #tpu.memory_space<vmem>>
    %dma_wait3A_142 = tpu.memref_squeeze %dma_wait3A_141 : memref<1x125x16xf32, #tpu.memory_space<vmem>> -> memref<125x16xf32, #tpu.memory_space<vmem>>
    %dma_wait3A_143 = arith.constant 0 : i32
    %dma_wait3A_144 = tpu.memref_slice %arg8[%dma_wait3A_138, %dma_wait3A_143] : memref<80x125xi32, #tpu.memory_space<vmem>> -> memref<1x125xi32, #tpu.memory_space<vmem>>
    %dma_wait3A_145 = tpu.memref_squeeze %dma_wait3A_144 : memref<1x125xi32, #tpu.memory_space<vmem>> -> memref<125xi32, #tpu.memory_space<vmem>>
    %dma_wait3A_146 = arith.constant 0 : i32
    %dma_wait3A_147 = arith.constant 0 : i32
    %dma_wait3A_148 = tpu.memref_slice %arg10[%dma_wait3A_146, %dma_wait3A_147] : memref<10000x16xf32, #tpu.memory_space<vmem_shared>> -> memref<10000x16xf32, #tpu.memory_space<vmem_shared>>
    tpu.wait_indirect_dma semaphore(%arg11 : memref<!tpu.dma_semaphore, #tpu.memory_space<semaphore_mem>>) src(%dma_wait3A_142 : memref<125x16xf32, #tpu.memory_space<vmem>>) dst(%dma_wait3A_148 : memref<10000x16xf32, #tpu.memory_space<vmem_shared>>)
    %dma_wait3A_149 = arith.constant 2 : i32
    %dma_wait3A_150 = arith.constant 0 : i32
    %dma_wait3A_151 = arith.constant 0 : i32
    %dma_wait3A_152 = arith.constant 0 : i32
    %dma_wait3A_153 = tpu.memref_slice %arg9[%dma_wait3A_149, %dma_wait3A_151, %dma_wait3A_152] : memref<20x125x16xf32, #tpu.memory_space<vmem>> -> memref<1x125x16xf32, #tpu.memory_space<vmem>>
    %dma_wait3A_154 = tpu.memref_squeeze %dma_wait3A_153 : memref<1x125x16xf32, #tpu.memory_space<vmem>> -> memref<125x16xf32, #tpu.memory_space<vmem>>
    %dma_wait3A_155 = arith.constant 0 : i32
    %dma_wait3A_156 = tpu.memref_slice %arg8[%dma_wait3A_150, %dma_wait3A_155] : memref<80x125xi32, #tpu.memory_space<vmem>> -> memref<1x125xi32, #tpu.memory_space<vmem>>
    %dma_wait3A_157 = tpu.memref_squeeze %dma_wait3A_156 : memref<1x125xi32, #tpu.memory_space<vmem>> -> memref<125xi32, #tpu.memory_space<vmem>>
    %dma_wait3A_158 = arith.constant 0 : i32
    %dma_wait3A_159 = arith.constant 0 : i32
    %dma_wait3A_160 = tpu.memref_slice %arg10[%dma_wait3A_158, %dma_wait3A_159] : memref<10000x16xf32, #tpu.memory_space<vmem_shared>> -> memref<10000x16xf32, #tpu.memory_space<vmem_shared>>
    tpu.wait_indirect_dma semaphore(%arg11 : memref<!tpu.dma_semaphore, #tpu.memory_space<semaphore_mem>>) src(%dma_wait3A_154 : memref<125x16xf32, #tpu.memory_space<vmem>>) dst(%dma_wait3A_160 : memref<10000x16xf32, #tpu.memory_space<vmem_shared>>)
    %dma_wait3A_161 = arith.constant 3 : i32
    %dma_wait3A_162 = arith.constant 0 : i32
    %dma_wait3A_163 = arith.constant 0 : i32
    %dma_wait3A_164 = arith.constant 0 : i32
    %dma_wait3A_165 = tpu.memref_slice %arg9[%dma_wait3A_161, %dma_wait3A_163, %dma_wait3A_164] : memref<20x125x16xf32, #tpu.memory_space<vmem>> -> memref<1x125x16xf32, #tpu.memory_space<vmem>>
    %dma_wait3A_166 = tpu.memref_squeeze %dma_wait3A_165 : memref<1x125x16xf32, #tpu.memory_space<vmem>> -> memref<125x16xf32, #tpu.memory_space<vmem>>
    %dma_wait3A_167 = arith.constant 0 : i32
    %dma_wait3A_168 = tpu.memref_slice %arg8[%dma_wait3A_162, %dma_wait3A_167] : memref<80x125xi32, #tpu.memory_space<vmem>> -> memref<1x125xi32, #tpu.memory_space<vmem>>
    %dma_wait3A_169 = tpu.memref_squeeze %dma_wait3A_168 : memref<1x125xi32, #tpu.memory_space<vmem>> -> memref<125xi32, #tpu.memory_space<vmem>>
    %dma_wait3A_170 = arith.constant 0 : i32
    %dma_wait3A_171 = arith.constant 0 : i32
    %dma_wait3A_172 = tpu.memref_slice %arg10[%dma_wait3A_170, %dma_wait3A_171] : memref<10000x16xf32, #tpu.memory_space<vmem_shared>> -> memref<10000x16xf32, #tpu.memory_space<vmem_shared>>
    tpu.wait_indirect_dma semaphore(%arg11 : memref<!tpu.dma_semaphore, #tpu.memory_space<semaphore_mem>>) src(%dma_wait3A_166 : memref<125x16xf32, #tpu.memory_space<vmem>>) dst(%dma_wait3A_172 : memref<10000x16xf32, #tpu.memory_space<vmem_shared>>)
    %dma_wait3A_173 = arith.constant 4 : i32
    %dma_wait3A_174 = arith.constant 0 : i32
    %dma_wait3A_175 = arith.constant 0 : i32
    %dma_wait3A_176 = arith.constant 0 : i32
    %dma_wait3A_177 = tpu.memref_slice %arg9[%dma_wait3A_173, %dma_wait3A_175, %dma_wait3A_176] : memref<20x125x16xf32, #tpu.memory_space<vmem>> -> memref<1x125x16xf32, #tpu.memory_space<vmem>>
    %dma_wait3A_178 = tpu.memref_squeeze %dma_wait3A_177 : memref<1x125x16xf32, #tpu.memory_space<vmem>> -> memref<125x16xf32, #tpu.memory_space<vmem>>
    %dma_wait3A_179 = arith.constant 0 : i32
    %dma_wait3A_180 = tpu.memref_slice %arg8[%dma_wait3A_174, %dma_wait3A_179] : memref<80x125xi32, #tpu.memory_space<vmem>> -> memref<1x125xi32, #tpu.memory_space<vmem>>
    %dma_wait3A_181 = tpu.memref_squeeze %dma_wait3A_180 : memref<1x125xi32, #tpu.memory_space<vmem>> -> memref<125xi32, #tpu.memory_space<vmem>>
    %dma_wait3A_182 = arith.constant 0 : i32
    %dma_wait3A_183 = arith.constant 0 : i32
    %dma_wait3A_184 = tpu.memref_slice %arg10[%dma_wait3A_182, %dma_wait3A_183] : memref<10000x16xf32, #tpu.memory_space<vmem_shared>> -> memref<10000x16xf32, #tpu.memory_space<vmem_shared>>
    tpu.wait_indirect_dma semaphore(%arg11 : memref<!tpu.dma_semaphore, #tpu.memory_space<semaphore_mem>>) src(%dma_wait3A_178 : memref<125x16xf32, #tpu.memory_space<vmem>>) dst(%dma_wait3A_184 : memref<10000x16xf32, #tpu.memory_space<vmem_shared>>)
    %dma_wait3A_185 = arith.constant 5 : i32
    %dma_wait3A_186 = arith.constant 0 : i32
    %dma_wait3A_187 = arith.constant 0 : i32
    %dma_wait3A_188 = arith.constant 0 : i32
    %dma_wait3A_189 = tpu.memref_slice %arg9[%dma_wait3A_185, %dma_wait3A_187, %dma_wait3A_188] : memref<20x125x16xf32, #tpu.memory_space<vmem>> -> memref<1x125x16xf32, #tpu.memory_space<vmem>>
    %dma_wait3A_190 = tpu.memref_squeeze %dma_wait3A_189 : memref<1x125x16xf32, #tpu.memory_space<vmem>> -> memref<125x16xf32, #tpu.memory_space<vmem>>
    %dma_wait3A_191 = arith.constant 0 : i32
    %dma_wait3A_192 = tpu.memref_slice %arg8[%dma_wait3A_186, %dma_wait3A_191] : memref<80x125xi32, #tpu.memory_space<vmem>> -> memref<1x125xi32, #tpu.memory_space<vmem>>
    %dma_wait3A_193 = tpu.memref_squeeze %dma_wait3A_192 : memref<1x125xi32, #tpu.memory_space<vmem>> -> memref<125xi32, #tpu.memory_space<vmem>>
    %dma_wait3A_194 = arith.constant 0 : i32
    %dma_wait3A_195 = arith.constant 0 : i32
    %dma_wait3A_196 = tpu.memref_slice %arg10[%dma_wait3A_194, %dma_wait3A_195] : memref<10000x16xf32, #tpu.memory_space<vmem_shared>> -> memref<10000x16xf32, #tpu.memory_space<vmem_shared>>
    tpu.wait_indirect_dma semaphore(%arg11 : memref<!tpu.dma_semaphore, #tpu.memory_space<semaphore_mem>>) src(%dma_wait3A_190 : memref<125x16xf32, #tpu.memory_space<vmem>>) dst(%dma_wait3A_196 : memref<10000x16xf32, #tpu.memory_space<vmem_shared>>)
    %dma_wait3A_197 = arith.constant 6 : i32
    %dma_wait3A_198 = arith.constant 0 : i32
    %dma_wait3A_199 = arith.constant 0 : i32
    %dma_wait3A_200 = arith.constant 0 : i32
    %dma_wait3A_201 = tpu.memref_slice %arg9[%dma_wait3A_197, %dma_wait3A_199, %dma_wait3A_200] : memref<20x125x16xf32, #tpu.memory_space<vmem>> -> memref<1x125x16xf32, #tpu.memory_space<vmem>>
    %dma_wait3A_202 = tpu.memref_squeeze %dma_wait3A_201 : memref<1x125x16xf32, #tpu.memory_space<vmem>> -> memref<125x16xf32, #tpu.memory_space<vmem>>
    %dma_wait3A_203 = arith.constant 0 : i32
    %dma_wait3A_204 = tpu.memref_slice %arg8[%dma_wait3A_198, %dma_wait3A_203] : memref<80x125xi32, #tpu.memory_space<vmem>> -> memref<1x125xi32, #tpu.memory_space<vmem>>
    %dma_wait3A_205 = tpu.memref_squeeze %dma_wait3A_204 : memref<1x125xi32, #tpu.memory_space<vmem>> -> memref<125xi32, #tpu.memory_space<vmem>>
    %dma_wait3A_206 = arith.constant 0 : i32
    %dma_wait3A_207 = arith.constant 0 : i32
    %dma_wait3A_208 = tpu.memref_slice %arg10[%dma_wait3A_206, %dma_wait3A_207] : memref<10000x16xf32, #tpu.memory_space<vmem_shared>> -> memref<10000x16xf32, #tpu.memory_space<vmem_shared>>
    tpu.wait_indirect_dma semaphore(%arg11 : memref<!tpu.dma_semaphore, #tpu.memory_space<semaphore_mem>>) src(%dma_wait3A_202 : memref<125x16xf32, #tpu.memory_space<vmem>>) dst(%dma_wait3A_208 : memref<10000x16xf32, #tpu.memory_space<vmem_shared>>)
    %dma_wait3A_209 = arith.constant 7 : i32
    %dma_wait3A_210 = arith.constant 0 : i32
    %dma_wait3A_211 = arith.constant 0 : i32
    %dma_wait3A_212 = arith.constant 0 : i32
    %dma_wait3A_213 = tpu.memref_slice %arg9[%dma_wait3A_209, %dma_wait3A_211, %dma_wait3A_212] : memref<20x125x16xf32, #tpu.memory_space<vmem>> -> memref<1x125x16xf32, #tpu.memory_space<vmem>>
    %dma_wait3A_214 = tpu.memref_squeeze %dma_wait3A_213 : memref<1x125x16xf32, #tpu.memory_space<vmem>> -> memref<125x16xf32, #tpu.memory_space<vmem>>
    %dma_wait3A_215 = arith.constant 0 : i32
    %dma_wait3A_216 = tpu.memref_slice %arg8[%dma_wait3A_210, %dma_wait3A_215] : memref<80x125xi32, #tpu.memory_space<vmem>> -> memref<1x125xi32, #tpu.memory_space<vmem>>
    %dma_wait3A_217 = tpu.memref_squeeze %dma_wait3A_216 : memref<1x125xi32, #tpu.memory_space<vmem>> -> memref<125xi32, #tpu.memory_space<vmem>>
    %dma_wait3A_218 = arith.constant 0 : i32
    %dma_wait3A_219 = arith.constant 0 : i32
    %dma_wait3A_220 = tpu.memref_slice %arg10[%dma_wait3A_218, %dma_wait3A_219] : memref<10000x16xf32, #tpu.memory_space<vmem_shared>> -> memref<10000x16xf32, #tpu.memory_space<vmem_shared>>
    tpu.wait_indirect_dma semaphore(%arg11 : memref<!tpu.dma_semaphore, #tpu.memory_space<semaphore_mem>>) src(%dma_wait3A_214 : memref<125x16xf32, #tpu.memory_space<vmem>>) dst(%dma_wait3A_220 : memref<10000x16xf32, #tpu.memory_space<vmem_shared>>)
    %dma_wait3A_221 = arith.constant 8 : i32
    %dma_wait3A_222 = arith.constant 0 : i32
    %dma_wait3A_223 = arith.constant 0 : i32
    %dma_wait3A_224 = arith.constant 0 : i32
    %dma_wait3A_225 = tpu.memref_slice %arg9[%dma_wait3A_221, %dma_wait3A_223, %dma_wait3A_224] : memref<20x125x16xf32, #tpu.memory_space<vmem>> -> memref<1x125x16xf32, #tpu.memory_space<vmem>>
    %dma_wait3A_226 = tpu.memref_squeeze %dma_wait3A_225 : memref<1x125x16xf32, #tpu.memory_space<vmem>> -> memref<125x16xf32, #tpu.memory_space<vmem>>
    %dma_wait3A_227 = arith.constant 0 : i32
    %dma_wait3A_228 = tpu.memref_slice %arg8[%dma_wait3A_222, %dma_wait3A_227] : memref<80x125xi32, #tpu.memory_space<vmem>> -> memref<1x125xi32, #tpu.memory_space<vmem>>
    %dma_wait3A_229 = tpu.memref_squeeze %dma_wait3A_228 : memref<1x125xi32, #tpu.memory_space<vmem>> -> memref<125xi32, #tpu.memory_space<vmem>>
    %dma_wait3A_230 = arith.constant 0 : i32
    %dma_wait3A_231 = arith.constant 0 : i32
    %dma_wait3A_232 = tpu.memref_slice %arg10[%dma_wait3A_230, %dma_wait3A_231] : memref<10000x16xf32, #tpu.memory_space<vmem_shared>> -> memref<10000x16xf32, #tpu.memory_space<vmem_shared>>
    tpu.wait_indirect_dma semaphore(%arg11 : memref<!tpu.dma_semaphore, #tpu.memory_space<semaphore_mem>>) src(%dma_wait3A_226 : memref<125x16xf32, #tpu.memory_space<vmem>>) dst(%dma_wait3A_232 : memref<10000x16xf32, #tpu.memory_space<vmem_shared>>)
    %dma_wait3A_233 = arith.constant 9 : i32
    %dma_wait3A_234 = arith.constant 0 : i32
    %dma_wait3A_235 = arith.constant 0 : i32
    %dma_wait3A_236 = arith.constant 0 : i32
    %dma_wait3A_237 = tpu.memref_slice %arg9[%dma_wait3A_233, %dma_wait3A_235, %dma_wait3A_236] : memref<20x125x16xf32, #tpu.memory_space<vmem>> -> memref<1x125x16xf32, #tpu.memory_space<vmem>>
    %dma_wait3A_238 = tpu.memref_squeeze %dma_wait3A_237 : memref<1x125x16xf32, #tpu.memory_space<vmem>> -> memref<125x16xf32, #tpu.memory_space<vmem>>
    %dma_wait3A_239 = arith.constant 0 : i32
    %dma_wait3A_240 = tpu.memref_slice %arg8[%dma_wait3A_234, %dma_wait3A_239] : memref<80x125xi32, #tpu.memory_space<vmem>> -> memref<1x125xi32, #tpu.memory_space<vmem>>
    %dma_wait3A_241 = tpu.memref_squeeze %dma_wait3A_240 : memref<1x125xi32, #tpu.memory_space<vmem>> -> memref<125xi32, #tpu.memory_space<vmem>>
    %dma_wait3A_242 = arith.constant 0 : i32
    %dma_wait3A_243 = arith.constant 0 : i32
    %dma_wait3A_244 = tpu.memref_slice %arg10[%dma_wait3A_242, %dma_wait3A_243] : memref<10000x16xf32, #tpu.memory_space<vmem_shared>> -> memref<10000x16xf32, #tpu.memory_space<vmem_shared>>
    tpu.wait_indirect_dma semaphore(%arg11 : memref<!tpu.dma_semaphore, #tpu.memory_space<semaphore_mem>>) src(%dma_wait3A_238 : memref<125x16xf32, #tpu.memory_space<vmem>>) dst(%dma_wait3A_244 : memref<10000x16xf32, #tpu.memory_space<vmem_shared>>)
    %barrier3A_245 = arith.constant 0 : index
    tpu.barrier barrier_id(%barrier3A_245)
    %mul3A_246 = arith.constant 625 : i32
    %mul3A_247 = arith.muli %arg1, %mul3A_246 : i32
    "tpu.region"() ({
      %run_scoped3A = tpu.sem_alloc : memref<!tpu.dma_semaphore, #tpu.memory_space<semaphore_mem>>
      %dma_start3A_248 = arith.constant 0 : i32
      %dma_start3A_249 = arith.constant 0 : i32
      %dma_start3A_250 = tpu.memref_slice %arg6[%arg0, %arg1, %dma_start3A_248, %dma_start3A_249] : memref<2x16x625x16xf32, #tpu.memory_space<hbm>> -> memref<1x1x625x16xf32, #tpu.memory_space<hbm>>
      %dma_start3A_251 = tpu.memref_squeeze %dma_start3A_250 : memref<1x1x625x16xf32, #tpu.memory_space<hbm>> -> memref<625x16xf32, #tpu.memory_space<hbm>>
      %dma_start3A_252 = arith.constant 0 : i32
      %dma_start3A_253 = tpu.memref_slice %arg10[%mul3A_247, %dma_start3A_252] : memref<10000x16xf32, #tpu.memory_space<vmem_shared>> -> memref<625x16xf32, #tpu.memory_space<vmem_shared>>
      tpu.enqueue_dma source(%dma_start3A_253 : memref<625x16xf32, #tpu.memory_space<vmem_shared>>) target(%dma_start3A_251 : memref<625x16xf32, #tpu.memory_space<hbm>>) target_semaphore(%run_scoped3A : memref<!tpu.dma_semaphore, #tpu.memory_space<semaphore_mem>>)
      %dma_wait3A_254 = arith.constant 0 : i32
      %dma_wait3A_255 = arith.constant 0 : i32
      %dma_wait3A_256 = tpu.memref_slice %arg6[%arg0, %arg1, %dma_wait3A_254, %dma_wait3A_255] : memref<2x16x625x16xf32, #tpu.memory_space<hbm>> -> memref<1x1x625x16xf32, #tpu.memory_space<hbm>>
      %dma_wait3A_257 = tpu.memref_squeeze %dma_wait3A_256 : memref<1x1x625x16xf32, #tpu.memory_space<hbm>> -> memref<625x16xf32, #tpu.memory_space<hbm>>
      %dma_wait3A_258 = arith.constant 0 : i32
      %dma_wait3A_259 = tpu.memref_slice %arg10[%mul3A_247, %dma_wait3A_258] : memref<10000x16xf32, #tpu.memory_space<vmem_shared>> -> memref<625x16xf32, #tpu.memory_space<vmem_shared>>
      tpu.wait_dma2 semaphore(%run_scoped3A : memref<!tpu.dma_semaphore, #tpu.memory_space<semaphore_mem>>) src(%dma_wait3A_259 : memref<625x16xf32, #tpu.memory_space<vmem_shared>>) dst(%dma_wait3A_257 : memref<625x16xf32, #tpu.memory_space<hbm>>)
      tpu.yield
    }) : () -> ()
    return
  }
}

#map = affine_map<(d0, d1) -> (0, 0, 0)>
#map1 = affine_map<(d0, d1) -> (0, 0)>
#map2 = affine_map<(d0, d1) -> (0, 0, 0, 0)>
module attributes {stable_mosaic.version = 14 : i64} {
  func.func @_spmm_body(%arg0: i32, %arg1: i32, %arg2: memref<32x80x125xi32, #tpu.memory_space<hbm>>, %arg3: memref<32x80x125xi32, #tpu.memory_space<hbm>>, %arg4: memref<10000x40xf32, #tpu.memory_space<hbm>>, %arg5: memref<625x40xf32, #tpu.memory_space<hbm>>, %arg6: memref<2x16x625x40xf32, #tpu.memory_space<hbm>>, %arg7: memref<80x125xi32, #tpu.memory_space<vmem>>, %arg8: memref<80x125xi32, #tpu.memory_space<vmem>>, %arg9: memref<16x125x40xf32, #tpu.memory_space<vmem>>, %arg10: memref<10000x40xf32, #tpu.memory_space<vmem_shared>>, %arg11: memref<!tpu.dma_semaphore, #tpu.memory_space<semaphore_mem>>, %arg12: memref<!tpu.dma_semaphore, #tpu.memory_space<semaphore_mem>>, %arg13: memref<!tpu.dma_semaphore, #tpu.memory_space<semaphore_mem>>, %arg14: memref<!tpu.dma_semaphore, #tpu.memory_space<semaphore_mem>>, %arg15: memref<!tpu.dma_semaphore, #tpu.memory_space<semaphore_mem>>, %arg16: memref<!tpu.dma_semaphore, #tpu.memory_space<semaphore_mem>>, %arg17: memref<!tpu.dma_semaphore, #tpu.memory_space<semaphore_mem>>, %arg18: memref<!tpu.dma_semaphore, #tpu.memory_space<semaphore_mem>>, %arg19: memref<!tpu.dma_semaphore, #tpu.memory_space<semaphore_mem>>, %arg20: memref<!tpu.dma_semaphore, #tpu.memory_space<semaphore_mem>>, %arg21: memref<!tpu.dma_semaphore, #tpu.memory_space<semaphore_mem>>, %arg22: memref<!tpu.dma_semaphore, #tpu.memory_space<semaphore_mem>>, %arg23: memref<!tpu.dma_semaphore, #tpu.memory_space<semaphore_mem>>, %arg24: memref<!tpu.dma_semaphore, #tpu.memory_space<semaphore_mem>>, %arg25: memref<!tpu.dma_semaphore, #tpu.memory_space<semaphore_mem>>, %arg26: memref<!tpu.dma_semaphore, #tpu.memory_space<semaphore_mem>>, %arg27: memref<!tpu.dma_semaphore, #tpu.memory_space<semaphore_mem>>) attributes {dimension_semantics = [#tpu.dimension_semantics<core_parallel>, #tpu.dimension_semantics<subcore_parallel>], iteration_bounds = array<i64: 2, 16>, scalar_prefetch = 0 : i64, scratch_operands = 21 : i64, tpu.core_type = #tpu.core_type<sc_vector_subcore>, window_params = [{transform_indices = #map}, {transform_indices = #map}, {transform_indices = #map1}, {transform_indices = #map1}, {transform_indices = #map2}]} {
    %mul3A = arith.constant 2 : i32
    %mul3A_0 = arith.muli %arg1, %mul3A : i32
    %add3A = arith.addi %mul3A_0, %arg0 : i32
    %mul3A_1 = arith.constant 625 : i32
    %mul3A_2 = arith.muli %arg1, %mul3A_1 : i32
    "tpu.region"() ({
      %run_scoped3A = tpu.sem_alloc : memref<!tpu.dma_semaphore, #tpu.memory_space<semaphore_mem>>
      %dma_start3A_200 = arith.constant 0 : i32
      %dma_start3A_201 = tpu.memref_slice %arg10[%mul3A_2, %dma_start3A_200] : memref<10000x40xf32, #tpu.memory_space<vmem_shared>> -> memref<625x40xf32, #tpu.memory_space<vmem_shared>>
      tpu.enqueue_dma source(%arg5 : memref<625x40xf32, #tpu.memory_space<hbm>>) target(%dma_start3A_201 : memref<625x40xf32, #tpu.memory_space<vmem_shared>>) target_semaphore(%run_scoped3A : memref<!tpu.dma_semaphore, #tpu.memory_space<semaphore_mem>>)
      %dma_wait3A_202 = arith.constant 0 : i32
      %dma_wait3A_203 = tpu.memref_slice %arg10[%mul3A_2, %dma_wait3A_202] : memref<10000x40xf32, #tpu.memory_space<vmem_shared>> -> memref<625x40xf32, #tpu.memory_space<vmem_shared>>
      tpu.wait_dma2 semaphore(%run_scoped3A : memref<!tpu.dma_semaphore, #tpu.memory_space<semaphore_mem>>) src(%arg5 : memref<625x40xf32, #tpu.memory_space<hbm>>) dst(%dma_wait3A_203 : memref<625x40xf32, #tpu.memory_space<vmem_shared>>)
      tpu.yield
    }) : () -> ()
    "tpu.region"() ({
      %run_scoped3A = tpu.sem_alloc : memref<!tpu.dma_semaphore, #tpu.memory_space<semaphore_mem>>
      %dma_start3A_200 = arith.constant 0 : i32
      %dma_start3A_201 = arith.constant 0 : i32
      %dma_start3A_202 = tpu.memref_slice %arg2[%add3A, %dma_start3A_200, %dma_start3A_201] : memref<32x80x125xi32, #tpu.memory_space<hbm>> -> memref<1x80x125xi32, #tpu.memory_space<hbm>>
      %dma_start3A_203 = tpu.memref_squeeze %dma_start3A_202 : memref<1x80x125xi32, #tpu.memory_space<hbm>> -> memref<80x125xi32, #tpu.memory_space<hbm>>
      %dma_start3A_204 = arith.constant 0 : i32
      %dma_start3A_205 = arith.constant 0 : i32
      %dma_start3A_206 = tpu.memref_slice %arg2[%add3A, %dma_start3A_204, %dma_start3A_205] : memref<32x80x125xi32, #tpu.memory_space<hbm>> -> memref<1x80x125xi32, #tpu.memory_space<hbm>>
      %dma_start3A_207 = tpu.memref_squeeze %dma_start3A_206 : memref<1x80x125xi32, #tpu.memory_space<hbm>> -> memref<80x125xi32, #tpu.memory_space<hbm>>
      tpu.enqueue_dma source(%dma_start3A_207 : memref<80x125xi32, #tpu.memory_space<hbm>>) target(%arg7 : memref<80x125xi32, #tpu.memory_space<vmem>>) target_semaphore(%run_scoped3A : memref<!tpu.dma_semaphore, #tpu.memory_space<semaphore_mem>>)
      %dma_wait3A_208 = arith.constant 0 : i32
      %dma_wait3A_209 = arith.constant 0 : i32
      %dma_wait3A_210 = tpu.memref_slice %arg2[%add3A, %dma_wait3A_208, %dma_wait3A_209] : memref<32x80x125xi32, #tpu.memory_space<hbm>> -> memref<1x80x125xi32, #tpu.memory_space<hbm>>
      %dma_wait3A_211 = tpu.memref_squeeze %dma_wait3A_210 : memref<1x80x125xi32, #tpu.memory_space<hbm>> -> memref<80x125xi32, #tpu.memory_space<hbm>>
      %dma_wait3A_212 = arith.constant 0 : i32
      %dma_wait3A_213 = arith.constant 0 : i32
      %dma_wait3A_214 = tpu.memref_slice %arg2[%add3A, %dma_wait3A_212, %dma_wait3A_213] : memref<32x80x125xi32, #tpu.memory_space<hbm>> -> memref<1x80x125xi32, #tpu.memory_space<hbm>>
      %dma_wait3A_215 = tpu.memref_squeeze %dma_wait3A_214 : memref<1x80x125xi32, #tpu.memory_space<hbm>> -> memref<80x125xi32, #tpu.memory_space<hbm>>
      tpu.wait_dma2 semaphore(%run_scoped3A : memref<!tpu.dma_semaphore, #tpu.memory_space<semaphore_mem>>) src(%dma_wait3A_215 : memref<80x125xi32, #tpu.memory_space<hbm>>) dst(%arg7 : memref<80x125xi32, #tpu.memory_space<vmem>>)
      tpu.yield
    }) : () -> ()
    "tpu.region"() ({
      %run_scoped3A = tpu.sem_alloc : memref<!tpu.dma_semaphore, #tpu.memory_space<semaphore_mem>>
      %dma_start3A_200 = arith.constant 0 : i32
      %dma_start3A_201 = arith.constant 0 : i32
      %dma_start3A_202 = tpu.memref_slice %arg3[%add3A, %dma_start3A_200, %dma_start3A_201] : memref<32x80x125xi32, #tpu.memory_space<hbm>> -> memref<1x80x125xi32, #tpu.memory_space<hbm>>
      %dma_start3A_203 = tpu.memref_squeeze %dma_start3A_202 : memref<1x80x125xi32, #tpu.memory_space<hbm>> -> memref<80x125xi32, #tpu.memory_space<hbm>>
      %dma_start3A_204 = arith.constant 0 : i32
      %dma_start3A_205 = arith.constant 0 : i32
      %dma_start3A_206 = tpu.memref_slice %arg3[%add3A, %dma_start3A_204, %dma_start3A_205] : memref<32x80x125xi32, #tpu.memory_space<hbm>> -> memref<1x80x125xi32, #tpu.memory_space<hbm>>
      %dma_start3A_207 = tpu.memref_squeeze %dma_start3A_206 : memref<1x80x125xi32, #tpu.memory_space<hbm>> -> memref<80x125xi32, #tpu.memory_space<hbm>>
      tpu.enqueue_dma source(%dma_start3A_207 : memref<80x125xi32, #tpu.memory_space<hbm>>) target(%arg8 : memref<80x125xi32, #tpu.memory_space<vmem>>) target_semaphore(%run_scoped3A : memref<!tpu.dma_semaphore, #tpu.memory_space<semaphore_mem>>)
      %dma_wait3A_208 = arith.constant 0 : i32
      %dma_wait3A_209 = arith.constant 0 : i32
      %dma_wait3A_210 = tpu.memref_slice %arg3[%add3A, %dma_wait3A_208, %dma_wait3A_209] : memref<32x80x125xi32, #tpu.memory_space<hbm>> -> memref<1x80x125xi32, #tpu.memory_space<hbm>>
      %dma_wait3A_211 = tpu.memref_squeeze %dma_wait3A_210 : memref<1x80x125xi32, #tpu.memory_space<hbm>> -> memref<80x125xi32, #tpu.memory_space<hbm>>
      %dma_wait3A_212 = arith.constant 0 : i32
      %dma_wait3A_213 = arith.constant 0 : i32
      %dma_wait3A_214 = tpu.memref_slice %arg3[%add3A, %dma_wait3A_212, %dma_wait3A_213] : memref<32x80x125xi32, #tpu.memory_space<hbm>> -> memref<1x80x125xi32, #tpu.memory_space<hbm>>
      %dma_wait3A_215 = tpu.memref_squeeze %dma_wait3A_214 : memref<1x80x125xi32, #tpu.memory_space<hbm>> -> memref<80x125xi32, #tpu.memory_space<hbm>>
      tpu.wait_dma2 semaphore(%run_scoped3A : memref<!tpu.dma_semaphore, #tpu.memory_space<semaphore_mem>>) src(%dma_wait3A_215 : memref<80x125xi32, #tpu.memory_space<hbm>>) dst(%arg8 : memref<80x125xi32, #tpu.memory_space<vmem>>)
      tpu.yield
    }) : () -> ()
    %barrier3A = arith.constant 0 : index
    tpu.barrier barrier_id(%barrier3A)
    %dma_start3A = arith.constant 0 : i32
    %dma_start3A_3 = arith.constant 0 : i32
    %dma_start3A_4 = arith.constant 0 : i32
    %dma_start3A_5 = arith.constant 0 : i32
    %dma_start3A_6 = tpu.memref_slice %arg9[%dma_start3A_3, %dma_start3A_4, %dma_start3A_5] : memref<16x125x40xf32, #tpu.memory_space<vmem>> -> memref<1x125x40xf32, #tpu.memory_space<vmem>>
    %dma_start3A_7 = tpu.memref_squeeze %dma_start3A_6 : memref<1x125x40xf32, #tpu.memory_space<vmem>> -> memref<125x40xf32, #tpu.memory_space<vmem>>
    %dma_start3A_8 = arith.constant 0 : i32
    %dma_start3A_9 = tpu.memref_slice %arg7[%dma_start3A, %dma_start3A_8] : memref<80x125xi32, #tpu.memory_space<vmem>> -> memref<1x125xi32, #tpu.memory_space<vmem>>
    %dma_start3A_10 = tpu.memref_squeeze %dma_start3A_9 : memref<1x125xi32, #tpu.memory_space<vmem>> -> memref<125xi32, #tpu.memory_space<vmem>>
    %dma_start3A_11 = arith.constant 0 : i32
    %dma_start3A_12 = arith.constant 0 : i32
    %dma_start3A_13 = tpu.memref_slice %arg4[%dma_start3A_11, %dma_start3A_12] : memref<10000x40xf32, #tpu.memory_space<hbm>> -> memref<10000x40xf32, #tpu.memory_space<hbm>>
    tpu.enqueue_indirect_dma source(%dma_start3A_13 : memref<10000x40xf32, #tpu.memory_space<hbm>>) target(%dma_start3A_7 : memref<125x40xf32, #tpu.memory_space<vmem>>) offsets(%dma_start3A_10 : memref<125xi32, #tpu.memory_space<vmem>>) semaphore(%arg12 : memref<!tpu.dma_semaphore, #tpu.memory_space<semaphore_mem>>)
    %dma_start3A_14 = arith.constant 1 : i32
    %dma_start3A_15 = arith.constant 1 : i32
    %dma_start3A_16 = arith.constant 0 : i32
    %dma_start3A_17 = arith.constant 0 : i32
    %dma_start3A_18 = tpu.memref_slice %arg9[%dma_start3A_15, %dma_start3A_16, %dma_start3A_17] : memref<16x125x40xf32, #tpu.memory_space<vmem>> -> memref<1x125x40xf32, #tpu.memory_space<vmem>>
    %dma_start3A_19 = tpu.memref_squeeze %dma_start3A_18 : memref<1x125x40xf32, #tpu.memory_space<vmem>> -> memref<125x40xf32, #tpu.memory_space<vmem>>
    %dma_start3A_20 = arith.constant 0 : i32
    %dma_start3A_21 = tpu.memref_slice %arg7[%dma_start3A_14, %dma_start3A_20] : memref<80x125xi32, #tpu.memory_space<vmem>> -> memref<1x125xi32, #tpu.memory_space<vmem>>
    %dma_start3A_22 = tpu.memref_squeeze %dma_start3A_21 : memref<1x125xi32, #tpu.memory_space<vmem>> -> memref<125xi32, #tpu.memory_space<vmem>>
    %dma_start3A_23 = arith.constant 0 : i32
    %dma_start3A_24 = arith.constant 0 : i32
    %dma_start3A_25 = tpu.memref_slice %arg4[%dma_start3A_23, %dma_start3A_24] : memref<10000x40xf32, #tpu.memory_space<hbm>> -> memref<10000x40xf32, #tpu.memory_space<hbm>>
    tpu.enqueue_indirect_dma source(%dma_start3A_25 : memref<10000x40xf32, #tpu.memory_space<hbm>>) target(%dma_start3A_19 : memref<125x40xf32, #tpu.memory_space<vmem>>) offsets(%dma_start3A_22 : memref<125xi32, #tpu.memory_space<vmem>>) semaphore(%arg13 : memref<!tpu.dma_semaphore, #tpu.memory_space<semaphore_mem>>)
    %dma_start3A_26 = arith.constant 2 : i32
    %dma_start3A_27 = arith.constant 2 : i32
    %dma_start3A_28 = arith.constant 0 : i32
    %dma_start3A_29 = arith.constant 0 : i32
    %dma_start3A_30 = tpu.memref_slice %arg9[%dma_start3A_27, %dma_start3A_28, %dma_start3A_29] : memref<16x125x40xf32, #tpu.memory_space<vmem>> -> memref<1x125x40xf32, #tpu.memory_space<vmem>>
    %dma_start3A_31 = tpu.memref_squeeze %dma_start3A_30 : memref<1x125x40xf32, #tpu.memory_space<vmem>> -> memref<125x40xf32, #tpu.memory_space<vmem>>
    %dma_start3A_32 = arith.constant 0 : i32
    %dma_start3A_33 = tpu.memref_slice %arg7[%dma_start3A_26, %dma_start3A_32] : memref<80x125xi32, #tpu.memory_space<vmem>> -> memref<1x125xi32, #tpu.memory_space<vmem>>
    %dma_start3A_34 = tpu.memref_squeeze %dma_start3A_33 : memref<1x125xi32, #tpu.memory_space<vmem>> -> memref<125xi32, #tpu.memory_space<vmem>>
    %dma_start3A_35 = arith.constant 0 : i32
    %dma_start3A_36 = arith.constant 0 : i32
    %dma_start3A_37 = tpu.memref_slice %arg4[%dma_start3A_35, %dma_start3A_36] : memref<10000x40xf32, #tpu.memory_space<hbm>> -> memref<10000x40xf32, #tpu.memory_space<hbm>>
    tpu.enqueue_indirect_dma source(%dma_start3A_37 : memref<10000x40xf32, #tpu.memory_space<hbm>>) target(%dma_start3A_31 : memref<125x40xf32, #tpu.memory_space<vmem>>) offsets(%dma_start3A_34 : memref<125xi32, #tpu.memory_space<vmem>>) semaphore(%arg14 : memref<!tpu.dma_semaphore, #tpu.memory_space<semaphore_mem>>)
    %dma_start3A_38 = arith.constant 3 : i32
    %dma_start3A_39 = arith.constant 3 : i32
    %dma_start3A_40 = arith.constant 0 : i32
    %dma_start3A_41 = arith.constant 0 : i32
    %dma_start3A_42 = tpu.memref_slice %arg9[%dma_start3A_39, %dma_start3A_40, %dma_start3A_41] : memref<16x125x40xf32, #tpu.memory_space<vmem>> -> memref<1x125x40xf32, #tpu.memory_space<vmem>>
    %dma_start3A_43 = tpu.memref_squeeze %dma_start3A_42 : memref<1x125x40xf32, #tpu.memory_space<vmem>> -> memref<125x40xf32, #tpu.memory_space<vmem>>
    %dma_start3A_44 = arith.constant 0 : i32
    %dma_start3A_45 = tpu.memref_slice %arg7[%dma_start3A_38, %dma_start3A_44] : memref<80x125xi32, #tpu.memory_space<vmem>> -> memref<1x125xi32, #tpu.memory_space<vmem>>
    %dma_start3A_46 = tpu.memref_squeeze %dma_start3A_45 : memref<1x125xi32, #tpu.memory_space<vmem>> -> memref<125xi32, #tpu.memory_space<vmem>>
    %dma_start3A_47 = arith.constant 0 : i32
    %dma_start3A_48 = arith.constant 0 : i32
    %dma_start3A_49 = tpu.memref_slice %arg4[%dma_start3A_47, %dma_start3A_48] : memref<10000x40xf32, #tpu.memory_space<hbm>> -> memref<10000x40xf32, #tpu.memory_space<hbm>>
    tpu.enqueue_indirect_dma source(%dma_start3A_49 : memref<10000x40xf32, #tpu.memory_space<hbm>>) target(%dma_start3A_43 : memref<125x40xf32, #tpu.memory_space<vmem>>) offsets(%dma_start3A_46 : memref<125xi32, #tpu.memory_space<vmem>>) semaphore(%arg15 : memref<!tpu.dma_semaphore, #tpu.memory_space<semaphore_mem>>)
    %dma_start3A_50 = arith.constant 4 : i32
    %dma_start3A_51 = arith.constant 4 : i32
    %dma_start3A_52 = arith.constant 0 : i32
    %dma_start3A_53 = arith.constant 0 : i32
    %dma_start3A_54 = tpu.memref_slice %arg9[%dma_start3A_51, %dma_start3A_52, %dma_start3A_53] : memref<16x125x40xf32, #tpu.memory_space<vmem>> -> memref<1x125x40xf32, #tpu.memory_space<vmem>>
    %dma_start3A_55 = tpu.memref_squeeze %dma_start3A_54 : memref<1x125x40xf32, #tpu.memory_space<vmem>> -> memref<125x40xf32, #tpu.memory_space<vmem>>
    %dma_start3A_56 = arith.constant 0 : i32
    %dma_start3A_57 = tpu.memref_slice %arg7[%dma_start3A_50, %dma_start3A_56] : memref<80x125xi32, #tpu.memory_space<vmem>> -> memref<1x125xi32, #tpu.memory_space<vmem>>
    %dma_start3A_58 = tpu.memref_squeeze %dma_start3A_57 : memref<1x125xi32, #tpu.memory_space<vmem>> -> memref<125xi32, #tpu.memory_space<vmem>>
    %dma_start3A_59 = arith.constant 0 : i32
    %dma_start3A_60 = arith.constant 0 : i32
    %dma_start3A_61 = tpu.memref_slice %arg4[%dma_start3A_59, %dma_start3A_60] : memref<10000x40xf32, #tpu.memory_space<hbm>> -> memref<10000x40xf32, #tpu.memory_space<hbm>>
    tpu.enqueue_indirect_dma source(%dma_start3A_61 : memref<10000x40xf32, #tpu.memory_space<hbm>>) target(%dma_start3A_55 : memref<125x40xf32, #tpu.memory_space<vmem>>) offsets(%dma_start3A_58 : memref<125xi32, #tpu.memory_space<vmem>>) semaphore(%arg16 : memref<!tpu.dma_semaphore, #tpu.memory_space<semaphore_mem>>)
    %dma_start3A_62 = arith.constant 5 : i32
    %dma_start3A_63 = arith.constant 5 : i32
    %dma_start3A_64 = arith.constant 0 : i32
    %dma_start3A_65 = arith.constant 0 : i32
    %dma_start3A_66 = tpu.memref_slice %arg9[%dma_start3A_63, %dma_start3A_64, %dma_start3A_65] : memref<16x125x40xf32, #tpu.memory_space<vmem>> -> memref<1x125x40xf32, #tpu.memory_space<vmem>>
    %dma_start3A_67 = tpu.memref_squeeze %dma_start3A_66 : memref<1x125x40xf32, #tpu.memory_space<vmem>> -> memref<125x40xf32, #tpu.memory_space<vmem>>
    %dma_start3A_68 = arith.constant 0 : i32
    %dma_start3A_69 = tpu.memref_slice %arg7[%dma_start3A_62, %dma_start3A_68] : memref<80x125xi32, #tpu.memory_space<vmem>> -> memref<1x125xi32, #tpu.memory_space<vmem>>
    %dma_start3A_70 = tpu.memref_squeeze %dma_start3A_69 : memref<1x125xi32, #tpu.memory_space<vmem>> -> memref<125xi32, #tpu.memory_space<vmem>>
    %dma_start3A_71 = arith.constant 0 : i32
    %dma_start3A_72 = arith.constant 0 : i32
    %dma_start3A_73 = tpu.memref_slice %arg4[%dma_start3A_71, %dma_start3A_72] : memref<10000x40xf32, #tpu.memory_space<hbm>> -> memref<10000x40xf32, #tpu.memory_space<hbm>>
    tpu.enqueue_indirect_dma source(%dma_start3A_73 : memref<10000x40xf32, #tpu.memory_space<hbm>>) target(%dma_start3A_67 : memref<125x40xf32, #tpu.memory_space<vmem>>) offsets(%dma_start3A_70 : memref<125xi32, #tpu.memory_space<vmem>>) semaphore(%arg17 : memref<!tpu.dma_semaphore, #tpu.memory_space<semaphore_mem>>)
    %dma_start3A_74 = arith.constant 6 : i32
    %dma_start3A_75 = arith.constant 6 : i32
    %dma_start3A_76 = arith.constant 0 : i32
    %dma_start3A_77 = arith.constant 0 : i32
    %dma_start3A_78 = tpu.memref_slice %arg9[%dma_start3A_75, %dma_start3A_76, %dma_start3A_77] : memref<16x125x40xf32, #tpu.memory_space<vmem>> -> memref<1x125x40xf32, #tpu.memory_space<vmem>>
    %dma_start3A_79 = tpu.memref_squeeze %dma_start3A_78 : memref<1x125x40xf32, #tpu.memory_space<vmem>> -> memref<125x40xf32, #tpu.memory_space<vmem>>
    %dma_start3A_80 = arith.constant 0 : i32
    %dma_start3A_81 = tpu.memref_slice %arg7[%dma_start3A_74, %dma_start3A_80] : memref<80x125xi32, #tpu.memory_space<vmem>> -> memref<1x125xi32, #tpu.memory_space<vmem>>
    %dma_start3A_82 = tpu.memref_squeeze %dma_start3A_81 : memref<1x125xi32, #tpu.memory_space<vmem>> -> memref<125xi32, #tpu.memory_space<vmem>>
    %dma_start3A_83 = arith.constant 0 : i32
    %dma_start3A_84 = arith.constant 0 : i32
    %dma_start3A_85 = tpu.memref_slice %arg4[%dma_start3A_83, %dma_start3A_84] : memref<10000x40xf32, #tpu.memory_space<hbm>> -> memref<10000x40xf32, #tpu.memory_space<hbm>>
    tpu.enqueue_indirect_dma source(%dma_start3A_85 : memref<10000x40xf32, #tpu.memory_space<hbm>>) target(%dma_start3A_79 : memref<125x40xf32, #tpu.memory_space<vmem>>) offsets(%dma_start3A_82 : memref<125xi32, #tpu.memory_space<vmem>>) semaphore(%arg18 : memref<!tpu.dma_semaphore, #tpu.memory_space<semaphore_mem>>)
    %dma_start3A_86 = arith.constant 7 : i32
    %dma_start3A_87 = arith.constant 7 : i32
    %dma_start3A_88 = arith.constant 0 : i32
    %dma_start3A_89 = arith.constant 0 : i32
    %dma_start3A_90 = tpu.memref_slice %arg9[%dma_start3A_87, %dma_start3A_88, %dma_start3A_89] : memref<16x125x40xf32, #tpu.memory_space<vmem>> -> memref<1x125x40xf32, #tpu.memory_space<vmem>>
    %dma_start3A_91 = tpu.memref_squeeze %dma_start3A_90 : memref<1x125x40xf32, #tpu.memory_space<vmem>> -> memref<125x40xf32, #tpu.memory_space<vmem>>
    %dma_start3A_92 = arith.constant 0 : i32
    %dma_start3A_93 = tpu.memref_slice %arg7[%dma_start3A_86, %dma_start3A_92] : memref<80x125xi32, #tpu.memory_space<vmem>> -> memref<1x125xi32, #tpu.memory_space<vmem>>
    %dma_start3A_94 = tpu.memref_squeeze %dma_start3A_93 : memref<1x125xi32, #tpu.memory_space<vmem>> -> memref<125xi32, #tpu.memory_space<vmem>>
    %dma_start3A_95 = arith.constant 0 : i32
    %dma_start3A_96 = arith.constant 0 : i32
    %dma_start3A_97 = tpu.memref_slice %arg4[%dma_start3A_95, %dma_start3A_96] : memref<10000x40xf32, #tpu.memory_space<hbm>> -> memref<10000x40xf32, #tpu.memory_space<hbm>>
    tpu.enqueue_indirect_dma source(%dma_start3A_97 : memref<10000x40xf32, #tpu.memory_space<hbm>>) target(%dma_start3A_91 : memref<125x40xf32, #tpu.memory_space<vmem>>) offsets(%dma_start3A_94 : memref<125xi32, #tpu.memory_space<vmem>>) semaphore(%arg19 : memref<!tpu.dma_semaphore, #tpu.memory_space<semaphore_mem>>)
    %scan3A = arith.constant 0 : i32
    %scan3A_98 = arith.constant 5 : i32
    %scan3A_99 = arith.addi %scan3A, %scan3A_98 : i32
    %scan3A_100 = arith.constant 1 : i32
    scf.for %scan3A_200 = %scan3A to %scan3A_99 step %scan3A_100  : i32 {
      %mul3A_201 = arith.constant 16 : i32
      %mul3A_202 = arith.muli %scan3A_200, %mul3A_201 : i32
      %add3A_203 = arith.constant 0 : i32
      %add3A_204 = arith.addi %mul3A_202, %add3A_203 : i32
      %dma_wait3A_205 = arith.constant 0 : i32
      %dma_wait3A_206 = arith.constant 0 : i32
      %dma_wait3A_207 = arith.constant 0 : i32
      %dma_wait3A_208 = tpu.memref_slice %arg9[%dma_wait3A_205, %dma_wait3A_206, %dma_wait3A_207] : memref<16x125x40xf32, #tpu.memory_space<vmem>> -> memref<1x125x40xf32, #tpu.memory_space<vmem>>
      %dma_wait3A_209 = tpu.memref_squeeze %dma_wait3A_208 : memref<1x125x40xf32, #tpu.memory_space<vmem>> -> memref<125x40xf32, #tpu.memory_space<vmem>>
      %dma_wait3A_210 = arith.constant 0 : i32
      %dma_wait3A_211 = tpu.memref_slice %arg7[%add3A_204, %dma_wait3A_210] : memref<80x125xi32, #tpu.memory_space<vmem>> -> memref<1x125xi32, #tpu.memory_space<vmem>>
      %dma_wait3A_212 = tpu.memref_squeeze %dma_wait3A_211 : memref<1x125xi32, #tpu.memory_space<vmem>> -> memref<125xi32, #tpu.memory_space<vmem>>
      %dma_wait3A_213 = arith.constant 0 : i32
      %dma_wait3A_214 = arith.constant 0 : i32
      %dma_wait3A_215 = tpu.memref_slice %arg4[%dma_wait3A_213, %dma_wait3A_214] : memref<10000x40xf32, #tpu.memory_space<hbm>> -> memref<10000x40xf32, #tpu.memory_space<hbm>>
      tpu.wait_indirect_dma semaphore(%arg12 : memref<!tpu.dma_semaphore, #tpu.memory_space<semaphore_mem>>) src(%dma_wait3A_215 : memref<10000x40xf32, #tpu.memory_space<hbm>>) dst(%dma_wait3A_209 : memref<125x40xf32, #tpu.memory_space<vmem>>)
      %dma_start3A_216 = arith.constant 0 : i32
      %dma_start3A_217 = arith.constant 0 : i32
      %dma_start3A_218 = arith.constant 0 : i32
      %dma_start3A_219 = tpu.memref_slice %arg9[%dma_start3A_216, %dma_start3A_217, %dma_start3A_218] : memref<16x125x40xf32, #tpu.memory_space<vmem>> -> memref<1x125x40xf32, #tpu.memory_space<vmem>>
      %dma_start3A_220 = tpu.memref_squeeze %dma_start3A_219 : memref<1x125x40xf32, #tpu.memory_space<vmem>> -> memref<125x40xf32, #tpu.memory_space<vmem>>
      %dma_start3A_221 = arith.constant 0 : i32
      %dma_start3A_222 = tpu.memref_slice %arg8[%add3A_204, %dma_start3A_221] : memref<80x125xi32, #tpu.memory_space<vmem>> -> memref<1x125xi32, #tpu.memory_space<vmem>>
      %dma_start3A_223 = tpu.memref_squeeze %dma_start3A_222 : memref<1x125xi32, #tpu.memory_space<vmem>> -> memref<125xi32, #tpu.memory_space<vmem>>
      %dma_start3A_224 = arith.constant 0 : i32
      %dma_start3A_225 = arith.constant 0 : i32
      %dma_start3A_226 = tpu.memref_slice %arg10[%dma_start3A_224, %dma_start3A_225] : memref<10000x40xf32, #tpu.memory_space<vmem_shared>> -> memref<10000x40xf32, #tpu.memory_space<vmem_shared>>
      tpu.enqueue_indirect_dma source(%dma_start3A_220 : memref<125x40xf32, #tpu.memory_space<vmem>>) target(%dma_start3A_226 : memref<10000x40xf32, #tpu.memory_space<vmem_shared>>) offsets(%dma_start3A_223 : memref<125xi32, #tpu.memory_space<vmem>>) semaphore(%arg11 : memref<!tpu.dma_semaphore, #tpu.memory_space<semaphore_mem>>) {add = true}
      %ge3A = arith.constant 8 : i32
      %ge3A_227 = arith.cmpi sge, %add3A_204, %ge3A : i32
      %convert_element_type3A = arith.extui %ge3A_227 : i1 to i32
      %cond3A = arith.constant 0 : i32
      %cond3A_228 = arith.cmpi ne, %convert_element_type3A, %cond3A : i32
      scf.if %cond3A_228 {
        %dma_wait3A_805 = arith.constant 0 : i32
        %dma_wait3A_806 = arith.constant 0 : i32
        %dma_wait3A_807 = arith.constant 0 : i32
        %dma_wait3A_808 = tpu.memref_slice %arg9[%dma_wait3A_805, %dma_wait3A_806, %dma_wait3A_807] : memref<16x125x40xf32, #tpu.memory_space<vmem>> -> memref<1x125x40xf32, #tpu.memory_space<vmem>>
        %dma_wait3A_809 = tpu.memref_squeeze %dma_wait3A_808 : memref<1x125x40xf32, #tpu.memory_space<vmem>> -> memref<125x40xf32, #tpu.memory_space<vmem>>
        %dma_wait3A_810 = arith.constant 0 : i32
        %dma_wait3A_811 = tpu.memref_slice %arg8[%add3A_204, %dma_wait3A_810] : memref<80x125xi32, #tpu.memory_space<vmem>> -> memref<1x125xi32, #tpu.memory_space<vmem>>
        %dma_wait3A_812 = tpu.memref_squeeze %dma_wait3A_811 : memref<1x125xi32, #tpu.memory_space<vmem>> -> memref<125xi32, #tpu.memory_space<vmem>>
        %dma_wait3A_813 = arith.constant 0 : i32
        %dma_wait3A_814 = arith.constant 0 : i32
        %dma_wait3A_815 = tpu.memref_slice %arg10[%dma_wait3A_813, %dma_wait3A_814] : memref<10000x40xf32, #tpu.memory_space<vmem_shared>> -> memref<10000x40xf32, #tpu.memory_space<vmem_shared>>
        tpu.wait_indirect_dma semaphore(%arg11 : memref<!tpu.dma_semaphore, #tpu.memory_space<semaphore_mem>>) src(%dma_wait3A_809 : memref<125x40xf32, #tpu.memory_space<vmem>>) dst(%dma_wait3A_815 : memref<10000x40xf32, #tpu.memory_space<vmem_shared>>)
      } else {
      }
      %add3A_229 = arith.constant 8 : i32
      %add3A_230 = arith.addi %add3A_204, %add3A_229 : i32
      %lt3A = arith.constant 80 : i32
      %lt3A_231 = arith.cmpi slt, %add3A_230, %lt3A : i32
      %convert_element_type3A_232 = arith.extui %lt3A_231 : i1 to i32
      %cond3A_233 = arith.constant 0 : i32
      %cond3A_234 = arith.cmpi ne, %convert_element_type3A_232, %cond3A_233 : i32
      scf.if %cond3A_234 {
        %add3A_805 = arith.constant 8 : i32
        %add3A_806 = arith.addi %add3A_204, %add3A_805 : i32
        %dma_start3A_807 = arith.constant 8 : i32
        %dma_start3A_808 = arith.constant 0 : i32
        %dma_start3A_809 = arith.constant 0 : i32
        %dma_start3A_810 = tpu.memref_slice %arg9[%dma_start3A_807, %dma_start3A_808, %dma_start3A_809] : memref<16x125x40xf32, #tpu.memory_space<vmem>> -> memref<1x125x40xf32, #tpu.memory_space<vmem>>
        %dma_start3A_811 = tpu.memref_squeeze %dma_start3A_810 : memref<1x125x40xf32, #tpu.memory_space<vmem>> -> memref<125x40xf32, #tpu.memory_space<vmem>>
        %dma_start3A_812 = arith.constant 0 : i32
        %dma_start3A_813 = tpu.memref_slice %arg7[%add3A_806, %dma_start3A_812] : memref<80x125xi32, #tpu.memory_space<vmem>> -> memref<1x125xi32, #tpu.memory_space<vmem>>
        %dma_start3A_814 = tpu.memref_squeeze %dma_start3A_813 : memref<1x125xi32, #tpu.memory_space<vmem>> -> memref<125xi32, #tpu.memory_space<vmem>>
        %dma_start3A_815 = arith.constant 0 : i32
        %dma_start3A_816 = arith.constant 0 : i32
        %dma_start3A_817 = tpu.memref_slice %arg4[%dma_start3A_815, %dma_start3A_816] : memref<10000x40xf32, #tpu.memory_space<hbm>> -> memref<10000x40xf32, #tpu.memory_space<hbm>>
        tpu.enqueue_indirect_dma source(%dma_start3A_817 : memref<10000x40xf32, #tpu.memory_space<hbm>>) target(%dma_start3A_811 : memref<125x40xf32, #tpu.memory_space<vmem>>) offsets(%dma_start3A_814 : memref<125xi32, #tpu.memory_space<vmem>>) semaphore(%arg20 : memref<!tpu.dma_semaphore, #tpu.memory_space<semaphore_mem>>)
      } else {
      }
      %mul3A_235 = arith.constant 16 : i32
      %mul3A_236 = arith.muli %scan3A_200, %mul3A_235 : i32
      %add3A_237 = arith.constant 1 : i32
      %add3A_238 = arith.addi %mul3A_236, %add3A_237 : i32
      %dma_wait3A_239 = arith.constant 1 : i32
      %dma_wait3A_240 = arith.constant 0 : i32
      %dma_wait3A_241 = arith.constant 0 : i32
      %dma_wait3A_242 = tpu.memref_slice %arg9[%dma_wait3A_239, %dma_wait3A_240, %dma_wait3A_241] : memref<16x125x40xf32, #tpu.memory_space<vmem>> -> memref<1x125x40xf32, #tpu.memory_space<vmem>>
      %dma_wait3A_243 = tpu.memref_squeeze %dma_wait3A_242 : memref<1x125x40xf32, #tpu.memory_space<vmem>> -> memref<125x40xf32, #tpu.memory_space<vmem>>
      %dma_wait3A_244 = arith.constant 0 : i32
      %dma_wait3A_245 = tpu.memref_slice %arg7[%add3A_238, %dma_wait3A_244] : memref<80x125xi32, #tpu.memory_space<vmem>> -> memref<1x125xi32, #tpu.memory_space<vmem>>
      %dma_wait3A_246 = tpu.memref_squeeze %dma_wait3A_245 : memref<1x125xi32, #tpu.memory_space<vmem>> -> memref<125xi32, #tpu.memory_space<vmem>>
      %dma_wait3A_247 = arith.constant 0 : i32
      %dma_wait3A_248 = arith.constant 0 : i32
      %dma_wait3A_249 = tpu.memref_slice %arg4[%dma_wait3A_247, %dma_wait3A_248] : memref<10000x40xf32, #tpu.memory_space<hbm>> -> memref<10000x40xf32, #tpu.memory_space<hbm>>
      tpu.wait_indirect_dma semaphore(%arg13 : memref<!tpu.dma_semaphore, #tpu.memory_space<semaphore_mem>>) src(%dma_wait3A_249 : memref<10000x40xf32, #tpu.memory_space<hbm>>) dst(%dma_wait3A_243 : memref<125x40xf32, #tpu.memory_space<vmem>>)
      %dma_start3A_250 = arith.constant 1 : i32
      %dma_start3A_251 = arith.constant 0 : i32
      %dma_start3A_252 = arith.constant 0 : i32
      %dma_start3A_253 = tpu.memref_slice %arg9[%dma_start3A_250, %dma_start3A_251, %dma_start3A_252] : memref<16x125x40xf32, #tpu.memory_space<vmem>> -> memref<1x125x40xf32, #tpu.memory_space<vmem>>
      %dma_start3A_254 = tpu.memref_squeeze %dma_start3A_253 : memref<1x125x40xf32, #tpu.memory_space<vmem>> -> memref<125x40xf32, #tpu.memory_space<vmem>>
      %dma_start3A_255 = arith.constant 0 : i32
      %dma_start3A_256 = tpu.memref_slice %arg8[%add3A_238, %dma_start3A_255] : memref<80x125xi32, #tpu.memory_space<vmem>> -> memref<1x125xi32, #tpu.memory_space<vmem>>
      %dma_start3A_257 = tpu.memref_squeeze %dma_start3A_256 : memref<1x125xi32, #tpu.memory_space<vmem>> -> memref<125xi32, #tpu.memory_space<vmem>>
      %dma_start3A_258 = arith.constant 0 : i32
      %dma_start3A_259 = arith.constant 0 : i32
      %dma_start3A_260 = tpu.memref_slice %arg10[%dma_start3A_258, %dma_start3A_259] : memref<10000x40xf32, #tpu.memory_space<vmem_shared>> -> memref<10000x40xf32, #tpu.memory_space<vmem_shared>>
      tpu.enqueue_indirect_dma source(%dma_start3A_254 : memref<125x40xf32, #tpu.memory_space<vmem>>) target(%dma_start3A_260 : memref<10000x40xf32, #tpu.memory_space<vmem_shared>>) offsets(%dma_start3A_257 : memref<125xi32, #tpu.memory_space<vmem>>) semaphore(%arg11 : memref<!tpu.dma_semaphore, #tpu.memory_space<semaphore_mem>>) {add = true}
      %ge3A_261 = arith.constant 8 : i32
      %ge3A_262 = arith.cmpi sge, %add3A_238, %ge3A_261 : i32
      %convert_element_type3A_263 = arith.extui %ge3A_262 : i1 to i32
      %cond3A_264 = arith.constant 0 : i32
      %cond3A_265 = arith.cmpi ne, %convert_element_type3A_263, %cond3A_264 : i32
      scf.if %cond3A_265 {
        %dma_wait3A_805 = arith.constant 1 : i32
        %dma_wait3A_806 = arith.constant 0 : i32
        %dma_wait3A_807 = arith.constant 0 : i32
        %dma_wait3A_808 = tpu.memref_slice %arg9[%dma_wait3A_805, %dma_wait3A_806, %dma_wait3A_807] : memref<16x125x40xf32, #tpu.memory_space<vmem>> -> memref<1x125x40xf32, #tpu.memory_space<vmem>>
        %dma_wait3A_809 = tpu.memref_squeeze %dma_wait3A_808 : memref<1x125x40xf32, #tpu.memory_space<vmem>> -> memref<125x40xf32, #tpu.memory_space<vmem>>
        %dma_wait3A_810 = arith.constant 0 : i32
        %dma_wait3A_811 = tpu.memref_slice %arg8[%add3A_238, %dma_wait3A_810] : memref<80x125xi32, #tpu.memory_space<vmem>> -> memref<1x125xi32, #tpu.memory_space<vmem>>
        %dma_wait3A_812 = tpu.memref_squeeze %dma_wait3A_811 : memref<1x125xi32, #tpu.memory_space<vmem>> -> memref<125xi32, #tpu.memory_space<vmem>>
        %dma_wait3A_813 = arith.constant 0 : i32
        %dma_wait3A_814 = arith.constant 0 : i32
        %dma_wait3A_815 = tpu.memref_slice %arg10[%dma_wait3A_813, %dma_wait3A_814] : memref<10000x40xf32, #tpu.memory_space<vmem_shared>> -> memref<10000x40xf32, #tpu.memory_space<vmem_shared>>
        tpu.wait_indirect_dma semaphore(%arg11 : memref<!tpu.dma_semaphore, #tpu.memory_space<semaphore_mem>>) src(%dma_wait3A_809 : memref<125x40xf32, #tpu.memory_space<vmem>>) dst(%dma_wait3A_815 : memref<10000x40xf32, #tpu.memory_space<vmem_shared>>)
      } else {
      }
      %add3A_266 = arith.constant 8 : i32
      %add3A_267 = arith.addi %add3A_238, %add3A_266 : i32
      %lt3A_268 = arith.constant 80 : i32
      %lt3A_269 = arith.cmpi slt, %add3A_267, %lt3A_268 : i32
      %convert_element_type3A_270 = arith.extui %lt3A_269 : i1 to i32
      %cond3A_271 = arith.constant 0 : i32
      %cond3A_272 = arith.cmpi ne, %convert_element_type3A_270, %cond3A_271 : i32
      scf.if %cond3A_272 {
        %add3A_805 = arith.constant 8 : i32
        %add3A_806 = arith.addi %add3A_238, %add3A_805 : i32
        %dma_start3A_807 = arith.constant 9 : i32
        %dma_start3A_808 = arith.constant 0 : i32
        %dma_start3A_809 = arith.constant 0 : i32
        %dma_start3A_810 = tpu.memref_slice %arg9[%dma_start3A_807, %dma_start3A_808, %dma_start3A_809] : memref<16x125x40xf32, #tpu.memory_space<vmem>> -> memref<1x125x40xf32, #tpu.memory_space<vmem>>
        %dma_start3A_811 = tpu.memref_squeeze %dma_start3A_810 : memref<1x125x40xf32, #tpu.memory_space<vmem>> -> memref<125x40xf32, #tpu.memory_space<vmem>>
        %dma_start3A_812 = arith.constant 0 : i32
        %dma_start3A_813 = tpu.memref_slice %arg7[%add3A_806, %dma_start3A_812] : memref<80x125xi32, #tpu.memory_space<vmem>> -> memref<1x125xi32, #tpu.memory_space<vmem>>
        %dma_start3A_814 = tpu.memref_squeeze %dma_start3A_813 : memref<1x125xi32, #tpu.memory_space<vmem>> -> memref<125xi32, #tpu.memory_space<vmem>>
        %dma_start3A_815 = arith.constant 0 : i32
        %dma_start3A_816 = arith.constant 0 : i32
        %dma_start3A_817 = tpu.memref_slice %arg4[%dma_start3A_815, %dma_start3A_816] : memref<10000x40xf32, #tpu.memory_space<hbm>> -> memref<10000x40xf32, #tpu.memory_space<hbm>>
        tpu.enqueue_indirect_dma source(%dma_start3A_817 : memref<10000x40xf32, #tpu.memory_space<hbm>>) target(%dma_start3A_811 : memref<125x40xf32, #tpu.memory_space<vmem>>) offsets(%dma_start3A_814 : memref<125xi32, #tpu.memory_space<vmem>>) semaphore(%arg21 : memref<!tpu.dma_semaphore, #tpu.memory_space<semaphore_mem>>)
      } else {
      }
      %mul3A_273 = arith.constant 16 : i32
      %mul3A_274 = arith.muli %scan3A_200, %mul3A_273 : i32
      %add3A_275 = arith.constant 2 : i32
      %add3A_276 = arith.addi %mul3A_274, %add3A_275 : i32
      %dma_wait3A_277 = arith.constant 2 : i32
      %dma_wait3A_278 = arith.constant 0 : i32
      %dma_wait3A_279 = arith.constant 0 : i32
      %dma_wait3A_280 = tpu.memref_slice %arg9[%dma_wait3A_277, %dma_wait3A_278, %dma_wait3A_279] : memref<16x125x40xf32, #tpu.memory_space<vmem>> -> memref<1x125x40xf32, #tpu.memory_space<vmem>>
      %dma_wait3A_281 = tpu.memref_squeeze %dma_wait3A_280 : memref<1x125x40xf32, #tpu.memory_space<vmem>> -> memref<125x40xf32, #tpu.memory_space<vmem>>
      %dma_wait3A_282 = arith.constant 0 : i32
      %dma_wait3A_283 = tpu.memref_slice %arg7[%add3A_276, %dma_wait3A_282] : memref<80x125xi32, #tpu.memory_space<vmem>> -> memref<1x125xi32, #tpu.memory_space<vmem>>
      %dma_wait3A_284 = tpu.memref_squeeze %dma_wait3A_283 : memref<1x125xi32, #tpu.memory_space<vmem>> -> memref<125xi32, #tpu.memory_space<vmem>>
      %dma_wait3A_285 = arith.constant 0 : i32
      %dma_wait3A_286 = arith.constant 0 : i32
      %dma_wait3A_287 = tpu.memref_slice %arg4[%dma_wait3A_285, %dma_wait3A_286] : memref<10000x40xf32, #tpu.memory_space<hbm>> -> memref<10000x40xf32, #tpu.memory_space<hbm>>
      tpu.wait_indirect_dma semaphore(%arg14 : memref<!tpu.dma_semaphore, #tpu.memory_space<semaphore_mem>>) src(%dma_wait3A_287 : memref<10000x40xf32, #tpu.memory_space<hbm>>) dst(%dma_wait3A_281 : memref<125x40xf32, #tpu.memory_space<vmem>>)
      %dma_start3A_288 = arith.constant 2 : i32
      %dma_start3A_289 = arith.constant 0 : i32
      %dma_start3A_290 = arith.constant 0 : i32
      %dma_start3A_291 = tpu.memref_slice %arg9[%dma_start3A_288, %dma_start3A_289, %dma_start3A_290] : memref<16x125x40xf32, #tpu.memory_space<vmem>> -> memref<1x125x40xf32, #tpu.memory_space<vmem>>
      %dma_start3A_292 = tpu.memref_squeeze %dma_start3A_291 : memref<1x125x40xf32, #tpu.memory_space<vmem>> -> memref<125x40xf32, #tpu.memory_space<vmem>>
      %dma_start3A_293 = arith.constant 0 : i32
      %dma_start3A_294 = tpu.memref_slice %arg8[%add3A_276, %dma_start3A_293] : memref<80x125xi32, #tpu.memory_space<vmem>> -> memref<1x125xi32, #tpu.memory_space<vmem>>
      %dma_start3A_295 = tpu.memref_squeeze %dma_start3A_294 : memref<1x125xi32, #tpu.memory_space<vmem>> -> memref<125xi32, #tpu.memory_space<vmem>>
      %dma_start3A_296 = arith.constant 0 : i32
      %dma_start3A_297 = arith.constant 0 : i32
      %dma_start3A_298 = tpu.memref_slice %arg10[%dma_start3A_296, %dma_start3A_297] : memref<10000x40xf32, #tpu.memory_space<vmem_shared>> -> memref<10000x40xf32, #tpu.memory_space<vmem_shared>>
      tpu.enqueue_indirect_dma source(%dma_start3A_292 : memref<125x40xf32, #tpu.memory_space<vmem>>) target(%dma_start3A_298 : memref<10000x40xf32, #tpu.memory_space<vmem_shared>>) offsets(%dma_start3A_295 : memref<125xi32, #tpu.memory_space<vmem>>) semaphore(%arg11 : memref<!tpu.dma_semaphore, #tpu.memory_space<semaphore_mem>>) {add = true}
      %ge3A_299 = arith.constant 8 : i32
      %ge3A_300 = arith.cmpi sge, %add3A_276, %ge3A_299 : i32
      %convert_element_type3A_301 = arith.extui %ge3A_300 : i1 to i32
      %cond3A_302 = arith.constant 0 : i32
      %cond3A_303 = arith.cmpi ne, %convert_element_type3A_301, %cond3A_302 : i32
      scf.if %cond3A_303 {
        %dma_wait3A_805 = arith.constant 2 : i32
        %dma_wait3A_806 = arith.constant 0 : i32
        %dma_wait3A_807 = arith.constant 0 : i32
        %dma_wait3A_808 = tpu.memref_slice %arg9[%dma_wait3A_805, %dma_wait3A_806, %dma_wait3A_807] : memref<16x125x40xf32, #tpu.memory_space<vmem>> -> memref<1x125x40xf32, #tpu.memory_space<vmem>>
        %dma_wait3A_809 = tpu.memref_squeeze %dma_wait3A_808 : memref<1x125x40xf32, #tpu.memory_space<vmem>> -> memref<125x40xf32, #tpu.memory_space<vmem>>
        %dma_wait3A_810 = arith.constant 0 : i32
        %dma_wait3A_811 = tpu.memref_slice %arg8[%add3A_276, %dma_wait3A_810] : memref<80x125xi32, #tpu.memory_space<vmem>> -> memref<1x125xi32, #tpu.memory_space<vmem>>
        %dma_wait3A_812 = tpu.memref_squeeze %dma_wait3A_811 : memref<1x125xi32, #tpu.memory_space<vmem>> -> memref<125xi32, #tpu.memory_space<vmem>>
        %dma_wait3A_813 = arith.constant 0 : i32
        %dma_wait3A_814 = arith.constant 0 : i32
        %dma_wait3A_815 = tpu.memref_slice %arg10[%dma_wait3A_813, %dma_wait3A_814] : memref<10000x40xf32, #tpu.memory_space<vmem_shared>> -> memref<10000x40xf32, #tpu.memory_space<vmem_shared>>
        tpu.wait_indirect_dma semaphore(%arg11 : memref<!tpu.dma_semaphore, #tpu.memory_space<semaphore_mem>>) src(%dma_wait3A_809 : memref<125x40xf32, #tpu.memory_space<vmem>>) dst(%dma_wait3A_815 : memref<10000x40xf32, #tpu.memory_space<vmem_shared>>)
      } else {
      }
      %add3A_304 = arith.constant 8 : i32
      %add3A_305 = arith.addi %add3A_276, %add3A_304 : i32
      %lt3A_306 = arith.constant 80 : i32
      %lt3A_307 = arith.cmpi slt, %add3A_305, %lt3A_306 : i32
      %convert_element_type3A_308 = arith.extui %lt3A_307 : i1 to i32
      %cond3A_309 = arith.constant 0 : i32
      %cond3A_310 = arith.cmpi ne, %convert_element_type3A_308, %cond3A_309 : i32
      scf.if %cond3A_310 {
        %add3A_805 = arith.constant 8 : i32
        %add3A_806 = arith.addi %add3A_276, %add3A_805 : i32
        %dma_start3A_807 = arith.constant 10 : i32
        %dma_start3A_808 = arith.constant 0 : i32
        %dma_start3A_809 = arith.constant 0 : i32
        %dma_start3A_810 = tpu.memref_slice %arg9[%dma_start3A_807, %dma_start3A_808, %dma_start3A_809] : memref<16x125x40xf32, #tpu.memory_space<vmem>> -> memref<1x125x40xf32, #tpu.memory_space<vmem>>
        %dma_start3A_811 = tpu.memref_squeeze %dma_start3A_810 : memref<1x125x40xf32, #tpu.memory_space<vmem>> -> memref<125x40xf32, #tpu.memory_space<vmem>>
        %dma_start3A_812 = arith.constant 0 : i32
        %dma_start3A_813 = tpu.memref_slice %arg7[%add3A_806, %dma_start3A_812] : memref<80x125xi32, #tpu.memory_space<vmem>> -> memref<1x125xi32, #tpu.memory_space<vmem>>
        %dma_start3A_814 = tpu.memref_squeeze %dma_start3A_813 : memref<1x125xi32, #tpu.memory_space<vmem>> -> memref<125xi32, #tpu.memory_space<vmem>>
        %dma_start3A_815 = arith.constant 0 : i32
        %dma_start3A_816 = arith.constant 0 : i32
        %dma_start3A_817 = tpu.memref_slice %arg4[%dma_start3A_815, %dma_start3A_816] : memref<10000x40xf32, #tpu.memory_space<hbm>> -> memref<10000x40xf32, #tpu.memory_space<hbm>>
        tpu.enqueue_indirect_dma source(%dma_start3A_817 : memref<10000x40xf32, #tpu.memory_space<hbm>>) target(%dma_start3A_811 : memref<125x40xf32, #tpu.memory_space<vmem>>) offsets(%dma_start3A_814 : memref<125xi32, #tpu.memory_space<vmem>>) semaphore(%arg22 : memref<!tpu.dma_semaphore, #tpu.memory_space<semaphore_mem>>)
      } else {
      }
      %mul3A_311 = arith.constant 16 : i32
      %mul3A_312 = arith.muli %scan3A_200, %mul3A_311 : i32
      %add3A_313 = arith.constant 3 : i32
      %add3A_314 = arith.addi %mul3A_312, %add3A_313 : i32
      %dma_wait3A_315 = arith.constant 3 : i32
      %dma_wait3A_316 = arith.constant 0 : i32
      %dma_wait3A_317 = arith.constant 0 : i32
      %dma_wait3A_318 = tpu.memref_slice %arg9[%dma_wait3A_315, %dma_wait3A_316, %dma_wait3A_317] : memref<16x125x40xf32, #tpu.memory_space<vmem>> -> memref<1x125x40xf32, #tpu.memory_space<vmem>>
      %dma_wait3A_319 = tpu.memref_squeeze %dma_wait3A_318 : memref<1x125x40xf32, #tpu.memory_space<vmem>> -> memref<125x40xf32, #tpu.memory_space<vmem>>
      %dma_wait3A_320 = arith.constant 0 : i32
      %dma_wait3A_321 = tpu.memref_slice %arg7[%add3A_314, %dma_wait3A_320] : memref<80x125xi32, #tpu.memory_space<vmem>> -> memref<1x125xi32, #tpu.memory_space<vmem>>
      %dma_wait3A_322 = tpu.memref_squeeze %dma_wait3A_321 : memref<1x125xi32, #tpu.memory_space<vmem>> -> memref<125xi32, #tpu.memory_space<vmem>>
      %dma_wait3A_323 = arith.constant 0 : i32
      %dma_wait3A_324 = arith.constant 0 : i32
      %dma_wait3A_325 = tpu.memref_slice %arg4[%dma_wait3A_323, %dma_wait3A_324] : memref<10000x40xf32, #tpu.memory_space<hbm>> -> memref<10000x40xf32, #tpu.memory_space<hbm>>
      tpu.wait_indirect_dma semaphore(%arg15 : memref<!tpu.dma_semaphore, #tpu.memory_space<semaphore_mem>>) src(%dma_wait3A_325 : memref<10000x40xf32, #tpu.memory_space<hbm>>) dst(%dma_wait3A_319 : memref<125x40xf32, #tpu.memory_space<vmem>>)
      %dma_start3A_326 = arith.constant 3 : i32
      %dma_start3A_327 = arith.constant 0 : i32
      %dma_start3A_328 = arith.constant 0 : i32
      %dma_start3A_329 = tpu.memref_slice %arg9[%dma_start3A_326, %dma_start3A_327, %dma_start3A_328] : memref<16x125x40xf32, #tpu.memory_space<vmem>> -> memref<1x125x40xf32, #tpu.memory_space<vmem>>
      %dma_start3A_330 = tpu.memref_squeeze %dma_start3A_329 : memref<1x125x40xf32, #tpu.memory_space<vmem>> -> memref<125x40xf32, #tpu.memory_space<vmem>>
      %dma_start3A_331 = arith.constant 0 : i32
      %dma_start3A_332 = tpu.memref_slice %arg8[%add3A_314, %dma_start3A_331] : memref<80x125xi32, #tpu.memory_space<vmem>> -> memref<1x125xi32, #tpu.memory_space<vmem>>
      %dma_start3A_333 = tpu.memref_squeeze %dma_start3A_332 : memref<1x125xi32, #tpu.memory_space<vmem>> -> memref<125xi32, #tpu.memory_space<vmem>>
      %dma_start3A_334 = arith.constant 0 : i32
      %dma_start3A_335 = arith.constant 0 : i32
      %dma_start3A_336 = tpu.memref_slice %arg10[%dma_start3A_334, %dma_start3A_335] : memref<10000x40xf32, #tpu.memory_space<vmem_shared>> -> memref<10000x40xf32, #tpu.memory_space<vmem_shared>>
      tpu.enqueue_indirect_dma source(%dma_start3A_330 : memref<125x40xf32, #tpu.memory_space<vmem>>) target(%dma_start3A_336 : memref<10000x40xf32, #tpu.memory_space<vmem_shared>>) offsets(%dma_start3A_333 : memref<125xi32, #tpu.memory_space<vmem>>) semaphore(%arg11 : memref<!tpu.dma_semaphore, #tpu.memory_space<semaphore_mem>>) {add = true}
      %ge3A_337 = arith.constant 8 : i32
      %ge3A_338 = arith.cmpi sge, %add3A_314, %ge3A_337 : i32
      %convert_element_type3A_339 = arith.extui %ge3A_338 : i1 to i32
      %cond3A_340 = arith.constant 0 : i32
      %cond3A_341 = arith.cmpi ne, %convert_element_type3A_339, %cond3A_340 : i32
      scf.if %cond3A_341 {
        %dma_wait3A_805 = arith.constant 3 : i32
        %dma_wait3A_806 = arith.constant 0 : i32
        %dma_wait3A_807 = arith.constant 0 : i32
        %dma_wait3A_808 = tpu.memref_slice %arg9[%dma_wait3A_805, %dma_wait3A_806, %dma_wait3A_807] : memref<16x125x40xf32, #tpu.memory_space<vmem>> -> memref<1x125x40xf32, #tpu.memory_space<vmem>>
        %dma_wait3A_809 = tpu.memref_squeeze %dma_wait3A_808 : memref<1x125x40xf32, #tpu.memory_space<vmem>> -> memref<125x40xf32, #tpu.memory_space<vmem>>
        %dma_wait3A_810 = arith.constant 0 : i32
        %dma_wait3A_811 = tpu.memref_slice %arg8[%add3A_314, %dma_wait3A_810] : memref<80x125xi32, #tpu.memory_space<vmem>> -> memref<1x125xi32, #tpu.memory_space<vmem>>
        %dma_wait3A_812 = tpu.memref_squeeze %dma_wait3A_811 : memref<1x125xi32, #tpu.memory_space<vmem>> -> memref<125xi32, #tpu.memory_space<vmem>>
        %dma_wait3A_813 = arith.constant 0 : i32
        %dma_wait3A_814 = arith.constant 0 : i32
        %dma_wait3A_815 = tpu.memref_slice %arg10[%dma_wait3A_813, %dma_wait3A_814] : memref<10000x40xf32, #tpu.memory_space<vmem_shared>> -> memref<10000x40xf32, #tpu.memory_space<vmem_shared>>
        tpu.wait_indirect_dma semaphore(%arg11 : memref<!tpu.dma_semaphore, #tpu.memory_space<semaphore_mem>>) src(%dma_wait3A_809 : memref<125x40xf32, #tpu.memory_space<vmem>>) dst(%dma_wait3A_815 : memref<10000x40xf32, #tpu.memory_space<vmem_shared>>)
      } else {
      }
      %add3A_342 = arith.constant 8 : i32
      %add3A_343 = arith.addi %add3A_314, %add3A_342 : i32
      %lt3A_344 = arith.constant 80 : i32
      %lt3A_345 = arith.cmpi slt, %add3A_343, %lt3A_344 : i32
      %convert_element_type3A_346 = arith.extui %lt3A_345 : i1 to i32
      %cond3A_347 = arith.constant 0 : i32
      %cond3A_348 = arith.cmpi ne, %convert_element_type3A_346, %cond3A_347 : i32
      scf.if %cond3A_348 {
        %add3A_805 = arith.constant 8 : i32
        %add3A_806 = arith.addi %add3A_314, %add3A_805 : i32
        %dma_start3A_807 = arith.constant 11 : i32
        %dma_start3A_808 = arith.constant 0 : i32
        %dma_start3A_809 = arith.constant 0 : i32
        %dma_start3A_810 = tpu.memref_slice %arg9[%dma_start3A_807, %dma_start3A_808, %dma_start3A_809] : memref<16x125x40xf32, #tpu.memory_space<vmem>> -> memref<1x125x40xf32, #tpu.memory_space<vmem>>
        %dma_start3A_811 = tpu.memref_squeeze %dma_start3A_810 : memref<1x125x40xf32, #tpu.memory_space<vmem>> -> memref<125x40xf32, #tpu.memory_space<vmem>>
        %dma_start3A_812 = arith.constant 0 : i32
        %dma_start3A_813 = tpu.memref_slice %arg7[%add3A_806, %dma_start3A_812] : memref<80x125xi32, #tpu.memory_space<vmem>> -> memref<1x125xi32, #tpu.memory_space<vmem>>
        %dma_start3A_814 = tpu.memref_squeeze %dma_start3A_813 : memref<1x125xi32, #tpu.memory_space<vmem>> -> memref<125xi32, #tpu.memory_space<vmem>>
        %dma_start3A_815 = arith.constant 0 : i32
        %dma_start3A_816 = arith.constant 0 : i32
        %dma_start3A_817 = tpu.memref_slice %arg4[%dma_start3A_815, %dma_start3A_816] : memref<10000x40xf32, #tpu.memory_space<hbm>> -> memref<10000x40xf32, #tpu.memory_space<hbm>>
        tpu.enqueue_indirect_dma source(%dma_start3A_817 : memref<10000x40xf32, #tpu.memory_space<hbm>>) target(%dma_start3A_811 : memref<125x40xf32, #tpu.memory_space<vmem>>) offsets(%dma_start3A_814 : memref<125xi32, #tpu.memory_space<vmem>>) semaphore(%arg23 : memref<!tpu.dma_semaphore, #tpu.memory_space<semaphore_mem>>)
      } else {
      }
      %mul3A_349 = arith.constant 16 : i32
      %mul3A_350 = arith.muli %scan3A_200, %mul3A_349 : i32
      %add3A_351 = arith.constant 4 : i32
      %add3A_352 = arith.addi %mul3A_350, %add3A_351 : i32
      %dma_wait3A_353 = arith.constant 4 : i32
      %dma_wait3A_354 = arith.constant 0 : i32
      %dma_wait3A_355 = arith.constant 0 : i32
      %dma_wait3A_356 = tpu.memref_slice %arg9[%dma_wait3A_353, %dma_wait3A_354, %dma_wait3A_355] : memref<16x125x40xf32, #tpu.memory_space<vmem>> -> memref<1x125x40xf32, #tpu.memory_space<vmem>>
      %dma_wait3A_357 = tpu.memref_squeeze %dma_wait3A_356 : memref<1x125x40xf32, #tpu.memory_space<vmem>> -> memref<125x40xf32, #tpu.memory_space<vmem>>
      %dma_wait3A_358 = arith.constant 0 : i32
      %dma_wait3A_359 = tpu.memref_slice %arg7[%add3A_352, %dma_wait3A_358] : memref<80x125xi32, #tpu.memory_space<vmem>> -> memref<1x125xi32, #tpu.memory_space<vmem>>
      %dma_wait3A_360 = tpu.memref_squeeze %dma_wait3A_359 : memref<1x125xi32, #tpu.memory_space<vmem>> -> memref<125xi32, #tpu.memory_space<vmem>>
      %dma_wait3A_361 = arith.constant 0 : i32
      %dma_wait3A_362 = arith.constant 0 : i32
      %dma_wait3A_363 = tpu.memref_slice %arg4[%dma_wait3A_361, %dma_wait3A_362] : memref<10000x40xf32, #tpu.memory_space<hbm>> -> memref<10000x40xf32, #tpu.memory_space<hbm>>
      tpu.wait_indirect_dma semaphore(%arg16 : memref<!tpu.dma_semaphore, #tpu.memory_space<semaphore_mem>>) src(%dma_wait3A_363 : memref<10000x40xf32, #tpu.memory_space<hbm>>) dst(%dma_wait3A_357 : memref<125x40xf32, #tpu.memory_space<vmem>>)
      %dma_start3A_364 = arith.constant 4 : i32
      %dma_start3A_365 = arith.constant 0 : i32
      %dma_start3A_366 = arith.constant 0 : i32
      %dma_start3A_367 = tpu.memref_slice %arg9[%dma_start3A_364, %dma_start3A_365, %dma_start3A_366] : memref<16x125x40xf32, #tpu.memory_space<vmem>> -> memref<1x125x40xf32, #tpu.memory_space<vmem>>
      %dma_start3A_368 = tpu.memref_squeeze %dma_start3A_367 : memref<1x125x40xf32, #tpu.memory_space<vmem>> -> memref<125x40xf32, #tpu.memory_space<vmem>>
      %dma_start3A_369 = arith.constant 0 : i32
      %dma_start3A_370 = tpu.memref_slice %arg8[%add3A_352, %dma_start3A_369] : memref<80x125xi32, #tpu.memory_space<vmem>> -> memref<1x125xi32, #tpu.memory_space<vmem>>
      %dma_start3A_371 = tpu.memref_squeeze %dma_start3A_370 : memref<1x125xi32, #tpu.memory_space<vmem>> -> memref<125xi32, #tpu.memory_space<vmem>>
      %dma_start3A_372 = arith.constant 0 : i32
      %dma_start3A_373 = arith.constant 0 : i32
      %dma_start3A_374 = tpu.memref_slice %arg10[%dma_start3A_372, %dma_start3A_373] : memref<10000x40xf32, #tpu.memory_space<vmem_shared>> -> memref<10000x40xf32, #tpu.memory_space<vmem_shared>>
      tpu.enqueue_indirect_dma source(%dma_start3A_368 : memref<125x40xf32, #tpu.memory_space<vmem>>) target(%dma_start3A_374 : memref<10000x40xf32, #tpu.memory_space<vmem_shared>>) offsets(%dma_start3A_371 : memref<125xi32, #tpu.memory_space<vmem>>) semaphore(%arg11 : memref<!tpu.dma_semaphore, #tpu.memory_space<semaphore_mem>>) {add = true}
      %ge3A_375 = arith.constant 8 : i32
      %ge3A_376 = arith.cmpi sge, %add3A_352, %ge3A_375 : i32
      %convert_element_type3A_377 = arith.extui %ge3A_376 : i1 to i32
      %cond3A_378 = arith.constant 0 : i32
      %cond3A_379 = arith.cmpi ne, %convert_element_type3A_377, %cond3A_378 : i32
      scf.if %cond3A_379 {
        %dma_wait3A_805 = arith.constant 4 : i32
        %dma_wait3A_806 = arith.constant 0 : i32
        %dma_wait3A_807 = arith.constant 0 : i32
        %dma_wait3A_808 = tpu.memref_slice %arg9[%dma_wait3A_805, %dma_wait3A_806, %dma_wait3A_807] : memref<16x125x40xf32, #tpu.memory_space<vmem>> -> memref<1x125x40xf32, #tpu.memory_space<vmem>>
        %dma_wait3A_809 = tpu.memref_squeeze %dma_wait3A_808 : memref<1x125x40xf32, #tpu.memory_space<vmem>> -> memref<125x40xf32, #tpu.memory_space<vmem>>
        %dma_wait3A_810 = arith.constant 0 : i32
        %dma_wait3A_811 = tpu.memref_slice %arg8[%add3A_352, %dma_wait3A_810] : memref<80x125xi32, #tpu.memory_space<vmem>> -> memref<1x125xi32, #tpu.memory_space<vmem>>
        %dma_wait3A_812 = tpu.memref_squeeze %dma_wait3A_811 : memref<1x125xi32, #tpu.memory_space<vmem>> -> memref<125xi32, #tpu.memory_space<vmem>>
        %dma_wait3A_813 = arith.constant 0 : i32
        %dma_wait3A_814 = arith.constant 0 : i32
        %dma_wait3A_815 = tpu.memref_slice %arg10[%dma_wait3A_813, %dma_wait3A_814] : memref<10000x40xf32, #tpu.memory_space<vmem_shared>> -> memref<10000x40xf32, #tpu.memory_space<vmem_shared>>
        tpu.wait_indirect_dma semaphore(%arg11 : memref<!tpu.dma_semaphore, #tpu.memory_space<semaphore_mem>>) src(%dma_wait3A_809 : memref<125x40xf32, #tpu.memory_space<vmem>>) dst(%dma_wait3A_815 : memref<10000x40xf32, #tpu.memory_space<vmem_shared>>)
      } else {
      }
      %add3A_380 = arith.constant 8 : i32
      %add3A_381 = arith.addi %add3A_352, %add3A_380 : i32
      %lt3A_382 = arith.constant 80 : i32
      %lt3A_383 = arith.cmpi slt, %add3A_381, %lt3A_382 : i32
      %convert_element_type3A_384 = arith.extui %lt3A_383 : i1 to i32
      %cond3A_385 = arith.constant 0 : i32
      %cond3A_386 = arith.cmpi ne, %convert_element_type3A_384, %cond3A_385 : i32
      scf.if %cond3A_386 {
        %add3A_805 = arith.constant 8 : i32
        %add3A_806 = arith.addi %add3A_352, %add3A_805 : i32
        %dma_start3A_807 = arith.constant 12 : i32
        %dma_start3A_808 = arith.constant 0 : i32
        %dma_start3A_809 = arith.constant 0 : i32
        %dma_start3A_810 = tpu.memref_slice %arg9[%dma_start3A_807, %dma_start3A_808, %dma_start3A_809] : memref<16x125x40xf32, #tpu.memory_space<vmem>> -> memref<1x125x40xf32, #tpu.memory_space<vmem>>
        %dma_start3A_811 = tpu.memref_squeeze %dma_start3A_810 : memref<1x125x40xf32, #tpu.memory_space<vmem>> -> memref<125x40xf32, #tpu.memory_space<vmem>>
        %dma_start3A_812 = arith.constant 0 : i32
        %dma_start3A_813 = tpu.memref_slice %arg7[%add3A_806, %dma_start3A_812] : memref<80x125xi32, #tpu.memory_space<vmem>> -> memref<1x125xi32, #tpu.memory_space<vmem>>
        %dma_start3A_814 = tpu.memref_squeeze %dma_start3A_813 : memref<1x125xi32, #tpu.memory_space<vmem>> -> memref<125xi32, #tpu.memory_space<vmem>>
        %dma_start3A_815 = arith.constant 0 : i32
        %dma_start3A_816 = arith.constant 0 : i32
        %dma_start3A_817 = tpu.memref_slice %arg4[%dma_start3A_815, %dma_start3A_816] : memref<10000x40xf32, #tpu.memory_space<hbm>> -> memref<10000x40xf32, #tpu.memory_space<hbm>>
        tpu.enqueue_indirect_dma source(%dma_start3A_817 : memref<10000x40xf32, #tpu.memory_space<hbm>>) target(%dma_start3A_811 : memref<125x40xf32, #tpu.memory_space<vmem>>) offsets(%dma_start3A_814 : memref<125xi32, #tpu.memory_space<vmem>>) semaphore(%arg24 : memref<!tpu.dma_semaphore, #tpu.memory_space<semaphore_mem>>)
      } else {
      }
      %mul3A_387 = arith.constant 16 : i32
      %mul3A_388 = arith.muli %scan3A_200, %mul3A_387 : i32
      %add3A_389 = arith.constant 5 : i32
      %add3A_390 = arith.addi %mul3A_388, %add3A_389 : i32
      %dma_wait3A_391 = arith.constant 5 : i32
      %dma_wait3A_392 = arith.constant 0 : i32
      %dma_wait3A_393 = arith.constant 0 : i32
      %dma_wait3A_394 = tpu.memref_slice %arg9[%dma_wait3A_391, %dma_wait3A_392, %dma_wait3A_393] : memref<16x125x40xf32, #tpu.memory_space<vmem>> -> memref<1x125x40xf32, #tpu.memory_space<vmem>>
      %dma_wait3A_395 = tpu.memref_squeeze %dma_wait3A_394 : memref<1x125x40xf32, #tpu.memory_space<vmem>> -> memref<125x40xf32, #tpu.memory_space<vmem>>
      %dma_wait3A_396 = arith.constant 0 : i32
      %dma_wait3A_397 = tpu.memref_slice %arg7[%add3A_390, %dma_wait3A_396] : memref<80x125xi32, #tpu.memory_space<vmem>> -> memref<1x125xi32, #tpu.memory_space<vmem>>
      %dma_wait3A_398 = tpu.memref_squeeze %dma_wait3A_397 : memref<1x125xi32, #tpu.memory_space<vmem>> -> memref<125xi32, #tpu.memory_space<vmem>>
      %dma_wait3A_399 = arith.constant 0 : i32
      %dma_wait3A_400 = arith.constant 0 : i32
      %dma_wait3A_401 = tpu.memref_slice %arg4[%dma_wait3A_399, %dma_wait3A_400] : memref<10000x40xf32, #tpu.memory_space<hbm>> -> memref<10000x40xf32, #tpu.memory_space<hbm>>
      tpu.wait_indirect_dma semaphore(%arg17 : memref<!tpu.dma_semaphore, #tpu.memory_space<semaphore_mem>>) src(%dma_wait3A_401 : memref<10000x40xf32, #tpu.memory_space<hbm>>) dst(%dma_wait3A_395 : memref<125x40xf32, #tpu.memory_space<vmem>>)
      %dma_start3A_402 = arith.constant 5 : i32
      %dma_start3A_403 = arith.constant 0 : i32
      %dma_start3A_404 = arith.constant 0 : i32
      %dma_start3A_405 = tpu.memref_slice %arg9[%dma_start3A_402, %dma_start3A_403, %dma_start3A_404] : memref<16x125x40xf32, #tpu.memory_space<vmem>> -> memref<1x125x40xf32, #tpu.memory_space<vmem>>
      %dma_start3A_406 = tpu.memref_squeeze %dma_start3A_405 : memref<1x125x40xf32, #tpu.memory_space<vmem>> -> memref<125x40xf32, #tpu.memory_space<vmem>>
      %dma_start3A_407 = arith.constant 0 : i32
      %dma_start3A_408 = tpu.memref_slice %arg8[%add3A_390, %dma_start3A_407] : memref<80x125xi32, #tpu.memory_space<vmem>> -> memref<1x125xi32, #tpu.memory_space<vmem>>
      %dma_start3A_409 = tpu.memref_squeeze %dma_start3A_408 : memref<1x125xi32, #tpu.memory_space<vmem>> -> memref<125xi32, #tpu.memory_space<vmem>>
      %dma_start3A_410 = arith.constant 0 : i32
      %dma_start3A_411 = arith.constant 0 : i32
      %dma_start3A_412 = tpu.memref_slice %arg10[%dma_start3A_410, %dma_start3A_411] : memref<10000x40xf32, #tpu.memory_space<vmem_shared>> -> memref<10000x40xf32, #tpu.memory_space<vmem_shared>>
      tpu.enqueue_indirect_dma source(%dma_start3A_406 : memref<125x40xf32, #tpu.memory_space<vmem>>) target(%dma_start3A_412 : memref<10000x40xf32, #tpu.memory_space<vmem_shared>>) offsets(%dma_start3A_409 : memref<125xi32, #tpu.memory_space<vmem>>) semaphore(%arg11 : memref<!tpu.dma_semaphore, #tpu.memory_space<semaphore_mem>>) {add = true}
      %ge3A_413 = arith.constant 8 : i32
      %ge3A_414 = arith.cmpi sge, %add3A_390, %ge3A_413 : i32
      %convert_element_type3A_415 = arith.extui %ge3A_414 : i1 to i32
      %cond3A_416 = arith.constant 0 : i32
      %cond3A_417 = arith.cmpi ne, %convert_element_type3A_415, %cond3A_416 : i32
      scf.if %cond3A_417 {
        %dma_wait3A_805 = arith.constant 5 : i32
        %dma_wait3A_806 = arith.constant 0 : i32
        %dma_wait3A_807 = arith.constant 0 : i32
        %dma_wait3A_808 = tpu.memref_slice %arg9[%dma_wait3A_805, %dma_wait3A_806, %dma_wait3A_807] : memref<16x125x40xf32, #tpu.memory_space<vmem>> -> memref<1x125x40xf32, #tpu.memory_space<vmem>>
        %dma_wait3A_809 = tpu.memref_squeeze %dma_wait3A_808 : memref<1x125x40xf32, #tpu.memory_space<vmem>> -> memref<125x40xf32, #tpu.memory_space<vmem>>
        %dma_wait3A_810 = arith.constant 0 : i32
        %dma_wait3A_811 = tpu.memref_slice %arg8[%add3A_390, %dma_wait3A_810] : memref<80x125xi32, #tpu.memory_space<vmem>> -> memref<1x125xi32, #tpu.memory_space<vmem>>
        %dma_wait3A_812 = tpu.memref_squeeze %dma_wait3A_811 : memref<1x125xi32, #tpu.memory_space<vmem>> -> memref<125xi32, #tpu.memory_space<vmem>>
        %dma_wait3A_813 = arith.constant 0 : i32
        %dma_wait3A_814 = arith.constant 0 : i32
        %dma_wait3A_815 = tpu.memref_slice %arg10[%dma_wait3A_813, %dma_wait3A_814] : memref<10000x40xf32, #tpu.memory_space<vmem_shared>> -> memref<10000x40xf32, #tpu.memory_space<vmem_shared>>
        tpu.wait_indirect_dma semaphore(%arg11 : memref<!tpu.dma_semaphore, #tpu.memory_space<semaphore_mem>>) src(%dma_wait3A_809 : memref<125x40xf32, #tpu.memory_space<vmem>>) dst(%dma_wait3A_815 : memref<10000x40xf32, #tpu.memory_space<vmem_shared>>)
      } else {
      }
      %add3A_418 = arith.constant 8 : i32
      %add3A_419 = arith.addi %add3A_390, %add3A_418 : i32
      %lt3A_420 = arith.constant 80 : i32
      %lt3A_421 = arith.cmpi slt, %add3A_419, %lt3A_420 : i32
      %convert_element_type3A_422 = arith.extui %lt3A_421 : i1 to i32
      %cond3A_423 = arith.constant 0 : i32
      %cond3A_424 = arith.cmpi ne, %convert_element_type3A_422, %cond3A_423 : i32
      scf.if %cond3A_424 {
        %add3A_805 = arith.constant 8 : i32
        %add3A_806 = arith.addi %add3A_390, %add3A_805 : i32
        %dma_start3A_807 = arith.constant 13 : i32
        %dma_start3A_808 = arith.constant 0 : i32
        %dma_start3A_809 = arith.constant 0 : i32
        %dma_start3A_810 = tpu.memref_slice %arg9[%dma_start3A_807, %dma_start3A_808, %dma_start3A_809] : memref<16x125x40xf32, #tpu.memory_space<vmem>> -> memref<1x125x40xf32, #tpu.memory_space<vmem>>
        %dma_start3A_811 = tpu.memref_squeeze %dma_start3A_810 : memref<1x125x40xf32, #tpu.memory_space<vmem>> -> memref<125x40xf32, #tpu.memory_space<vmem>>
        %dma_start3A_812 = arith.constant 0 : i32
        %dma_start3A_813 = tpu.memref_slice %arg7[%add3A_806, %dma_start3A_812] : memref<80x125xi32, #tpu.memory_space<vmem>> -> memref<1x125xi32, #tpu.memory_space<vmem>>
        %dma_start3A_814 = tpu.memref_squeeze %dma_start3A_813 : memref<1x125xi32, #tpu.memory_space<vmem>> -> memref<125xi32, #tpu.memory_space<vmem>>
        %dma_start3A_815 = arith.constant 0 : i32
        %dma_start3A_816 = arith.constant 0 : i32
        %dma_start3A_817 = tpu.memref_slice %arg4[%dma_start3A_815, %dma_start3A_816] : memref<10000x40xf32, #tpu.memory_space<hbm>> -> memref<10000x40xf32, #tpu.memory_space<hbm>>
        tpu.enqueue_indirect_dma source(%dma_start3A_817 : memref<10000x40xf32, #tpu.memory_space<hbm>>) target(%dma_start3A_811 : memref<125x40xf32, #tpu.memory_space<vmem>>) offsets(%dma_start3A_814 : memref<125xi32, #tpu.memory_space<vmem>>) semaphore(%arg25 : memref<!tpu.dma_semaphore, #tpu.memory_space<semaphore_mem>>)
      } else {
      }
      %mul3A_425 = arith.constant 16 : i32
      %mul3A_426 = arith.muli %scan3A_200, %mul3A_425 : i32
      %add3A_427 = arith.constant 6 : i32
      %add3A_428 = arith.addi %mul3A_426, %add3A_427 : i32
      %dma_wait3A_429 = arith.constant 6 : i32
      %dma_wait3A_430 = arith.constant 0 : i32
      %dma_wait3A_431 = arith.constant 0 : i32
      %dma_wait3A_432 = tpu.memref_slice %arg9[%dma_wait3A_429, %dma_wait3A_430, %dma_wait3A_431] : memref<16x125x40xf32, #tpu.memory_space<vmem>> -> memref<1x125x40xf32, #tpu.memory_space<vmem>>
      %dma_wait3A_433 = tpu.memref_squeeze %dma_wait3A_432 : memref<1x125x40xf32, #tpu.memory_space<vmem>> -> memref<125x40xf32, #tpu.memory_space<vmem>>
      %dma_wait3A_434 = arith.constant 0 : i32
      %dma_wait3A_435 = tpu.memref_slice %arg7[%add3A_428, %dma_wait3A_434] : memref<80x125xi32, #tpu.memory_space<vmem>> -> memref<1x125xi32, #tpu.memory_space<vmem>>
      %dma_wait3A_436 = tpu.memref_squeeze %dma_wait3A_435 : memref<1x125xi32, #tpu.memory_space<vmem>> -> memref<125xi32, #tpu.memory_space<vmem>>
      %dma_wait3A_437 = arith.constant 0 : i32
      %dma_wait3A_438 = arith.constant 0 : i32
      %dma_wait3A_439 = tpu.memref_slice %arg4[%dma_wait3A_437, %dma_wait3A_438] : memref<10000x40xf32, #tpu.memory_space<hbm>> -> memref<10000x40xf32, #tpu.memory_space<hbm>>
      tpu.wait_indirect_dma semaphore(%arg18 : memref<!tpu.dma_semaphore, #tpu.memory_space<semaphore_mem>>) src(%dma_wait3A_439 : memref<10000x40xf32, #tpu.memory_space<hbm>>) dst(%dma_wait3A_433 : memref<125x40xf32, #tpu.memory_space<vmem>>)
      %dma_start3A_440 = arith.constant 6 : i32
      %dma_start3A_441 = arith.constant 0 : i32
      %dma_start3A_442 = arith.constant 0 : i32
      %dma_start3A_443 = tpu.memref_slice %arg9[%dma_start3A_440, %dma_start3A_441, %dma_start3A_442] : memref<16x125x40xf32, #tpu.memory_space<vmem>> -> memref<1x125x40xf32, #tpu.memory_space<vmem>>
      %dma_start3A_444 = tpu.memref_squeeze %dma_start3A_443 : memref<1x125x40xf32, #tpu.memory_space<vmem>> -> memref<125x40xf32, #tpu.memory_space<vmem>>
      %dma_start3A_445 = arith.constant 0 : i32
      %dma_start3A_446 = tpu.memref_slice %arg8[%add3A_428, %dma_start3A_445] : memref<80x125xi32, #tpu.memory_space<vmem>> -> memref<1x125xi32, #tpu.memory_space<vmem>>
      %dma_start3A_447 = tpu.memref_squeeze %dma_start3A_446 : memref<1x125xi32, #tpu.memory_space<vmem>> -> memref<125xi32, #tpu.memory_space<vmem>>
      %dma_start3A_448 = arith.constant 0 : i32
      %dma_start3A_449 = arith.constant 0 : i32
      %dma_start3A_450 = tpu.memref_slice %arg10[%dma_start3A_448, %dma_start3A_449] : memref<10000x40xf32, #tpu.memory_space<vmem_shared>> -> memref<10000x40xf32, #tpu.memory_space<vmem_shared>>
      tpu.enqueue_indirect_dma source(%dma_start3A_444 : memref<125x40xf32, #tpu.memory_space<vmem>>) target(%dma_start3A_450 : memref<10000x40xf32, #tpu.memory_space<vmem_shared>>) offsets(%dma_start3A_447 : memref<125xi32, #tpu.memory_space<vmem>>) semaphore(%arg11 : memref<!tpu.dma_semaphore, #tpu.memory_space<semaphore_mem>>) {add = true}
      %ge3A_451 = arith.constant 8 : i32
      %ge3A_452 = arith.cmpi sge, %add3A_428, %ge3A_451 : i32
      %convert_element_type3A_453 = arith.extui %ge3A_452 : i1 to i32
      %cond3A_454 = arith.constant 0 : i32
      %cond3A_455 = arith.cmpi ne, %convert_element_type3A_453, %cond3A_454 : i32
      scf.if %cond3A_455 {
        %dma_wait3A_805 = arith.constant 6 : i32
        %dma_wait3A_806 = arith.constant 0 : i32
        %dma_wait3A_807 = arith.constant 0 : i32
        %dma_wait3A_808 = tpu.memref_slice %arg9[%dma_wait3A_805, %dma_wait3A_806, %dma_wait3A_807] : memref<16x125x40xf32, #tpu.memory_space<vmem>> -> memref<1x125x40xf32, #tpu.memory_space<vmem>>
        %dma_wait3A_809 = tpu.memref_squeeze %dma_wait3A_808 : memref<1x125x40xf32, #tpu.memory_space<vmem>> -> memref<125x40xf32, #tpu.memory_space<vmem>>
        %dma_wait3A_810 = arith.constant 0 : i32
        %dma_wait3A_811 = tpu.memref_slice %arg8[%add3A_428, %dma_wait3A_810] : memref<80x125xi32, #tpu.memory_space<vmem>> -> memref<1x125xi32, #tpu.memory_space<vmem>>
        %dma_wait3A_812 = tpu.memref_squeeze %dma_wait3A_811 : memref<1x125xi32, #tpu.memory_space<vmem>> -> memref<125xi32, #tpu.memory_space<vmem>>
        %dma_wait3A_813 = arith.constant 0 : i32
        %dma_wait3A_814 = arith.constant 0 : i32
        %dma_wait3A_815 = tpu.memref_slice %arg10[%dma_wait3A_813, %dma_wait3A_814] : memref<10000x40xf32, #tpu.memory_space<vmem_shared>> -> memref<10000x40xf32, #tpu.memory_space<vmem_shared>>
        tpu.wait_indirect_dma semaphore(%arg11 : memref<!tpu.dma_semaphore, #tpu.memory_space<semaphore_mem>>) src(%dma_wait3A_809 : memref<125x40xf32, #tpu.memory_space<vmem>>) dst(%dma_wait3A_815 : memref<10000x40xf32, #tpu.memory_space<vmem_shared>>)
      } else {
      }
      %add3A_456 = arith.constant 8 : i32
      %add3A_457 = arith.addi %add3A_428, %add3A_456 : i32
      %lt3A_458 = arith.constant 80 : i32
      %lt3A_459 = arith.cmpi slt, %add3A_457, %lt3A_458 : i32
      %convert_element_type3A_460 = arith.extui %lt3A_459 : i1 to i32
      %cond3A_461 = arith.constant 0 : i32
      %cond3A_462 = arith.cmpi ne, %convert_element_type3A_460, %cond3A_461 : i32
      scf.if %cond3A_462 {
        %add3A_805 = arith.constant 8 : i32
        %add3A_806 = arith.addi %add3A_428, %add3A_805 : i32
        %dma_start3A_807 = arith.constant 14 : i32
        %dma_start3A_808 = arith.constant 0 : i32
        %dma_start3A_809 = arith.constant 0 : i32
        %dma_start3A_810 = tpu.memref_slice %arg9[%dma_start3A_807, %dma_start3A_808, %dma_start3A_809] : memref<16x125x40xf32, #tpu.memory_space<vmem>> -> memref<1x125x40xf32, #tpu.memory_space<vmem>>
        %dma_start3A_811 = tpu.memref_squeeze %dma_start3A_810 : memref<1x125x40xf32, #tpu.memory_space<vmem>> -> memref<125x40xf32, #tpu.memory_space<vmem>>
        %dma_start3A_812 = arith.constant 0 : i32
        %dma_start3A_813 = tpu.memref_slice %arg7[%add3A_806, %dma_start3A_812] : memref<80x125xi32, #tpu.memory_space<vmem>> -> memref<1x125xi32, #tpu.memory_space<vmem>>
        %dma_start3A_814 = tpu.memref_squeeze %dma_start3A_813 : memref<1x125xi32, #tpu.memory_space<vmem>> -> memref<125xi32, #tpu.memory_space<vmem>>
        %dma_start3A_815 = arith.constant 0 : i32
        %dma_start3A_816 = arith.constant 0 : i32
        %dma_start3A_817 = tpu.memref_slice %arg4[%dma_start3A_815, %dma_start3A_816] : memref<10000x40xf32, #tpu.memory_space<hbm>> -> memref<10000x40xf32, #tpu.memory_space<hbm>>
        tpu.enqueue_indirect_dma source(%dma_start3A_817 : memref<10000x40xf32, #tpu.memory_space<hbm>>) target(%dma_start3A_811 : memref<125x40xf32, #tpu.memory_space<vmem>>) offsets(%dma_start3A_814 : memref<125xi32, #tpu.memory_space<vmem>>) semaphore(%arg26 : memref<!tpu.dma_semaphore, #tpu.memory_space<semaphore_mem>>)
      } else {
      }
      %mul3A_463 = arith.constant 16 : i32
      %mul3A_464 = arith.muli %scan3A_200, %mul3A_463 : i32
      %add3A_465 = arith.constant 7 : i32
      %add3A_466 = arith.addi %mul3A_464, %add3A_465 : i32
      %dma_wait3A_467 = arith.constant 7 : i32
      %dma_wait3A_468 = arith.constant 0 : i32
      %dma_wait3A_469 = arith.constant 0 : i32
      %dma_wait3A_470 = tpu.memref_slice %arg9[%dma_wait3A_467, %dma_wait3A_468, %dma_wait3A_469] : memref<16x125x40xf32, #tpu.memory_space<vmem>> -> memref<1x125x40xf32, #tpu.memory_space<vmem>>
      %dma_wait3A_471 = tpu.memref_squeeze %dma_wait3A_470 : memref<1x125x40xf32, #tpu.memory_space<vmem>> -> memref<125x40xf32, #tpu.memory_space<vmem>>
      %dma_wait3A_472 = arith.constant 0 : i32
      %dma_wait3A_473 = tpu.memref_slice %arg7[%add3A_466, %dma_wait3A_472] : memref<80x125xi32, #tpu.memory_space<vmem>> -> memref<1x125xi32, #tpu.memory_space<vmem>>
      %dma_wait3A_474 = tpu.memref_squeeze %dma_wait3A_473 : memref<1x125xi32, #tpu.memory_space<vmem>> -> memref<125xi32, #tpu.memory_space<vmem>>
      %dma_wait3A_475 = arith.constant 0 : i32
      %dma_wait3A_476 = arith.constant 0 : i32
      %dma_wait3A_477 = tpu.memref_slice %arg4[%dma_wait3A_475, %dma_wait3A_476] : memref<10000x40xf32, #tpu.memory_space<hbm>> -> memref<10000x40xf32, #tpu.memory_space<hbm>>
      tpu.wait_indirect_dma semaphore(%arg19 : memref<!tpu.dma_semaphore, #tpu.memory_space<semaphore_mem>>) src(%dma_wait3A_477 : memref<10000x40xf32, #tpu.memory_space<hbm>>) dst(%dma_wait3A_471 : memref<125x40xf32, #tpu.memory_space<vmem>>)
      %dma_start3A_478 = arith.constant 7 : i32
      %dma_start3A_479 = arith.constant 0 : i32
      %dma_start3A_480 = arith.constant 0 : i32
      %dma_start3A_481 = tpu.memref_slice %arg9[%dma_start3A_478, %dma_start3A_479, %dma_start3A_480] : memref<16x125x40xf32, #tpu.memory_space<vmem>> -> memref<1x125x40xf32, #tpu.memory_space<vmem>>
      %dma_start3A_482 = tpu.memref_squeeze %dma_start3A_481 : memref<1x125x40xf32, #tpu.memory_space<vmem>> -> memref<125x40xf32, #tpu.memory_space<vmem>>
      %dma_start3A_483 = arith.constant 0 : i32
      %dma_start3A_484 = tpu.memref_slice %arg8[%add3A_466, %dma_start3A_483] : memref<80x125xi32, #tpu.memory_space<vmem>> -> memref<1x125xi32, #tpu.memory_space<vmem>>
      %dma_start3A_485 = tpu.memref_squeeze %dma_start3A_484 : memref<1x125xi32, #tpu.memory_space<vmem>> -> memref<125xi32, #tpu.memory_space<vmem>>
      %dma_start3A_486 = arith.constant 0 : i32
      %dma_start3A_487 = arith.constant 0 : i32
      %dma_start3A_488 = tpu.memref_slice %arg10[%dma_start3A_486, %dma_start3A_487] : memref<10000x40xf32, #tpu.memory_space<vmem_shared>> -> memref<10000x40xf32, #tpu.memory_space<vmem_shared>>
      tpu.enqueue_indirect_dma source(%dma_start3A_482 : memref<125x40xf32, #tpu.memory_space<vmem>>) target(%dma_start3A_488 : memref<10000x40xf32, #tpu.memory_space<vmem_shared>>) offsets(%dma_start3A_485 : memref<125xi32, #tpu.memory_space<vmem>>) semaphore(%arg11 : memref<!tpu.dma_semaphore, #tpu.memory_space<semaphore_mem>>) {add = true}
      %ge3A_489 = arith.constant 8 : i32
      %ge3A_490 = arith.cmpi sge, %add3A_466, %ge3A_489 : i32
      %convert_element_type3A_491 = arith.extui %ge3A_490 : i1 to i32
      %cond3A_492 = arith.constant 0 : i32
      %cond3A_493 = arith.cmpi ne, %convert_element_type3A_491, %cond3A_492 : i32
      scf.if %cond3A_493 {
        %dma_wait3A_805 = arith.constant 7 : i32
        %dma_wait3A_806 = arith.constant 0 : i32
        %dma_wait3A_807 = arith.constant 0 : i32
        %dma_wait3A_808 = tpu.memref_slice %arg9[%dma_wait3A_805, %dma_wait3A_806, %dma_wait3A_807] : memref<16x125x40xf32, #tpu.memory_space<vmem>> -> memref<1x125x40xf32, #tpu.memory_space<vmem>>
        %dma_wait3A_809 = tpu.memref_squeeze %dma_wait3A_808 : memref<1x125x40xf32, #tpu.memory_space<vmem>> -> memref<125x40xf32, #tpu.memory_space<vmem>>
        %dma_wait3A_810 = arith.constant 0 : i32
        %dma_wait3A_811 = tpu.memref_slice %arg8[%add3A_466, %dma_wait3A_810] : memref<80x125xi32, #tpu.memory_space<vmem>> -> memref<1x125xi32, #tpu.memory_space<vmem>>
        %dma_wait3A_812 = tpu.memref_squeeze %dma_wait3A_811 : memref<1x125xi32, #tpu.memory_space<vmem>> -> memref<125xi32, #tpu.memory_space<vmem>>
        %dma_wait3A_813 = arith.constant 0 : i32
        %dma_wait3A_814 = arith.constant 0 : i32
        %dma_wait3A_815 = tpu.memref_slice %arg10[%dma_wait3A_813, %dma_wait3A_814] : memref<10000x40xf32, #tpu.memory_space<vmem_shared>> -> memref<10000x40xf32, #tpu.memory_space<vmem_shared>>
        tpu.wait_indirect_dma semaphore(%arg11 : memref<!tpu.dma_semaphore, #tpu.memory_space<semaphore_mem>>) src(%dma_wait3A_809 : memref<125x40xf32, #tpu.memory_space<vmem>>) dst(%dma_wait3A_815 : memref<10000x40xf32, #tpu.memory_space<vmem_shared>>)
      } else {
      }
      %add3A_494 = arith.constant 8 : i32
      %add3A_495 = arith.addi %add3A_466, %add3A_494 : i32
      %lt3A_496 = arith.constant 80 : i32
      %lt3A_497 = arith.cmpi slt, %add3A_495, %lt3A_496 : i32
      %convert_element_type3A_498 = arith.extui %lt3A_497 : i1 to i32
      %cond3A_499 = arith.constant 0 : i32
      %cond3A_500 = arith.cmpi ne, %convert_element_type3A_498, %cond3A_499 : i32
      scf.if %cond3A_500 {
        %add3A_805 = arith.constant 8 : i32
        %add3A_806 = arith.addi %add3A_466, %add3A_805 : i32
        %dma_start3A_807 = arith.constant 15 : i32
        %dma_start3A_808 = arith.constant 0 : i32
        %dma_start3A_809 = arith.constant 0 : i32
        %dma_start3A_810 = tpu.memref_slice %arg9[%dma_start3A_807, %dma_start3A_808, %dma_start3A_809] : memref<16x125x40xf32, #tpu.memory_space<vmem>> -> memref<1x125x40xf32, #tpu.memory_space<vmem>>
        %dma_start3A_811 = tpu.memref_squeeze %dma_start3A_810 : memref<1x125x40xf32, #tpu.memory_space<vmem>> -> memref<125x40xf32, #tpu.memory_space<vmem>>
        %dma_start3A_812 = arith.constant 0 : i32
        %dma_start3A_813 = tpu.memref_slice %arg7[%add3A_806, %dma_start3A_812] : memref<80x125xi32, #tpu.memory_space<vmem>> -> memref<1x125xi32, #tpu.memory_space<vmem>>
        %dma_start3A_814 = tpu.memref_squeeze %dma_start3A_813 : memref<1x125xi32, #tpu.memory_space<vmem>> -> memref<125xi32, #tpu.memory_space<vmem>>
        %dma_start3A_815 = arith.constant 0 : i32
        %dma_start3A_816 = arith.constant 0 : i32
        %dma_start3A_817 = tpu.memref_slice %arg4[%dma_start3A_815, %dma_start3A_816] : memref<10000x40xf32, #tpu.memory_space<hbm>> -> memref<10000x40xf32, #tpu.memory_space<hbm>>
        tpu.enqueue_indirect_dma source(%dma_start3A_817 : memref<10000x40xf32, #tpu.memory_space<hbm>>) target(%dma_start3A_811 : memref<125x40xf32, #tpu.memory_space<vmem>>) offsets(%dma_start3A_814 : memref<125xi32, #tpu.memory_space<vmem>>) semaphore(%arg27 : memref<!tpu.dma_semaphore, #tpu.memory_space<semaphore_mem>>)
      } else {
      }
      %mul3A_501 = arith.constant 16 : i32
      %mul3A_502 = arith.muli %scan3A_200, %mul3A_501 : i32
      %add3A_503 = arith.constant 8 : i32
      %add3A_504 = arith.addi %mul3A_502, %add3A_503 : i32
      %dma_wait3A_505 = arith.constant 8 : i32
      %dma_wait3A_506 = arith.constant 0 : i32
      %dma_wait3A_507 = arith.constant 0 : i32
      %dma_wait3A_508 = tpu.memref_slice %arg9[%dma_wait3A_505, %dma_wait3A_506, %dma_wait3A_507] : memref<16x125x40xf32, #tpu.memory_space<vmem>> -> memref<1x125x40xf32, #tpu.memory_space<vmem>>
      %dma_wait3A_509 = tpu.memref_squeeze %dma_wait3A_508 : memref<1x125x40xf32, #tpu.memory_space<vmem>> -> memref<125x40xf32, #tpu.memory_space<vmem>>
      %dma_wait3A_510 = arith.constant 0 : i32
      %dma_wait3A_511 = tpu.memref_slice %arg7[%add3A_504, %dma_wait3A_510] : memref<80x125xi32, #tpu.memory_space<vmem>> -> memref<1x125xi32, #tpu.memory_space<vmem>>
      %dma_wait3A_512 = tpu.memref_squeeze %dma_wait3A_511 : memref<1x125xi32, #tpu.memory_space<vmem>> -> memref<125xi32, #tpu.memory_space<vmem>>
      %dma_wait3A_513 = arith.constant 0 : i32
      %dma_wait3A_514 = arith.constant 0 : i32
      %dma_wait3A_515 = tpu.memref_slice %arg4[%dma_wait3A_513, %dma_wait3A_514] : memref<10000x40xf32, #tpu.memory_space<hbm>> -> memref<10000x40xf32, #tpu.memory_space<hbm>>
      tpu.wait_indirect_dma semaphore(%arg20 : memref<!tpu.dma_semaphore, #tpu.memory_space<semaphore_mem>>) src(%dma_wait3A_515 : memref<10000x40xf32, #tpu.memory_space<hbm>>) dst(%dma_wait3A_509 : memref<125x40xf32, #tpu.memory_space<vmem>>)
      %dma_start3A_516 = arith.constant 8 : i32
      %dma_start3A_517 = arith.constant 0 : i32
      %dma_start3A_518 = arith.constant 0 : i32
      %dma_start3A_519 = tpu.memref_slice %arg9[%dma_start3A_516, %dma_start3A_517, %dma_start3A_518] : memref<16x125x40xf32, #tpu.memory_space<vmem>> -> memref<1x125x40xf32, #tpu.memory_space<vmem>>
      %dma_start3A_520 = tpu.memref_squeeze %dma_start3A_519 : memref<1x125x40xf32, #tpu.memory_space<vmem>> -> memref<125x40xf32, #tpu.memory_space<vmem>>
      %dma_start3A_521 = arith.constant 0 : i32
      %dma_start3A_522 = tpu.memref_slice %arg8[%add3A_504, %dma_start3A_521] : memref<80x125xi32, #tpu.memory_space<vmem>> -> memref<1x125xi32, #tpu.memory_space<vmem>>
      %dma_start3A_523 = tpu.memref_squeeze %dma_start3A_522 : memref<1x125xi32, #tpu.memory_space<vmem>> -> memref<125xi32, #tpu.memory_space<vmem>>
      %dma_start3A_524 = arith.constant 0 : i32
      %dma_start3A_525 = arith.constant 0 : i32
      %dma_start3A_526 = tpu.memref_slice %arg10[%dma_start3A_524, %dma_start3A_525] : memref<10000x40xf32, #tpu.memory_space<vmem_shared>> -> memref<10000x40xf32, #tpu.memory_space<vmem_shared>>
      tpu.enqueue_indirect_dma source(%dma_start3A_520 : memref<125x40xf32, #tpu.memory_space<vmem>>) target(%dma_start3A_526 : memref<10000x40xf32, #tpu.memory_space<vmem_shared>>) offsets(%dma_start3A_523 : memref<125xi32, #tpu.memory_space<vmem>>) semaphore(%arg11 : memref<!tpu.dma_semaphore, #tpu.memory_space<semaphore_mem>>) {add = true}
      %ge3A_527 = arith.constant 8 : i32
      %ge3A_528 = arith.cmpi sge, %add3A_504, %ge3A_527 : i32
      %convert_element_type3A_529 = arith.extui %ge3A_528 : i1 to i32
      %cond3A_530 = arith.constant 0 : i32
      %cond3A_531 = arith.cmpi ne, %convert_element_type3A_529, %cond3A_530 : i32
      scf.if %cond3A_531 {
        %dma_wait3A_805 = arith.constant 8 : i32
        %dma_wait3A_806 = arith.constant 0 : i32
        %dma_wait3A_807 = arith.constant 0 : i32
        %dma_wait3A_808 = tpu.memref_slice %arg9[%dma_wait3A_805, %dma_wait3A_806, %dma_wait3A_807] : memref<16x125x40xf32, #tpu.memory_space<vmem>> -> memref<1x125x40xf32, #tpu.memory_space<vmem>>
        %dma_wait3A_809 = tpu.memref_squeeze %dma_wait3A_808 : memref<1x125x40xf32, #tpu.memory_space<vmem>> -> memref<125x40xf32, #tpu.memory_space<vmem>>
        %dma_wait3A_810 = arith.constant 0 : i32
        %dma_wait3A_811 = tpu.memref_slice %arg8[%add3A_504, %dma_wait3A_810] : memref<80x125xi32, #tpu.memory_space<vmem>> -> memref<1x125xi32, #tpu.memory_space<vmem>>
        %dma_wait3A_812 = tpu.memref_squeeze %dma_wait3A_811 : memref<1x125xi32, #tpu.memory_space<vmem>> -> memref<125xi32, #tpu.memory_space<vmem>>
        %dma_wait3A_813 = arith.constant 0 : i32
        %dma_wait3A_814 = arith.constant 0 : i32
        %dma_wait3A_815 = tpu.memref_slice %arg10[%dma_wait3A_813, %dma_wait3A_814] : memref<10000x40xf32, #tpu.memory_space<vmem_shared>> -> memref<10000x40xf32, #tpu.memory_space<vmem_shared>>
        tpu.wait_indirect_dma semaphore(%arg11 : memref<!tpu.dma_semaphore, #tpu.memory_space<semaphore_mem>>) src(%dma_wait3A_809 : memref<125x40xf32, #tpu.memory_space<vmem>>) dst(%dma_wait3A_815 : memref<10000x40xf32, #tpu.memory_space<vmem_shared>>)
      } else {
      }
      %add3A_532 = arith.constant 8 : i32
      %add3A_533 = arith.addi %add3A_504, %add3A_532 : i32
      %lt3A_534 = arith.constant 80 : i32
      %lt3A_535 = arith.cmpi slt, %add3A_533, %lt3A_534 : i32
      %convert_element_type3A_536 = arith.extui %lt3A_535 : i1 to i32
      %cond3A_537 = arith.constant 0 : i32
      %cond3A_538 = arith.cmpi ne, %convert_element_type3A_536, %cond3A_537 : i32
      scf.if %cond3A_538 {
        %add3A_805 = arith.constant 8 : i32
        %add3A_806 = arith.addi %add3A_504, %add3A_805 : i32
        %dma_start3A_807 = arith.constant 0 : i32
        %dma_start3A_808 = arith.constant 0 : i32
        %dma_start3A_809 = arith.constant 0 : i32
        %dma_start3A_810 = tpu.memref_slice %arg9[%dma_start3A_807, %dma_start3A_808, %dma_start3A_809] : memref<16x125x40xf32, #tpu.memory_space<vmem>> -> memref<1x125x40xf32, #tpu.memory_space<vmem>>
        %dma_start3A_811 = tpu.memref_squeeze %dma_start3A_810 : memref<1x125x40xf32, #tpu.memory_space<vmem>> -> memref<125x40xf32, #tpu.memory_space<vmem>>
        %dma_start3A_812 = arith.constant 0 : i32
        %dma_start3A_813 = tpu.memref_slice %arg7[%add3A_806, %dma_start3A_812] : memref<80x125xi32, #tpu.memory_space<vmem>> -> memref<1x125xi32, #tpu.memory_space<vmem>>
        %dma_start3A_814 = tpu.memref_squeeze %dma_start3A_813 : memref<1x125xi32, #tpu.memory_space<vmem>> -> memref<125xi32, #tpu.memory_space<vmem>>
        %dma_start3A_815 = arith.constant 0 : i32
        %dma_start3A_816 = arith.constant 0 : i32
        %dma_start3A_817 = tpu.memref_slice %arg4[%dma_start3A_815, %dma_start3A_816] : memref<10000x40xf32, #tpu.memory_space<hbm>> -> memref<10000x40xf32, #tpu.memory_space<hbm>>
        tpu.enqueue_indirect_dma source(%dma_start3A_817 : memref<10000x40xf32, #tpu.memory_space<hbm>>) target(%dma_start3A_811 : memref<125x40xf32, #tpu.memory_space<vmem>>) offsets(%dma_start3A_814 : memref<125xi32, #tpu.memory_space<vmem>>) semaphore(%arg12 : memref<!tpu.dma_semaphore, #tpu.memory_space<semaphore_mem>>)
      } else {
      }
      %mul3A_539 = arith.constant 16 : i32
      %mul3A_540 = arith.muli %scan3A_200, %mul3A_539 : i32
      %add3A_541 = arith.constant 9 : i32
      %add3A_542 = arith.addi %mul3A_540, %add3A_541 : i32
      %dma_wait3A_543 = arith.constant 9 : i32
      %dma_wait3A_544 = arith.constant 0 : i32
      %dma_wait3A_545 = arith.constant 0 : i32
      %dma_wait3A_546 = tpu.memref_slice %arg9[%dma_wait3A_543, %dma_wait3A_544, %dma_wait3A_545] : memref<16x125x40xf32, #tpu.memory_space<vmem>> -> memref<1x125x40xf32, #tpu.memory_space<vmem>>
      %dma_wait3A_547 = tpu.memref_squeeze %dma_wait3A_546 : memref<1x125x40xf32, #tpu.memory_space<vmem>> -> memref<125x40xf32, #tpu.memory_space<vmem>>
      %dma_wait3A_548 = arith.constant 0 : i32
      %dma_wait3A_549 = tpu.memref_slice %arg7[%add3A_542, %dma_wait3A_548] : memref<80x125xi32, #tpu.memory_space<vmem>> -> memref<1x125xi32, #tpu.memory_space<vmem>>
      %dma_wait3A_550 = tpu.memref_squeeze %dma_wait3A_549 : memref<1x125xi32, #tpu.memory_space<vmem>> -> memref<125xi32, #tpu.memory_space<vmem>>
      %dma_wait3A_551 = arith.constant 0 : i32
      %dma_wait3A_552 = arith.constant 0 : i32
      %dma_wait3A_553 = tpu.memref_slice %arg4[%dma_wait3A_551, %dma_wait3A_552] : memref<10000x40xf32, #tpu.memory_space<hbm>> -> memref<10000x40xf32, #tpu.memory_space<hbm>>
      tpu.wait_indirect_dma semaphore(%arg21 : memref<!tpu.dma_semaphore, #tpu.memory_space<semaphore_mem>>) src(%dma_wait3A_553 : memref<10000x40xf32, #tpu.memory_space<hbm>>) dst(%dma_wait3A_547 : memref<125x40xf32, #tpu.memory_space<vmem>>)
      %dma_start3A_554 = arith.constant 9 : i32
      %dma_start3A_555 = arith.constant 0 : i32
      %dma_start3A_556 = arith.constant 0 : i32
      %dma_start3A_557 = tpu.memref_slice %arg9[%dma_start3A_554, %dma_start3A_555, %dma_start3A_556] : memref<16x125x40xf32, #tpu.memory_space<vmem>> -> memref<1x125x40xf32, #tpu.memory_space<vmem>>
      %dma_start3A_558 = tpu.memref_squeeze %dma_start3A_557 : memref<1x125x40xf32, #tpu.memory_space<vmem>> -> memref<125x40xf32, #tpu.memory_space<vmem>>
      %dma_start3A_559 = arith.constant 0 : i32
      %dma_start3A_560 = tpu.memref_slice %arg8[%add3A_542, %dma_start3A_559] : memref<80x125xi32, #tpu.memory_space<vmem>> -> memref<1x125xi32, #tpu.memory_space<vmem>>
      %dma_start3A_561 = tpu.memref_squeeze %dma_start3A_560 : memref<1x125xi32, #tpu.memory_space<vmem>> -> memref<125xi32, #tpu.memory_space<vmem>>
      %dma_start3A_562 = arith.constant 0 : i32
      %dma_start3A_563 = arith.constant 0 : i32
      %dma_start3A_564 = tpu.memref_slice %arg10[%dma_start3A_562, %dma_start3A_563] : memref<10000x40xf32, #tpu.memory_space<vmem_shared>> -> memref<10000x40xf32, #tpu.memory_space<vmem_shared>>
      tpu.enqueue_indirect_dma source(%dma_start3A_558 : memref<125x40xf32, #tpu.memory_space<vmem>>) target(%dma_start3A_564 : memref<10000x40xf32, #tpu.memory_space<vmem_shared>>) offsets(%dma_start3A_561 : memref<125xi32, #tpu.memory_space<vmem>>) semaphore(%arg11 : memref<!tpu.dma_semaphore, #tpu.memory_space<semaphore_mem>>) {add = true}
      %ge3A_565 = arith.constant 8 : i32
      %ge3A_566 = arith.cmpi sge, %add3A_542, %ge3A_565 : i32
      %convert_element_type3A_567 = arith.extui %ge3A_566 : i1 to i32
      %cond3A_568 = arith.constant 0 : i32
      %cond3A_569 = arith.cmpi ne, %convert_element_type3A_567, %cond3A_568 : i32
      scf.if %cond3A_569 {
        %dma_wait3A_805 = arith.constant 9 : i32
        %dma_wait3A_806 = arith.constant 0 : i32
        %dma_wait3A_807 = arith.constant 0 : i32
        %dma_wait3A_808 = tpu.memref_slice %arg9[%dma_wait3A_805, %dma_wait3A_806, %dma_wait3A_807] : memref<16x125x40xf32, #tpu.memory_space<vmem>> -> memref<1x125x40xf32, #tpu.memory_space<vmem>>
        %dma_wait3A_809 = tpu.memref_squeeze %dma_wait3A_808 : memref<1x125x40xf32, #tpu.memory_space<vmem>> -> memref<125x40xf32, #tpu.memory_space<vmem>>
        %dma_wait3A_810 = arith.constant 0 : i32
        %dma_wait3A_811 = tpu.memref_slice %arg8[%add3A_542, %dma_wait3A_810] : memref<80x125xi32, #tpu.memory_space<vmem>> -> memref<1x125xi32, #tpu.memory_space<vmem>>
        %dma_wait3A_812 = tpu.memref_squeeze %dma_wait3A_811 : memref<1x125xi32, #tpu.memory_space<vmem>> -> memref<125xi32, #tpu.memory_space<vmem>>
        %dma_wait3A_813 = arith.constant 0 : i32
        %dma_wait3A_814 = arith.constant 0 : i32
        %dma_wait3A_815 = tpu.memref_slice %arg10[%dma_wait3A_813, %dma_wait3A_814] : memref<10000x40xf32, #tpu.memory_space<vmem_shared>> -> memref<10000x40xf32, #tpu.memory_space<vmem_shared>>
        tpu.wait_indirect_dma semaphore(%arg11 : memref<!tpu.dma_semaphore, #tpu.memory_space<semaphore_mem>>) src(%dma_wait3A_809 : memref<125x40xf32, #tpu.memory_space<vmem>>) dst(%dma_wait3A_815 : memref<10000x40xf32, #tpu.memory_space<vmem_shared>>)
      } else {
      }
      %add3A_570 = arith.constant 8 : i32
      %add3A_571 = arith.addi %add3A_542, %add3A_570 : i32
      %lt3A_572 = arith.constant 80 : i32
      %lt3A_573 = arith.cmpi slt, %add3A_571, %lt3A_572 : i32
      %convert_element_type3A_574 = arith.extui %lt3A_573 : i1 to i32
      %cond3A_575 = arith.constant 0 : i32
      %cond3A_576 = arith.cmpi ne, %convert_element_type3A_574, %cond3A_575 : i32
      scf.if %cond3A_576 {
        %add3A_805 = arith.constant 8 : i32
        %add3A_806 = arith.addi %add3A_542, %add3A_805 : i32
        %dma_start3A_807 = arith.constant 1 : i32
        %dma_start3A_808 = arith.constant 0 : i32
        %dma_start3A_809 = arith.constant 0 : i32
        %dma_start3A_810 = tpu.memref_slice %arg9[%dma_start3A_807, %dma_start3A_808, %dma_start3A_809] : memref<16x125x40xf32, #tpu.memory_space<vmem>> -> memref<1x125x40xf32, #tpu.memory_space<vmem>>
        %dma_start3A_811 = tpu.memref_squeeze %dma_start3A_810 : memref<1x125x40xf32, #tpu.memory_space<vmem>> -> memref<125x40xf32, #tpu.memory_space<vmem>>
        %dma_start3A_812 = arith.constant 0 : i32
        %dma_start3A_813 = tpu.memref_slice %arg7[%add3A_806, %dma_start3A_812] : memref<80x125xi32, #tpu.memory_space<vmem>> -> memref<1x125xi32, #tpu.memory_space<vmem>>
        %dma_start3A_814 = tpu.memref_squeeze %dma_start3A_813 : memref<1x125xi32, #tpu.memory_space<vmem>> -> memref<125xi32, #tpu.memory_space<vmem>>
        %dma_start3A_815 = arith.constant 0 : i32
        %dma_start3A_816 = arith.constant 0 : i32
        %dma_start3A_817 = tpu.memref_slice %arg4[%dma_start3A_815, %dma_start3A_816] : memref<10000x40xf32, #tpu.memory_space<hbm>> -> memref<10000x40xf32, #tpu.memory_space<hbm>>
        tpu.enqueue_indirect_dma source(%dma_start3A_817 : memref<10000x40xf32, #tpu.memory_space<hbm>>) target(%dma_start3A_811 : memref<125x40xf32, #tpu.memory_space<vmem>>) offsets(%dma_start3A_814 : memref<125xi32, #tpu.memory_space<vmem>>) semaphore(%arg13 : memref<!tpu.dma_semaphore, #tpu.memory_space<semaphore_mem>>)
      } else {
      }
      %mul3A_577 = arith.constant 16 : i32
      %mul3A_578 = arith.muli %scan3A_200, %mul3A_577 : i32
      %add3A_579 = arith.constant 10 : i32
      %add3A_580 = arith.addi %mul3A_578, %add3A_579 : i32
      %dma_wait3A_581 = arith.constant 10 : i32
      %dma_wait3A_582 = arith.constant 0 : i32
      %dma_wait3A_583 = arith.constant 0 : i32
      %dma_wait3A_584 = tpu.memref_slice %arg9[%dma_wait3A_581, %dma_wait3A_582, %dma_wait3A_583] : memref<16x125x40xf32, #tpu.memory_space<vmem>> -> memref<1x125x40xf32, #tpu.memory_space<vmem>>
      %dma_wait3A_585 = tpu.memref_squeeze %dma_wait3A_584 : memref<1x125x40xf32, #tpu.memory_space<vmem>> -> memref<125x40xf32, #tpu.memory_space<vmem>>
      %dma_wait3A_586 = arith.constant 0 : i32
      %dma_wait3A_587 = tpu.memref_slice %arg7[%add3A_580, %dma_wait3A_586] : memref<80x125xi32, #tpu.memory_space<vmem>> -> memref<1x125xi32, #tpu.memory_space<vmem>>
      %dma_wait3A_588 = tpu.memref_squeeze %dma_wait3A_587 : memref<1x125xi32, #tpu.memory_space<vmem>> -> memref<125xi32, #tpu.memory_space<vmem>>
      %dma_wait3A_589 = arith.constant 0 : i32
      %dma_wait3A_590 = arith.constant 0 : i32
      %dma_wait3A_591 = tpu.memref_slice %arg4[%dma_wait3A_589, %dma_wait3A_590] : memref<10000x40xf32, #tpu.memory_space<hbm>> -> memref<10000x40xf32, #tpu.memory_space<hbm>>
      tpu.wait_indirect_dma semaphore(%arg22 : memref<!tpu.dma_semaphore, #tpu.memory_space<semaphore_mem>>) src(%dma_wait3A_591 : memref<10000x40xf32, #tpu.memory_space<hbm>>) dst(%dma_wait3A_585 : memref<125x40xf32, #tpu.memory_space<vmem>>)
      %dma_start3A_592 = arith.constant 10 : i32
      %dma_start3A_593 = arith.constant 0 : i32
      %dma_start3A_594 = arith.constant 0 : i32
      %dma_start3A_595 = tpu.memref_slice %arg9[%dma_start3A_592, %dma_start3A_593, %dma_start3A_594] : memref<16x125x40xf32, #tpu.memory_space<vmem>> -> memref<1x125x40xf32, #tpu.memory_space<vmem>>
      %dma_start3A_596 = tpu.memref_squeeze %dma_start3A_595 : memref<1x125x40xf32, #tpu.memory_space<vmem>> -> memref<125x40xf32, #tpu.memory_space<vmem>>
      %dma_start3A_597 = arith.constant 0 : i32
      %dma_start3A_598 = tpu.memref_slice %arg8[%add3A_580, %dma_start3A_597] : memref<80x125xi32, #tpu.memory_space<vmem>> -> memref<1x125xi32, #tpu.memory_space<vmem>>
      %dma_start3A_599 = tpu.memref_squeeze %dma_start3A_598 : memref<1x125xi32, #tpu.memory_space<vmem>> -> memref<125xi32, #tpu.memory_space<vmem>>
      %dma_start3A_600 = arith.constant 0 : i32
      %dma_start3A_601 = arith.constant 0 : i32
      %dma_start3A_602 = tpu.memref_slice %arg10[%dma_start3A_600, %dma_start3A_601] : memref<10000x40xf32, #tpu.memory_space<vmem_shared>> -> memref<10000x40xf32, #tpu.memory_space<vmem_shared>>
      tpu.enqueue_indirect_dma source(%dma_start3A_596 : memref<125x40xf32, #tpu.memory_space<vmem>>) target(%dma_start3A_602 : memref<10000x40xf32, #tpu.memory_space<vmem_shared>>) offsets(%dma_start3A_599 : memref<125xi32, #tpu.memory_space<vmem>>) semaphore(%arg11 : memref<!tpu.dma_semaphore, #tpu.memory_space<semaphore_mem>>) {add = true}
      %ge3A_603 = arith.constant 8 : i32
      %ge3A_604 = arith.cmpi sge, %add3A_580, %ge3A_603 : i32
      %convert_element_type3A_605 = arith.extui %ge3A_604 : i1 to i32
      %cond3A_606 = arith.constant 0 : i32
      %cond3A_607 = arith.cmpi ne, %convert_element_type3A_605, %cond3A_606 : i32
      scf.if %cond3A_607 {
        %dma_wait3A_805 = arith.constant 10 : i32
        %dma_wait3A_806 = arith.constant 0 : i32
        %dma_wait3A_807 = arith.constant 0 : i32
        %dma_wait3A_808 = tpu.memref_slice %arg9[%dma_wait3A_805, %dma_wait3A_806, %dma_wait3A_807] : memref<16x125x40xf32, #tpu.memory_space<vmem>> -> memref<1x125x40xf32, #tpu.memory_space<vmem>>
        %dma_wait3A_809 = tpu.memref_squeeze %dma_wait3A_808 : memref<1x125x40xf32, #tpu.memory_space<vmem>> -> memref<125x40xf32, #tpu.memory_space<vmem>>
        %dma_wait3A_810 = arith.constant 0 : i32
        %dma_wait3A_811 = tpu.memref_slice %arg8[%add3A_580, %dma_wait3A_810] : memref<80x125xi32, #tpu.memory_space<vmem>> -> memref<1x125xi32, #tpu.memory_space<vmem>>
        %dma_wait3A_812 = tpu.memref_squeeze %dma_wait3A_811 : memref<1x125xi32, #tpu.memory_space<vmem>> -> memref<125xi32, #tpu.memory_space<vmem>>
        %dma_wait3A_813 = arith.constant 0 : i32
        %dma_wait3A_814 = arith.constant 0 : i32
        %dma_wait3A_815 = tpu.memref_slice %arg10[%dma_wait3A_813, %dma_wait3A_814] : memref<10000x40xf32, #tpu.memory_space<vmem_shared>> -> memref<10000x40xf32, #tpu.memory_space<vmem_shared>>
        tpu.wait_indirect_dma semaphore(%arg11 : memref<!tpu.dma_semaphore, #tpu.memory_space<semaphore_mem>>) src(%dma_wait3A_809 : memref<125x40xf32, #tpu.memory_space<vmem>>) dst(%dma_wait3A_815 : memref<10000x40xf32, #tpu.memory_space<vmem_shared>>)
      } else {
      }
      %add3A_608 = arith.constant 8 : i32
      %add3A_609 = arith.addi %add3A_580, %add3A_608 : i32
      %lt3A_610 = arith.constant 80 : i32
      %lt3A_611 = arith.cmpi slt, %add3A_609, %lt3A_610 : i32
      %convert_element_type3A_612 = arith.extui %lt3A_611 : i1 to i32
      %cond3A_613 = arith.constant 0 : i32
      %cond3A_614 = arith.cmpi ne, %convert_element_type3A_612, %cond3A_613 : i32
      scf.if %cond3A_614 {
        %add3A_805 = arith.constant 8 : i32
        %add3A_806 = arith.addi %add3A_580, %add3A_805 : i32
        %dma_start3A_807 = arith.constant 2 : i32
        %dma_start3A_808 = arith.constant 0 : i32
        %dma_start3A_809 = arith.constant 0 : i32
        %dma_start3A_810 = tpu.memref_slice %arg9[%dma_start3A_807, %dma_start3A_808, %dma_start3A_809] : memref<16x125x40xf32, #tpu.memory_space<vmem>> -> memref<1x125x40xf32, #tpu.memory_space<vmem>>
        %dma_start3A_811 = tpu.memref_squeeze %dma_start3A_810 : memref<1x125x40xf32, #tpu.memory_space<vmem>> -> memref<125x40xf32, #tpu.memory_space<vmem>>
        %dma_start3A_812 = arith.constant 0 : i32
        %dma_start3A_813 = tpu.memref_slice %arg7[%add3A_806, %dma_start3A_812] : memref<80x125xi32, #tpu.memory_space<vmem>> -> memref<1x125xi32, #tpu.memory_space<vmem>>
        %dma_start3A_814 = tpu.memref_squeeze %dma_start3A_813 : memref<1x125xi32, #tpu.memory_space<vmem>> -> memref<125xi32, #tpu.memory_space<vmem>>
        %dma_start3A_815 = arith.constant 0 : i32
        %dma_start3A_816 = arith.constant 0 : i32
        %dma_start3A_817 = tpu.memref_slice %arg4[%dma_start3A_815, %dma_start3A_816] : memref<10000x40xf32, #tpu.memory_space<hbm>> -> memref<10000x40xf32, #tpu.memory_space<hbm>>
        tpu.enqueue_indirect_dma source(%dma_start3A_817 : memref<10000x40xf32, #tpu.memory_space<hbm>>) target(%dma_start3A_811 : memref<125x40xf32, #tpu.memory_space<vmem>>) offsets(%dma_start3A_814 : memref<125xi32, #tpu.memory_space<vmem>>) semaphore(%arg14 : memref<!tpu.dma_semaphore, #tpu.memory_space<semaphore_mem>>)
      } else {
      }
      %mul3A_615 = arith.constant 16 : i32
      %mul3A_616 = arith.muli %scan3A_200, %mul3A_615 : i32
      %add3A_617 = arith.constant 11 : i32
      %add3A_618 = arith.addi %mul3A_616, %add3A_617 : i32
      %dma_wait3A_619 = arith.constant 11 : i32
      %dma_wait3A_620 = arith.constant 0 : i32
      %dma_wait3A_621 = arith.constant 0 : i32
      %dma_wait3A_622 = tpu.memref_slice %arg9[%dma_wait3A_619, %dma_wait3A_620, %dma_wait3A_621] : memref<16x125x40xf32, #tpu.memory_space<vmem>> -> memref<1x125x40xf32, #tpu.memory_space<vmem>>
      %dma_wait3A_623 = tpu.memref_squeeze %dma_wait3A_622 : memref<1x125x40xf32, #tpu.memory_space<vmem>> -> memref<125x40xf32, #tpu.memory_space<vmem>>
      %dma_wait3A_624 = arith.constant 0 : i32
      %dma_wait3A_625 = tpu.memref_slice %arg7[%add3A_618, %dma_wait3A_624] : memref<80x125xi32, #tpu.memory_space<vmem>> -> memref<1x125xi32, #tpu.memory_space<vmem>>
      %dma_wait3A_626 = tpu.memref_squeeze %dma_wait3A_625 : memref<1x125xi32, #tpu.memory_space<vmem>> -> memref<125xi32, #tpu.memory_space<vmem>>
      %dma_wait3A_627 = arith.constant 0 : i32
      %dma_wait3A_628 = arith.constant 0 : i32
      %dma_wait3A_629 = tpu.memref_slice %arg4[%dma_wait3A_627, %dma_wait3A_628] : memref<10000x40xf32, #tpu.memory_space<hbm>> -> memref<10000x40xf32, #tpu.memory_space<hbm>>
      tpu.wait_indirect_dma semaphore(%arg23 : memref<!tpu.dma_semaphore, #tpu.memory_space<semaphore_mem>>) src(%dma_wait3A_629 : memref<10000x40xf32, #tpu.memory_space<hbm>>) dst(%dma_wait3A_623 : memref<125x40xf32, #tpu.memory_space<vmem>>)
      %dma_start3A_630 = arith.constant 11 : i32
      %dma_start3A_631 = arith.constant 0 : i32
      %dma_start3A_632 = arith.constant 0 : i32
      %dma_start3A_633 = tpu.memref_slice %arg9[%dma_start3A_630, %dma_start3A_631, %dma_start3A_632] : memref<16x125x40xf32, #tpu.memory_space<vmem>> -> memref<1x125x40xf32, #tpu.memory_space<vmem>>
      %dma_start3A_634 = tpu.memref_squeeze %dma_start3A_633 : memref<1x125x40xf32, #tpu.memory_space<vmem>> -> memref<125x40xf32, #tpu.memory_space<vmem>>
      %dma_start3A_635 = arith.constant 0 : i32
      %dma_start3A_636 = tpu.memref_slice %arg8[%add3A_618, %dma_start3A_635] : memref<80x125xi32, #tpu.memory_space<vmem>> -> memref<1x125xi32, #tpu.memory_space<vmem>>
      %dma_start3A_637 = tpu.memref_squeeze %dma_start3A_636 : memref<1x125xi32, #tpu.memory_space<vmem>> -> memref<125xi32, #tpu.memory_space<vmem>>
      %dma_start3A_638 = arith.constant 0 : i32
      %dma_start3A_639 = arith.constant 0 : i32
      %dma_start3A_640 = tpu.memref_slice %arg10[%dma_start3A_638, %dma_start3A_639] : memref<10000x40xf32, #tpu.memory_space<vmem_shared>> -> memref<10000x40xf32, #tpu.memory_space<vmem_shared>>
      tpu.enqueue_indirect_dma source(%dma_start3A_634 : memref<125x40xf32, #tpu.memory_space<vmem>>) target(%dma_start3A_640 : memref<10000x40xf32, #tpu.memory_space<vmem_shared>>) offsets(%dma_start3A_637 : memref<125xi32, #tpu.memory_space<vmem>>) semaphore(%arg11 : memref<!tpu.dma_semaphore, #tpu.memory_space<semaphore_mem>>) {add = true}
      %ge3A_641 = arith.constant 8 : i32
      %ge3A_642 = arith.cmpi sge, %add3A_618, %ge3A_641 : i32
      %convert_element_type3A_643 = arith.extui %ge3A_642 : i1 to i32
      %cond3A_644 = arith.constant 0 : i32
      %cond3A_645 = arith.cmpi ne, %convert_element_type3A_643, %cond3A_644 : i32
      scf.if %cond3A_645 {
        %dma_wait3A_805 = arith.constant 11 : i32
        %dma_wait3A_806 = arith.constant 0 : i32
        %dma_wait3A_807 = arith.constant 0 : i32
        %dma_wait3A_808 = tpu.memref_slice %arg9[%dma_wait3A_805, %dma_wait3A_806, %dma_wait3A_807] : memref<16x125x40xf32, #tpu.memory_space<vmem>> -> memref<1x125x40xf32, #tpu.memory_space<vmem>>
        %dma_wait3A_809 = tpu.memref_squeeze %dma_wait3A_808 : memref<1x125x40xf32, #tpu.memory_space<vmem>> -> memref<125x40xf32, #tpu.memory_space<vmem>>
        %dma_wait3A_810 = arith.constant 0 : i32
        %dma_wait3A_811 = tpu.memref_slice %arg8[%add3A_618, %dma_wait3A_810] : memref<80x125xi32, #tpu.memory_space<vmem>> -> memref<1x125xi32, #tpu.memory_space<vmem>>
        %dma_wait3A_812 = tpu.memref_squeeze %dma_wait3A_811 : memref<1x125xi32, #tpu.memory_space<vmem>> -> memref<125xi32, #tpu.memory_space<vmem>>
        %dma_wait3A_813 = arith.constant 0 : i32
        %dma_wait3A_814 = arith.constant 0 : i32
        %dma_wait3A_815 = tpu.memref_slice %arg10[%dma_wait3A_813, %dma_wait3A_814] : memref<10000x40xf32, #tpu.memory_space<vmem_shared>> -> memref<10000x40xf32, #tpu.memory_space<vmem_shared>>
        tpu.wait_indirect_dma semaphore(%arg11 : memref<!tpu.dma_semaphore, #tpu.memory_space<semaphore_mem>>) src(%dma_wait3A_809 : memref<125x40xf32, #tpu.memory_space<vmem>>) dst(%dma_wait3A_815 : memref<10000x40xf32, #tpu.memory_space<vmem_shared>>)
      } else {
      }
      %add3A_646 = arith.constant 8 : i32
      %add3A_647 = arith.addi %add3A_618, %add3A_646 : i32
      %lt3A_648 = arith.constant 80 : i32
      %lt3A_649 = arith.cmpi slt, %add3A_647, %lt3A_648 : i32
      %convert_element_type3A_650 = arith.extui %lt3A_649 : i1 to i32
      %cond3A_651 = arith.constant 0 : i32
      %cond3A_652 = arith.cmpi ne, %convert_element_type3A_650, %cond3A_651 : i32
      scf.if %cond3A_652 {
        %add3A_805 = arith.constant 8 : i32
        %add3A_806 = arith.addi %add3A_618, %add3A_805 : i32
        %dma_start3A_807 = arith.constant 3 : i32
        %dma_start3A_808 = arith.constant 0 : i32
        %dma_start3A_809 = arith.constant 0 : i32
        %dma_start3A_810 = tpu.memref_slice %arg9[%dma_start3A_807, %dma_start3A_808, %dma_start3A_809] : memref<16x125x40xf32, #tpu.memory_space<vmem>> -> memref<1x125x40xf32, #tpu.memory_space<vmem>>
        %dma_start3A_811 = tpu.memref_squeeze %dma_start3A_810 : memref<1x125x40xf32, #tpu.memory_space<vmem>> -> memref<125x40xf32, #tpu.memory_space<vmem>>
        %dma_start3A_812 = arith.constant 0 : i32
        %dma_start3A_813 = tpu.memref_slice %arg7[%add3A_806, %dma_start3A_812] : memref<80x125xi32, #tpu.memory_space<vmem>> -> memref<1x125xi32, #tpu.memory_space<vmem>>
        %dma_start3A_814 = tpu.memref_squeeze %dma_start3A_813 : memref<1x125xi32, #tpu.memory_space<vmem>> -> memref<125xi32, #tpu.memory_space<vmem>>
        %dma_start3A_815 = arith.constant 0 : i32
        %dma_start3A_816 = arith.constant 0 : i32
        %dma_start3A_817 = tpu.memref_slice %arg4[%dma_start3A_815, %dma_start3A_816] : memref<10000x40xf32, #tpu.memory_space<hbm>> -> memref<10000x40xf32, #tpu.memory_space<hbm>>
        tpu.enqueue_indirect_dma source(%dma_start3A_817 : memref<10000x40xf32, #tpu.memory_space<hbm>>) target(%dma_start3A_811 : memref<125x40xf32, #tpu.memory_space<vmem>>) offsets(%dma_start3A_814 : memref<125xi32, #tpu.memory_space<vmem>>) semaphore(%arg15 : memref<!tpu.dma_semaphore, #tpu.memory_space<semaphore_mem>>)
      } else {
      }
      %mul3A_653 = arith.constant 16 : i32
      %mul3A_654 = arith.muli %scan3A_200, %mul3A_653 : i32
      %add3A_655 = arith.constant 12 : i32
      %add3A_656 = arith.addi %mul3A_654, %add3A_655 : i32
      %dma_wait3A_657 = arith.constant 12 : i32
      %dma_wait3A_658 = arith.constant 0 : i32
      %dma_wait3A_659 = arith.constant 0 : i32
      %dma_wait3A_660 = tpu.memref_slice %arg9[%dma_wait3A_657, %dma_wait3A_658, %dma_wait3A_659] : memref<16x125x40xf32, #tpu.memory_space<vmem>> -> memref<1x125x40xf32, #tpu.memory_space<vmem>>
      %dma_wait3A_661 = tpu.memref_squeeze %dma_wait3A_660 : memref<1x125x40xf32, #tpu.memory_space<vmem>> -> memref<125x40xf32, #tpu.memory_space<vmem>>
      %dma_wait3A_662 = arith.constant 0 : i32
      %dma_wait3A_663 = tpu.memref_slice %arg7[%add3A_656, %dma_wait3A_662] : memref<80x125xi32, #tpu.memory_space<vmem>> -> memref<1x125xi32, #tpu.memory_space<vmem>>
      %dma_wait3A_664 = tpu.memref_squeeze %dma_wait3A_663 : memref<1x125xi32, #tpu.memory_space<vmem>> -> memref<125xi32, #tpu.memory_space<vmem>>
      %dma_wait3A_665 = arith.constant 0 : i32
      %dma_wait3A_666 = arith.constant 0 : i32
      %dma_wait3A_667 = tpu.memref_slice %arg4[%dma_wait3A_665, %dma_wait3A_666] : memref<10000x40xf32, #tpu.memory_space<hbm>> -> memref<10000x40xf32, #tpu.memory_space<hbm>>
      tpu.wait_indirect_dma semaphore(%arg24 : memref<!tpu.dma_semaphore, #tpu.memory_space<semaphore_mem>>) src(%dma_wait3A_667 : memref<10000x40xf32, #tpu.memory_space<hbm>>) dst(%dma_wait3A_661 : memref<125x40xf32, #tpu.memory_space<vmem>>)
      %dma_start3A_668 = arith.constant 12 : i32
      %dma_start3A_669 = arith.constant 0 : i32
      %dma_start3A_670 = arith.constant 0 : i32
      %dma_start3A_671 = tpu.memref_slice %arg9[%dma_start3A_668, %dma_start3A_669, %dma_start3A_670] : memref<16x125x40xf32, #tpu.memory_space<vmem>> -> memref<1x125x40xf32, #tpu.memory_space<vmem>>
      %dma_start3A_672 = tpu.memref_squeeze %dma_start3A_671 : memref<1x125x40xf32, #tpu.memory_space<vmem>> -> memref<125x40xf32, #tpu.memory_space<vmem>>
      %dma_start3A_673 = arith.constant 0 : i32
      %dma_start3A_674 = tpu.memref_slice %arg8[%add3A_656, %dma_start3A_673] : memref<80x125xi32, #tpu.memory_space<vmem>> -> memref<1x125xi32, #tpu.memory_space<vmem>>
      %dma_start3A_675 = tpu.memref_squeeze %dma_start3A_674 : memref<1x125xi32, #tpu.memory_space<vmem>> -> memref<125xi32, #tpu.memory_space<vmem>>
      %dma_start3A_676 = arith.constant 0 : i32
      %dma_start3A_677 = arith.constant 0 : i32
      %dma_start3A_678 = tpu.memref_slice %arg10[%dma_start3A_676, %dma_start3A_677] : memref<10000x40xf32, #tpu.memory_space<vmem_shared>> -> memref<10000x40xf32, #tpu.memory_space<vmem_shared>>
      tpu.enqueue_indirect_dma source(%dma_start3A_672 : memref<125x40xf32, #tpu.memory_space<vmem>>) target(%dma_start3A_678 : memref<10000x40xf32, #tpu.memory_space<vmem_shared>>) offsets(%dma_start3A_675 : memref<125xi32, #tpu.memory_space<vmem>>) semaphore(%arg11 : memref<!tpu.dma_semaphore, #tpu.memory_space<semaphore_mem>>) {add = true}
      %ge3A_679 = arith.constant 8 : i32
      %ge3A_680 = arith.cmpi sge, %add3A_656, %ge3A_679 : i32
      %convert_element_type3A_681 = arith.extui %ge3A_680 : i1 to i32
      %cond3A_682 = arith.constant 0 : i32
      %cond3A_683 = arith.cmpi ne, %convert_element_type3A_681, %cond3A_682 : i32
      scf.if %cond3A_683 {
        %dma_wait3A_805 = arith.constant 12 : i32
        %dma_wait3A_806 = arith.constant 0 : i32
        %dma_wait3A_807 = arith.constant 0 : i32
        %dma_wait3A_808 = tpu.memref_slice %arg9[%dma_wait3A_805, %dma_wait3A_806, %dma_wait3A_807] : memref<16x125x40xf32, #tpu.memory_space<vmem>> -> memref<1x125x40xf32, #tpu.memory_space<vmem>>
        %dma_wait3A_809 = tpu.memref_squeeze %dma_wait3A_808 : memref<1x125x40xf32, #tpu.memory_space<vmem>> -> memref<125x40xf32, #tpu.memory_space<vmem>>
        %dma_wait3A_810 = arith.constant 0 : i32
        %dma_wait3A_811 = tpu.memref_slice %arg8[%add3A_656, %dma_wait3A_810] : memref<80x125xi32, #tpu.memory_space<vmem>> -> memref<1x125xi32, #tpu.memory_space<vmem>>
        %dma_wait3A_812 = tpu.memref_squeeze %dma_wait3A_811 : memref<1x125xi32, #tpu.memory_space<vmem>> -> memref<125xi32, #tpu.memory_space<vmem>>
        %dma_wait3A_813 = arith.constant 0 : i32
        %dma_wait3A_814 = arith.constant 0 : i32
        %dma_wait3A_815 = tpu.memref_slice %arg10[%dma_wait3A_813, %dma_wait3A_814] : memref<10000x40xf32, #tpu.memory_space<vmem_shared>> -> memref<10000x40xf32, #tpu.memory_space<vmem_shared>>
        tpu.wait_indirect_dma semaphore(%arg11 : memref<!tpu.dma_semaphore, #tpu.memory_space<semaphore_mem>>) src(%dma_wait3A_809 : memref<125x40xf32, #tpu.memory_space<vmem>>) dst(%dma_wait3A_815 : memref<10000x40xf32, #tpu.memory_space<vmem_shared>>)
      } else {
      }
      %add3A_684 = arith.constant 8 : i32
      %add3A_685 = arith.addi %add3A_656, %add3A_684 : i32
      %lt3A_686 = arith.constant 80 : i32
      %lt3A_687 = arith.cmpi slt, %add3A_685, %lt3A_686 : i32
      %convert_element_type3A_688 = arith.extui %lt3A_687 : i1 to i32
      %cond3A_689 = arith.constant 0 : i32
      %cond3A_690 = arith.cmpi ne, %convert_element_type3A_688, %cond3A_689 : i32
      scf.if %cond3A_690 {
        %add3A_805 = arith.constant 8 : i32
        %add3A_806 = arith.addi %add3A_656, %add3A_805 : i32
        %dma_start3A_807 = arith.constant 4 : i32
        %dma_start3A_808 = arith.constant 0 : i32
        %dma_start3A_809 = arith.constant 0 : i32
        %dma_start3A_810 = tpu.memref_slice %arg9[%dma_start3A_807, %dma_start3A_808, %dma_start3A_809] : memref<16x125x40xf32, #tpu.memory_space<vmem>> -> memref<1x125x40xf32, #tpu.memory_space<vmem>>
        %dma_start3A_811 = tpu.memref_squeeze %dma_start3A_810 : memref<1x125x40xf32, #tpu.memory_space<vmem>> -> memref<125x40xf32, #tpu.memory_space<vmem>>
        %dma_start3A_812 = arith.constant 0 : i32
        %dma_start3A_813 = tpu.memref_slice %arg7[%add3A_806, %dma_start3A_812] : memref<80x125xi32, #tpu.memory_space<vmem>> -> memref<1x125xi32, #tpu.memory_space<vmem>>
        %dma_start3A_814 = tpu.memref_squeeze %dma_start3A_813 : memref<1x125xi32, #tpu.memory_space<vmem>> -> memref<125xi32, #tpu.memory_space<vmem>>
        %dma_start3A_815 = arith.constant 0 : i32
        %dma_start3A_816 = arith.constant 0 : i32
        %dma_start3A_817 = tpu.memref_slice %arg4[%dma_start3A_815, %dma_start3A_816] : memref<10000x40xf32, #tpu.memory_space<hbm>> -> memref<10000x40xf32, #tpu.memory_space<hbm>>
        tpu.enqueue_indirect_dma source(%dma_start3A_817 : memref<10000x40xf32, #tpu.memory_space<hbm>>) target(%dma_start3A_811 : memref<125x40xf32, #tpu.memory_space<vmem>>) offsets(%dma_start3A_814 : memref<125xi32, #tpu.memory_space<vmem>>) semaphore(%arg16 : memref<!tpu.dma_semaphore, #tpu.memory_space<semaphore_mem>>)
      } else {
      }
      %mul3A_691 = arith.constant 16 : i32
      %mul3A_692 = arith.muli %scan3A_200, %mul3A_691 : i32
      %add3A_693 = arith.constant 13 : i32
      %add3A_694 = arith.addi %mul3A_692, %add3A_693 : i32
      %dma_wait3A_695 = arith.constant 13 : i32
      %dma_wait3A_696 = arith.constant 0 : i32
      %dma_wait3A_697 = arith.constant 0 : i32
      %dma_wait3A_698 = tpu.memref_slice %arg9[%dma_wait3A_695, %dma_wait3A_696, %dma_wait3A_697] : memref<16x125x40xf32, #tpu.memory_space<vmem>> -> memref<1x125x40xf32, #tpu.memory_space<vmem>>
      %dma_wait3A_699 = tpu.memref_squeeze %dma_wait3A_698 : memref<1x125x40xf32, #tpu.memory_space<vmem>> -> memref<125x40xf32, #tpu.memory_space<vmem>>
      %dma_wait3A_700 = arith.constant 0 : i32
      %dma_wait3A_701 = tpu.memref_slice %arg7[%add3A_694, %dma_wait3A_700] : memref<80x125xi32, #tpu.memory_space<vmem>> -> memref<1x125xi32, #tpu.memory_space<vmem>>
      %dma_wait3A_702 = tpu.memref_squeeze %dma_wait3A_701 : memref<1x125xi32, #tpu.memory_space<vmem>> -> memref<125xi32, #tpu.memory_space<vmem>>
      %dma_wait3A_703 = arith.constant 0 : i32
      %dma_wait3A_704 = arith.constant 0 : i32
      %dma_wait3A_705 = tpu.memref_slice %arg4[%dma_wait3A_703, %dma_wait3A_704] : memref<10000x40xf32, #tpu.memory_space<hbm>> -> memref<10000x40xf32, #tpu.memory_space<hbm>>
      tpu.wait_indirect_dma semaphore(%arg25 : memref<!tpu.dma_semaphore, #tpu.memory_space<semaphore_mem>>) src(%dma_wait3A_705 : memref<10000x40xf32, #tpu.memory_space<hbm>>) dst(%dma_wait3A_699 : memref<125x40xf32, #tpu.memory_space<vmem>>)
      %dma_start3A_706 = arith.constant 13 : i32
      %dma_start3A_707 = arith.constant 0 : i32
      %dma_start3A_708 = arith.constant 0 : i32
      %dma_start3A_709 = tpu.memref_slice %arg9[%dma_start3A_706, %dma_start3A_707, %dma_start3A_708] : memref<16x125x40xf32, #tpu.memory_space<vmem>> -> memref<1x125x40xf32, #tpu.memory_space<vmem>>
      %dma_start3A_710 = tpu.memref_squeeze %dma_start3A_709 : memref<1x125x40xf32, #tpu.memory_space<vmem>> -> memref<125x40xf32, #tpu.memory_space<vmem>>
      %dma_start3A_711 = arith.constant 0 : i32
      %dma_start3A_712 = tpu.memref_slice %arg8[%add3A_694, %dma_start3A_711] : memref<80x125xi32, #tpu.memory_space<vmem>> -> memref<1x125xi32, #tpu.memory_space<vmem>>
      %dma_start3A_713 = tpu.memref_squeeze %dma_start3A_712 : memref<1x125xi32, #tpu.memory_space<vmem>> -> memref<125xi32, #tpu.memory_space<vmem>>
      %dma_start3A_714 = arith.constant 0 : i32
      %dma_start3A_715 = arith.constant 0 : i32
      %dma_start3A_716 = tpu.memref_slice %arg10[%dma_start3A_714, %dma_start3A_715] : memref<10000x40xf32, #tpu.memory_space<vmem_shared>> -> memref<10000x40xf32, #tpu.memory_space<vmem_shared>>
      tpu.enqueue_indirect_dma source(%dma_start3A_710 : memref<125x40xf32, #tpu.memory_space<vmem>>) target(%dma_start3A_716 : memref<10000x40xf32, #tpu.memory_space<vmem_shared>>) offsets(%dma_start3A_713 : memref<125xi32, #tpu.memory_space<vmem>>) semaphore(%arg11 : memref<!tpu.dma_semaphore, #tpu.memory_space<semaphore_mem>>) {add = true}
      %ge3A_717 = arith.constant 8 : i32
      %ge3A_718 = arith.cmpi sge, %add3A_694, %ge3A_717 : i32
      %convert_element_type3A_719 = arith.extui %ge3A_718 : i1 to i32
      %cond3A_720 = arith.constant 0 : i32
      %cond3A_721 = arith.cmpi ne, %convert_element_type3A_719, %cond3A_720 : i32
      scf.if %cond3A_721 {
        %dma_wait3A_805 = arith.constant 13 : i32
        %dma_wait3A_806 = arith.constant 0 : i32
        %dma_wait3A_807 = arith.constant 0 : i32
        %dma_wait3A_808 = tpu.memref_slice %arg9[%dma_wait3A_805, %dma_wait3A_806, %dma_wait3A_807] : memref<16x125x40xf32, #tpu.memory_space<vmem>> -> memref<1x125x40xf32, #tpu.memory_space<vmem>>
        %dma_wait3A_809 = tpu.memref_squeeze %dma_wait3A_808 : memref<1x125x40xf32, #tpu.memory_space<vmem>> -> memref<125x40xf32, #tpu.memory_space<vmem>>
        %dma_wait3A_810 = arith.constant 0 : i32
        %dma_wait3A_811 = tpu.memref_slice %arg8[%add3A_694, %dma_wait3A_810] : memref<80x125xi32, #tpu.memory_space<vmem>> -> memref<1x125xi32, #tpu.memory_space<vmem>>
        %dma_wait3A_812 = tpu.memref_squeeze %dma_wait3A_811 : memref<1x125xi32, #tpu.memory_space<vmem>> -> memref<125xi32, #tpu.memory_space<vmem>>
        %dma_wait3A_813 = arith.constant 0 : i32
        %dma_wait3A_814 = arith.constant 0 : i32
        %dma_wait3A_815 = tpu.memref_slice %arg10[%dma_wait3A_813, %dma_wait3A_814] : memref<10000x40xf32, #tpu.memory_space<vmem_shared>> -> memref<10000x40xf32, #tpu.memory_space<vmem_shared>>
        tpu.wait_indirect_dma semaphore(%arg11 : memref<!tpu.dma_semaphore, #tpu.memory_space<semaphore_mem>>) src(%dma_wait3A_809 : memref<125x40xf32, #tpu.memory_space<vmem>>) dst(%dma_wait3A_815 : memref<10000x40xf32, #tpu.memory_space<vmem_shared>>)
      } else {
      }
      %add3A_722 = arith.constant 8 : i32
      %add3A_723 = arith.addi %add3A_694, %add3A_722 : i32
      %lt3A_724 = arith.constant 80 : i32
      %lt3A_725 = arith.cmpi slt, %add3A_723, %lt3A_724 : i32
      %convert_element_type3A_726 = arith.extui %lt3A_725 : i1 to i32
      %cond3A_727 = arith.constant 0 : i32
      %cond3A_728 = arith.cmpi ne, %convert_element_type3A_726, %cond3A_727 : i32
      scf.if %cond3A_728 {
        %add3A_805 = arith.constant 8 : i32
        %add3A_806 = arith.addi %add3A_694, %add3A_805 : i32
        %dma_start3A_807 = arith.constant 5 : i32
        %dma_start3A_808 = arith.constant 0 : i32
        %dma_start3A_809 = arith.constant 0 : i32
        %dma_start3A_810 = tpu.memref_slice %arg9[%dma_start3A_807, %dma_start3A_808, %dma_start3A_809] : memref<16x125x40xf32, #tpu.memory_space<vmem>> -> memref<1x125x40xf32, #tpu.memory_space<vmem>>
        %dma_start3A_811 = tpu.memref_squeeze %dma_start3A_810 : memref<1x125x40xf32, #tpu.memory_space<vmem>> -> memref<125x40xf32, #tpu.memory_space<vmem>>
        %dma_start3A_812 = arith.constant 0 : i32
        %dma_start3A_813 = tpu.memref_slice %arg7[%add3A_806, %dma_start3A_812] : memref<80x125xi32, #tpu.memory_space<vmem>> -> memref<1x125xi32, #tpu.memory_space<vmem>>
        %dma_start3A_814 = tpu.memref_squeeze %dma_start3A_813 : memref<1x125xi32, #tpu.memory_space<vmem>> -> memref<125xi32, #tpu.memory_space<vmem>>
        %dma_start3A_815 = arith.constant 0 : i32
        %dma_start3A_816 = arith.constant 0 : i32
        %dma_start3A_817 = tpu.memref_slice %arg4[%dma_start3A_815, %dma_start3A_816] : memref<10000x40xf32, #tpu.memory_space<hbm>> -> memref<10000x40xf32, #tpu.memory_space<hbm>>
        tpu.enqueue_indirect_dma source(%dma_start3A_817 : memref<10000x40xf32, #tpu.memory_space<hbm>>) target(%dma_start3A_811 : memref<125x40xf32, #tpu.memory_space<vmem>>) offsets(%dma_start3A_814 : memref<125xi32, #tpu.memory_space<vmem>>) semaphore(%arg17 : memref<!tpu.dma_semaphore, #tpu.memory_space<semaphore_mem>>)
      } else {
      }
      %mul3A_729 = arith.constant 16 : i32
      %mul3A_730 = arith.muli %scan3A_200, %mul3A_729 : i32
      %add3A_731 = arith.constant 14 : i32
      %add3A_732 = arith.addi %mul3A_730, %add3A_731 : i32
      %dma_wait3A_733 = arith.constant 14 : i32
      %dma_wait3A_734 = arith.constant 0 : i32
      %dma_wait3A_735 = arith.constant 0 : i32
      %dma_wait3A_736 = tpu.memref_slice %arg9[%dma_wait3A_733, %dma_wait3A_734, %dma_wait3A_735] : memref<16x125x40xf32, #tpu.memory_space<vmem>> -> memref<1x125x40xf32, #tpu.memory_space<vmem>>
      %dma_wait3A_737 = tpu.memref_squeeze %dma_wait3A_736 : memref<1x125x40xf32, #tpu.memory_space<vmem>> -> memref<125x40xf32, #tpu.memory_space<vmem>>
      %dma_wait3A_738 = arith.constant 0 : i32
      %dma_wait3A_739 = tpu.memref_slice %arg7[%add3A_732, %dma_wait3A_738] : memref<80x125xi32, #tpu.memory_space<vmem>> -> memref<1x125xi32, #tpu.memory_space<vmem>>
      %dma_wait3A_740 = tpu.memref_squeeze %dma_wait3A_739 : memref<1x125xi32, #tpu.memory_space<vmem>> -> memref<125xi32, #tpu.memory_space<vmem>>
      %dma_wait3A_741 = arith.constant 0 : i32
      %dma_wait3A_742 = arith.constant 0 : i32
      %dma_wait3A_743 = tpu.memref_slice %arg4[%dma_wait3A_741, %dma_wait3A_742] : memref<10000x40xf32, #tpu.memory_space<hbm>> -> memref<10000x40xf32, #tpu.memory_space<hbm>>
      tpu.wait_indirect_dma semaphore(%arg26 : memref<!tpu.dma_semaphore, #tpu.memory_space<semaphore_mem>>) src(%dma_wait3A_743 : memref<10000x40xf32, #tpu.memory_space<hbm>>) dst(%dma_wait3A_737 : memref<125x40xf32, #tpu.memory_space<vmem>>)
      %dma_start3A_744 = arith.constant 14 : i32
      %dma_start3A_745 = arith.constant 0 : i32
      %dma_start3A_746 = arith.constant 0 : i32
      %dma_start3A_747 = tpu.memref_slice %arg9[%dma_start3A_744, %dma_start3A_745, %dma_start3A_746] : memref<16x125x40xf32, #tpu.memory_space<vmem>> -> memref<1x125x40xf32, #tpu.memory_space<vmem>>
      %dma_start3A_748 = tpu.memref_squeeze %dma_start3A_747 : memref<1x125x40xf32, #tpu.memory_space<vmem>> -> memref<125x40xf32, #tpu.memory_space<vmem>>
      %dma_start3A_749 = arith.constant 0 : i32
      %dma_start3A_750 = tpu.memref_slice %arg8[%add3A_732, %dma_start3A_749] : memref<80x125xi32, #tpu.memory_space<vmem>> -> memref<1x125xi32, #tpu.memory_space<vmem>>
      %dma_start3A_751 = tpu.memref_squeeze %dma_start3A_750 : memref<1x125xi32, #tpu.memory_space<vmem>> -> memref<125xi32, #tpu.memory_space<vmem>>
      %dma_start3A_752 = arith.constant 0 : i32
      %dma_start3A_753 = arith.constant 0 : i32
      %dma_start3A_754 = tpu.memref_slice %arg10[%dma_start3A_752, %dma_start3A_753] : memref<10000x40xf32, #tpu.memory_space<vmem_shared>> -> memref<10000x40xf32, #tpu.memory_space<vmem_shared>>
      tpu.enqueue_indirect_dma source(%dma_start3A_748 : memref<125x40xf32, #tpu.memory_space<vmem>>) target(%dma_start3A_754 : memref<10000x40xf32, #tpu.memory_space<vmem_shared>>) offsets(%dma_start3A_751 : memref<125xi32, #tpu.memory_space<vmem>>) semaphore(%arg11 : memref<!tpu.dma_semaphore, #tpu.memory_space<semaphore_mem>>) {add = true}
      %ge3A_755 = arith.constant 8 : i32
      %ge3A_756 = arith.cmpi sge, %add3A_732, %ge3A_755 : i32
      %convert_element_type3A_757 = arith.extui %ge3A_756 : i1 to i32
      %cond3A_758 = arith.constant 0 : i32
      %cond3A_759 = arith.cmpi ne, %convert_element_type3A_757, %cond3A_758 : i32
      scf.if %cond3A_759 {
        %dma_wait3A_805 = arith.constant 14 : i32
        %dma_wait3A_806 = arith.constant 0 : i32
        %dma_wait3A_807 = arith.constant 0 : i32
        %dma_wait3A_808 = tpu.memref_slice %arg9[%dma_wait3A_805, %dma_wait3A_806, %dma_wait3A_807] : memref<16x125x40xf32, #tpu.memory_space<vmem>> -> memref<1x125x40xf32, #tpu.memory_space<vmem>>
        %dma_wait3A_809 = tpu.memref_squeeze %dma_wait3A_808 : memref<1x125x40xf32, #tpu.memory_space<vmem>> -> memref<125x40xf32, #tpu.memory_space<vmem>>
        %dma_wait3A_810 = arith.constant 0 : i32
        %dma_wait3A_811 = tpu.memref_slice %arg8[%add3A_732, %dma_wait3A_810] : memref<80x125xi32, #tpu.memory_space<vmem>> -> memref<1x125xi32, #tpu.memory_space<vmem>>
        %dma_wait3A_812 = tpu.memref_squeeze %dma_wait3A_811 : memref<1x125xi32, #tpu.memory_space<vmem>> -> memref<125xi32, #tpu.memory_space<vmem>>
        %dma_wait3A_813 = arith.constant 0 : i32
        %dma_wait3A_814 = arith.constant 0 : i32
        %dma_wait3A_815 = tpu.memref_slice %arg10[%dma_wait3A_813, %dma_wait3A_814] : memref<10000x40xf32, #tpu.memory_space<vmem_shared>> -> memref<10000x40xf32, #tpu.memory_space<vmem_shared>>
        tpu.wait_indirect_dma semaphore(%arg11 : memref<!tpu.dma_semaphore, #tpu.memory_space<semaphore_mem>>) src(%dma_wait3A_809 : memref<125x40xf32, #tpu.memory_space<vmem>>) dst(%dma_wait3A_815 : memref<10000x40xf32, #tpu.memory_space<vmem_shared>>)
      } else {
      }
      %add3A_760 = arith.constant 8 : i32
      %add3A_761 = arith.addi %add3A_732, %add3A_760 : i32
      %lt3A_762 = arith.constant 80 : i32
      %lt3A_763 = arith.cmpi slt, %add3A_761, %lt3A_762 : i32
      %convert_element_type3A_764 = arith.extui %lt3A_763 : i1 to i32
      %cond3A_765 = arith.constant 0 : i32
      %cond3A_766 = arith.cmpi ne, %convert_element_type3A_764, %cond3A_765 : i32
      scf.if %cond3A_766 {
        %add3A_805 = arith.constant 8 : i32
        %add3A_806 = arith.addi %add3A_732, %add3A_805 : i32
        %dma_start3A_807 = arith.constant 6 : i32
        %dma_start3A_808 = arith.constant 0 : i32
        %dma_start3A_809 = arith.constant 0 : i32
        %dma_start3A_810 = tpu.memref_slice %arg9[%dma_start3A_807, %dma_start3A_808, %dma_start3A_809] : memref<16x125x40xf32, #tpu.memory_space<vmem>> -> memref<1x125x40xf32, #tpu.memory_space<vmem>>
        %dma_start3A_811 = tpu.memref_squeeze %dma_start3A_810 : memref<1x125x40xf32, #tpu.memory_space<vmem>> -> memref<125x40xf32, #tpu.memory_space<vmem>>
        %dma_start3A_812 = arith.constant 0 : i32
        %dma_start3A_813 = tpu.memref_slice %arg7[%add3A_806, %dma_start3A_812] : memref<80x125xi32, #tpu.memory_space<vmem>> -> memref<1x125xi32, #tpu.memory_space<vmem>>
        %dma_start3A_814 = tpu.memref_squeeze %dma_start3A_813 : memref<1x125xi32, #tpu.memory_space<vmem>> -> memref<125xi32, #tpu.memory_space<vmem>>
        %dma_start3A_815 = arith.constant 0 : i32
        %dma_start3A_816 = arith.constant 0 : i32
        %dma_start3A_817 = tpu.memref_slice %arg4[%dma_start3A_815, %dma_start3A_816] : memref<10000x40xf32, #tpu.memory_space<hbm>> -> memref<10000x40xf32, #tpu.memory_space<hbm>>
        tpu.enqueue_indirect_dma source(%dma_start3A_817 : memref<10000x40xf32, #tpu.memory_space<hbm>>) target(%dma_start3A_811 : memref<125x40xf32, #tpu.memory_space<vmem>>) offsets(%dma_start3A_814 : memref<125xi32, #tpu.memory_space<vmem>>) semaphore(%arg18 : memref<!tpu.dma_semaphore, #tpu.memory_space<semaphore_mem>>)
      } else {
      }
      %mul3A_767 = arith.constant 16 : i32
      %mul3A_768 = arith.muli %scan3A_200, %mul3A_767 : i32
      %add3A_769 = arith.constant 15 : i32
      %add3A_770 = arith.addi %mul3A_768, %add3A_769 : i32
      %dma_wait3A_771 = arith.constant 15 : i32
      %dma_wait3A_772 = arith.constant 0 : i32
      %dma_wait3A_773 = arith.constant 0 : i32
      %dma_wait3A_774 = tpu.memref_slice %arg9[%dma_wait3A_771, %dma_wait3A_772, %dma_wait3A_773] : memref<16x125x40xf32, #tpu.memory_space<vmem>> -> memref<1x125x40xf32, #tpu.memory_space<vmem>>
      %dma_wait3A_775 = tpu.memref_squeeze %dma_wait3A_774 : memref<1x125x40xf32, #tpu.memory_space<vmem>> -> memref<125x40xf32, #tpu.memory_space<vmem>>
      %dma_wait3A_776 = arith.constant 0 : i32
      %dma_wait3A_777 = tpu.memref_slice %arg7[%add3A_770, %dma_wait3A_776] : memref<80x125xi32, #tpu.memory_space<vmem>> -> memref<1x125xi32, #tpu.memory_space<vmem>>
      %dma_wait3A_778 = tpu.memref_squeeze %dma_wait3A_777 : memref<1x125xi32, #tpu.memory_space<vmem>> -> memref<125xi32, #tpu.memory_space<vmem>>
      %dma_wait3A_779 = arith.constant 0 : i32
      %dma_wait3A_780 = arith.constant 0 : i32
      %dma_wait3A_781 = tpu.memref_slice %arg4[%dma_wait3A_779, %dma_wait3A_780] : memref<10000x40xf32, #tpu.memory_space<hbm>> -> memref<10000x40xf32, #tpu.memory_space<hbm>>
      tpu.wait_indirect_dma semaphore(%arg27 : memref<!tpu.dma_semaphore, #tpu.memory_space<semaphore_mem>>) src(%dma_wait3A_781 : memref<10000x40xf32, #tpu.memory_space<hbm>>) dst(%dma_wait3A_775 : memref<125x40xf32, #tpu.memory_space<vmem>>)
      %dma_start3A_782 = arith.constant 15 : i32
      %dma_start3A_783 = arith.constant 0 : i32
      %dma_start3A_784 = arith.constant 0 : i32
      %dma_start3A_785 = tpu.memref_slice %arg9[%dma_start3A_782, %dma_start3A_783, %dma_start3A_784] : memref<16x125x40xf32, #tpu.memory_space<vmem>> -> memref<1x125x40xf32, #tpu.memory_space<vmem>>
      %dma_start3A_786 = tpu.memref_squeeze %dma_start3A_785 : memref<1x125x40xf32, #tpu.memory_space<vmem>> -> memref<125x40xf32, #tpu.memory_space<vmem>>
      %dma_start3A_787 = arith.constant 0 : i32
      %dma_start3A_788 = tpu.memref_slice %arg8[%add3A_770, %dma_start3A_787] : memref<80x125xi32, #tpu.memory_space<vmem>> -> memref<1x125xi32, #tpu.memory_space<vmem>>
      %dma_start3A_789 = tpu.memref_squeeze %dma_start3A_788 : memref<1x125xi32, #tpu.memory_space<vmem>> -> memref<125xi32, #tpu.memory_space<vmem>>
      %dma_start3A_790 = arith.constant 0 : i32
      %dma_start3A_791 = arith.constant 0 : i32
      %dma_start3A_792 = tpu.memref_slice %arg10[%dma_start3A_790, %dma_start3A_791] : memref<10000x40xf32, #tpu.memory_space<vmem_shared>> -> memref<10000x40xf32, #tpu.memory_space<vmem_shared>>
      tpu.enqueue_indirect_dma source(%dma_start3A_786 : memref<125x40xf32, #tpu.memory_space<vmem>>) target(%dma_start3A_792 : memref<10000x40xf32, #tpu.memory_space<vmem_shared>>) offsets(%dma_start3A_789 : memref<125xi32, #tpu.memory_space<vmem>>) semaphore(%arg11 : memref<!tpu.dma_semaphore, #tpu.memory_space<semaphore_mem>>) {add = true}
      %ge3A_793 = arith.constant 8 : i32
      %ge3A_794 = arith.cmpi sge, %add3A_770, %ge3A_793 : i32
      %convert_element_type3A_795 = arith.extui %ge3A_794 : i1 to i32
      %cond3A_796 = arith.constant 0 : i32
      %cond3A_797 = arith.cmpi ne, %convert_element_type3A_795, %cond3A_796 : i32
      scf.if %cond3A_797 {
        %dma_wait3A_805 = arith.constant 15 : i32
        %dma_wait3A_806 = arith.constant 0 : i32
        %dma_wait3A_807 = arith.constant 0 : i32
        %dma_wait3A_808 = tpu.memref_slice %arg9[%dma_wait3A_805, %dma_wait3A_806, %dma_wait3A_807] : memref<16x125x40xf32, #tpu.memory_space<vmem>> -> memref<1x125x40xf32, #tpu.memory_space<vmem>>
        %dma_wait3A_809 = tpu.memref_squeeze %dma_wait3A_808 : memref<1x125x40xf32, #tpu.memory_space<vmem>> -> memref<125x40xf32, #tpu.memory_space<vmem>>
        %dma_wait3A_810 = arith.constant 0 : i32
        %dma_wait3A_811 = tpu.memref_slice %arg8[%add3A_770, %dma_wait3A_810] : memref<80x125xi32, #tpu.memory_space<vmem>> -> memref<1x125xi32, #tpu.memory_space<vmem>>
        %dma_wait3A_812 = tpu.memref_squeeze %dma_wait3A_811 : memref<1x125xi32, #tpu.memory_space<vmem>> -> memref<125xi32, #tpu.memory_space<vmem>>
        %dma_wait3A_813 = arith.constant 0 : i32
        %dma_wait3A_814 = arith.constant 0 : i32
        %dma_wait3A_815 = tpu.memref_slice %arg10[%dma_wait3A_813, %dma_wait3A_814] : memref<10000x40xf32, #tpu.memory_space<vmem_shared>> -> memref<10000x40xf32, #tpu.memory_space<vmem_shared>>
        tpu.wait_indirect_dma semaphore(%arg11 : memref<!tpu.dma_semaphore, #tpu.memory_space<semaphore_mem>>) src(%dma_wait3A_809 : memref<125x40xf32, #tpu.memory_space<vmem>>) dst(%dma_wait3A_815 : memref<10000x40xf32, #tpu.memory_space<vmem_shared>>)
      } else {
      }
      %add3A_798 = arith.constant 8 : i32
      %add3A_799 = arith.addi %add3A_770, %add3A_798 : i32
      %lt3A_800 = arith.constant 80 : i32
      %lt3A_801 = arith.cmpi slt, %add3A_799, %lt3A_800 : i32
      %convert_element_type3A_802 = arith.extui %lt3A_801 : i1 to i32
      %cond3A_803 = arith.constant 0 : i32
      %cond3A_804 = arith.cmpi ne, %convert_element_type3A_802, %cond3A_803 : i32
      scf.if %cond3A_804 {
        %add3A_805 = arith.constant 8 : i32
        %add3A_806 = arith.addi %add3A_770, %add3A_805 : i32
        %dma_start3A_807 = arith.constant 7 : i32
        %dma_start3A_808 = arith.constant 0 : i32
        %dma_start3A_809 = arith.constant 0 : i32
        %dma_start3A_810 = tpu.memref_slice %arg9[%dma_start3A_807, %dma_start3A_808, %dma_start3A_809] : memref<16x125x40xf32, #tpu.memory_space<vmem>> -> memref<1x125x40xf32, #tpu.memory_space<vmem>>
        %dma_start3A_811 = tpu.memref_squeeze %dma_start3A_810 : memref<1x125x40xf32, #tpu.memory_space<vmem>> -> memref<125x40xf32, #tpu.memory_space<vmem>>
        %dma_start3A_812 = arith.constant 0 : i32
        %dma_start3A_813 = tpu.memref_slice %arg7[%add3A_806, %dma_start3A_812] : memref<80x125xi32, #tpu.memory_space<vmem>> -> memref<1x125xi32, #tpu.memory_space<vmem>>
        %dma_start3A_814 = tpu.memref_squeeze %dma_start3A_813 : memref<1x125xi32, #tpu.memory_space<vmem>> -> memref<125xi32, #tpu.memory_space<vmem>>
        %dma_start3A_815 = arith.constant 0 : i32
        %dma_start3A_816 = arith.constant 0 : i32
        %dma_start3A_817 = tpu.memref_slice %arg4[%dma_start3A_815, %dma_start3A_816] : memref<10000x40xf32, #tpu.memory_space<hbm>> -> memref<10000x40xf32, #tpu.memory_space<hbm>>
        tpu.enqueue_indirect_dma source(%dma_start3A_817 : memref<10000x40xf32, #tpu.memory_space<hbm>>) target(%dma_start3A_811 : memref<125x40xf32, #tpu.memory_space<vmem>>) offsets(%dma_start3A_814 : memref<125xi32, #tpu.memory_space<vmem>>) semaphore(%arg19 : memref<!tpu.dma_semaphore, #tpu.memory_space<semaphore_mem>>)
      } else {
      }
    }
    %scan3A_101 = arith.constant 5 : i32
    %dma_wait3A = arith.constant 0 : i32
    %dma_wait3A_102 = arith.constant 0 : i32
    %dma_wait3A_103 = arith.constant 0 : i32
    %dma_wait3A_104 = arith.constant 0 : i32
    %dma_wait3A_105 = tpu.memref_slice %arg9[%dma_wait3A, %dma_wait3A_103, %dma_wait3A_104] : memref<16x125x40xf32, #tpu.memory_space<vmem>> -> memref<1x125x40xf32, #tpu.memory_space<vmem>>
    %dma_wait3A_106 = tpu.memref_squeeze %dma_wait3A_105 : memref<1x125x40xf32, #tpu.memory_space<vmem>> -> memref<125x40xf32, #tpu.memory_space<vmem>>
    %dma_wait3A_107 = arith.constant 0 : i32
    %dma_wait3A_108 = tpu.memref_slice %arg8[%dma_wait3A_102, %dma_wait3A_107] : memref<80x125xi32, #tpu.memory_space<vmem>> -> memref<1x125xi32, #tpu.memory_space<vmem>>
    %dma_wait3A_109 = tpu.memref_squeeze %dma_wait3A_108 : memref<1x125xi32, #tpu.memory_space<vmem>> -> memref<125xi32, #tpu.memory_space<vmem>>
    %dma_wait3A_110 = arith.constant 0 : i32
    %dma_wait3A_111 = arith.constant 0 : i32
    %dma_wait3A_112 = tpu.memref_slice %arg10[%dma_wait3A_110, %dma_wait3A_111] : memref<10000x40xf32, #tpu.memory_space<vmem_shared>> -> memref<10000x40xf32, #tpu.memory_space<vmem_shared>>
    tpu.wait_indirect_dma semaphore(%arg11 : memref<!tpu.dma_semaphore, #tpu.memory_space<semaphore_mem>>) src(%dma_wait3A_106 : memref<125x40xf32, #tpu.memory_space<vmem>>) dst(%dma_wait3A_112 : memref<10000x40xf32, #tpu.memory_space<vmem_shared>>)
    %dma_wait3A_113 = arith.constant 1 : i32
    %dma_wait3A_114 = arith.constant 0 : i32
    %dma_wait3A_115 = arith.constant 0 : i32
    %dma_wait3A_116 = arith.constant 0 : i32
    %dma_wait3A_117 = tpu.memref_slice %arg9[%dma_wait3A_113, %dma_wait3A_115, %dma_wait3A_116] : memref<16x125x40xf32, #tpu.memory_space<vmem>> -> memref<1x125x40xf32, #tpu.memory_space<vmem>>
    %dma_wait3A_118 = tpu.memref_squeeze %dma_wait3A_117 : memref<1x125x40xf32, #tpu.memory_space<vmem>> -> memref<125x40xf32, #tpu.memory_space<vmem>>
    %dma_wait3A_119 = arith.constant 0 : i32
    %dma_wait3A_120 = tpu.memref_slice %arg8[%dma_wait3A_114, %dma_wait3A_119] : memref<80x125xi32, #tpu.memory_space<vmem>> -> memref<1x125xi32, #tpu.memory_space<vmem>>
    %dma_wait3A_121 = tpu.memref_squeeze %dma_wait3A_120 : memref<1x125xi32, #tpu.memory_space<vmem>> -> memref<125xi32, #tpu.memory_space<vmem>>
    %dma_wait3A_122 = arith.constant 0 : i32
    %dma_wait3A_123 = arith.constant 0 : i32
    %dma_wait3A_124 = tpu.memref_slice %arg10[%dma_wait3A_122, %dma_wait3A_123] : memref<10000x40xf32, #tpu.memory_space<vmem_shared>> -> memref<10000x40xf32, #tpu.memory_space<vmem_shared>>
    tpu.wait_indirect_dma semaphore(%arg11 : memref<!tpu.dma_semaphore, #tpu.memory_space<semaphore_mem>>) src(%dma_wait3A_118 : memref<125x40xf32, #tpu.memory_space<vmem>>) dst(%dma_wait3A_124 : memref<10000x40xf32, #tpu.memory_space<vmem_shared>>)
    %dma_wait3A_125 = arith.constant 2 : i32
    %dma_wait3A_126 = arith.constant 0 : i32
    %dma_wait3A_127 = arith.constant 0 : i32
    %dma_wait3A_128 = arith.constant 0 : i32
    %dma_wait3A_129 = tpu.memref_slice %arg9[%dma_wait3A_125, %dma_wait3A_127, %dma_wait3A_128] : memref<16x125x40xf32, #tpu.memory_space<vmem>> -> memref<1x125x40xf32, #tpu.memory_space<vmem>>
    %dma_wait3A_130 = tpu.memref_squeeze %dma_wait3A_129 : memref<1x125x40xf32, #tpu.memory_space<vmem>> -> memref<125x40xf32, #tpu.memory_space<vmem>>
    %dma_wait3A_131 = arith.constant 0 : i32
    %dma_wait3A_132 = tpu.memref_slice %arg8[%dma_wait3A_126, %dma_wait3A_131] : memref<80x125xi32, #tpu.memory_space<vmem>> -> memref<1x125xi32, #tpu.memory_space<vmem>>
    %dma_wait3A_133 = tpu.memref_squeeze %dma_wait3A_132 : memref<1x125xi32, #tpu.memory_space<vmem>> -> memref<125xi32, #tpu.memory_space<vmem>>
    %dma_wait3A_134 = arith.constant 0 : i32
    %dma_wait3A_135 = arith.constant 0 : i32
    %dma_wait3A_136 = tpu.memref_slice %arg10[%dma_wait3A_134, %dma_wait3A_135] : memref<10000x40xf32, #tpu.memory_space<vmem_shared>> -> memref<10000x40xf32, #tpu.memory_space<vmem_shared>>
    tpu.wait_indirect_dma semaphore(%arg11 : memref<!tpu.dma_semaphore, #tpu.memory_space<semaphore_mem>>) src(%dma_wait3A_130 : memref<125x40xf32, #tpu.memory_space<vmem>>) dst(%dma_wait3A_136 : memref<10000x40xf32, #tpu.memory_space<vmem_shared>>)
    %dma_wait3A_137 = arith.constant 3 : i32
    %dma_wait3A_138 = arith.constant 0 : i32
    %dma_wait3A_139 = arith.constant 0 : i32
    %dma_wait3A_140 = arith.constant 0 : i32
    %dma_wait3A_141 = tpu.memref_slice %arg9[%dma_wait3A_137, %dma_wait3A_139, %dma_wait3A_140] : memref<16x125x40xf32, #tpu.memory_space<vmem>> -> memref<1x125x40xf32, #tpu.memory_space<vmem>>
    %dma_wait3A_142 = tpu.memref_squeeze %dma_wait3A_141 : memref<1x125x40xf32, #tpu.memory_space<vmem>> -> memref<125x40xf32, #tpu.memory_space<vmem>>
    %dma_wait3A_143 = arith.constant 0 : i32
    %dma_wait3A_144 = tpu.memref_slice %arg8[%dma_wait3A_138, %dma_wait3A_143] : memref<80x125xi32, #tpu.memory_space<vmem>> -> memref<1x125xi32, #tpu.memory_space<vmem>>
    %dma_wait3A_145 = tpu.memref_squeeze %dma_wait3A_144 : memref<1x125xi32, #tpu.memory_space<vmem>> -> memref<125xi32, #tpu.memory_space<vmem>>
    %dma_wait3A_146 = arith.constant 0 : i32
    %dma_wait3A_147 = arith.constant 0 : i32
    %dma_wait3A_148 = tpu.memref_slice %arg10[%dma_wait3A_146, %dma_wait3A_147] : memref<10000x40xf32, #tpu.memory_space<vmem_shared>> -> memref<10000x40xf32, #tpu.memory_space<vmem_shared>>
    tpu.wait_indirect_dma semaphore(%arg11 : memref<!tpu.dma_semaphore, #tpu.memory_space<semaphore_mem>>) src(%dma_wait3A_142 : memref<125x40xf32, #tpu.memory_space<vmem>>) dst(%dma_wait3A_148 : memref<10000x40xf32, #tpu.memory_space<vmem_shared>>)
    %dma_wait3A_149 = arith.constant 4 : i32
    %dma_wait3A_150 = arith.constant 0 : i32
    %dma_wait3A_151 = arith.constant 0 : i32
    %dma_wait3A_152 = arith.constant 0 : i32
    %dma_wait3A_153 = tpu.memref_slice %arg9[%dma_wait3A_149, %dma_wait3A_151, %dma_wait3A_152] : memref<16x125x40xf32, #tpu.memory_space<vmem>> -> memref<1x125x40xf32, #tpu.memory_space<vmem>>
    %dma_wait3A_154 = tpu.memref_squeeze %dma_wait3A_153 : memref<1x125x40xf32, #tpu.memory_space<vmem>> -> memref<125x40xf32, #tpu.memory_space<vmem>>
    %dma_wait3A_155 = arith.constant 0 : i32
    %dma_wait3A_156 = tpu.memref_slice %arg8[%dma_wait3A_150, %dma_wait3A_155] : memref<80x125xi32, #tpu.memory_space<vmem>> -> memref<1x125xi32, #tpu.memory_space<vmem>>
    %dma_wait3A_157 = tpu.memref_squeeze %dma_wait3A_156 : memref<1x125xi32, #tpu.memory_space<vmem>> -> memref<125xi32, #tpu.memory_space<vmem>>
    %dma_wait3A_158 = arith.constant 0 : i32
    %dma_wait3A_159 = arith.constant 0 : i32
    %dma_wait3A_160 = tpu.memref_slice %arg10[%dma_wait3A_158, %dma_wait3A_159] : memref<10000x40xf32, #tpu.memory_space<vmem_shared>> -> memref<10000x40xf32, #tpu.memory_space<vmem_shared>>
    tpu.wait_indirect_dma semaphore(%arg11 : memref<!tpu.dma_semaphore, #tpu.memory_space<semaphore_mem>>) src(%dma_wait3A_154 : memref<125x40xf32, #tpu.memory_space<vmem>>) dst(%dma_wait3A_160 : memref<10000x40xf32, #tpu.memory_space<vmem_shared>>)
    %dma_wait3A_161 = arith.constant 5 : i32
    %dma_wait3A_162 = arith.constant 0 : i32
    %dma_wait3A_163 = arith.constant 0 : i32
    %dma_wait3A_164 = arith.constant 0 : i32
    %dma_wait3A_165 = tpu.memref_slice %arg9[%dma_wait3A_161, %dma_wait3A_163, %dma_wait3A_164] : memref<16x125x40xf32, #tpu.memory_space<vmem>> -> memref<1x125x40xf32, #tpu.memory_space<vmem>>
    %dma_wait3A_166 = tpu.memref_squeeze %dma_wait3A_165 : memref<1x125x40xf32, #tpu.memory_space<vmem>> -> memref<125x40xf32, #tpu.memory_space<vmem>>
    %dma_wait3A_167 = arith.constant 0 : i32
    %dma_wait3A_168 = tpu.memref_slice %arg8[%dma_wait3A_162, %dma_wait3A_167] : memref<80x125xi32, #tpu.memory_space<vmem>> -> memref<1x125xi32, #tpu.memory_space<vmem>>
    %dma_wait3A_169 = tpu.memref_squeeze %dma_wait3A_168 : memref<1x125xi32, #tpu.memory_space<vmem>> -> memref<125xi32, #tpu.memory_space<vmem>>
    %dma_wait3A_170 = arith.constant 0 : i32
    %dma_wait3A_171 = arith.constant 0 : i32
    %dma_wait3A_172 = tpu.memref_slice %arg10[%dma_wait3A_170, %dma_wait3A_171] : memref<10000x40xf32, #tpu.memory_space<vmem_shared>> -> memref<10000x40xf32, #tpu.memory_space<vmem_shared>>
    tpu.wait_indirect_dma semaphore(%arg11 : memref<!tpu.dma_semaphore, #tpu.memory_space<semaphore_mem>>) src(%dma_wait3A_166 : memref<125x40xf32, #tpu.memory_space<vmem>>) dst(%dma_wait3A_172 : memref<10000x40xf32, #tpu.memory_space<vmem_shared>>)
    %dma_wait3A_173 = arith.constant 6 : i32
    %dma_wait3A_174 = arith.constant 0 : i32
    %dma_wait3A_175 = arith.constant 0 : i32
    %dma_wait3A_176 = arith.constant 0 : i32
    %dma_wait3A_177 = tpu.memref_slice %arg9[%dma_wait3A_173, %dma_wait3A_175, %dma_wait3A_176] : memref<16x125x40xf32, #tpu.memory_space<vmem>> -> memref<1x125x40xf32, #tpu.memory_space<vmem>>
    %dma_wait3A_178 = tpu.memref_squeeze %dma_wait3A_177 : memref<1x125x40xf32, #tpu.memory_space<vmem>> -> memref<125x40xf32, #tpu.memory_space<vmem>>
    %dma_wait3A_179 = arith.constant 0 : i32
    %dma_wait3A_180 = tpu.memref_slice %arg8[%dma_wait3A_174, %dma_wait3A_179] : memref<80x125xi32, #tpu.memory_space<vmem>> -> memref<1x125xi32, #tpu.memory_space<vmem>>
    %dma_wait3A_181 = tpu.memref_squeeze %dma_wait3A_180 : memref<1x125xi32, #tpu.memory_space<vmem>> -> memref<125xi32, #tpu.memory_space<vmem>>
    %dma_wait3A_182 = arith.constant 0 : i32
    %dma_wait3A_183 = arith.constant 0 : i32
    %dma_wait3A_184 = tpu.memref_slice %arg10[%dma_wait3A_182, %dma_wait3A_183] : memref<10000x40xf32, #tpu.memory_space<vmem_shared>> -> memref<10000x40xf32, #tpu.memory_space<vmem_shared>>
    tpu.wait_indirect_dma semaphore(%arg11 : memref<!tpu.dma_semaphore, #tpu.memory_space<semaphore_mem>>) src(%dma_wait3A_178 : memref<125x40xf32, #tpu.memory_space<vmem>>) dst(%dma_wait3A_184 : memref<10000x40xf32, #tpu.memory_space<vmem_shared>>)
    %dma_wait3A_185 = arith.constant 7 : i32
    %dma_wait3A_186 = arith.constant 0 : i32
    %dma_wait3A_187 = arith.constant 0 : i32
    %dma_wait3A_188 = arith.constant 0 : i32
    %dma_wait3A_189 = tpu.memref_slice %arg9[%dma_wait3A_185, %dma_wait3A_187, %dma_wait3A_188] : memref<16x125x40xf32, #tpu.memory_space<vmem>> -> memref<1x125x40xf32, #tpu.memory_space<vmem>>
    %dma_wait3A_190 = tpu.memref_squeeze %dma_wait3A_189 : memref<1x125x40xf32, #tpu.memory_space<vmem>> -> memref<125x40xf32, #tpu.memory_space<vmem>>
    %dma_wait3A_191 = arith.constant 0 : i32
    %dma_wait3A_192 = tpu.memref_slice %arg8[%dma_wait3A_186, %dma_wait3A_191] : memref<80x125xi32, #tpu.memory_space<vmem>> -> memref<1x125xi32, #tpu.memory_space<vmem>>
    %dma_wait3A_193 = tpu.memref_squeeze %dma_wait3A_192 : memref<1x125xi32, #tpu.memory_space<vmem>> -> memref<125xi32, #tpu.memory_space<vmem>>
    %dma_wait3A_194 = arith.constant 0 : i32
    %dma_wait3A_195 = arith.constant 0 : i32
    %dma_wait3A_196 = tpu.memref_slice %arg10[%dma_wait3A_194, %dma_wait3A_195] : memref<10000x40xf32, #tpu.memory_space<vmem_shared>> -> memref<10000x40xf32, #tpu.memory_space<vmem_shared>>
    tpu.wait_indirect_dma semaphore(%arg11 : memref<!tpu.dma_semaphore, #tpu.memory_space<semaphore_mem>>) src(%dma_wait3A_190 : memref<125x40xf32, #tpu.memory_space<vmem>>) dst(%dma_wait3A_196 : memref<10000x40xf32, #tpu.memory_space<vmem_shared>>)
    %barrier3A_197 = arith.constant 0 : index
    tpu.barrier barrier_id(%barrier3A_197)
    %mul3A_198 = arith.constant 625 : i32
    %mul3A_199 = arith.muli %arg1, %mul3A_198 : i32
    "tpu.region"() ({
      %run_scoped3A = tpu.sem_alloc : memref<!tpu.dma_semaphore, #tpu.memory_space<semaphore_mem>>
      %dma_start3A_200 = arith.constant 0 : i32
      %dma_start3A_201 = arith.constant 0 : i32
      %dma_start3A_202 = tpu.memref_slice %arg6[%arg0, %arg1, %dma_start3A_200, %dma_start3A_201] : memref<2x16x625x40xf32, #tpu.memory_space<hbm>> -> memref<1x1x625x40xf32, #tpu.memory_space<hbm>>
      %dma_start3A_203 = tpu.memref_squeeze %dma_start3A_202 : memref<1x1x625x40xf32, #tpu.memory_space<hbm>> -> memref<625x40xf32, #tpu.memory_space<hbm>>
      %dma_start3A_204 = arith.constant 0 : i32
      %dma_start3A_205 = tpu.memref_slice %arg10[%mul3A_199, %dma_start3A_204] : memref<10000x40xf32, #tpu.memory_space<vmem_shared>> -> memref<625x40xf32, #tpu.memory_space<vmem_shared>>
      tpu.enqueue_dma source(%dma_start3A_205 : memref<625x40xf32, #tpu.memory_space<vmem_shared>>) target(%dma_start3A_203 : memref<625x40xf32, #tpu.memory_space<hbm>>) target_semaphore(%run_scoped3A : memref<!tpu.dma_semaphore, #tpu.memory_space<semaphore_mem>>)
      %dma_wait3A_206 = arith.constant 0 : i32
      %dma_wait3A_207 = arith.constant 0 : i32
      %dma_wait3A_208 = tpu.memref_slice %arg6[%arg0, %arg1, %dma_wait3A_206, %dma_wait3A_207] : memref<2x16x625x40xf32, #tpu.memory_space<hbm>> -> memref<1x1x625x40xf32, #tpu.memory_space<hbm>>
      %dma_wait3A_209 = tpu.memref_squeeze %dma_wait3A_208 : memref<1x1x625x40xf32, #tpu.memory_space<hbm>> -> memref<625x40xf32, #tpu.memory_space<hbm>>
      %dma_wait3A_210 = arith.constant 0 : i32
      %dma_wait3A_211 = tpu.memref_slice %arg10[%mul3A_199, %dma_wait3A_210] : memref<10000x40xf32, #tpu.memory_space<vmem_shared>> -> memref<625x40xf32, #tpu.memory_space<vmem_shared>>
      tpu.wait_dma2 semaphore(%run_scoped3A : memref<!tpu.dma_semaphore, #tpu.memory_space<semaphore_mem>>) src(%dma_wait3A_211 : memref<625x40xf32, #tpu.memory_space<vmem_shared>>) dst(%dma_wait3A_209 : memref<625x40xf32, #tpu.memory_space<hbm>>)
      tpu.yield
    }) : () -> ()
    return
  }
}

module attributes {stable_mosaic.version = 14 : i64} {
  func.func @_tc1_body(%arg0: memref<10000x128xf32, #tpu.memory_space<vmem>>, %arg1: memref<128x16xf32, #tpu.memory_space<vmem>>, %arg2: memref<2x10000xf32, #tpu.memory_space<vmem>>, %arg3: memref<10000x16xf32, #tpu.memory_space<vmem>>, %arg4: memref<10000x1xf32, #tpu.memory_space<vmem>>) attributes {dimension_semantics = [], scalar_prefetch = 0 : i64, scratch_operands = 0 : i64, tpu.core_type = #tpu.core_type<tc>} {
    %get3A = arith.constant 0 : index
    %get3A_0 = arith.constant 0 : index
    %get3A_1 = vector.load %arg2[%get3A, %get3A_0] : memref<2x10000xf32, #tpu.memory_space<vmem>>, vector<1x10000xf32>
    %get3A_2 = vector.shape_cast %get3A_1 : vector<1x10000xf32> to vector<10000xf32>
    %get3A_3 = arith.constant 1 : index
    %get3A_4 = arith.constant 0 : index
    %get3A_5 = vector.load %arg2[%get3A_3, %get3A_4] : memref<2x10000xf32, #tpu.memory_space<vmem>>, vector<1x10000xf32>
    %get3A_6 = vector.shape_cast %get3A_5 : vector<1x10000xf32> to vector<10000xf32>
    %add3A = arith.addf %get3A_2, %get3A_6 : vector<10000xf32>
    %add3A_7 = arith.constant 1.000000e+00 : f32
    %add3A_8 = vector.broadcast %add3A_7 : f32 to vector<10000xf32>
    %add3A_9 = arith.addf %add3A, %add3A_8 : vector<10000xf32>
    %rsqrt3A = math.rsqrt %add3A_9 : vector<10000xf32>
    %broadcast_in_dim3A = vector.shape_cast %rsqrt3A : vector<10000xf32> to vector<10000x1xf32>
    %get3A_10 = arith.constant 0 : index
    %get3A_11 = arith.constant 0 : index
    %get3A_12 = vector.load %arg0[%get3A_10, %get3A_11] : memref<10000x128xf32, #tpu.memory_space<vmem>>, vector<10000x128xf32>
    %get3A_13 = arith.constant 0 : index
    %get3A_14 = arith.constant 0 : index
    %get3A_15 = vector.load %arg1[%get3A_13, %get3A_14] : memref<128x16xf32, #tpu.memory_space<vmem>>, vector<128x16xf32>
    %dot_general3A = arith.constant dense<0.000000e+00> : vector<10000x16xf32>
    %dot_general3A_16 = tpu.matmul %get3A_12, %get3A_15, %dot_general3A {dimension_numbers = #tpu.dot_dimension_numbers<[1], [0], [0], [1], [0, 0, 1, 1], [], []>, transpose_lhs_hint = false} : vector<10000x128xf32>, vector<128x16xf32>, vector<10000x16xf32> -> vector<10000x16xf32>
    %swap3A = arith.constant 0 : index
    %swap3A_17 = arith.constant 0 : index
    %swap3A_18 = vector.load %arg4[%swap3A, %swap3A_17] : memref<10000x1xf32, #tpu.memory_space<vmem>>, vector<10000x1xf32>
    tpu.vector_store %arg4[%swap3A, %swap3A_17], %broadcast_in_dim3A {strides = array<i32>} : memref<10000x1xf32, #tpu.memory_space<vmem>>, vector<10000x1xf32>,
    %mul3A = vector.broadcast %broadcast_in_dim3A : vector<10000x1xf32> to vector<10000x16xf32>
    %mul3A_19 = arith.mulf %dot_general3A_16, %mul3A : vector<10000x16xf32>
    %swap3A_20 = arith.constant 0 : index
    %swap3A_21 = arith.constant 0 : index
    %swap3A_22 = vector.load %arg3[%swap3A_20, %swap3A_21] : memref<10000x16xf32, #tpu.memory_space<vmem>>, vector<10000x16xf32>
    tpu.vector_store %arg3[%swap3A_20, %swap3A_21], %mul3A_19 {strides = array<i32>} : memref<10000x16xf32, #tpu.memory_space<vmem>>, vector<10000x16xf32>,
    return
  }
}

module attributes {stable_mosaic.version = 14 : i64} {
  func.func @_tc2_body(%arg0: memref<2x10000x16xf32, #tpu.memory_space<vmem>>, %arg1: memref<10000x16xf32, #tpu.memory_space<vmem>>, %arg2: memref<10000x1xf32, #tpu.memory_space<vmem>>, %arg3: memref<1x16xf32, #tpu.memory_space<vmem>>, %arg4: memref<16x40xf32, #tpu.memory_space<vmem>>, %arg5: memref<10000x40xf32, #tpu.memory_space<vmem>>) attributes {dimension_semantics = [], scalar_prefetch = 0 : i64, scratch_operands = 0 : i64, tpu.core_type = #tpu.core_type<tc>} {
    %get3A = arith.constant 0 : index
    %get3A_0 = arith.constant 0 : index
    %get3A_1 = vector.load %arg2[%get3A, %get3A_0] : memref<10000x1xf32, #tpu.memory_space<vmem>>, vector<10000x1xf32>
    %get3A_2 = arith.constant 0 : index
    %get3A_3 = arith.constant 0 : index
    %get3A_4 = arith.constant 0 : index
    %get3A_5 = vector.load %arg0[%get3A_2, %get3A_3, %get3A_4] : memref<2x10000x16xf32, #tpu.memory_space<vmem>>, vector<1x10000x16xf32>
    %get3A_6 = vector.shape_cast %get3A_5 : vector<1x10000x16xf32> to vector<10000x16xf32>
    %get3A_7 = arith.constant 1 : index
    %get3A_8 = arith.constant 0 : index
    %get3A_9 = arith.constant 0 : index
    %get3A_10 = vector.load %arg0[%get3A_7, %get3A_8, %get3A_9] : memref<2x10000x16xf32, #tpu.memory_space<vmem>>, vector<1x10000x16xf32>
    %get3A_11 = vector.shape_cast %get3A_10 : vector<1x10000x16xf32> to vector<10000x16xf32>
    %add3A = arith.addf %get3A_6, %get3A_11 : vector<10000x16xf32>
    %get3A_12 = arith.constant 0 : index
    %get3A_13 = arith.constant 0 : index
    %get3A_14 = vector.load %arg1[%get3A_12, %get3A_13] : memref<10000x16xf32, #tpu.memory_space<vmem>>, vector<10000x16xf32>
    %add3A_15 = arith.addf %add3A, %get3A_14 : vector<10000x16xf32>
    %mul3A = vector.broadcast %get3A_1 : vector<10000x1xf32> to vector<10000x16xf32>
    %mul3A_16 = arith.mulf %mul3A, %add3A_15 : vector<10000x16xf32>
    %get3A_17 = arith.constant 0 : index
    %get3A_18 = arith.constant 0 : index
    %get3A_19 = vector.load %arg3[%get3A_17, %get3A_18] : memref<1x16xf32, #tpu.memory_space<vmem>>, vector<1x16xf32>
    %add3A_20 = vector.broadcast %get3A_19 : vector<1x16xf32> to vector<10000x16xf32>
    %add3A_21 = arith.addf %mul3A_16, %add3A_20 : vector<10000x16xf32>
    %max3A = arith.constant 0.000000e+00 : f32
    %max3A_22 = vector.broadcast %max3A : f32 to vector<10000x16xf32>
    %max3A_23 = arith.maximumf %add3A_21, %max3A_22 : vector<10000x16xf32>
    %get3A_24 = arith.constant 0 : index
    %get3A_25 = arith.constant 0 : index
    %get3A_26 = vector.load %arg4[%get3A_24, %get3A_25] : memref<16x40xf32, #tpu.memory_space<vmem>>, vector<16x40xf32>
    %dot_general3A = arith.constant dense<0.000000e+00> : vector<10000x40xf32>
    %dot_general3A_27 = tpu.matmul %max3A_23, %get3A_26, %dot_general3A {dimension_numbers = #tpu.dot_dimension_numbers<[1], [0], [0], [1], [0, 0, 1, 1], [], []>, transpose_lhs_hint = false} : vector<10000x16xf32>, vector<16x40xf32>, vector<10000x40xf32> -> vector<10000x40xf32>
    %mul3A_28 = vector.broadcast %get3A_1 : vector<10000x1xf32> to vector<10000x40xf32>
    %mul3A_29 = arith.mulf %dot_general3A_27, %mul3A_28 : vector<10000x40xf32>
    %swap3A = arith.constant 0 : index
    %swap3A_30 = arith.constant 0 : index
    %swap3A_31 = vector.load %arg5[%swap3A, %swap3A_30] : memref<10000x40xf32, #tpu.memory_space<vmem>>, vector<10000x40xf32>
    tpu.vector_store %arg5[%swap3A, %swap3A_30], %mul3A_29 {strides = array<i32>} : memref<10000x40xf32, #tpu.memory_space<vmem>>, vector<10000x40xf32>,
    return
  }
}

module attributes {stable_mosaic.version = 14 : i64} {
  func.func @_tc3_body(%arg0: memref<2x10000x40xf32, #tpu.memory_space<vmem>>, %arg1: memref<10000x40xf32, #tpu.memory_space<vmem>>, %arg2: memref<10000x1xf32, #tpu.memory_space<vmem>>, %arg3: memref<1x40xf32, #tpu.memory_space<vmem>>, %arg4: memref<10000x40xf32, #tpu.memory_space<vmem>>) attributes {dimension_semantics = [], scalar_prefetch = 0 : i64, scratch_operands = 0 : i64, tpu.core_type = #tpu.core_type<tc>} {
    %get3A = arith.constant 0 : index
    %get3A_0 = arith.constant 0 : index
    %get3A_1 = vector.load %arg2[%get3A, %get3A_0] : memref<10000x1xf32, #tpu.memory_space<vmem>>, vector<10000x1xf32>
    %get3A_2 = arith.constant 0 : index
    %get3A_3 = arith.constant 0 : index
    %get3A_4 = arith.constant 0 : index
    %get3A_5 = vector.load %arg0[%get3A_2, %get3A_3, %get3A_4] : memref<2x10000x40xf32, #tpu.memory_space<vmem>>, vector<1x10000x40xf32>
    %get3A_6 = vector.shape_cast %get3A_5 : vector<1x10000x40xf32> to vector<10000x40xf32>
    %get3A_7 = arith.constant 1 : index
    %get3A_8 = arith.constant 0 : index
    %get3A_9 = arith.constant 0 : index
    %get3A_10 = vector.load %arg0[%get3A_7, %get3A_8, %get3A_9] : memref<2x10000x40xf32, #tpu.memory_space<vmem>>, vector<1x10000x40xf32>
    %get3A_11 = vector.shape_cast %get3A_10 : vector<1x10000x40xf32> to vector<10000x40xf32>
    %add3A = arith.addf %get3A_6, %get3A_11 : vector<10000x40xf32>
    %get3A_12 = arith.constant 0 : index
    %get3A_13 = arith.constant 0 : index
    %get3A_14 = vector.load %arg1[%get3A_12, %get3A_13] : memref<10000x40xf32, #tpu.memory_space<vmem>>, vector<10000x40xf32>
    %add3A_15 = arith.addf %add3A, %get3A_14 : vector<10000x40xf32>
    %mul3A = vector.broadcast %get3A_1 : vector<10000x1xf32> to vector<10000x40xf32>
    %mul3A_16 = arith.mulf %mul3A, %add3A_15 : vector<10000x40xf32>
    %get3A_17 = arith.constant 0 : index
    %get3A_18 = arith.constant 0 : index
    %get3A_19 = vector.load %arg3[%get3A_17, %get3A_18] : memref<1x40xf32, #tpu.memory_space<vmem>>, vector<1x40xf32>
    %add3A_20 = vector.broadcast %get3A_19 : vector<1x40xf32> to vector<10000x40xf32>
    %add3A_21 = arith.addf %mul3A_16, %add3A_20 : vector<10000x40xf32>
    %reduce_max3A = arith.constant dense<0xFF800000> : vector<10000xf32>
    %reduce_max3A_22 = vector.multi_reduction <maximumf>, %add3A_21, %reduce_max3A [1] : vector<10000x40xf32> to vector<10000xf32>
    %broadcast_in_dim3A = vector.shape_cast %reduce_max3A_22 : vector<10000xf32> to vector<10000x1xf32>
    %sub3A = vector.broadcast %broadcast_in_dim3A : vector<10000x1xf32> to vector<10000x40xf32>
    %sub3A_23 = arith.subf %add3A_21, %sub3A : vector<10000x40xf32>
    %exp3A = math.exp %sub3A_23 : vector<10000x40xf32>
    %reduce_sum3A = arith.constant dense<0.000000e+00> : vector<10000xf32>
    %reduce_sum3A_24 = vector.multi_reduction <add>, %exp3A, %reduce_sum3A [1] : vector<10000x40xf32> to vector<10000xf32>
    %broadcast_in_dim3A_25 = vector.shape_cast %reduce_sum3A_24 : vector<10000xf32> to vector<10000x1xf32>
    %log3A = math.log %broadcast_in_dim3A_25 : vector<10000x1xf32>
    %sub3A_26 = vector.broadcast %broadcast_in_dim3A : vector<10000x1xf32> to vector<10000x40xf32>
    %sub3A_27 = arith.subf %add3A_21, %sub3A_26 : vector<10000x40xf32>
    %sub3A_28 = vector.broadcast %log3A : vector<10000x1xf32> to vector<10000x40xf32>
    %sub3A_29 = arith.subf %sub3A_27, %sub3A_28 : vector<10000x40xf32>
    %swap3A = arith.constant 0 : index
    %swap3A_30 = arith.constant 0 : index
    %swap3A_31 = vector.load %arg4[%swap3A, %swap3A_30] : memref<10000x40xf32, #tpu.memory_space<vmem>>, vector<10000x40xf32>
    tpu.vector_store %arg4[%swap3A, %swap3A_30], %sub3A_29 {strides = array<i32>} : memref<10000x40xf32, #tpu.memory_space<vmem>>, vector<10000x40xf32>,
    return
  }
}

</mosaic_0001>

<sc_bundles>
// kernel: kernel.11.cloned.1.call-start
scs
__scs_entry_jumppad:
0x0: {  	(pc) =	sbr.rel $0x88, $3  }
0x1: {  	(tag) =	ssettag $0x0;
	lr =	simm.s32 $0x1  }
0x2: {  	[smem:$0x3F9B] =	sst lr;
	_ =	strace $0xD0000000  }
0x3: {  	_ = 	snop  }
0x4: {  	_ = 	snop  }
0x5: {  	_ = 	snop  }
0x6: {  	_ = 	snop  }
0x7: {  	_ = 	snop  }
__scs_overlays_trampoline_lowered:
0x8: {  	[smem:$0x3FAA] =	sst s0  }
0x9: {  	[smem:$0x3FAB] =	sst s1  }
0xa: {  	[smem:$0x3FAC] =	sst s2  }
0xb: {  	[smem:$0x3FAD] =	sst s3  }
0xc: {  	[smem:$0x3FAE] =	sst s4  }
0xd: {  	[smem:$0x3FAF] =	sst s5  }
0xe: {  	[smem:$0x3FB0] =	sst s6  }
0xf: {  	[smem:$0x3FB1] =	sst s7  }
0x10: {  	[smem:$0x3FB2] =	sst s8  }
0x11: {  	[smem:$0x3FB3] =	sst s9;
	s0 =	simm.s32 @!p0 $0x0  }
0x12: {  	s1 =	sld [smem:$0x3F99];
	s0 =	simm.s32 @p0 $0x1  }
0x13: {  	[smem:$0x3FB4] =	sst s0;
	s0 =	simm.s32 @!p1 $0x0  }
0x14: {  	s2 =	sld [smem:$0x3F98];
	s0 =	simm.s32 @p1 $0x1  }
0x15: {  	[smem:$0x3FB5] =	sst s0;
	s0 =	simm.s32 @!p2 $0x0  }
0x16: {  	s3 =	sld [smem:$0x3FDB];
	s0 =	simm.s32 @p2 $0x1  }
0x17: {  	s4 =	simm.s32 $0x1BF5;
	[smem:$0x3FB7] =	sst s0  }
0x18: {  	s0 =	sld [smem:$0x3F9A];
	_ =	swait.ge [sflag:s4], $0x0  }
0x19: {  	s7 =	sld [smem:$0x3F9B]  }
0x1a: {  	s8 =	sadd.s32 $0xFFFFE003, lr  }
0x1b: {  	s9 =	sadd.s32 $0xFFFFFEF7, lr;
	s5 =	simm.s32 $0xFFFFFFFF;
	p2 =	slt.u32 s8, $0xFFFFF086  }
0x1c: {  	p1 =	slt.u32 s9, $0xF7A;
	s5 =	simm.s32 @!p2 $0x0  }
0x1d: {  	s5 =	simm.s32 @p1 $0x1;
	p0 =	seq.s32 s7, s2  }
0x1e: {  	s7 =	smul.u32 @!p0 $0xF7A, s2;
	p2 =	seq.s32 @!p0 s5, $0x0  }
0x1f: {  	s9 =	smul.u32 $0xF7A, s1;
	s8 =	simm.s32 @!p0 $0x1BF5;
	p2 =	por !p2, p0  }
0x20: {  	[sflag:s8] =	ssyncset.s32 @!p0 $0xFFFFF086;
	s6 =	sadd.s32 @!p0 s3, s7;
	s7 =	simm.s32 @!p0 $0x108  }
0x21: {  	s3 =	sadd.s32 s3, s9;
	s6 =	sadd.s32 @!p0 $0x88, s6;
	s7 =	simm.s32 @p2 $0x1082  }
0x22: {  	[simem:s7], [sflag:s8] =	dma.local @!p0 [hbm:s6], $0xF7A  }
0x23: {  	s9 =	sor.u32 $0xD0000000, s2;
	s6 =	simm.s32 $0x108;
	_ =	swait.ge @!p0 [sflag:s8], $0x0  }
0x24: {  	s3 =	sadd.s32 $0x88, s3;
	s6 =	simm.s32 @!p1 $0x1082;
	[sflag:s4] =	ssyncset.s32 $0xFFFFF086  }
0x25: {  	[simem:s6], [sflag:s4] =	dma.local [hbm:s3], $0xF7A  }
0x26: {  	[smem:$0x3F9B] =	sst s1;
	(tag) =	ssettag s2;
	_ =	strace s9  }
0x27: {  	s1 =	sld [smem:$0x3FAB]  }
0x28: {  	s2 =	sld [smem:$0x3FAC]  }
0x29: {  	s4 =	sld [smem:$0x3FAE]  }
0x2a: {  	p0 =	seq.s32 s5, $0x0;
	s5 =	sld [smem:$0x3FAF]  }
0x2b: {  	s6 =	sld [smem:$0x3FB0]  }
0x2c: {  	s7 =	sld [smem:$0x3FB1]  }
0x2d: {  	s3 =	simm.s32 $0x108;
	s8 =	sld [smem:$0x3FB2]  }
0x2e: {  	s3 =	simm.s32 @!p0 $0x1082;
	s9 =	sld [smem:$0x3FB3]  }
0x2f: {  	lr =	sadd.s32 s0, s3;
	s0 =	sld [smem:$0x3FAA]  }
0x30: {  	s3 =	sld [smem:$0x3FAD]  }
0x31: {  	[smem:$0x3FB6] =	sst s10  }
0x32: {  	s10 =	sld [smem:$0x3FB4];
	_ =	sdelay $0x3  }
0x33: {  	p0 =	seq.s32 s10, $0x1;
	s10 =	sld [smem:$0x3FB6];
	_ =	sdelay $0x3  }
0x34: {  	[smem:$0x3FB6] =	sst s10  }
0x35: {  	s10 =	sld [smem:$0x3FB5];
	_ =	sdelay $0x3  }
0x36: {  	p1 =	seq.s32 s10, $0x1;
	s10 =	sld [smem:$0x3FB6];
	_ =	sdelay $0x3  }
0x37: {  	[smem:$0x3FB6] =	sst s10  }
0x38: {  	s10 =	sld [smem:$0x3FB7]  }
0x39: {  	_ = 	snop;
	(pc) =	sbr.ind lr, $3  }
0x3a: {  	_ = 	snop  }
0x3b: {  	_ = 	snop  }
0x3c: {  	p2 =	seq.s32 s10, $0x1;
	s10 =	sld [smem:$0x3FB6]  }
0x3d: {  	_ =	shalt  }
0x3e: {  	_ =	shalt  }
0x3f: {  	_ =	shalt  }
0x40: {  	_ =	shalt  }
0x41: {  	_ =	shalt  }
0x42: {  	_ =	shalt  }
0x43: {  	_ =	shalt  }
0x44: {  	_ =	shalt  }
0x45: {  	_ =	shalt  }
0x46: {  	_ =	shalt  }
0x47: {  	_ =	shalt  }
0x48: {  	_ =	shalt  }
0x49: {  	_ =	shalt  }
0x4a: {  	_ =	shalt  }
0x4b: {  	_ =	shalt  }
0x4c: {  	_ =	shalt  }
0x4d: {  	_ =	shalt  }
0x4e: {  	_ =	shalt  }
0x4f: {  	_ =	shalt  }
0x50: {  	_ =	shalt  }
0x51: {  	_ =	shalt  }
0x52: {  	_ =	shalt  }
0x53: {  	_ =	shalt  }
0x54: {  	_ =	shalt  }
0x55: {  	_ =	shalt  }
0x56: {  	_ =	shalt  }
0x57: {  	_ =	shalt  }
0x58: {  	_ =	shalt  }
0x59: {  	_ =	shalt  }
0x5a: {  	_ =	shalt  }
0x5b: {  	_ =	shalt  }
0x5c: {  	_ =	shalt  }
0x5d: {  	_ =	shalt  }
0x5e: {  	_ =	shalt  }
0x5f: {  	_ =	shalt  }
0x60: {  	_ =	shalt  }
0x61: {  	_ =	shalt  }
0x62: {  	_ =	shalt  }
0x63: {  	_ =	shalt  }
0x64: {  	_ =	shalt  }
0x65: {  	_ =	shalt  }
0x66: {  	_ =	shalt  }
0x67: {  	_ =	shalt  }
0x68: {  	_ =	shalt  }
0x69: {  	_ =	shalt  }
0x6a: {  	_ =	shalt  }
0x6b: {  	_ =	shalt  }
0x6c: {  	_ =	shalt  }
0x6d: {  	_ =	shalt  }
0x6e: {  	_ =	shalt  }
0x6f: {  	_ =	shalt  }
0x70: {  	_ =	shalt  }
0x71: {  	_ =	shalt  }
0x72: {  	_ =	shalt  }
0x73: {  	_ =	shalt  }
0x74: {  	_ =	shalt  }
0x75: {  	_ =	shalt  }
0x76: {  	_ =	shalt  }
0x77: {  	_ =	shalt  }
0x78: {  	_ =	shalt  }
0x79: {  	_ =	shalt  }
0x7a: {  	_ =	shalt  }
0x7b: {  	_ =	shalt  }
0x7c: {  	_ =	shalt  }
0x7d: {  	_ =	shalt  }
0x7e: {  	_ =	shalt  }
0x7f: {  	_ =	shalt  }
0x80: {  	_ =	shalt  }
0x81: {  	_ =	shalt  }
0x82: {  	_ =	shalt  }
0x83: {  	_ =	shalt  }
0x84: {  	_ =	shalt  }
0x85: {  	_ =	shalt  }
0x86: {  	_ =	shalt  }
0x87: {  	_ =	shalt  }
.Lfunc_end0:
.L_simem_size_0:
called_computation.1_lowered:
.L_overlay_start_0:
0x88: {  	s2 =	sld [smem:$0x3FD9]  }
0x89: {  	s3 =	sld [smem:$0x3FFE];
	_ =	sdelay $0x1  }
0x8a: {  	s1 =	srdreg.scid  }
0x8b: {  	s0 =	sand.u32 $0x1, s1  }
0x8c: {  	s17 =	sshll.u32 s0, $0xA;
	s2 =	sadd.s32 s3, s2  }
0x8d: {  	s2 =	sadd.s32 s2, s17  }
0x8e: {  	[smem:$0x3FC2] =	sst s2  }
0x8f: {  	_ = 	snop  }
0x90: {  	s2 =	sld [smem:$0x3FD0];
	(tm) =	ssettm $0x1  }
0x91: {  	s18 =	sld [smem:$0x3FFB];
	_ =	sdelay $0x3  }
0x92: {  	_ =	strace s18  }
0x93: {  	s3 =	sld [smem:$0x3FFC];
	_ =	sdelay $0x3  }
0x94: {  	_ =	strace s3  }
0x95: {  	s3 =	sld [smem:$0x3FFD];
	_ =	sdelay $0x3  }
0x96: {  	_ =	strace s3  }
0x97: {  	_ =	strace $0x8FFFFFFF  }
0x98: {  	s19 =	sld [smem:$0x3FDB];
	_ =	sdelay $0x1  }
0x99: {  	s4 =	simm.s32 $_scs_section_size  }
0x9a: {  	s5 =	simm.s32 $_size__tile_overlayer_lowered;
	s6 =	simm.s32 $_tile_overlayer_lowered  }
0x9b: {  	s22 =	simm.s32 $0x1BFF;
	s21 =	sshll.u32 s6, $0x1;
	s3 =	sadd.s32 s4, s19  }
0x9c: {  	s7 =	simm.s32 $0x0;
	s20 =	sshll.u32 s5, $0x1;
	s5 =	sadd.s32 s21, s3  }
0x9d: {  	[timem:s7], [sflag:s22] =	dma.local [hbm:s5], s20  }
0x9e: {  	_ =	swait.ge [sflag:s22], s20  }
0x9f: {  	s4 =	ssub.s32 $0x0, s20;
	[sflag:s22] =	ssyncset.done $0x0  }
0xa0: {  	[sflag:s22] =	ssyncadd.s32 s4;
	_ =	sdelay $0x1  }
0xa1: {  	s23 =	simm.s32 $0x1B8B  }
0xa2: {  	_ =	swait.ge [sflag:s23], $0x1  }
0xa3: {  	[sflag:s23] =	ssyncset.done $0x0  }
0xa4: {  	s25 =	simm.s32 $0x1B8E;
	s24 =	sld [smem:$0x3FFE];
	[sflag:s23] =	ssyncadd.s32 $0xFFFFFFFF  }
0xa5: {  	s26 =	simm.s32 $execute0_lowered;
	[smem:$0x3FD2] =	sst s25  }
0xa6: {  	s5 =	sshll.u32 s26, $0x1;
	_ =	strace $0x80000049;
	[dreg:$0x1] =	wrdreg $0xFFFFFFFF  }
0xa7: {  	s28 =	simm.s32 $_size_execute0_lowered;
	s3 =	sadd.s32 s3, s5;
	[dreg:$0x0] =	wrdreg $0x0  }
0xa8: {  	s5 =	sshll.u32 s28, $0x1;
	[dreg:$0x2] =	wrdreg s3  }
0xa9: {  	[dreg:$0x3] =	wrdreg s5  }
0xaa: {  	[dreg:$0x4] =	wrdreg $0xC0  }
0xab: {  	_ =	task [dreg:s7], $0x5FFFF  }
0xac: {  	[dreg:$0x1] =	wrdreg $0xFFFFFFFF  }
0xad: {  	[dreg:$0x0] =	wrdreg $0x60  }
0xae: {  	[dreg:$0x2] =	wrdreg s24  }
0xaf: {  	[dreg:$0x3] =	wrdreg s2  }
0xb0: {  	[dreg:$0x4] =	wrdreg $0xEC400  }
0xb1: {  	[dreg:$0x5] =	wrdreg $0x9  }
0xb2: {  	_ =	task.clear_ibuf [dreg:s7], $0x6FFFF;
	_ =	strace $0x90000049  }
0xb3: {  	s29 =	simm.s32 $0x9;
	_ =	strace $0x8000004B  }
0xb4: {  	_ =	swait.ge [sflag:s29], $0x1  }
0xb5: {  	[sflag:s29] =	ssyncadd.s32 $0xFFFFFFFF  }
0xb6: {  	_ =	strace $0x9000004B  }
0xb7: {  	_ =	sfence  }
0xb8: {  	s30 =	sld [smem:$0x0];
	_ =	sdelay $0x2  }
0xb9: {  	s31 =	sshll.u32 s1, $0xD;
	s1 =	sshrl.u32 s1, $0x2  }
0xba: {  	s3 =	sand.u32 $0x4000, s31;
	s1 =	sadd.s32 s1, s30  }
0xbb: {  	s0 =	sor.u32 s3, s0;
	s1 =	sshll.u32 s1, $0x11  }
0xbc: {  	s0 =	sor.u32 s1, s0  }
0xbd: {  	s0 =	sadd.s32 $0x8F2B, s0  }
0xbe: {  	[sflag:s0] =	ssyncadd.remote.s32 $0x1  }
0xbf: {  	_ =	sfence.sel $0xFFFF  }
0xc0: {  	[dreg:$0x0] =	wrdreg $0xFFFFFFFF;
	(pc) =	sbr.abs _section_cstart, $3  }
0xc1: {  	[dreg:$0x1] =	wrdreg $0xFFFFFFFF  }
0xc2: {  	_ =	task.clear_ibuf [dreg:s7], $0x2FFFF;
	_ =	strace $0x9FFFFFFF  }
0xc3: {  	(tm) =	ssettm $0x7FFFFFFF  }
tec
execute0_lowered:
.L_overlay_start_1:
0x0: {  	(tag) =	ssettag $0x1  }
0x1: {  	s0 =	rddreg [dreg:$0x0]  }
0x2: {  	s1 =	rddreg [dreg:$0x1];
	s3 =	srdreg.scid  }
0x3: {  	s10 =	stileid.u32;
	s2 =	rddreg [dreg:$0x2];
	s5 =	simm.s32 $0x0  }
0x4: {  	s14 =	simm.s32 $0x7D;
	s13 =	simm.s32 $0x8E80;
	s16 =	simm.s32 $0x9650  }
0x5: {  	s11 =	simm.s32 $0xA;
	s15 =	simm.s32 $0xB;
	s19 =	simm.s32 $0xC  }
0x6: {  	s21 =	simm.s32 $0x1;
	s23 =	simm.s32 $0xE;
	s22 =	simm.s32 $0x10  }
0x7: {  	s28 =	simm.s32 $0x14;
	s31 =	simm.s32 $0x15;
	s29 =	simm.s32 $0xBD60  }
0x8: {  	s20 =	simm.s32 $0x9650;
	s3 =	sand.u32 $0x1, s3;
	s24 =	smul.u32 $0x9C40, s10  }
0x9: {  	s4 =	sshll.u32 s10, $0x1;
	[smem:$0x7FF] =	sst s5;
	s9 =	smul.u32 $0x2710, s10  }
0xa: {  	s4 =	sor.u32 s3, s4;
	s7 =	ssub.s32 $0x2, s3;
	s3 =	smul.u32 $0x27100, s3  }
0xb: {  	s26 =	sshll.u32 s10, $0x6;
	_ =	strace $0x8000004A;
	s4 =	smul.u32 $0x500, s4  }
0xc: {  	s8 =	sshrl.u32 s7, $0x1;
	s5 =	sshrl.u32 s24, $0x2;
	s24 =	simm.s32 $0xADC0  }
0xd: {  	s25 =	ssub.s32 s7, s8;
	s5 =	sadd.s32 s5, s2;
	s3 =	sadd.s32 s9, s3  }
0xe: {  	s8 =	sor.u32 $0x1C16, s26;
	s9 =	simm.s32 $0xE470;
	s6 =	sadd.s32 s4, s0  }
0xf: {  	s4 =	sadd.s32 $0x15E00, s0;
	s0 =	sadd.s32 $0xB600, s0;
	[dreg:$0x5] =	wrdreg s8  }
0x10: {  	s7 =	simm.s32 $0xDCA0;
	s5 =	sshrl.u32 s5, $0x3;
	[dreg:$0x4] =	wrdreg s0  }
.Ltmp0:
0x11: {  	s30 =	sadd.s32 $0xBE00, s6;
	[dreg:$0xa] =	wrdreg s5;
	(pc) =	sbr.rel .LBB2_1-.Ltmp0, $4  }
0x12: {  	s3 =	sshrl.u32 s3, $0x3;
	s6 =	sadd.s32 $0x1600, s6;
	[dreg:$0x6] =	wrdreg s30  }
0x13: {  	s1 =	sadd.s32 s1, s3;
	s0 =	smax.u32 s25, $0x1;
	[dreg:$0x7] =	wrdreg s6  }
0x14: {  	s3 =	simm.s32 $0x9;
	s25 =	simm.s32 $0x12;
	[dreg:$0x8] =	wrdreg s1  }
0x15: {  	[dreg:$0x9] =	wrdreg s0;
	s6 =	simm.s32 $0x16;
	s0 =	simm.s32 $0x0  }
.LBB2_4:
0x16: {  	_ =	swait.ge [sflag:s31], $0x7D0  }
0x17: {  	[sflag:s31] =	ssyncset.done $0x0  }
0x18: {  	[sflag:s31] =	ssyncadd.s32 $0xFFFFF830  }
0x19: {  	[spmem:s2] =	stream.indirect.scatter.add.f32 [tilespmem:s9], [sflag:$0x1], $0x10, s1, s14, $0xb8;
	[tilespmem:$0x11350] =	vst v63  }
0x1a: {  	_ =	swait.ge [sflag:s21], $0x7D0  }
0x1b: {  	[sflag:s21] =	ssyncset.done $0x0  }
0x1c: {  	[sflag:s21] =	ssyncadd.s32 $0xFFFFF830  }
0x1d: {  	_ =	swait.ge [sflag:s21], $0x7D0  }
0x1e: {  	[sflag:s21] =	ssyncset.done $0x0  }
0x1f: {  	[sflag:s21] =	ssyncadd.s32 $0xFFFFF830  }
0x20: {  	_ =	swait.ge [sflag:s21], $0x7D0  }
0x21: {  	[sflag:s21] =	ssyncset.done $0x0  }
0x22: {  	[sflag:s21] =	ssyncadd.s32 $0xFFFFF830  }
0x23: {  	_ =	swait.ge [sflag:s21], $0x7D0  }
0x24: {  	[sflag:s21] =	ssyncset.done $0x0  }
0x25: {  	[sflag:s21] =	ssyncadd.s32 $0xFFFFF830  }
0x26: {  	_ =	swait.ge [sflag:s21], $0x7D0  }
0x27: {  	[sflag:s21] =	ssyncset.done $0x0  }
0x28: {  	[sflag:s21] =	ssyncadd.s32 $0xFFFFF830  }
0x29: {  	_ =	swait.ge [sflag:s21], $0x7D0  }
0x2a: {  	[sflag:s21] =	ssyncset.done $0x0  }
0x2b: {  	[sflag:s21] =	ssyncadd.s32 $0xFFFFF830  }
0x2c: {  	_ =	swait.ge [sflag:s21], $0x7D0  }
0x2d: {  	[sflag:s21] =	ssyncset.done $0x0  }
0x2e: {  	[sflag:s21] =	ssyncadd.s32 $0xFFFFF830  }
0x2f: {  	_ =	swait.ge [sflag:s21], $0x7D0  }
0x30: {  	[sflag:s21] =	ssyncset.done $0x0  }
0x31: {  	[sflag:s21] =	ssyncadd.s32 $0xFFFFF830  }
0x32: {  	_ =	swait.ge [sflag:s21], $0x7D0  }
0x33: {  	[sflag:s21] =	ssyncset.done $0x0  }
0x34: {  	[sflag:s21] =	ssyncadd.s32 $0xFFFFF830  }
0x35: {  	_ =	swait.ge [sflag:s21], $0x7D0  }
0x36: {  	[sflag:s21] =	ssyncset.done $0x0  }
0x37: {  	[sflag:s21] =	ssyncadd.s32 $0xFFFFF830  }
0x38: {  	_ =	swait.ge [sflag:s21], $0x7D0  }
0x39: {  	[sflag:s21] =	ssyncset.done $0x0  }
0x3a: {  	[sflag:s21] =	ssyncadd.s32 $0xFFFFF830  }
0x3b: {  	[bflag:$0x0] =	sbarrier.arrive $0xFFFF  }
0x3c: {  	s8 =	rddreg [dreg:$0x5]  }
0x3d: {  	s26 =	rddreg [dreg:$0x8]  }
0x3e: {  	s6 =	simm.s32 $0x16;
	s5 =	rddreg [dreg:$0xa]  }
0x3f: {  	[hbm:s26], [sflag:s8] =	dma.local [spmem:s5], $0x4E2  }
0x40: {  	_ =	swait.ge [sflag:s6], $0x4E2  }
0x41: {  	s0 =	rddreg [dreg:$0xb]  }
0x42: {  	s30 =	rddreg [dreg:$0x9];
	s0 =	sadd.s32 $0x1, s0  }
0x43: {  	p0 =	sne.s32 s0, s30  }
.Ltmp1:
0x44: {  	_ = 	snop;
	(pc) =	sbr.rel @!p0 .LBB2_5-.Ltmp1, $3  }
0x45: {  	_ =	sdelay $0x1  }
0x46: {  	s13 =	simm.s32 $0x8E80;
	[sflag:s6] =	ssyncset.done $0x0  }
0x47: {  	s16 =	simm.s32 $0x9650;
	s9 =	simm.s32 $0xE470;
	[sflag:s6] =	ssyncadd.s32 $0xFFFFFB1E  }
.LBB2_1:
0x48: {  	[dreg:$0xb] =	wrdreg s0  }
0x49: {  	s1 =	rddreg [dreg:$0x4]  }
0x4a: {  	[spmem:s5], [sflag:s8] =	dma.local [hbm:s1], $0x4E2  }
0x4b: {  	_ =	swait.ge [sflag:s6], $0x4E2  }
0x4c: {  	[sflag:s6] =	ssyncset.done $0x0  }
0x4d: {  	s12 =	simm.s32 $0x0;
	s17 =	rddreg [dreg:$0x6];
	[sflag:s6] =	ssyncadd.s32 $0xFFFFFB1E  }
0x4e: {  	[tilespmem:s12], [sflag:$0x16] =	stream.linear.gather [hbm4b:s17+s12], $0x2800, $0x38;
	[tilespmem:$0x11350] =	vst v63  }
0x4f: {  	_ =	swait.ge [sflag:s6], $0x2800  }
0x50: {  	[sflag:s6] =	ssyncset.done $0x0  }
0x51: {  	s26 =	simm.s32 $0x2800;
	s18 =	rddreg [dreg:$0x7];
	[sflag:s6] =	ssyncadd.s32 $0xFFFFD800  }
0x52: {  	[tilespmem:s26], [sflag:$0x16] =	stream.linear.gather [hbm4b:s18+s12], $0x2800, $0x38;
	[tilespmem:$0x11350] =	vst v63  }
0x53: {  	_ =	swait.ge [sflag:s6], $0x2800  }
0x54: {  	[sflag:s6] =	ssyncset.done $0x0  }
0x55: {  	[sflag:s6] =	ssyncadd.s32 $0xFFFFD800  }
0x56: {  	s0 =	simm.s32 $0x5000;
	[bflag:$0x0] =	sbarrier.arrive $0xFFFF  }
0x57: {  	[tilespmem:s0], [sflag:$0x2] =	stream.indirect.gather [hbm4b:s4+s14], $0x10, s12, s14, $0xb8;
	[tilespmem:$0x11350] =	vst v63  }
0x58: {  	s8 =	simm.s32 $0x57D0;
	s6 =	simm.s32 $0x80  }
0x59: {  	[tilespmem:s8], [sflag:$0x3] =	stream.indirect.gather [hbm4b:s4+s14], $0x10, s6, s14, $0xb8;
	[tilespmem:$0x11350] =	vst v63  }
0x5a: {  	s10 =	simm.s32 $0x100;
	s12 =	simm.s32 $0x5FA0  }
0x5b: {  	[tilespmem:s12], [sflag:$0x4] =	stream.indirect.gather [hbm4b:s4+s14], $0x10, s10, s14, $0xb8;
	[tilespmem:$0x11350] =	vst v63  }
0x5c: {  	s17 =	simm.s32 $0x180;
	s18 =	simm.s32 $0x6770  }
0x5d: {  	[tilespmem:s18], [sflag:$0x5] =	stream.indirect.gather [hbm4b:s4+s14], $0x10, s17, s14, $0xb8;
	[tilespmem:$0x11350] =	vst v63  }
0x5e: {  	s26 =	simm.s32 $0x200;
	s0 =	simm.s32 $0x6F40  }
0x5f: {  	[tilespmem:s0], [sflag:$0x6] =	stream.indirect.gather [hbm4b:s4+s14], $0x10, s26, s14, $0xb8;
	[tilespmem:$0x11350] =	vst v63  }
0x60: {  	s5 =	simm.s32 $0x280;
	s6 =	simm.s32 $0x7710  }
0x61: {  	[tilespmem:s6], [sflag:$0x7] =	stream.indirect.gather [hbm4b:s4+s14], $0x10, s5, s14, $0xb8;
	[tilespmem:$0x11350] =	vst v63  }
0x62: {  	s8 =	simm.s32 $0x300;
	s10 =	simm.s32 $0x7EE0  }
0x63: {  	[tilespmem:s10], [sflag:$0x8] =	stream.indirect.gather [hbm4b:s4+s14], $0x10, s8, s14, $0xb8;
	[tilespmem:$0x11350] =	vst v63  }
0x64: {  	s12 =	simm.s32 $0x380;
	s17 =	simm.s32 $0x86B0  }
0x65: {  	[tilespmem:s17], [sflag:$0x9] =	stream.indirect.gather [hbm4b:s4+s14], $0x10, s12, s14, $0xb8;
	[tilespmem:$0x11350] =	vst v63  }
0x66: {  	s18 =	simm.s32 $0x400  }
0x67: {  	[tilespmem:s13], [sflag:$0xA] =	stream.indirect.gather [hbm4b:s4+s14], $0x10, s18, s14, $0xb8;
	[tilespmem:$0x11350] =	vst v63  }
0x68: {  	s30 =	simm.s32 $0x3;
	s26 =	simm.s32 $0x480;
	s8 =	simm.s32 $0x0  }
0x69: {  	[tilespmem:s16], [sflag:$0xB] =	stream.indirect.gather [hbm4b:s4+s14], $0x10, s26, s14, $0xb8;
	[tilespmem:$0x11350] =	vst v63  }
.LBB2_2:
0x6a: {  	s1 =	simm.s32 $0x2  }
0x6b: {  	s6 =	sshra.s32 s8, $0x2;
	_ =	swait.ge [sflag:s1], $0x7D0  }
0x6c: {  	s5 =	simm.s32 $0x5000;
	p0 =	seq.s32 s8, $0x0;
	[sflag:s1] =	ssyncset.done $0x0  }
0x6d: {  	s17 =	sadd.s32 $0x2800, s6;
	[sflag:s1] =	ssyncadd.s32 $0xFFFFF830;
	s1 =	simm.s32 @!p0 $0x1  }
0x6e: {  	[spmem:s2] =	stream.indirect.scatter.add.f32 [tilespmem:s5], [sflag:$0x1], $0x10, s17, s14, $0xb8;
	[tilespmem:$0x11350] =	vst v63  }
0x6f: {  	_ =	swait.ge @!p0 [sflag:s1], $0x7D0  }
0x70: {  	s26 =	simm.s32 $0x3;
	[sflag:s1] =	ssyncset.done @!p0 $0x0  }
0x71: {  	s18 =	sadd.s32 $0x500, s6;
	s17 =	simm.s32 $0x9E20;
	[sflag:s1] =	ssyncadd.s32 @!p0 $0xFFFFF830  }
0x72: {  	[tilespmem:s17], [sflag:$0xC] =	stream.indirect.gather [hbm4b:s4+s14], $0x10, s18, s14, $0xb8;
	[tilespmem:$0x11350] =	vst v63  }
0x73: {  	_ =	swait.ge [sflag:s26], $0x7D0  }
0x74: {  	[sflag:s26] =	ssyncset.done $0x0  }
0x75: {  	s10 =	simm.s32 $0x57D0;
	s0 =	sadd.s32 $0x2880, s6;
	[sflag:s26] =	ssyncadd.s32 $0xFFFFF830  }
0x76: {  	[spmem:s2] =	stream.indirect.scatter.add.f32 [tilespmem:s10], [sflag:$0x1], $0x10, s0, s14, $0xb8;
	[tilespmem:$0x11350] =	vst v63  }
0x77: {  	_ =	swait.ge @!p0 [sflag:s1], $0x7D0  }
0x78: {  	s12 =	simm.s32 $0xA5F0;
	[sflag:s1] =	ssyncset.done @!p0 $0x0  }
0x79: {  	s18 =	simm.s32 $0x4;
	s10 =	sadd.s32 $0x580, s6;
	[sflag:s1] =	ssyncadd.s32 @!p0 $0xFFFFF830  }
0x7a: {  	[tilespmem:s12], [sflag:$0xD] =	stream.indirect.gather [hbm4b:s4+s14], $0x10, s10, s14, $0xb8;
	[tilespmem:$0x11350] =	vst v63  }
0x7b: {  	s26 =	sadd.s32 $0xFFFFFFFF, s30;
	_ =	swait.ge [sflag:s18], $0x7D0  }
0x7c: {  	s0 =	sadd.s32 $0x2900, s6;
	p1 =	slt.u32 s26, $0xA;
	[sflag:s18] =	ssyncset.done $0x0  }
0x7d: {  	s5 =	simm.s32 @!p1 $0x1;
	s12 =	simm.s32 $0x5FA0;
	[sflag:s18] =	ssyncadd.s32 $0xFFFFF830  }
0x7e: {  	[spmem:s2] =	stream.indirect.scatter.add.f32 [tilespmem:s12], [sflag:$0x1], $0x10, s0, s14, $0xb8;
	[tilespmem:$0x11350] =	vst v63  }
0x7f: {  	_ =	swait.ge @!p1 [sflag:s5], $0x7D0  }
0x80: {  	[sflag:s5] =	ssyncset.done @!p1 $0x0  }
0x81: {  	s18 =	simm.s32 $0x5;
	s12 =	sadd.s32 $0x600, s6;
	[sflag:s5] =	ssyncadd.s32 @!p1 $0xFFFFF830  }
0x82: {  	[tilespmem:s24], [sflag:$0xE] =	stream.indirect.gather [hbm4b:s4+s14], $0x10, s12, s14, $0xb8;
	[tilespmem:$0x11350] =	vst v63  }
0x83: {  	_ =	swait.ge [sflag:s18], $0x7D0  }
0x84: {  	s26 =	sadd.s32 $0x2980, s6;
	p1 =	slt.u32 s30, $0xA;
	[sflag:s18] =	ssyncset.done $0x0  }
0x85: {  	s0 =	simm.s32 $0x6770;
	s5 =	simm.s32 @!p1 $0x1;
	[sflag:s18] =	ssyncadd.s32 $0xFFFFF830  }
0x86: {  	[spmem:s2] =	stream.indirect.scatter.add.f32 [tilespmem:s0], [sflag:$0x1], $0x10, s26, s14, $0xb8;
	[tilespmem:$0x11350] =	vst v63  }
0x87: {  	_ =	swait.ge @!p1 [sflag:s5], $0x7D0  }
0x88: {  	s12 =	sadd.s32 $0x680, s6;
	[sflag:s5] =	ssyncset.done @!p1 $0x0  }
0x89: {  	s18 =	simm.s32 $0xB590;
	s0 =	simm.s32 $0x6;
	[sflag:s5] =	ssyncadd.s32 @!p1 $0xFFFFF830  }
0x8a: {  	[tilespmem:s18], [sflag:$0xF] =	stream.indirect.gather [hbm4b:s4+s14], $0x10, s12, s14, $0xb8;
	[tilespmem:$0x11350] =	vst v63  }
0x8b: {  	_ =	swait.ge [sflag:s0], $0x7D0  }
0x8c: {  	[sflag:s0] =	ssyncset.done $0x0  }
0x8d: {  	s26 =	sadd.s32 $0x2A00, s6;
	[sflag:s0] =	ssyncadd.s32 $0xFFFFF830;
	s0 =	simm.s32 $0x6F40  }
0x8e: {  	[spmem:s2] =	stream.indirect.scatter.add.f32 [tilespmem:s0], [sflag:$0x1], $0x10, s26, s14, $0xb8;
	[tilespmem:$0x11350] =	vst v63  }
0x8f: {  	_ =	swait.ge @!p0 [sflag:s1], $0x7D0  }
0x90: {  	[sflag:s1] =	ssyncset.done @!p0 $0x0  }
0x91: {  	s12 =	sadd.s32 $0x700, s6;
	s18 =	simm.s32 $0x7;
	[sflag:s1] =	ssyncadd.s32 @!p0 $0xFFFFF830  }
0x92: {  	[tilespmem:s29], [sflag:$0x10] =	stream.indirect.gather [hbm4b:s4+s14], $0x10, s12, s14, $0xb8;
	[tilespmem:$0x11350] =	vst v63  }
0x93: {  	_ =	swait.ge [sflag:s18], $0x7D0  }
0x94: {  	[sflag:s18] =	ssyncset.done $0x0  }
0x95: {  	s26 =	sadd.s32 $0x2A80, s6;
	s0 =	simm.s32 $0x7710;
	[sflag:s18] =	ssyncadd.s32 $0xFFFFF830  }
0x96: {  	[spmem:s2] =	stream.indirect.scatter.add.f32 [tilespmem:s0], [sflag:$0x1], $0x10, s26, s14, $0xb8;
	[tilespmem:$0x11350] =	vst v63  }
0x97: {  	_ =	swait.ge @!p0 [sflag:s1], $0x7D0  }
0x98: {  	s10 =	sadd.s32 $0x780, s6;
	[sflag:s1] =	ssyncset.done @!p0 $0x0  }
0x99: {  	s12 =	simm.s32 $0xC530;
	s18 =	simm.s32 $0x8;
	[sflag:s1] =	ssyncadd.s32 @!p0 $0xFFFFF830  }
0x9a: {  	[tilespmem:s12], [sflag:$0x11] =	stream.indirect.gather [hbm4b:s4+s14], $0x10, s10, s14, $0xb8;
	[tilespmem:$0x11350] =	vst v63  }
0x9b: {  	_ =	swait.ge [sflag:s18], $0x7D0  }
0x9c: {  	[sflag:s18] =	ssyncset.done $0x0  }
0x9d: {  	s26 =	sadd.s32 $0x2B00, s6;
	s0 =	simm.s32 $0x7EE0;
	[sflag:s18] =	ssyncadd.s32 $0xFFFFF830  }
0x9e: {  	[spmem:s2] =	stream.indirect.scatter.add.f32 [tilespmem:s0], [sflag:$0x1], $0x10, s26, s14, $0xb8;
	[tilespmem:$0x11350] =	vst v63  }
0x9f: {  	_ =	swait.ge @!p0 [sflag:s1], $0x7D0  }
0xa0: {  	[sflag:s1] =	ssyncset.done @!p0 $0x0  }
0xa1: {  	s12 =	sadd.s32 $0x800, s6;
	s0 =	simm.s32 $0xCD00;
	[sflag:s1] =	ssyncadd.s32 @!p0 $0xFFFFF830  }
0xa2: {  	[tilespmem:s0], [sflag:$0x12] =	stream.indirect.gather [hbm4b:s4+s14], $0x10, s12, s14, $0xb8;
	[tilespmem:$0x11350] =	vst v63  }
0xa3: {  	_ =	swait.ge [sflag:s3], $0x7D0  }
0xa4: {  	[sflag:s3] =	ssyncset.done $0x0  }
0xa5: {  	s18 =	sadd.s32 $0x2B80, s6;
	s26 =	simm.s32 $0x86B0;
	[sflag:s3] =	ssyncadd.s32 $0xFFFFF830  }
0xa6: {  	[spmem:s2] =	stream.indirect.scatter.add.f32 [tilespmem:s26], [sflag:$0x1], $0x10, s18, s14, $0xb8;
	[tilespmem:$0x11350] =	vst v63  }
0xa7: {  	_ =	swait.ge @!p0 [sflag:s1], $0x7D0  }
0xa8: {  	[sflag:s1] =	ssyncset.done @!p0 $0x0  }
0xa9: {  	s12 =	sadd.s32 $0x880, s6;
	s18 =	simm.s32 $0xD4D0;
	[sflag:s1] =	ssyncadd.s32 @!p0 $0xFFFFF830  }
0xaa: {  	[tilespmem:s18], [sflag:$0x13] =	stream.indirect.gather [hbm4b:s4+s14], $0x10, s12, s14, $0xb8;
	[tilespmem:$0x11350] =	vst v63  }
0xab: {  	_ =	swait.ge [sflag:s11], $0x7D0  }
0xac: {  	[sflag:s11] =	ssyncset.done $0x0  }
0xad: {  	s26 =	sadd.s32 $0x2C00, s6;
	[sflag:s11] =	ssyncadd.s32 $0xFFFFF830  }
0xae: {  	[spmem:s2] =	stream.indirect.scatter.add.f32 [tilespmem:s13], [sflag:$0x1], $0x10, s26, s14, $0xb8;
	[tilespmem:$0x11350] =	vst v63  }
0xaf: {  	_ =	swait.ge @!p0 [sflag:s1], $0x7D0  }
0xb0: {  	[sflag:s1] =	ssyncset.done @!p0 $0x0  }
0xb1: {  	s10 =	sadd.s32 $0x900, s6;
	[sflag:s1] =	ssyncadd.s32 @!p0 $0xFFFFF830  }
0xb2: {  	[tilespmem:s7], [sflag:$0x14] =	stream.indirect.gather [hbm4b:s4+s14], $0x10, s10, s14, $0xb8;
	[tilespmem:$0x11350] =	vst v63  }
0xb3: {  	_ =	swait.ge [sflag:s15], $0x7D0  }
0xb4: {  	[sflag:s15] =	ssyncset.done $0x0  }
0xb5: {  	s12 =	sadd.s32 $0x2C80, s6;
	[sflag:s15] =	ssyncadd.s32 $0xFFFFF830  }
0xb6: {  	[spmem:s2] =	stream.indirect.scatter.add.f32 [tilespmem:s16], [sflag:$0x1], $0x10, s12, s14, $0xb8;
	[tilespmem:$0x11350] =	vst v63  }
0xb7: {  	_ =	swait.ge @!p0 [sflag:s1], $0x7D0  }
0xb8: {  	[sflag:s1] =	ssyncset.done @!p0 $0x0  }
0xb9: {  	s13 =	sadd.s32 $0x980, s6;
	[sflag:s1] =	ssyncadd.s32 @!p0 $0xFFFFF830  }
0xba: {  	[tilespmem:s9], [sflag:$0x15] =	stream.indirect.gather [hbm4b:s4+s14], $0x10, s13, s14, $0xb8;
	[tilespmem:$0x11350] =	vst v63  }
0xbb: {  	_ =	swait.ge [sflag:s19], $0x7D0  }
0xbc: {  	[sflag:s19] =	ssyncset.done $0x0  }
0xbd: {  	s16 =	sadd.s32 $0x2D00, s6;
	[sflag:s19] =	ssyncadd.s32 $0xFFFFF830  }
0xbe: {  	[spmem:s2] =	stream.indirect.scatter.add.f32 [tilespmem:s17], [sflag:$0x1], $0x10, s16, s14, $0xb8;
	[tilespmem:$0x11350] =	vst v63  }
0xbf: {  	_ =	swait.ge [sflag:s21], $0x7D0  }
0xc0: {  	p0 =	seq.s32 s8, $0x7800;
	[sflag:s21] =	ssyncset.done $0x0  }
0xc1: {  	s1 =	simm.s32 @p0 $0xD;
	[sflag:s21] =	ssyncadd.s32 $0xFFFFF830  }
0xc2: {  	_ =	swait.ge @p0 [sflag:s1], $0x7D0  }
0xc3: {  	s18 =	sshra.s32 @p0 s8, $0x2;
	s26 =	simm.s32 @p0 $0x7D;
	[sflag:s1] =	ssyncset.done @p0 $0x0  }
0xc4: {  	s5 =	simm.s32 @p0 $0xA5F0;
	[sflag:s1] =	ssyncadd.s32 @p0 $0xFFFFF830;
	s1 =	sadd.s32 @p0 $0x2D80, s18  }
0xc5: {  	[spmem:s2] =	stream.indirect.scatter.add.f32 @p0 [tilespmem:s5], [sflag:$0x1], $0x10, s1, s26, $0xb8;
	[tilespmem:$0x11350] =	vst v63  }
0xc6: {  	s5 =	simm.s32 @p0 $0x1  }
0xc7: {  	_ =	swait.ge @p0 [sflag:s5], $0x7D0  }
0xc8: {  	s13 =	simm.s32 @!p0 $0x7D;
	s1 =	sshra.s32 @!p0 s8, $0x2;
	[sflag:s5] =	ssyncset.done @p0 $0x0  }
0xc9: {  	s12 =	simm.s32 @!p0 $0x5000;
	s10 =	sadd.s32 @!p0 $0xA00, s1;
	[sflag:s5] =	ssyncadd.s32 @p0 $0xFFFFF830  }
0xca: {  	[tilespmem:s12], [sflag:$0x2] =	stream.indirect.gather @!p0 [hbm4b:s4+s13], $0x10, s10, s13, $0xb8;
	[tilespmem:$0x11350] =	vst v63  }
0xcb: {  	s10 =	simm.s32 @!p0 $0xD  }
0xcc: {  	_ =	swait.ge @!p0 [sflag:s10], $0x7D0  }
0xcd: {  	[sflag:s10] =	ssyncset.done @!p0 $0x0  }
0xce: {  	s12 =	simm.s32 @!p0 $0xA5F0;
	[sflag:s10] =	ssyncadd.s32 @!p0 $0xFFFFF830;
	s10 =	sadd.s32 @!p0 $0x2D80, s1  }
0xcf: {  	[spmem:s2] =	stream.indirect.scatter.add.f32 @!p0 [tilespmem:s12], [sflag:$0x1], $0x10, s10, s13, $0xb8;
	[tilespmem:$0x11350] =	vst v63  }
0xd0: {  	s10 =	simm.s32 @!p0 $0x1  }
0xd1: {  	_ =	swait.ge @!p0 [sflag:s10], $0x7D0  }
0xd2: {  	[sflag:s10] =	ssyncset.done @!p0 $0x0  }
0xd3: {  	s17 =	simm.s32 @!p0 $0x57D0;
	s12 =	sadd.s32 @!p0 $0xA80, s1;
	[sflag:s10] =	ssyncadd.s32 @!p0 $0xFFFFF830  }
0xd4: {  	[tilespmem:s17], [sflag:$0x3] =	stream.indirect.gather @!p0 [hbm4b:s4+s13], $0x10, s12, s13, $0xb8;
	[tilespmem:$0x11350] =	vst v63  }
0xd5: {  	_ =	swait.ge [sflag:s23], $0x7D0  }
0xd6: {  	[sflag:s23] =	ssyncset.done $0x0  }
0xd7: {  	s17 =	sadd.s32 $0x2E00, s6;
	[sflag:s23] =	ssyncadd.s32 $0xFFFFF830  }
0xd8: {  	[spmem:s2] =	stream.indirect.scatter.add.f32 [tilespmem:s24], [sflag:$0x1], $0x10, s17, s14, $0xb8;
	[tilespmem:$0x11350] =	vst v63  }
0xd9: {  	_ =	swait.ge [sflag:s21], $0x7D0  }
0xda: {  	[sflag:s21] =	ssyncset.done $0x0  }
0xdb: {  	s12 =	simm.s32 @p0 $0xF;
	[sflag:s21] =	ssyncadd.s32 $0xFFFFF830  }
0xdc: {  	_ =	swait.ge @p0 [sflag:s12], $0x7D0  }
0xdd: {  	[sflag:s12] =	ssyncset.done @p0 $0x0  }
0xde: {  	s17 =	simm.s32 @p0 $0xB590;
	[sflag:s12] =	ssyncadd.s32 @p0 $0xFFFFF830;
	s12 =	sadd.s32 @p0 $0x2E80, s18  }
0xdf: {  	[spmem:s2] =	stream.indirect.scatter.add.f32 @p0 [tilespmem:s17], [sflag:$0x1], $0x10, s12, s26, $0xb8;
	[tilespmem:$0x11350] =	vst v63  }
0xe0: {  	_ =	swait.ge @p0 [sflag:s5], $0x7D0  }
0xe1: {  	[sflag:s5] =	ssyncset.done @p0 $0x0  }
0xe2: {  	s12 =	sadd.s32 @!p0 $0xB00, s1;
	s17 =	simm.s32 @!p0 $0x5FA0;
	[sflag:s5] =	ssyncadd.s32 @p0 $0xFFFFF830  }
0xe3: {  	[tilespmem:s17], [sflag:$0x4] =	stream.indirect.gather @!p0 [hbm4b:s4+s13], $0x10, s12, s13, $0xb8;
	[tilespmem:$0x11350] =	vst v63  }
0xe4: {  	s12 =	simm.s32 @!p0 $0xF  }
0xe5: {  	_ =	swait.ge @!p0 [sflag:s12], $0x7D0  }
0xe6: {  	[sflag:s12] =	ssyncset.done @!p0 $0x0  }
0xe7: {  	s17 =	simm.s32 @!p0 $0xB590;
	[sflag:s12] =	ssyncadd.s32 @!p0 $0xFFFFF830;
	s12 =	sadd.s32 @!p0 $0x2E80, s1  }
0xe8: {  	[spmem:s2] =	stream.indirect.scatter.add.f32 @!p0 [tilespmem:s17], [sflag:$0x1], $0x10, s12, s13, $0xb8;
	[tilespmem:$0x11350] =	vst v63  }
0xe9: {  	_ =	swait.ge @!p0 [sflag:s10], $0x7D0  }
0xea: {  	[sflag:s10] =	ssyncset.done @!p0 $0x0  }
0xeb: {  	s12 =	sadd.s32 @!p0 $0xB80, s1;
	s17 =	simm.s32 @!p0 $0x6770;
	[sflag:s10] =	ssyncadd.s32 @!p0 $0xFFFFF830  }
0xec: {  	[tilespmem:s17], [sflag:$0x5] =	stream.indirect.gather @!p0 [hbm4b:s4+s13], $0x10, s12, s13, $0xb8;
	[tilespmem:$0x11350] =	vst v63  }
0xed: {  	_ =	swait.ge [sflag:s22], $0x7D0  }
0xee: {  	[sflag:s22] =	ssyncset.done $0x0  }
0xef: {  	s17 =	sadd.s32 $0x2F00, s6;
	[sflag:s22] =	ssyncadd.s32 $0xFFFFF830  }
0xf0: {  	[spmem:s2] =	stream.indirect.scatter.add.f32 [tilespmem:s29], [sflag:$0x1], $0x10, s17, s14, $0xb8;
	[tilespmem:$0x11350] =	vst v63  }
0xf1: {  	_ =	swait.ge [sflag:s21], $0x7D0  }
0xf2: {  	[sflag:s21] =	ssyncset.done $0x0  }
0xf3: {  	s12 =	simm.s32 @p0 $0x11;
	[sflag:s21] =	ssyncadd.s32 $0xFFFFF830  }
0xf4: {  	_ =	swait.ge @p0 [sflag:s12], $0x7D0  }
0xf5: {  	[sflag:s12] =	ssyncset.done @p0 $0x0  }
0xf6: {  	s17 =	simm.s32 @p0 $0xC530;
	[sflag:s12] =	ssyncadd.s32 @p0 $0xFFFFF830;
	s12 =	sadd.s32 @p0 $0x2F80, s18  }
0xf7: {  	[spmem:s2] =	stream.indirect.scatter.add.f32 @p0 [tilespmem:s17], [sflag:$0x1], $0x10, s12, s26, $0xb8;
	[tilespmem:$0x11350] =	vst v63  }
0xf8: {  	_ =	swait.ge @p0 [sflag:s5], $0x7D0  }
0xf9: {  	[sflag:s5] =	ssyncset.done @p0 $0x0  }
0xfa: {  	s12 =	sadd.s32 @!p0 $0xC00, s1;
	s17 =	simm.s32 @!p0 $0x6F40;
	[sflag:s5] =	ssyncadd.s32 @p0 $0xFFFFF830  }
0xfb: {  	[tilespmem:s17], [sflag:$0x6] =	stream.indirect.gather @!p0 [hbm4b:s4+s13], $0x10, s12, s13, $0xb8;
	[tilespmem:$0x11350] =	vst v63  }
0xfc: {  	s12 =	simm.s32 @!p0 $0x11  }
0xfd: {  	_ =	swait.ge @!p0 [sflag:s12], $0x7D0  }
0xfe: {  	[sflag:s12] =	ssyncset.done @!p0 $0x0  }
0xff: {  	s17 =	simm.s32 @!p0 $0xC530;
	[sflag:s12] =	ssyncadd.s32 @!p0 $0xFFFFF830;
	s12 =	sadd.s32 @!p0 $0x2F80, s1  }
0x100: {  	[spmem:s2] =	stream.indirect.scatter.add.f32 @!p0 [tilespmem:s17], [sflag:$0x1], $0x10, s12, s13, $0xb8;
	[tilespmem:$0x11350] =	vst v63  }
0x101: {  	_ =	swait.ge @!p0 [sflag:s10], $0x7D0  }
0x102: {  	[sflag:s10] =	ssyncset.done @!p0 $0x0  }
0x103: {  	s12 =	sadd.s32 @!p0 $0xC80, s1;
	s17 =	simm.s32 @!p0 $0x7710;
	[sflag:s10] =	ssyncadd.s32 @!p0 $0xFFFFF830  }
0x104: {  	[tilespmem:s17], [sflag:$0x7] =	stream.indirect.gather @!p0 [hbm4b:s4+s13], $0x10, s12, s13, $0xb8;
	[tilespmem:$0x11350] =	vst v63  }
0x105: {  	_ =	swait.ge [sflag:s25], $0x7D0  }
0x106: {  	[sflag:s25] =	ssyncset.done $0x0  }
0x107: {  	s17 =	sadd.s32 $0x3000, s6;
	[sflag:s25] =	ssyncadd.s32 $0xFFFFF830  }
0x108: {  	[spmem:s2] =	stream.indirect.scatter.add.f32 [tilespmem:s0], [sflag:$0x1], $0x10, s17, s14, $0xb8;
	[tilespmem:$0x11350] =	vst v63  }
0x109: {  	_ =	swait.ge [sflag:s21], $0x7D0  }
0x10a: {  	[sflag:s21] =	ssyncset.done $0x0  }
0x10b: {  	s12 =	simm.s32 @p0 $0x13;
	[sflag:s21] =	ssyncadd.s32 $0xFFFFF830  }
0x10c: {  	_ =	swait.ge @p0 [sflag:s12], $0x7D0  }
0x10d: {  	[sflag:s12] =	ssyncset.done @p0 $0x0  }
0x10e: {  	s17 =	simm.s32 @p0 $0xD4D0;
	[sflag:s12] =	ssyncadd.s32 @p0 $0xFFFFF830;
	s12 =	sadd.s32 @p0 $0x3080, s18  }
0x10f: {  	[spmem:s2] =	stream.indirect.scatter.add.f32 @p0 [tilespmem:s17], [sflag:$0x1], $0x10, s12, s26, $0xb8;
	[tilespmem:$0x11350] =	vst v63  }
0x110: {  	_ =	swait.ge @p0 [sflag:s5], $0x7D0  }
0x111: {  	[sflag:s5] =	ssyncset.done @p0 $0x0  }
0x112: {  	s12 =	simm.s32 @!p0 $0x7EE0;
	[sflag:s5] =	ssyncadd.s32 @p0 $0xFFFFF830;
	s5 =	sadd.s32 @!p0 $0xD00, s1  }
0x113: {  	[tilespmem:s12], [sflag:$0x8] =	stream.indirect.gather @!p0 [hbm4b:s4+s13], $0x10, s5, s13, $0xb8;
	[tilespmem:$0x11350] =	vst v63  }
0x114: {  	s5 =	simm.s32 @!p0 $0x13  }
0x115: {  	_ =	swait.ge @!p0 [sflag:s5], $0x7D0  }
0x116: {  	[sflag:s5] =	ssyncset.done @!p0 $0x0  }
0x117: {  	s12 =	simm.s32 @!p0 $0xD4D0;
	[sflag:s5] =	ssyncadd.s32 @!p0 $0xFFFFF830;
	s5 =	sadd.s32 @!p0 $0x3080, s1  }
0x118: {  	[spmem:s2] =	stream.indirect.scatter.add.f32 @!p0 [tilespmem:s12], [sflag:$0x1], $0x10, s5, s13, $0xb8;
	[tilespmem:$0x11350] =	vst v63  }
0x119: {  	_ =	swait.ge @!p0 [sflag:s10], $0x7D0  }
0x11a: {  	[sflag:s10] =	ssyncset.done @!p0 $0x0  }
0x11b: {  	s1 =	sadd.s32 @!p0 $0xD80, s1;
	s5 =	simm.s32 @!p0 $0x86B0;
	[sflag:s10] =	ssyncadd.s32 @!p0 $0xFFFFF830  }
0x11c: {  	[tilespmem:s5], [sflag:$0x9] =	stream.indirect.gather @!p0 [hbm4b:s4+s13], $0x10, s1, s13, $0xb8;
	[tilespmem:$0x11350] =	vst v63  }
0x11d: {  	_ =	swait.ge [sflag:s28], $0x7D0  }
0x11e: {  	[sflag:s28] =	ssyncset.done $0x0  }
.Ltmp2:
0x11f: {  	s26 =	sadd.s32 $0x3100, s6;
	[sflag:s28] =	ssyncadd.s32 $0xFFFFF830;
	(pc) =	sbr.rel @p0 .LBB2_4-.Ltmp2, $4  }
0x120: {  	[spmem:s2] =	stream.indirect.scatter.add.f32 [tilespmem:s7], [sflag:$0x1], $0x10, s26, s14, $0xb8;
	[tilespmem:$0x11350] =	vst v63  }
0x121: {  	_ =	swait.ge [sflag:s21], $0x7D0  }
0x122: {  	s9 =	simm.s32 $0xE470;
	[sflag:s21] =	ssyncset.done $0x0  }
0x123: {  	s16 =	simm.s32 $0x8E80;
	s1 =	sadd.s32 $0x3180, s6;
	[sflag:s21] =	ssyncadd.s32 $0xFFFFF830  }
0x124: {  	s5 =	sadd.s32 $0xE00, s6  }
0x125: {  	[tilespmem:s16], [sflag:$0xA] =	stream.indirect.gather [hbm4b:s4+s14], $0x10, s5, s14, $0xb8;
	[tilespmem:$0x11350] =	vst v63  }
0x126: {  	_ =	swait.ge [sflag:s31], $0x7D0  }
0x127: {  	[sflag:s31] =	ssyncset.done $0x0  }
0x128: {  	[sflag:s31] =	ssyncadd.s32 $0xFFFFF830  }
0x129: {  	[spmem:s2] =	stream.indirect.scatter.add.f32 [tilespmem:s9], [sflag:$0x1], $0x10, s1, s14, $0xb8;
	[tilespmem:$0x11350] =	vst v63  }
.Ltmp3:
0x12a: {  	_ = 	snop;
	(pc) =	sbr.rel .LBB2_2-.Ltmp3, $4  }
0x12b: {  	s26 =	sadd.s32 $0xE80, s6;
	s8 =	sadd.s32 $0x2800, s8;
	_ =	swait.ge [sflag:s21], $0x7D0  }
0x12c: {  	s30 =	sadd.s32 $0x14, s30;
	s13 =	simm.s32 $0x8E80;
	[sflag:s21] =	ssyncset.done $0x0  }
0x12d: {  	s16 =	simm.s32 $0x9650;
	s9 =	simm.s32 $0xE470;
	[sflag:s21] =	ssyncadd.s32 $0xFFFFF830  }
0x12e: {  	[tilespmem:s20], [sflag:$0xB] =	stream.indirect.gather [hbm4b:s4+s14], $0x10, s26, s14, $0xb8;
	[tilespmem:$0x11350] =	vst v63  }
.LBB2_5:
0x12f: {  	_ =	sfence.sel $0x180000  }
0x130: {  	[bflag:$0x0] =	sbarrier.arrive $0xFFFF  }
0x131: {  	_ =	strace $0x9000004A  }
0x132: {  	s0 =	stileid.u32;
	[bflag:$0x2] =	sbarrier.arrive $0xFFFF  }
0x133: {  	p0 =	sne.s32 s0, $0x0;
	s0 =	rddreg [dreg:$0x3]  }
0x134: {  	s0 =	sadd.s32 @!p0 $0x100000, s0  }
0x135: {  	[sflag:s0] =	ssyncadd.tile.s32 @!p0 $0x1;
	_ =	shalt  }
.Lfunc_end2:
_tile_overlayer_lowered:
.L_overlay_start_2:
0x136: {  	(tag) =	ssettag $0x2  }
0x137: {  	s0 =	rddreg [dreg:$0x0];
	s2 =	stileid.u32  }
0x138: {  	s1 =	rddreg [dreg:$0x1];
	p0 =	sne.s32 s2, $0x0  }
0x139: {  	s3 =	rddreg [dreg:$0x2];
	[bflag:$0x3] =	sbarrier.arrive $0xFFFF;
	s2 =	simm.s32 @!p0 $0x1C16  }
0x13a: {  	[timem:s3], [sflag:s2] =	dma.local @!p0 [hbm:s0], s1  }
0x13b: {  	s0 =	simm.s32 @!p0 $0x16  }
0x13c: {  	_ =	swait.ge @!p0 [sflag:s0], s1  }
0x13d: {  	s1 =	ssub.s32 @!p0 $0x0, s1;
	[sflag:s0] =	ssyncset.done @!p0 $0x0  }
0x13e: {  	[sflag:s0] =	ssyncadd.s32 @!p0 s1  }
0x13f: {  	[bflag:$0x3] =	sbarrier.arrive $0xFFFF  }
0x140: {  	_ =	shalt  }

// kernel: kernel.14.cloned.1.call-start
scs
__scs_entry_jumppad:
0x0: {  	(pc) =	sbr.rel $0x88, $3  }
0x1: {  	(tag) =	ssettag $0x0;
	lr =	simm.s32 $0x1  }
0x2: {  	[smem:$0x3F9B] =	sst lr;
	_ =	strace $0xD0000000  }
0x3: {  	_ = 	snop  }
0x4: {  	_ = 	snop  }
0x5: {  	_ = 	snop  }
0x6: {  	_ = 	snop  }
0x7: {  	_ = 	snop  }
__scs_overlays_trampoline_lowered:
0x8: {  	[smem:$0x3FAA] =	sst s0  }
0x9: {  	[smem:$0x3FAB] =	sst s1  }
0xa: {  	[smem:$0x3FAC] =	sst s2  }
0xb: {  	[smem:$0x3FAD] =	sst s3  }
0xc: {  	[smem:$0x3FAE] =	sst s4  }
0xd: {  	[smem:$0x3FAF] =	sst s5  }
0xe: {  	[smem:$0x3FB0] =	sst s6  }
0xf: {  	[smem:$0x3FB1] =	sst s7  }
0x10: {  	[smem:$0x3FB2] =	sst s8  }
0x11: {  	[smem:$0x3FB3] =	sst s9;
	s0 =	simm.s32 @!p0 $0x0  }
0x12: {  	s1 =	sld [smem:$0x3F99];
	s0 =	simm.s32 @p0 $0x1  }
0x13: {  	[smem:$0x3FB4] =	sst s0;
	s0 =	simm.s32 @!p1 $0x0  }
0x14: {  	s2 =	sld [smem:$0x3F98];
	s0 =	simm.s32 @p1 $0x1  }
0x15: {  	[smem:$0x3FB5] =	sst s0;
	s0 =	simm.s32 @!p2 $0x0  }
0x16: {  	s3 =	sld [smem:$0x3FDB];
	s0 =	simm.s32 @p2 $0x1  }
0x17: {  	s4 =	simm.s32 $0x1BF5;
	[smem:$0x3FB7] =	sst s0  }
0x18: {  	s0 =	sld [smem:$0x3F9A];
	_ =	swait.ge [sflag:s4], $0x0  }
0x19: {  	s7 =	sld [smem:$0x3F9B]  }
0x1a: {  	s8 =	sadd.s32 $0xFFFFE003, lr  }
0x1b: {  	s9 =	sadd.s32 $0xFFFFFEF7, lr;
	s5 =	simm.s32 $0xFFFFFFFF;
	p2 =	slt.u32 s8, $0xFFFFF086  }
0x1c: {  	p1 =	slt.u32 s9, $0xF7A;
	s5 =	simm.s32 @!p2 $0x0  }
0x1d: {  	s5 =	simm.s32 @p1 $0x1;
	p0 =	seq.s32 s7, s2  }
0x1e: {  	s7 =	smul.u32 @!p0 $0xF7A, s2;
	p2 =	seq.s32 @!p0 s5, $0x0  }
0x1f: {  	s9 =	smul.u32 $0xF7A, s1;
	s8 =	simm.s32 @!p0 $0x1BF5;
	p2 =	por !p2, p0  }
0x20: {  	[sflag:s8] =	ssyncset.s32 @!p0 $0xFFFFF086;
	s6 =	sadd.s32 @!p0 s3, s7;
	s7 =	simm.s32 @!p0 $0x108  }
0x21: {  	s3 =	sadd.s32 s3, s9;
	s6 =	sadd.s32 @!p0 $0x88, s6;
	s7 =	simm.s32 @p2 $0x1082  }
0x22: {  	[simem:s7], [sflag:s8] =	dma.local @!p0 [hbm:s6], $0xF7A  }
0x23: {  	s9 =	sor.u32 $0xD0000000, s2;
	s6 =	simm.s32 $0x108;
	_ =	swait.ge @!p0 [sflag:s8], $0x0  }
0x24: {  	s3 =	sadd.s32 $0x88, s3;
	s6 =	simm.s32 @!p1 $0x1082;
	[sflag:s4] =	ssyncset.s32 $0xFFFFF086  }
0x25: {  	[simem:s6], [sflag:s4] =	dma.local [hbm:s3], $0xF7A  }
0x26: {  	[smem:$0x3F9B] =	sst s1;
	(tag) =	ssettag s2;
	_ =	strace s9  }
0x27: {  	s1 =	sld [smem:$0x3FAB]  }
0x28: {  	s2 =	sld [smem:$0x3FAC]  }
0x29: {  	s4 =	sld [smem:$0x3FAE]  }
0x2a: {  	p0 =	seq.s32 s5, $0x0;
	s5 =	sld [smem:$0x3FAF]  }
0x2b: {  	s6 =	sld [smem:$0x3FB0]  }
0x2c: {  	s7 =	sld [smem:$0x3FB1]  }
0x2d: {  	s3 =	simm.s32 $0x108;
	s8 =	sld [smem:$0x3FB2]  }
0x2e: {  	s3 =	simm.s32 @!p0 $0x1082;
	s9 =	sld [smem:$0x3FB3]  }
0x2f: {  	lr =	sadd.s32 s0, s3;
	s0 =	sld [smem:$0x3FAA]  }
0x30: {  	s3 =	sld [smem:$0x3FAD]  }
0x31: {  	[smem:$0x3FB6] =	sst s10  }
0x32: {  	s10 =	sld [smem:$0x3FB4];
	_ =	sdelay $0x3  }
0x33: {  	p0 =	seq.s32 s10, $0x1;
	s10 =	sld [smem:$0x3FB6];
	_ =	sdelay $0x3  }
0x34: {  	[smem:$0x3FB6] =	sst s10  }
0x35: {  	s10 =	sld [smem:$0x3FB5];
	_ =	sdelay $0x3  }
0x36: {  	p1 =	seq.s32 s10, $0x1;
	s10 =	sld [smem:$0x3FB6];
	_ =	sdelay $0x3  }
0x37: {  	[smem:$0x3FB6] =	sst s10  }
0x38: {  	s10 =	sld [smem:$0x3FB7]  }
0x39: {  	_ = 	snop;
	(pc) =	sbr.ind lr, $3  }
0x3a: {  	_ = 	snop  }
0x3b: {  	_ = 	snop  }
0x3c: {  	p2 =	seq.s32 s10, $0x1;
	s10 =	sld [smem:$0x3FB6]  }
0x3d: {  	_ =	shalt  }
0x3e: {  	_ =	shalt  }
0x3f: {  	_ =	shalt  }
0x40: {  	_ =	shalt  }
0x41: {  	_ =	shalt  }
0x42: {  	_ =	shalt  }
0x43: {  	_ =	shalt  }
0x44: {  	_ =	shalt  }
0x45: {  	_ =	shalt  }
0x46: {  	_ =	shalt  }
0x47: {  	_ =	shalt  }
0x48: {  	_ =	shalt  }
0x49: {  	_ =	shalt  }
0x4a: {  	_ =	shalt  }
0x4b: {  	_ =	shalt  }
0x4c: {  	_ =	shalt  }
0x4d: {  	_ =	shalt  }
0x4e: {  	_ =	shalt  }
0x4f: {  	_ =	shalt  }
0x50: {  	_ =	shalt  }
0x51: {  	_ =	shalt  }
0x52: {  	_ =	shalt  }
0x53: {  	_ =	shalt  }
0x54: {  	_ =	shalt  }
0x55: {  	_ =	shalt  }
0x56: {  	_ =	shalt  }
0x57: {  	_ =	shalt  }
0x58: {  	_ =	shalt  }
0x59: {  	_ =	shalt  }
0x5a: {  	_ =	shalt  }
0x5b: {  	_ =	shalt  }
0x5c: {  	_ =	shalt  }
0x5d: {  	_ =	shalt  }
0x5e: {  	_ =	shalt  }
0x5f: {  	_ =	shalt  }
0x60: {  	_ =	shalt  }
0x61: {  	_ =	shalt  }
0x62: {  	_ =	shalt  }
0x63: {  	_ =	shalt  }
0x64: {  	_ =	shalt  }
0x65: {  	_ =	shalt  }
0x66: {  	_ =	shalt  }
0x67: {  	_ =	shalt  }
0x68: {  	_ =	shalt  }
0x69: {  	_ =	shalt  }
0x6a: {  	_ =	shalt  }
0x6b: {  	_ =	shalt  }
0x6c: {  	_ =	shalt  }
0x6d: {  	_ =	shalt  }
0x6e: {  	_ =	shalt  }
0x6f: {  	_ =	shalt  }
0x70: {  	_ =	shalt  }
0x71: {  	_ =	shalt  }
0x72: {  	_ =	shalt  }
0x73: {  	_ =	shalt  }
0x74: {  	_ =	shalt  }
0x75: {  	_ =	shalt  }
0x76: {  	_ =	shalt  }
0x77: {  	_ =	shalt  }
0x78: {  	_ =	shalt  }
0x79: {  	_ =	shalt  }
0x7a: {  	_ =	shalt  }
0x7b: {  	_ =	shalt  }
0x7c: {  	_ =	shalt  }
0x7d: {  	_ =	shalt  }
0x7e: {  	_ =	shalt  }
0x7f: {  	_ =	shalt  }
0x80: {  	_ =	shalt  }
0x81: {  	_ =	shalt  }
0x82: {  	_ =	shalt  }
0x83: {  	_ =	shalt  }
0x84: {  	_ =	shalt  }
0x85: {  	_ =	shalt  }
0x86: {  	_ =	shalt  }
0x87: {  	_ =	shalt  }
.Lfunc_end0:
.L_simem_size_0:
called_computation.2_lowered:
.L_overlay_start_0:
0x88: {  	s2 =	sld [smem:$0x3FD9]  }
0x89: {  	s3 =	sld [smem:$0x3FFE];
	_ =	sdelay $0x1  }
0x8a: {  	s1 =	srdreg.scid  }
0x8b: {  	s0 =	sand.u32 $0x1, s1  }
0x8c: {  	s17 =	sshll.u32 s0, $0xA;
	s2 =	sadd.s32 s3, s2  }
0x8d: {  	s2 =	sadd.s32 s2, s17  }
0x8e: {  	[smem:$0x3FC2] =	sst s2  }
0x8f: {  	_ = 	snop  }
0x90: {  	s2 =	sld [smem:$0x3FD0];
	(tm) =	ssettm $0x1  }
0x91: {  	s18 =	sld [smem:$0x3FFB];
	_ =	sdelay $0x3  }
0x92: {  	_ =	strace s18  }
0x93: {  	s3 =	sld [smem:$0x3FFC];
	_ =	sdelay $0x3  }
0x94: {  	_ =	strace s3  }
0x95: {  	s3 =	sld [smem:$0x3FFD];
	_ =	sdelay $0x3  }
0x96: {  	_ =	strace s3  }
0x97: {  	_ =	strace $0x8FFFFFFF  }
0x98: {  	s19 =	sld [smem:$0x3FDB];
	_ =	sdelay $0x1  }
0x99: {  	s4 =	simm.s32 $_scs_section_size  }
0x9a: {  	s5 =	simm.s32 $_size__tile_overlayer_lowered;
	s6 =	simm.s32 $_tile_overlayer_lowered  }
0x9b: {  	s22 =	simm.s32 $0x1BFF;
	s21 =	sshll.u32 s6, $0x1;
	s3 =	sadd.s32 s4, s19  }
0x9c: {  	s7 =	simm.s32 $0x0;
	s20 =	sshll.u32 s5, $0x1;
	s5 =	sadd.s32 s21, s3  }
0x9d: {  	[timem:s7], [sflag:s22] =	dma.local [hbm:s5], s20  }
0x9e: {  	_ =	swait.ge [sflag:s22], s20  }
0x9f: {  	s4 =	ssub.s32 $0x0, s20;
	[sflag:s22] =	ssyncset.done $0x0  }
0xa0: {  	[sflag:s22] =	ssyncadd.s32 s4;
	_ =	sdelay $0x1  }
0xa1: {  	s23 =	simm.s32 $0x1B8B  }
0xa2: {  	_ =	swait.ge [sflag:s23], $0x1  }
0xa3: {  	[sflag:s23] =	ssyncset.done $0x0  }
0xa4: {  	s25 =	simm.s32 $0x1B8E;
	s24 =	sld [smem:$0x3FFE];
	[sflag:s23] =	ssyncadd.s32 $0xFFFFFFFF  }
0xa5: {  	s26 =	simm.s32 $execute0_lowered;
	[smem:$0x3FD2] =	sst s25  }
0xa6: {  	s5 =	sshll.u32 s26, $0x1;
	_ =	strace $0x8000004C;
	[dreg:$0x1] =	wrdreg $0xFFFFFFFF  }
0xa7: {  	s28 =	simm.s32 $_size_execute0_lowered;
	s3 =	sadd.s32 s3, s5;
	[dreg:$0x0] =	wrdreg $0x0  }
0xa8: {  	s5 =	sshll.u32 s28, $0x1;
	[dreg:$0x2] =	wrdreg s3  }
0xa9: {  	[dreg:$0x3] =	wrdreg s5  }
0xaa: {  	[dreg:$0x4] =	wrdreg $0xC0  }
0xab: {  	_ =	task [dreg:s7], $0x5FFFF  }
0xac: {  	[dreg:$0x1] =	wrdreg $0xFFFFFFFF  }
0xad: {  	[dreg:$0x0] =	wrdreg $0x60  }
0xae: {  	[dreg:$0x2] =	wrdreg s24  }
0xaf: {  	[dreg:$0x3] =	wrdreg s2  }
0xb0: {  	[dreg:$0x4] =	wrdreg $0x188800  }
0xb1: {  	[dreg:$0x5] =	wrdreg $0x9  }
0xb2: {  	_ =	task.clear_ibuf [dreg:s7], $0x6FFFF;
	_ =	strace $0x9000004C  }
0xb3: {  	s29 =	simm.s32 $0x9;
	_ =	strace $0x8000004E  }
0xb4: {  	_ =	swait.ge [sflag:s29], $0x1  }
0xb5: {  	[sflag:s29] =	ssyncadd.s32 $0xFFFFFFFF  }
0xb6: {  	_ =	strace $0x9000004E  }
0xb7: {  	_ =	sfence  }
0xb8: {  	s30 =	sld [smem:$0x0];
	_ =	sdelay $0x2  }
0xb9: {  	s31 =	sshll.u32 s1, $0xD;
	s1 =	sshrl.u32 s1, $0x2  }
0xba: {  	s3 =	sand.u32 $0x4000, s31;
	s1 =	sadd.s32 s1, s30  }
0xbb: {  	s0 =	sor.u32 s3, s0;
	s1 =	sshll.u32 s1, $0x11  }
0xbc: {  	s0 =	sor.u32 s1, s0  }
0xbd: {  	s0 =	sadd.s32 $0x8F2B, s0  }
0xbe: {  	[sflag:s0] =	ssyncadd.remote.s32 $0x1  }
0xbf: {  	_ =	sfence.sel $0xFFFF  }
0xc0: {  	[dreg:$0x0] =	wrdreg $0xFFFFFFFF;
	(pc) =	sbr.abs _section_cstart, $3  }
0xc1: {  	[dreg:$0x1] =	wrdreg $0xFFFFFFFF  }
0xc2: {  	_ =	task.clear_ibuf [dreg:s7], $0x2FFFF;
	_ =	strace $0x9FFFFFFF  }
0xc3: {  	(tm) =	ssettm $0x7FFFFFFF  }
tec
execute0_lowered:
.L_overlay_start_1:
0x0: {  	(tag) =	ssettag $0x1  }
0x1: {  	s0 =	srdreg.scid;
	s4 =	rddreg [dreg:$0x0]  }
0x2: {  	s7 =	stileid.u32;
	s2 =	rddreg [dreg:$0x1]  }
0x3: {  	s3 =	rddreg [dreg:$0x2];
	s8 =	simm.s32 $0x0;
	s19 =	simm.s32 $0x12  }
0x4: {  	s14 =	simm.s32 $0x7D;
	s18 =	simm.s32 $0xD8B8;
	s16 =	simm.s32 $0x4  }
0x5: {  	s20 =	simm.s32 $0x5;
	s29 =	simm.s32 $0x7;
	s9 =	simm.s32 $0x9  }
0x6: {  	s11 =	simm.s32 $0xC;
	s12 =	simm.s32 $0xE;
	s15 =	simm.s32 $0x10  }
0x7: {  	s17 =	simm.s32 $0x11;
	s10 =	simm.s32 $0x13A60;
	s31 =	simm.s32 $0x16170  }
0x8: {  	s0 =	sand.u32 $0x1, s0;
	s1 =	sshll.u32 s7, $0x1;
	s6 =	smul.u32 $0x61A8, s7  }
0x9: {  	[smem:$0x7FF] =	sst s8;
	s22 =	smul.u32 $0x186A0, s7;
	s23 =	sadd.s32 $0x15E00, s4  }
0xa: {  	s26 =	sshll.u32 s7, $0x6;
	s7 =	simm.s32 $0x8;
	s8 =	simm.s32 $0x0  }
0xb: {  	s1 =	sor.u32 s0, s1;
	s5 =	smul.u32 $0x61A80, s0;
	_ =	strace $0x8000004D  }
0xc: {  	s0 =	ssub.s32 $0x2, s0;
	[dreg:$0x4] =	wrdreg s23;
	s13 =	sor.u32 $0x1C12, s26  }
0xd: {  	s26 =	simm.s32 $0xD8B8;
	s1 =	smul.u32 $0x500, s1;
	s24 =	sshrl.u32 s0, $0x1  }
0xe: {  	s25 =	sshrl.u32 s22, $0x2;
	s22 =	simm.s32 $0xC530;
	[dreg:$0x5] =	wrdreg s13  }
0xf: {  	s5 =	sadd.s32 s6, s5;
	s0 =	ssub.s32 s0, s24;
	s24 =	simm.s32 $0x6  }
0x10: {  	s1 =	sadd.s32 s1, s4;
	s5 =	sshrl.u32 s5, $0x3;
	s0 =	smax.u32 s0, $0x1  }
.Ltmp0:
0x11: {  	s28 =	sadd.s32 $0xBE00, s1;
	[dreg:$0x9] =	wrdreg s0;
	(pc) =	sbr.rel .LBB2_1-.Ltmp0, $4  }
0x12: {  	s4 =	sadd.s32 s5, s4;
	s1 =	sadd.s32 $0x1600, s1;
	[dreg:$0x6] =	wrdreg s28  }
0x13: {  	s5 =	sadd.s32 s25, s3;
	[dreg:$0x7] =	wrdreg s1;
	s30 =	sadd.s32 $0x16C00, s4  }
0x14: {  	s6 =	simm.s32 $0x1;
	s5 =	sshrl.u32 s5, $0x3;
	[dreg:$0x8] =	wrdreg s30  }
0x15: {  	s0 =	simm.s32 $0x174F8;
	s4 =	simm.s32 $0xA;
	[dreg:$0xa] =	wrdreg s5  }
.LBB2_4:
0x16: {  	_ =	swait.ge [sflag:s17], $0x1388  }
0x17: {  	[sflag:s17] =	ssyncset.done $0x0  }
0x18: {  	[sflag:s17] =	ssyncadd.s32 $0xFFFFEC78  }
0x19: {  	[spmem:s3] =	stream.indirect.scatter.add.f32 [tilespmem:s0], [sflag:$0x1], $0x28, s5, s14, $0xb8;
	[tilespmem:$0x1EA28] =	vst v63  }
0x1a: {  	_ =	swait.ge [sflag:s6], $0x1388  }
0x1b: {  	[sflag:s6] =	ssyncset.done $0x0  }
0x1c: {  	[sflag:s6] =	ssyncadd.s32 $0xFFFFEC78  }
0x1d: {  	_ =	swait.ge [sflag:s6], $0x1388  }
0x1e: {  	[sflag:s6] =	ssyncset.done $0x0  }
0x1f: {  	[sflag:s6] =	ssyncadd.s32 $0xFFFFEC78  }
0x20: {  	_ =	swait.ge [sflag:s6], $0x1388  }
0x21: {  	[sflag:s6] =	ssyncset.done $0x0  }
0x22: {  	[sflag:s6] =	ssyncadd.s32 $0xFFFFEC78  }
0x23: {  	_ =	swait.ge [sflag:s6], $0x1388  }
0x24: {  	[sflag:s6] =	ssyncset.done $0x0  }
0x25: {  	[sflag:s6] =	ssyncadd.s32 $0xFFFFEC78  }
0x26: {  	_ =	swait.ge [sflag:s6], $0x1388  }
0x27: {  	[sflag:s6] =	ssyncset.done $0x0  }
0x28: {  	[sflag:s6] =	ssyncadd.s32 $0xFFFFEC78  }
0x29: {  	_ =	swait.ge [sflag:s6], $0x1388  }
0x2a: {  	[sflag:s6] =	ssyncset.done $0x0  }
0x2b: {  	[sflag:s6] =	ssyncadd.s32 $0xFFFFEC78  }
0x2c: {  	_ =	swait.ge [sflag:s6], $0x1388  }
0x2d: {  	[sflag:s6] =	ssyncset.done $0x0  }
0x2e: {  	[sflag:s6] =	ssyncadd.s32 $0xFFFFEC78  }
0x2f: {  	_ =	swait.ge [sflag:s6], $0x1388  }
0x30: {  	[sflag:s6] =	ssyncset.done $0x0  }
0x31: {  	[sflag:s6] =	ssyncadd.s32 $0xFFFFEC78  }
0x32: {  	_ =	swait.ge [sflag:s6], $0x1388  }
0x33: {  	[sflag:s6] =	ssyncset.done $0x0  }
0x34: {  	[sflag:s6] =	ssyncadd.s32 $0xFFFFEC78  }
0x35: {  	[bflag:$0x0] =	sbarrier.arrive $0xFFFF  }
0x36: {  	s13 =	rddreg [dreg:$0x5]  }
0x37: {  	s1 =	rddreg [dreg:$0x8]  }
0x38: {  	s19 =	simm.s32 $0x12;
	s5 =	rddreg [dreg:$0xa]  }
0x39: {  	[hbm:s1], [sflag:s13] =	dma.local [spmem:s5], $0xC35  }
0x3a: {  	_ =	swait.ge [sflag:s19], $0xC35  }
0x3b: {  	s8 =	rddreg [dreg:$0xb]  }
0x3c: {  	s30 =	rddreg [dreg:$0x9];
	s8 =	sadd.s32 $0x1, s8  }
0x3d: {  	p0 =	sne.s32 s8, s30  }
.Ltmp1:
0x3e: {  	_ = 	snop;
	(pc) =	sbr.rel @!p0 .LBB2_5-.Ltmp1, $3  }
0x3f: {  	_ =	sdelay $0x1  }
0x40: {  	s22 =	simm.s32 $0xC530;
	[sflag:s19] =	ssyncset.done $0x0  }
0x41: {  	s18 =	simm.s32 $0xD8B8;
	s0 =	simm.s32 $0x174F8;
	[sflag:s19] =	ssyncadd.s32 $0xFFFFF3CB  }
.LBB2_1:
0x42: {  	[dreg:$0xb] =	wrdreg s8  }
0x43: {  	s1 =	rddreg [dreg:$0x4]  }
0x44: {  	[spmem:s5], [sflag:s13] =	dma.local [hbm:s1], $0xC35  }
0x45: {  	_ =	swait.ge [sflag:s19], $0xC35  }
0x46: {  	[sflag:s19] =	ssyncset.done $0x0  }
0x47: {  	s25 =	simm.s32 $0x0;
	s28 =	rddreg [dreg:$0x6];
	[sflag:s19] =	ssyncadd.s32 $0xFFFFF3CB  }
0x48: {  	[tilespmem:s25], [sflag:$0x12] =	stream.linear.gather [hbm4b:s28+s25], $0x2800, $0x38;
	[tilespmem:$0x1EA28] =	vst v63  }
0x49: {  	_ =	swait.ge [sflag:s19], $0x2800  }
0x4a: {  	[sflag:s19] =	ssyncset.done $0x0  }
0x4b: {  	s8 =	simm.s32 $0x2800;
	s30 =	rddreg [dreg:$0x7];
	[sflag:s19] =	ssyncadd.s32 $0xFFFFD800  }
0x4c: {  	[tilespmem:s8], [sflag:$0x12] =	stream.linear.gather [hbm4b:s30+s25], $0x2800, $0x38;
	[tilespmem:$0x1EA28] =	vst v63  }
0x4d: {  	_ =	swait.ge [sflag:s19], $0x2800  }
0x4e: {  	[sflag:s19] =	ssyncset.done $0x0  }
0x4f: {  	[sflag:s19] =	ssyncadd.s32 $0xFFFFD800  }
0x50: {  	s21 =	simm.s32 $0x5000;
	[bflag:$0x0] =	sbarrier.arrive $0xFFFF  }
0x51: {  	[tilespmem:s21], [sflag:$0x2] =	stream.indirect.gather [hbm4b:s2+s14], $0x28, s25, s14, $0xb8;
	[tilespmem:$0x1EA28] =	vst v63  }
0x52: {  	s23 =	simm.s32 $0x80;
	s25 =	simm.s32 $0x6388  }
0x53: {  	[tilespmem:s25], [sflag:$0x3] =	stream.indirect.gather [hbm4b:s2+s14], $0x28, s23, s14, $0xb8;
	[tilespmem:$0x1EA28] =	vst v63  }
0x54: {  	s28 =	simm.s32 $0x100;
	s30 =	simm.s32 $0x7710  }
0x55: {  	[tilespmem:s30], [sflag:$0x4] =	stream.indirect.gather [hbm4b:s2+s14], $0x28, s28, s14, $0xb8;
	[tilespmem:$0x1EA28] =	vst v63  }
0x56: {  	s13 =	simm.s32 $0x8A98;
	s8 =	simm.s32 $0x180  }
0x57: {  	[tilespmem:s13], [sflag:$0x5] =	stream.indirect.gather [hbm4b:s2+s14], $0x28, s8, s14, $0xb8;
	[tilespmem:$0x1EA28] =	vst v63  }
0x58: {  	s19 =	simm.s32 $0x200;
	s21 =	simm.s32 $0x9E20  }
0x59: {  	[tilespmem:s21], [sflag:$0x6] =	stream.indirect.gather [hbm4b:s2+s14], $0x28, s19, s14, $0xb8;
	[tilespmem:$0x1EA28] =	vst v63  }
0x5a: {  	s23 =	simm.s32 $0x280;
	s25 =	simm.s32 $0xB1A8  }
0x5b: {  	[tilespmem:s25], [sflag:$0x7] =	stream.indirect.gather [hbm4b:s2+s14], $0x28, s23, s14, $0xb8;
	[tilespmem:$0x1EA28] =	vst v63  }
0x5c: {  	s28 =	simm.s32 $0x300  }
0x5d: {  	[tilespmem:s22], [sflag:$0x8] =	stream.indirect.gather [hbm4b:s2+s14], $0x28, s28, s14, $0xb8;
	[tilespmem:$0x1EA28] =	vst v63  }
0x5e: {  	s30 =	simm.s32 $0x380;
	s19 =	simm.s32 $0x0  }
0x5f: {  	[tilespmem:s18], [sflag:$0x9] =	stream.indirect.gather [hbm4b:s2+s14], $0x28, s30, s14, $0xb8;
	[tilespmem:$0x1EA28] =	vst v63  }
.LBB2_2:
0x60: {  	s1 =	simm.s32 $0x2  }
0x61: {  	_ =	swait.ge [sflag:s1], $0x1388  }
0x62: {  	s21 =	sshra.s32 s19, $0x2;
	s28 =	simm.s32 $0x5000;
	[sflag:s1] =	ssyncset.done $0x0  }
0x63: {  	p0 =	seq.s32 s19, $0x0;
	s5 =	sadd.s32 $0x2800, s21;
	[sflag:s1] =	ssyncadd.s32 $0xFFFFEC78  }
0x64: {  	[spmem:s3] =	stream.indirect.scatter.add.f32 [tilespmem:s28], [sflag:$0x1], $0x28, s5, s14, $0xb8;
	[tilespmem:$0x1EA28] =	vst v63  }
0x65: {  	s5 =	simm.s32 @!p0 $0x1  }
0x66: {  	_ =	swait.ge @!p0 [sflag:s5], $0x1388  }
0x67: {  	s23 =	simm.s32 $0xEC40;
	[sflag:s5] =	ssyncset.done @!p0 $0x0  }
0x68: {  	s30 =	simm.s32 $0x3;
	s13 =	sadd.s32 $0x400, s21;
	[sflag:s5] =	ssyncadd.s32 @!p0 $0xFFFFEC78  }
0x69: {  	[tilespmem:s23], [sflag:$0xA] =	stream.indirect.gather [hbm4b:s2+s14], $0x28, s13, s14, $0xb8;
	[tilespmem:$0x1EA28] =	vst v63  }
0x6a: {  	_ =	swait.ge [sflag:s30], $0x1388  }
0x6b: {  	[sflag:s30] =	ssyncset.done $0x0  }
0x6c: {  	s25 =	simm.s32 $0x6388;
	s8 =	sadd.s32 $0x2880, s21;
	[sflag:s30] =	ssyncadd.s32 $0xFFFFEC78  }
0x6d: {  	[spmem:s3] =	stream.indirect.scatter.add.f32 [tilespmem:s25], [sflag:$0x1], $0x28, s8, s14, $0xb8;
	[tilespmem:$0x1EA28] =	vst v63  }
0x6e: {  	_ =	swait.ge @!p0 [sflag:s5], $0x1388  }
0x6f: {  	[sflag:s5] =	ssyncset.done @!p0 $0x0  }
0x70: {  	s28 =	sadd.s32 $0x480, s21;
	s30 =	simm.s32 $0xFFC8;
	[sflag:s5] =	ssyncadd.s32 @!p0 $0xFFFFEC78  }
0x71: {  	[tilespmem:s30], [sflag:$0xB] =	stream.indirect.gather [hbm4b:s2+s14], $0x28, s28, s14, $0xb8;
	[tilespmem:$0x1EA28] =	vst v63  }
0x72: {  	_ =	swait.ge [sflag:s16], $0x1388  }
0x73: {  	[sflag:s16] =	ssyncset.done $0x0  }
0x74: {  	s1 =	sadd.s32 $0x2900, s21;
	s8 =	simm.s32 $0x7710;
	[sflag:s16] =	ssyncadd.s32 $0xFFFFEC78  }
0x75: {  	[spmem:s3] =	stream.indirect.scatter.add.f32 [tilespmem:s8], [sflag:$0x1], $0x28, s1, s14, $0xb8;
	[tilespmem:$0x1EA28] =	vst v63  }
0x76: {  	_ =	swait.ge @!p0 [sflag:s5], $0x1388  }
0x77: {  	[sflag:s5] =	ssyncset.done @!p0 $0x0  }
0x78: {  	s25 =	sadd.s32 $0x500, s21;
	s8 =	simm.s32 $0x11350;
	[sflag:s5] =	ssyncadd.s32 @!p0 $0xFFFFEC78  }
0x79: {  	[tilespmem:s8], [sflag:$0xC] =	stream.indirect.gather [hbm4b:s2+s14], $0x28, s25, s14, $0xb8;
	[tilespmem:$0x1EA28] =	vst v63  }
0x7a: {  	_ =	swait.ge [sflag:s20], $0x1388  }
0x7b: {  	[sflag:s20] =	ssyncset.done $0x0  }
0x7c: {  	s28 =	sadd.s32 $0x2980, s21;
	s30 =	simm.s32 $0x8A98;
	[sflag:s20] =	ssyncadd.s32 $0xFFFFEC78  }
0x7d: {  	[spmem:s3] =	stream.indirect.scatter.add.f32 [tilespmem:s30], [sflag:$0x1], $0x28, s28, s14, $0xb8;
	[tilespmem:$0x1EA28] =	vst v63  }
0x7e: {  	_ =	swait.ge @!p0 [sflag:s5], $0x1388  }
0x7f: {  	[sflag:s5] =	ssyncset.done @!p0 $0x0  }
0x80: {  	s1 =	sadd.s32 $0x580, s21;
	s25 =	simm.s32 $0x126D8;
	[sflag:s5] =	ssyncadd.s32 @!p0 $0xFFFFEC78  }
0x81: {  	[tilespmem:s25], [sflag:$0xD] =	stream.indirect.gather [hbm4b:s2+s14], $0x28, s1, s14, $0xb8;
	[tilespmem:$0x1EA28] =	vst v63  }
0x82: {  	_ =	swait.ge [sflag:s24], $0x1388  }
0x83: {  	[sflag:s24] =	ssyncset.done $0x0  }
0x84: {  	s28 =	sadd.s32 $0x2A00, s21;
	s30 =	simm.s32 $0x9E20;
	[sflag:s24] =	ssyncadd.s32 $0xFFFFEC78  }
0x85: {  	[spmem:s3] =	stream.indirect.scatter.add.f32 [tilespmem:s30], [sflag:$0x1], $0x28, s28, s14, $0xb8;
	[tilespmem:$0x1EA28] =	vst v63  }
0x86: {  	_ =	swait.ge @!p0 [sflag:s5], $0x1388  }
0x87: {  	[sflag:s5] =	ssyncset.done @!p0 $0x0  }
0x88: {  	s25 =	sadd.s32 $0x600, s21;
	[sflag:s5] =	ssyncadd.s32 @!p0 $0xFFFFEC78  }
0x89: {  	[tilespmem:s10], [sflag:$0xE] =	stream.indirect.gather [hbm4b:s2+s14], $0x28, s25, s14, $0xb8;
	[tilespmem:$0x1EA28] =	vst v63  }
0x8a: {  	_ =	swait.ge [sflag:s29], $0x1388  }
0x8b: {  	[sflag:s29] =	ssyncset.done $0x0  }
0x8c: {  	s28 =	sadd.s32 $0x2A80, s21;
	s30 =	simm.s32 $0xB1A8;
	[sflag:s29] =	ssyncadd.s32 $0xFFFFEC78  }
0x8d: {  	[spmem:s3] =	stream.indirect.scatter.add.f32 [tilespmem:s30], [sflag:$0x1], $0x28, s28, s14, $0xb8;
	[tilespmem:$0x1EA28] =	vst v63  }
0x8e: {  	_ =	swait.ge @!p0 [sflag:s5], $0x1388  }
0x8f: {  	[sflag:s5] =	ssyncset.done @!p0 $0x0  }
0x90: {  	s25 =	sadd.s32 $0x680, s21;
	s28 =	simm.s32 $0x14DE8;
	[sflag:s5] =	ssyncadd.s32 @!p0 $0xFFFFEC78  }
0x91: {  	[tilespmem:s28], [sflag:$0xF] =	stream.indirect.gather [hbm4b:s2+s14], $0x28, s25, s14, $0xb8;
	[tilespmem:$0x1EA28] =	vst v63  }
0x92: {  	_ =	swait.ge [sflag:s7], $0x1388  }
0x93: {  	[sflag:s7] =	ssyncset.done $0x0  }
0x94: {  	s30 =	sadd.s32 $0x2B00, s21;
	[sflag:s7] =	ssyncadd.s32 $0xFFFFEC78  }
0x95: {  	[spmem:s3] =	stream.indirect.scatter.add.f32 [tilespmem:s22], [sflag:$0x1], $0x28, s30, s14, $0xb8;
	[tilespmem:$0x1EA28] =	vst v63  }
0x96: {  	_ =	swait.ge @!p0 [sflag:s5], $0x1388  }
0x97: {  	[sflag:s5] =	ssyncset.done @!p0 $0x0  }
0x98: {  	s1 =	sadd.s32 $0x700, s21;
	[sflag:s5] =	ssyncadd.s32 @!p0 $0xFFFFEC78  }
0x99: {  	[tilespmem:s31], [sflag:$0x10] =	stream.indirect.gather [hbm4b:s2+s14], $0x28, s1, s14, $0xb8;
	[tilespmem:$0x1EA28] =	vst v63  }
0x9a: {  	_ =	swait.ge [sflag:s9], $0x1388  }
0x9b: {  	[sflag:s9] =	ssyncset.done $0x0  }
0x9c: {  	s22 =	sadd.s32 $0x2B80, s21;
	[sflag:s9] =	ssyncadd.s32 $0xFFFFEC78  }
0x9d: {  	[spmem:s3] =	stream.indirect.scatter.add.f32 [tilespmem:s18], [sflag:$0x1], $0x28, s22, s14, $0xb8;
	[tilespmem:$0x1EA28] =	vst v63  }
0x9e: {  	_ =	swait.ge @!p0 [sflag:s5], $0x1388  }
0x9f: {  	[sflag:s5] =	ssyncset.done @!p0 $0x0  }
0xa0: {  	s25 =	sadd.s32 $0x780, s21;
	[sflag:s5] =	ssyncadd.s32 @!p0 $0xFFFFEC78  }
0xa1: {  	[tilespmem:s0], [sflag:$0x11] =	stream.indirect.gather [hbm4b:s2+s14], $0x28, s25, s14, $0xb8;
	[tilespmem:$0x1EA28] =	vst v63  }
0xa2: {  	_ =	swait.ge [sflag:s4], $0x1388  }
0xa3: {  	[sflag:s4] =	ssyncset.done $0x0  }
0xa4: {  	s28 =	sadd.s32 $0x2C00, s21;
	[sflag:s4] =	ssyncadd.s32 $0xFFFFEC78  }
0xa5: {  	[spmem:s3] =	stream.indirect.scatter.add.f32 [tilespmem:s23], [sflag:$0x1], $0x28, s28, s14, $0xb8;
	[tilespmem:$0x1EA28] =	vst v63  }
0xa6: {  	_ =	swait.ge [sflag:s6], $0x1388  }
0xa7: {  	p0 =	seq.s32 s19, $0x8000;
	[sflag:s6] =	ssyncset.done $0x0  }
0xa8: {  	s5 =	simm.s32 @p0 $0xB;
	[sflag:s6] =	ssyncadd.s32 $0xFFFFEC78  }
0xa9: {  	_ =	swait.ge @p0 [sflag:s5], $0x1388  }
0xaa: {  	s25 =	sshra.s32 @p0 s19, $0x2;
	s22 =	simm.s32 @p0 $0x7D;
	[sflag:s5] =	ssyncset.done @p0 $0x0  }
0xab: {  	s13 =	simm.s32 @p0 $0xFFC8;
	[sflag:s5] =	ssyncadd.s32 @p0 $0xFFFFEC78;
	s5 =	sadd.s32 @p0 $0x2C80, s25  }
0xac: {  	[spmem:s3] =	stream.indirect.scatter.add.f32 @p0 [tilespmem:s13], [sflag:$0x1], $0x28, s5, s22, $0xb8;
	[tilespmem:$0x1EA28] =	vst v63  }
0xad: {  	s5 =	simm.s32 @p0 $0x1  }
0xae: {  	_ =	swait.ge @p0 [sflag:s5], $0x1388  }
0xaf: {  	s30 =	simm.s32 @!p0 $0x5000;
	s13 =	sshra.s32 @!p0 s19, $0x2;
	[sflag:s5] =	ssyncset.done @p0 $0x0  }
0xb0: {  	s23 =	simm.s32 @!p0 $0x7D;
	s28 =	sadd.s32 @!p0 $0x800, s13;
	[sflag:s5] =	ssyncadd.s32 @p0 $0xFFFFEC78  }
0xb1: {  	[tilespmem:s30], [sflag:$0x2] =	stream.indirect.gather @!p0 [hbm4b:s2+s23], $0x28, s28, s23, $0xb8;
	[tilespmem:$0x1EA28] =	vst v63  }
0xb2: {  	s28 =	simm.s32 @!p0 $0xB  }
0xb3: {  	_ =	swait.ge @!p0 [sflag:s28], $0x1388  }
0xb4: {  	[sflag:s28] =	ssyncset.done @!p0 $0x0  }
0xb5: {  	s30 =	simm.s32 @!p0 $0xFFC8;
	[sflag:s28] =	ssyncadd.s32 @!p0 $0xFFFFEC78;
	s28 =	sadd.s32 @!p0 $0x2C80, s13  }
0xb6: {  	[spmem:s3] =	stream.indirect.scatter.add.f32 @!p0 [tilespmem:s30], [sflag:$0x1], $0x28, s28, s23, $0xb8;
	[tilespmem:$0x1EA28] =	vst v63  }
0xb7: {  	s28 =	simm.s32 @!p0 $0x1  }
0xb8: {  	_ =	swait.ge @!p0 [sflag:s28], $0x1388  }
0xb9: {  	[sflag:s28] =	ssyncset.done @!p0 $0x0  }
0xba: {  	s1 =	simm.s32 @!p0 $0x6388;
	s30 =	sadd.s32 @!p0 $0x880, s13;
	[sflag:s28] =	ssyncadd.s32 @!p0 $0xFFFFEC78  }
0xbb: {  	[tilespmem:s1], [sflag:$0x3] =	stream.indirect.gather @!p0 [hbm4b:s2+s23], $0x28, s30, s23, $0xb8;
	[tilespmem:$0x1EA28] =	vst v63  }
0xbc: {  	_ =	swait.ge [sflag:s11], $0x1388  }
0xbd: {  	[sflag:s11] =	ssyncset.done $0x0  }
0xbe: {  	s30 =	sadd.s32 $0x2D00, s21;
	[sflag:s11] =	ssyncadd.s32 $0xFFFFEC78  }
0xbf: {  	[spmem:s3] =	stream.indirect.scatter.add.f32 [tilespmem:s8], [sflag:$0x1], $0x28, s30, s14, $0xb8;
	[tilespmem:$0x1EA28] =	vst v63  }
0xc0: {  	_ =	swait.ge [sflag:s6], $0x1388  }
0xc1: {  	[sflag:s6] =	ssyncset.done $0x0  }
0xc2: {  	s1 =	simm.s32 @p0 $0xD;
	[sflag:s6] =	ssyncadd.s32 $0xFFFFEC78  }
0xc3: {  	_ =	swait.ge @p0 [sflag:s1], $0x1388  }
0xc4: {  	[sflag:s1] =	ssyncset.done @p0 $0x0  }
0xc5: {  	s30 =	simm.s32 @p0 $0x126D8;
	[sflag:s1] =	ssyncadd.s32 @p0 $0xFFFFEC78;
	s1 =	sadd.s32 @p0 $0x2D80, s25  }
0xc6: {  	[spmem:s3] =	stream.indirect.scatter.add.f32 @p0 [tilespmem:s30], [sflag:$0x1], $0x28, s1, s22, $0xb8;
	[tilespmem:$0x1EA28] =	vst v63  }
0xc7: {  	_ =	swait.ge @p0 [sflag:s5], $0x1388  }
0xc8: {  	[sflag:s5] =	ssyncset.done @p0 $0x0  }
0xc9: {  	s1 =	sadd.s32 @!p0 $0x900, s13;
	s30 =	simm.s32 @!p0 $0x7710;
	[sflag:s5] =	ssyncadd.s32 @p0 $0xFFFFEC78  }
0xca: {  	[tilespmem:s30], [sflag:$0x4] =	stream.indirect.gather @!p0 [hbm4b:s2+s23], $0x28, s1, s23, $0xb8;
	[tilespmem:$0x1EA28] =	vst v63  }
0xcb: {  	s1 =	simm.s32 @!p0 $0xD  }
0xcc: {  	_ =	swait.ge @!p0 [sflag:s1], $0x1388  }
0xcd: {  	[sflag:s1] =	ssyncset.done @!p0 $0x0  }
0xce: {  	s30 =	simm.s32 @!p0 $0x126D8;
	[sflag:s1] =	ssyncadd.s32 @!p0 $0xFFFFEC78;
	s1 =	sadd.s32 @!p0 $0x2D80, s13  }
0xcf: {  	[spmem:s3] =	stream.indirect.scatter.add.f32 @!p0 [tilespmem:s30], [sflag:$0x1], $0x28, s1, s23, $0xb8;
	[tilespmem:$0x1EA28] =	vst v63  }
0xd0: {  	_ =	swait.ge @!p0 [sflag:s28], $0x1388  }
0xd1: {  	[sflag:s28] =	ssyncset.done @!p0 $0x0  }
0xd2: {  	s1 =	sadd.s32 @!p0 $0x980, s13;
	s30 =	simm.s32 @!p0 $0x8A98;
	[sflag:s28] =	ssyncadd.s32 @!p0 $0xFFFFEC78  }
0xd3: {  	[tilespmem:s30], [sflag:$0x5] =	stream.indirect.gather @!p0 [hbm4b:s2+s23], $0x28, s1, s23, $0xb8;
	[tilespmem:$0x1EA28] =	vst v63  }
0xd4: {  	_ =	swait.ge [sflag:s12], $0x1388  }
0xd5: {  	[sflag:s12] =	ssyncset.done $0x0  }
0xd6: {  	s8 =	sadd.s32 $0x2E00, s21;
	[sflag:s12] =	ssyncadd.s32 $0xFFFFEC78  }
0xd7: {  	[spmem:s3] =	stream.indirect.scatter.add.f32 [tilespmem:s10], [sflag:$0x1], $0x28, s8, s14, $0xb8;
	[tilespmem:$0x1EA28] =	vst v63  }
0xd8: {  	_ =	swait.ge [sflag:s6], $0x1388  }
0xd9: {  	[sflag:s6] =	ssyncset.done $0x0  }
0xda: {  	s1 =	simm.s32 @p0 $0xF;
	[sflag:s6] =	ssyncadd.s32 $0xFFFFEC78  }
0xdb: {  	_ =	swait.ge @p0 [sflag:s1], $0x1388  }
0xdc: {  	[sflag:s1] =	ssyncset.done @p0 $0x0  }
0xdd: {  	[sflag:s1] =	ssyncadd.s32 @p0 $0xFFFFEC78;
	s1 =	sadd.s32 @p0 $0x2E80, s25;
	s25 =	simm.s32 @p0 $0x14DE8  }
0xde: {  	[spmem:s3] =	stream.indirect.scatter.add.f32 @p0 [tilespmem:s25], [sflag:$0x1], $0x28, s1, s22, $0xb8;
	[tilespmem:$0x1EA28] =	vst v63  }
0xdf: {  	_ =	swait.ge @p0 [sflag:s5], $0x1388  }
0xe0: {  	[sflag:s5] =	ssyncset.done @p0 $0x0  }
0xe1: {  	s1 =	sadd.s32 @!p0 $0xA00, s13;
	[sflag:s5] =	ssyncadd.s32 @p0 $0xFFFFEC78;
	s5 =	simm.s32 @!p0 $0x9E20  }
0xe2: {  	[tilespmem:s5], [sflag:$0x6] =	stream.indirect.gather @!p0 [hbm4b:s2+s23], $0x28, s1, s23, $0xb8;
	[tilespmem:$0x1EA28] =	vst v63  }
0xe3: {  	s1 =	simm.s32 @!p0 $0xF  }
0xe4: {  	_ =	swait.ge @!p0 [sflag:s1], $0x1388  }
0xe5: {  	[sflag:s1] =	ssyncset.done @!p0 $0x0  }
0xe6: {  	s5 =	simm.s32 @!p0 $0x14DE8;
	[sflag:s1] =	ssyncadd.s32 @!p0 $0xFFFFEC78;
	s1 =	sadd.s32 @!p0 $0x2E80, s13  }
0xe7: {  	[spmem:s3] =	stream.indirect.scatter.add.f32 @!p0 [tilespmem:s5], [sflag:$0x1], $0x28, s1, s23, $0xb8;
	[tilespmem:$0x1EA28] =	vst v63  }
0xe8: {  	_ =	swait.ge @!p0 [sflag:s28], $0x1388  }
0xe9: {  	[sflag:s28] =	ssyncset.done @!p0 $0x0  }
0xea: {  	s1 =	sadd.s32 @!p0 $0xA80, s13;
	s5 =	simm.s32 @!p0 $0xB1A8;
	[sflag:s28] =	ssyncadd.s32 @!p0 $0xFFFFEC78  }
0xeb: {  	[tilespmem:s5], [sflag:$0x7] =	stream.indirect.gather @!p0 [hbm4b:s2+s23], $0x28, s1, s23, $0xb8;
	[tilespmem:$0x1EA28] =	vst v63  }
0xec: {  	_ =	swait.ge [sflag:s15], $0x1388  }
0xed: {  	[sflag:s15] =	ssyncset.done $0x0  }
.Ltmp2:
0xee: {  	s30 =	sadd.s32 $0x2F00, s21;
	[sflag:s15] =	ssyncadd.s32 $0xFFFFEC78;
	(pc) =	sbr.rel @p0 .LBB2_4-.Ltmp2, $4  }
0xef: {  	[spmem:s3] =	stream.indirect.scatter.add.f32 [tilespmem:s31], [sflag:$0x1], $0x28, s30, s14, $0xb8;
	[tilespmem:$0x1EA28] =	vst v63  }
0xf0: {  	_ =	swait.ge [sflag:s6], $0x1388  }
0xf1: {  	s18 =	simm.s32 $0xC530;
	[sflag:s6] =	ssyncset.done $0x0  }
0xf2: {  	s0 =	simm.s32 $0x174F8;
	s5 =	sadd.s32 $0x2F80, s21;
	[sflag:s6] =	ssyncadd.s32 $0xFFFFEC78  }
0xf3: {  	s1 =	sadd.s32 $0xB00, s21  }
0xf4: {  	[tilespmem:s18], [sflag:$0x8] =	stream.indirect.gather [hbm4b:s2+s14], $0x28, s1, s14, $0xb8;
	[tilespmem:$0x1EA28] =	vst v63  }
0xf5: {  	_ =	swait.ge [sflag:s17], $0x1388  }
0xf6: {  	[sflag:s17] =	ssyncset.done $0x0  }
0xf7: {  	[sflag:s17] =	ssyncadd.s32 $0xFFFFEC78  }
0xf8: {  	[spmem:s3] =	stream.indirect.scatter.add.f32 [tilespmem:s0], [sflag:$0x1], $0x28, s5, s14, $0xb8;
	[tilespmem:$0x1EA28] =	vst v63  }
.Ltmp3:
0xf9: {  	_ = 	snop;
	(pc) =	sbr.rel .LBB2_2-.Ltmp3, $4  }
0xfa: {  	s30 =	sadd.s32 $0xB80, s21;
	_ =	swait.ge [sflag:s6], $0x1388  }
0xfb: {  	s19 =	sadd.s32 $0x2000, s19;
	s22 =	simm.s32 $0xC530;
	[sflag:s6] =	ssyncset.done $0x0  }
0xfc: {  	s18 =	simm.s32 $0xD8B8;
	s0 =	simm.s32 $0x174F8;
	[sflag:s6] =	ssyncadd.s32 $0xFFFFEC78  }
0xfd: {  	[tilespmem:s26], [sflag:$0x9] =	stream.indirect.gather [hbm4b:s2+s14], $0x28, s30, s14, $0xb8;
	[tilespmem:$0x1EA28] =	vst v63  }
.LBB2_5:
0xfe: {  	_ =	sfence.sel $0x180000  }
0xff: {  	[bflag:$0x0] =	sbarrier.arrive $0xFFFF  }
0x100: {  	_ =	strace $0x9000004D  }
0x101: {  	s0 =	stileid.u32;
	[bflag:$0x2] =	sbarrier.arrive $0xFFFF  }
0x102: {  	p0 =	sne.s32 s0, $0x0;
	s0 =	rddreg [dreg:$0x3]  }
0x103: {  	s0 =	sadd.s32 @!p0 $0x100000, s0  }
0x104: {  	[sflag:s0] =	ssyncadd.tile.s32 @!p0 $0x1;
	_ =	shalt  }
.Lfunc_end2:
_tile_overlayer_lowered:
.L_overlay_start_2:
0x105: {  	(tag) =	ssettag $0x2  }
0x106: {  	s0 =	rddreg [dreg:$0x0];
	s2 =	stileid.u32  }
0x107: {  	s1 =	rddreg [dreg:$0x1];
	p0 =	sne.s32 s2, $0x0  }
0x108: {  	s3 =	rddreg [dreg:$0x2];
	[bflag:$0x3] =	sbarrier.arrive $0xFFFF;
	s2 =	simm.s32 @!p0 $0x1C12  }
0x109: {  	[timem:s3], [sflag:s2] =	dma.local @!p0 [hbm:s0], s1  }
0x10a: {  	s0 =	simm.s32 @!p0 $0x12  }
0x10b: {  	_ =	swait.ge @!p0 [sflag:s0], s1  }
0x10c: {  	s1 =	ssub.s32 @!p0 $0x0, s1;
	[sflag:s0] =	ssyncset.done @!p0 $0x0  }
0x10d: {  	[sflag:s0] =	ssyncadd.s32 @!p0 s1  }
0x10e: {  	[bflag:$0x3] =	sbarrier.arrive $0xFFFF  }
0x10f: {  	_ =	shalt  }

// kernel: kernel.8.cloned.1.call-start
scs
__scs_entry_jumppad:
0x0: {  	(pc) =	sbr.rel $0x88, $3  }
0x1: {  	(tag) =	ssettag $0x0;
	lr =	simm.s32 $0x1  }
0x2: {  	[smem:$0x3F9B] =	sst lr;
	_ =	strace $0xD0000000  }
0x3: {  	_ = 	snop  }
0x4: {  	_ = 	snop  }
0x5: {  	_ = 	snop  }
0x6: {  	_ = 	snop  }
0x7: {  	_ = 	snop  }
__scs_overlays_trampoline_lowered:
0x8: {  	[smem:$0x3FAA] =	sst s0  }
0x9: {  	[smem:$0x3FAB] =	sst s1  }
0xa: {  	[smem:$0x3FAC] =	sst s2  }
0xb: {  	[smem:$0x3FAD] =	sst s3  }
0xc: {  	[smem:$0x3FAE] =	sst s4  }
0xd: {  	[smem:$0x3FAF] =	sst s5  }
0xe: {  	[smem:$0x3FB0] =	sst s6  }
0xf: {  	[smem:$0x3FB1] =	sst s7  }
0x10: {  	[smem:$0x3FB2] =	sst s8  }
0x11: {  	[smem:$0x3FB3] =	sst s9;
	s0 =	simm.s32 @!p0 $0x0  }
0x12: {  	s1 =	sld [smem:$0x3F99];
	s0 =	simm.s32 @p0 $0x1  }
0x13: {  	[smem:$0x3FB4] =	sst s0;
	s0 =	simm.s32 @!p1 $0x0  }
0x14: {  	s2 =	sld [smem:$0x3F98];
	s0 =	simm.s32 @p1 $0x1  }
0x15: {  	[smem:$0x3FB5] =	sst s0;
	s0 =	simm.s32 @!p2 $0x0  }
0x16: {  	s3 =	sld [smem:$0x3FDB];
	s0 =	simm.s32 @p2 $0x1  }
0x17: {  	s4 =	simm.s32 $0x1BF5;
	[smem:$0x3FB7] =	sst s0  }
0x18: {  	s0 =	sld [smem:$0x3F9A];
	_ =	swait.ge [sflag:s4], $0x0  }
0x19: {  	s7 =	sld [smem:$0x3F9B]  }
0x1a: {  	s8 =	sadd.s32 $0xFFFFE003, lr  }
0x1b: {  	s9 =	sadd.s32 $0xFFFFFEF7, lr;
	s5 =	simm.s32 $0xFFFFFFFF;
	p2 =	slt.u32 s8, $0xFFFFF086  }
0x1c: {  	p1 =	slt.u32 s9, $0xF7A;
	s5 =	simm.s32 @!p2 $0x0  }
0x1d: {  	s5 =	simm.s32 @p1 $0x1;
	p0 =	seq.s32 s7, s2  }
0x1e: {  	s7 =	smul.u32 @!p0 $0xF7A, s2;
	p2 =	seq.s32 @!p0 s5, $0x0  }
0x1f: {  	s9 =	smul.u32 $0xF7A, s1;
	s8 =	simm.s32 @!p0 $0x1BF5;
	p2 =	por !p2, p0  }
0x20: {  	[sflag:s8] =	ssyncset.s32 @!p0 $0xFFFFF086;
	s6 =	sadd.s32 @!p0 s3, s7;
	s7 =	simm.s32 @!p0 $0x108  }
0x21: {  	s3 =	sadd.s32 s3, s9;
	s6 =	sadd.s32 @!p0 $0x88, s6;
	s7 =	simm.s32 @p2 $0x1082  }
0x22: {  	[simem:s7], [sflag:s8] =	dma.local @!p0 [hbm:s6], $0xF7A  }
0x23: {  	s9 =	sor.u32 $0xD0000000, s2;
	s6 =	simm.s32 $0x108;
	_ =	swait.ge @!p0 [sflag:s8], $0x0  }
0x24: {  	s3 =	sadd.s32 $0x88, s3;
	s6 =	simm.s32 @!p1 $0x1082;
	[sflag:s4] =	ssyncset.s32 $0xFFFFF086  }
0x25: {  	[simem:s6], [sflag:s4] =	dma.local [hbm:s3], $0xF7A  }
0x26: {  	[smem:$0x3F9B] =	sst s1;
	(tag) =	ssettag s2;
	_ =	strace s9  }
0x27: {  	s1 =	sld [smem:$0x3FAB]  }
0x28: {  	s2 =	sld [smem:$0x3FAC]  }
0x29: {  	s4 =	sld [smem:$0x3FAE]  }
0x2a: {  	p0 =	seq.s32 s5, $0x0;
	s5 =	sld [smem:$0x3FAF]  }
0x2b: {  	s6 =	sld [smem:$0x3FB0]  }
0x2c: {  	s7 =	sld [smem:$0x3FB1]  }
0x2d: {  	s3 =	simm.s32 $0x108;
	s8 =	sld [smem:$0x3FB2]  }
0x2e: {  	s3 =	simm.s32 @!p0 $0x1082;
	s9 =	sld [smem:$0x3FB3]  }
0x2f: {  	lr =	sadd.s32 s0, s3;
	s0 =	sld [smem:$0x3FAA]  }
0x30: {  	s3 =	sld [smem:$0x3FAD]  }
0x31: {  	[smem:$0x3FB6] =	sst s10  }
0x32: {  	s10 =	sld [smem:$0x3FB4];
	_ =	sdelay $0x3  }
0x33: {  	p0 =	seq.s32 s10, $0x1;
	s10 =	sld [smem:$0x3FB6];
	_ =	sdelay $0x3  }
0x34: {  	[smem:$0x3FB6] =	sst s10  }
0x35: {  	s10 =	sld [smem:$0x3FB5];
	_ =	sdelay $0x3  }
0x36: {  	p1 =	seq.s32 s10, $0x1;
	s10 =	sld [smem:$0x3FB6];
	_ =	sdelay $0x3  }
0x37: {  	[smem:$0x3FB6] =	sst s10  }
0x38: {  	s10 =	sld [smem:$0x3FB7]  }
0x39: {  	_ = 	snop;
	(pc) =	sbr.ind lr, $3  }
0x3a: {  	_ = 	snop  }
0x3b: {  	_ = 	snop  }
0x3c: {  	p2 =	seq.s32 s10, $0x1;
	s10 =	sld [smem:$0x3FB6]  }
0x3d: {  	_ =	shalt  }
0x3e: {  	_ =	shalt  }
0x3f: {  	_ =	shalt  }
0x40: {  	_ =	shalt  }
0x41: {  	_ =	shalt  }
0x42: {  	_ =	shalt  }
0x43: {  	_ =	shalt  }
0x44: {  	_ =	shalt  }
0x45: {  	_ =	shalt  }
0x46: {  	_ =	shalt  }
0x47: {  	_ =	shalt  }
0x48: {  	_ =	shalt  }
0x49: {  	_ =	shalt  }
0x4a: {  	_ =	shalt  }
0x4b: {  	_ =	shalt  }
0x4c: {  	_ =	shalt  }
0x4d: {  	_ =	shalt  }
0x4e: {  	_ =	shalt  }
0x4f: {  	_ =	shalt  }
0x50: {  	_ =	shalt  }
0x51: {  	_ =	shalt  }
0x52: {  	_ =	shalt  }
0x53: {  	_ =	shalt  }
0x54: {  	_ =	shalt  }
0x55: {  	_ =	shalt  }
0x56: {  	_ =	shalt  }
0x57: {  	_ =	shalt  }
0x58: {  	_ =	shalt  }
0x59: {  	_ =	shalt  }
0x5a: {  	_ =	shalt  }
0x5b: {  	_ =	shalt  }
0x5c: {  	_ =	shalt  }
0x5d: {  	_ =	shalt  }
0x5e: {  	_ =	shalt  }
0x5f: {  	_ =	shalt  }
0x60: {  	_ =	shalt  }
0x61: {  	_ =	shalt  }
0x62: {  	_ =	shalt  }
0x63: {  	_ =	shalt  }
0x64: {  	_ =	shalt  }
0x65: {  	_ =	shalt  }
0x66: {  	_ =	shalt  }
0x67: {  	_ =	shalt  }
0x68: {  	_ =	shalt  }
0x69: {  	_ =	shalt  }
0x6a: {  	_ =	shalt  }
0x6b: {  	_ =	shalt  }
0x6c: {  	_ =	shalt  }
0x6d: {  	_ =	shalt  }
0x6e: {  	_ =	shalt  }
0x6f: {  	_ =	shalt  }
0x70: {  	_ =	shalt  }
0x71: {  	_ =	shalt  }
0x72: {  	_ =	shalt  }
0x73: {  	_ =	shalt  }
0x74: {  	_ =	shalt  }
0x75: {  	_ =	shalt  }
0x76: {  	_ =	shalt  }
0x77: {  	_ =	shalt  }
0x78: {  	_ =	shalt  }
0x79: {  	_ =	shalt  }
0x7a: {  	_ =	shalt  }
0x7b: {  	_ =	shalt  }
0x7c: {  	_ =	shalt  }
0x7d: {  	_ =	shalt  }
0x7e: {  	_ =	shalt  }
0x7f: {  	_ =	shalt  }
0x80: {  	_ =	shalt  }
0x81: {  	_ =	shalt  }
0x82: {  	_ =	shalt  }
0x83: {  	_ =	shalt  }
0x84: {  	_ =	shalt  }
0x85: {  	_ =	shalt  }
0x86: {  	_ =	shalt  }
0x87: {  	_ =	shalt  }
.Lfunc_end0:
.L_simem_size_0:
called_computation_lowered:
.L_overlay_start_0:
0x88: {  	s2 =	sld [smem:$0x3FD9]  }
0x89: {  	s3 =	sld [smem:$0x3FFE];
	_ =	sdelay $0x1  }
0x8a: {  	s1 =	srdreg.scid  }
0x8b: {  	s0 =	sand.u32 $0x1, s1  }
0x8c: {  	s17 =	sshll.u32 s0, $0xA;
	s2 =	sadd.s32 s3, s2  }
0x8d: {  	s2 =	sadd.s32 s2, s17  }
0x8e: {  	[smem:$0x3FC2] =	sst s2  }
0x8f: {  	_ = 	snop  }
0x90: {  	s2 =	sld [smem:$0x3FD0];
	(tm) =	ssettm $0x1  }
0x91: {  	s18 =	sld [smem:$0x3FFB];
	_ =	sdelay $0x3  }
0x92: {  	_ =	strace s18  }
0x93: {  	s3 =	sld [smem:$0x3FFC];
	_ =	sdelay $0x3  }
0x94: {  	_ =	strace s3  }
0x95: {  	s3 =	sld [smem:$0x3FFD];
	_ =	sdelay $0x3  }
0x96: {  	_ =	strace s3  }
0x97: {  	_ =	strace $0x8FFFFFFF  }
0x98: {  	s19 =	sld [smem:$0x3FDB];
	_ =	sdelay $0x1  }
0x99: {  	s4 =	simm.s32 $_scs_section_size  }
0x9a: {  	s5 =	simm.s32 $_size__tile_overlayer_lowered;
	s6 =	simm.s32 $_tile_overlayer_lowered  }
0x9b: {  	s22 =	simm.s32 $0x1BFF;
	s21 =	sshll.u32 s6, $0x1;
	s3 =	sadd.s32 s4, s19  }
0x9c: {  	s7 =	simm.s32 $0x0;
	s20 =	sshll.u32 s5, $0x1;
	s5 =	sadd.s32 s21, s3  }
0x9d: {  	[timem:s7], [sflag:s22] =	dma.local [hbm:s5], s20  }
0x9e: {  	_ =	swait.ge [sflag:s22], s20  }
0x9f: {  	s4 =	ssub.s32 $0x0, s20;
	[sflag:s22] =	ssyncset.done $0x0  }
0xa0: {  	[sflag:s22] =	ssyncadd.s32 s4;
	_ =	sdelay $0x1  }
0xa1: {  	s23 =	simm.s32 $0x1B8B  }
0xa2: {  	_ =	swait.ge [sflag:s23], $0x1  }
0xa3: {  	[sflag:s23] =	ssyncset.done $0x0  }
0xa4: {  	s25 =	simm.s32 $0x1B8E;
	s24 =	sld [smem:$0x3FFE];
	[sflag:s23] =	ssyncadd.s32 $0xFFFFFFFF  }
0xa5: {  	s26 =	simm.s32 $execute0_lowered;
	[smem:$0x3FD2] =	sst s25  }
0xa6: {  	s5 =	sshll.u32 s26, $0x1;
	_ =	strace $0x80000046;
	[dreg:$0x1] =	wrdreg $0xFFFFFFFF  }
0xa7: {  	s28 =	simm.s32 $_size_execute0_lowered;
	s3 =	sadd.s32 s3, s5;
	[dreg:$0x0] =	wrdreg $0x0  }
0xa8: {  	s5 =	sshll.u32 s28, $0x1;
	[dreg:$0x2] =	wrdreg s3  }
0xa9: {  	[dreg:$0x3] =	wrdreg s5  }
0xaa: {  	[dreg:$0x4] =	wrdreg $0xC0  }
0xab: {  	_ =	task [dreg:s7], $0x5FFFF  }
0xac: {  	[dreg:$0x1] =	wrdreg $0xFFFFFFFF  }
0xad: {  	[dreg:$0x0] =	wrdreg $0x60  }
0xae: {  	[dreg:$0x2] =	wrdreg s24  }
0xaf: {  	[dreg:$0x3] =	wrdreg s2  }
0xb0: {  	[dreg:$0x4] =	wrdreg $0x28800  }
0xb1: {  	[dreg:$0x5] =	wrdreg $0x9  }
0xb2: {  	_ =	task.clear_ibuf [dreg:s7], $0x6FFFF;
	_ =	strace $0x90000046  }
0xb3: {  	s29 =	simm.s32 $0x9;
	_ =	strace $0x80000048  }
0xb4: {  	_ =	swait.ge [sflag:s29], $0x1  }
0xb5: {  	[sflag:s29] =	ssyncadd.s32 $0xFFFFFFFF  }
0xb6: {  	_ =	strace $0x90000048  }
0xb7: {  	_ =	sfence  }
0xb8: {  	s30 =	sld [smem:$0x0];
	_ =	sdelay $0x2  }
0xb9: {  	s31 =	sshll.u32 s1, $0xD;
	s1 =	sshrl.u32 s1, $0x2  }
0xba: {  	s3 =	sand.u32 $0x4000, s31;
	s1 =	sadd.s32 s1, s30  }
0xbb: {  	s0 =	sor.u32 s3, s0;
	s1 =	sshll.u32 s1, $0x11  }
0xbc: {  	s0 =	sor.u32 s1, s0  }
0xbd: {  	s0 =	sadd.s32 $0x8F2B, s0  }
0xbe: {  	[sflag:s0] =	ssyncadd.remote.s32 $0x1  }
0xbf: {  	_ =	sfence.sel $0xFFFF  }
0xc0: {  	[dreg:$0x0] =	wrdreg $0xFFFFFFFF;
	(pc) =	sbr.abs _section_cstart, $3  }
0xc1: {  	[dreg:$0x1] =	wrdreg $0xFFFFFFFF  }
0xc2: {  	_ =	task.clear_ibuf [dreg:s7], $0x2FFFF;
	_ =	strace $0x9FFFFFFF  }
0xc3: {  	(tm) =	ssettm $0x7FFFFFFF  }
tec
execute0_lowered:
.L_overlay_start_1:
0x0: {  	(tag) =	ssettag $0x1  }
0x1: {  	s4 =	rddreg [dreg:$0x0]  }
0x2: {  	s0 =	srdreg.scid;
	s6 =	rddreg [dreg:$0x1]  }
0x3: {  	s8 =	stileid.u32;
	s1 =	rddreg [dreg:$0x2];
	s2 =	simm.s32 $0x0  }
0x4: {  	s12 =	simm.s32 $0x1;
	s5 =	sand.u32 $0x1, s0;
	s0 =	rddreg [dreg:$0x3]  }
0x5: {  	s13 =	simm.s32 $0x0;
	s31 =	sshll.u32 s8, $0x1;
	[smem:$0x7FF] =	sst s2  }
0x6: {  	p0 =	sne.s32 s8, $0x0;
	s3 =	sor.u32 s5, s31;
	s9 =	ssub.s32 $0x2, s5  }
0x7: {  	_ =	strace $0x80000047;
	s11 =	smul.u32 $0x4E2, s5;
	s10 =	sshrl.u32 s9, $0x1  }
0x8: {  	s8 =	sshrl.u32 @!p0 s1, $0x3;
	s3 =	smul.u32 $0x500, s3;
	s9 =	ssub.s32 s9, s10  }
0x9: {  	s6 =	sadd.s32 s6, s11;
	s10 =	simm.s32 $0x2;
	s11 =	simm.s32 $0x7D  }
0xa: {  	s7 =	sadd.s32 s3, s4;
	s3 =	sadd.s32 $0xBC00, s4;
	s4 =	sadd.s32 $0xB600, s4  }
0xb: {  	s5 =	sadd.s32 $0x1600, s7;
	s7 =	smax.u32 s9, $0x1;
	s9 =	simm.s32 $0x2800  }
.LBB2_1:
0xc: {  	s14 =	simm.s32 @!p0 $0x1C02  }
0xd: {  	[spmem:s8], [sflag:s14] =	dma.local @!p0 [hbm:s4], $0x4E2  }
0xe: {  	s14 =	simm.s32 @!p0 $0x2  }
0xf: {  	_ =	swait.ge @!p0 [sflag:s14], $0x4E2  }
0x10: {  	[sflag:s14] =	ssyncset.done @!p0 $0x0  }
0x11: {  	[sflag:s14] =	ssyncadd.s32 @!p0 $0xFFFFFB1E  }
0x12: {  	[tilespmem:s9], [sflag:$0x2] =	stream.linear.gather [hbm4b:s3+s2], $0x80, $0x38;
	[tilespmem:$0x2AF8] =	vst v63  }
0x13: {  	_ =	swait.ge [sflag:s10], $0x80  }
0x14: {  	[sflag:s10] =	ssyncset.done $0x0  }
0x15: {  	[sflag:s10] =	ssyncadd.s32 $0xFFFFFF80  }
0x16: {  	[tilespmem:s2], [sflag:$0x2] =	stream.linear.gather [hbm4b:s5+s2], $0x2800, $0x38;
	[tilespmem:$0x2AF8] =	vst v63  }
0x17: {  	_ =	swait.ge [sflag:s10], $0x2800  }
0x18: {  	[sflag:s10] =	ssyncset.done $0x0  }
0x19: {  	[sflag:s10] =	ssyncadd.s32 $0xFFFFD800  }
0x1a: {  	s14 =	simm.s32 $0x0;
	[bflag:$0x0] =	sbarrier.arrive $0xFFFF  }
.LBB2_2:
0x1b: {  	p1 =	sne.s32 s14, $0x9E00  }
.Ltmp0:
0x1c: {  	_ = 	snop;
	(pc) =	sbr.rel @p1 .LBB2_2-.Ltmp0, $3  }
0x1d: {  	_ =	sdelay $0x1  }
0x1e: {  	s15 =	sshra.s32 s14, $0x2;
	s14 =	sadd.s32 $0x200, s14  }
0x1f: {  	[spmem:s1] =	stream.indirect.scatter.add.f32 [tilespmem:s9], [sflag:$0x1], $0x1, s15, s11, $0xb8;
	[tilespmem:$0x2AF8] =	vst v63  }
0x20: {  	_ =	swait.ge [sflag:s12], $0x7D  }
0x21: {  	s14 =	simm.s32 $0x4F;
	[sflag:s12] =	ssyncset.done $0x0  }
.LBB2_4:
0x22: {  	p1 =	sne.s32 s14, $0x1;
	s14 =	sadd.s32 $0xFFFFFFFF, s14;
	[sflag:s12] =	ssyncadd.s32 $0xFFFFFF83  }
.Ltmp1:
0x23: {  	(pc) =	sbr.rel @p1 .LBB2_4-.Ltmp1, $3  }
0x24: {  	_ =	sdelay $0x1  }
0x25: {  	_ =	swait.ge [sflag:s12], $0x7D  }
0x26: {  	[sflag:s12] =	ssyncset.done $0x0  }
0x27: {  	[sflag:s12] =	ssyncadd.s32 $0xFFFFFF83;
	s13 =	sadd.s32 $0x1, s13  }
0x28: {  	s14 =	simm.s32 @!p0 $0x1C02;
	[bflag:$0x0] =	sbarrier.arrive $0xFFFF;
	p1 =	sne.s32 s13, s7  }
0x29: {  	[hbm:s6], [sflag:s14] =	dma.local @!p0 [spmem:s8], $0x4E2  }
.Ltmp2:
0x2a: {  	_ = 	snop;
	(pc) =	sbr.rel @p1 .LBB2_1-.Ltmp2, $4  }
0x2b: {  	s14 =	simm.s32 @!p0 $0x2  }
0x2c: {  	_ =	swait.ge @!p0 [sflag:s14], $0x4E2  }
0x2d: {  	[sflag:s14] =	ssyncset.done @!p0 $0x0  }
0x2e: {  	[sflag:s14] =	ssyncadd.s32 @!p0 $0xFFFFFB1E  }
0x2f: {  	_ =	sfence.sel $0x180000  }
0x30: {  	[bflag:$0x0] =	sbarrier.arrive $0xFFFF  }
0x31: {  	_ =	strace $0x90000047  }
0x32: {  	s0 =	sadd.s32 @!p0 $0x100000, s0;
	[bflag:$0x2] =	sbarrier.arrive $0xFFFF  }
0x33: {  	[sflag:s0] =	ssyncadd.tile.s32 @!p0 $0x1;
	_ =	shalt  }
.Lfunc_end2:
_tile_overlayer_lowered:
.L_overlay_start_2:
0x34: {  	(tag) =	ssettag $0x2  }
0x35: {  	s0 =	rddreg [dreg:$0x0];
	s2 =	stileid.u32  }
0x36: {  	s1 =	rddreg [dreg:$0x1];
	p0 =	sne.s32 s2, $0x0  }
0x37: {  	s3 =	rddreg [dreg:$0x2];
	[bflag:$0x3] =	sbarrier.arrive $0xFFFF;
	s2 =	simm.s32 @!p0 $0x1C02  }
0x38: {  	[timem:s3], [sflag:s2] =	dma.local @!p0 [hbm:s0], s1  }
0x39: {  	s0 =	simm.s32 @!p0 $0x2  }
0x3a: {  	_ =	swait.ge @!p0 [sflag:s0], s1  }
0x3b: {  	s1 =	ssub.s32 @!p0 $0x0, s1;
	[sflag:s0] =	ssyncset.done @!p0 $0x0  }
0x3c: {  	[sflag:s0] =	ssyncadd.s32 @!p0 s1  }
0x3d: {  	[bflag:$0x3] =	sbarrier.arrive $0xFFFF  }
0x3e: {  	_ =	shalt  }

</sc_bundles>
